<compile_context>
chip_gen: v7x
topology: tpu7x:2x2x1
jax: 0.10.2.dev20260603
libtpu: 0.0.44.dev20260713+nightly
codegen_flags: <defaults>
</compile_context>

<pallas_src>
import functools

import jax
import jax.numpy as jnp
from jax import lax
from jax.experimental import pallas as pl
from jax.experimental.pallas import tpu as pltpu
from jax.experimental.pallas import tpu_sc as plsc

N_NODES = 10000
D = 128
B = 320000
NC, NS, L = 2, 16, 16
NW = NC * NS
EPW = B // NW
C = 80
NCH = EPW // C
G = C // L
NSLOT = 2

_mesh = plsc.VectorSubcoreMesh(core_axis_name="c", subcore_axis_name="s")


@functools.partial(
    pl.kernel,
    out_type=jax.ShapeDtypeStruct((B,), jnp.float32),
    mesh=_mesh,
    scratch_types=[
        pltpu.VMEM((EPW,), jnp.int32),
        pltpu.VMEM((EPW,), jnp.int32),
        [pltpu.VMEM((C, D // 2), jnp.int32)] * NSLOT,
        [pltpu.VMEM((C, D // 2), jnp.int32)] * NSLOT,
        pltpu.VMEM((EPW + L,), jnp.float32),
        [pltpu.SemaphoreType.DMA] * NSLOT,
    ],
    compiler_params=pltpu.CompilerParams(
        needs_layout_passes=False,
        disable_bounds_checks=True,
        use_tc_tiling_on_sc=False,
    ),
)
def _link_classifier(table, src_idx, dst_idx, out_hbm,
                     idx_s, idx_d, rsl, rdl, out_v, semB):
    sid = lax.axis_index("s")
    wid = sid * NC + lax.axis_index("c")
    base = wid * EPW

    pltpu.sync_copy(src_idx.at[pl.ds(base, EPW)], idx_s)
    pltpu.sync_copy(dst_idx.at[pl.ds(base, EPW)], idx_d)

    def _gathers(i, s):
        co = i * C
        return (pltpu.make_async_copy(table.at[idx_s.at[pl.ds(co, C)]],
                                      rsl[s], semB[s]),
                pltpu.make_async_copy(table.at[idx_d.at[pl.ds(co, C)]],
                                      rdl[s], semB[s]))

    def start(i, s):
        g0, g1 = _gathers(i, s)
        g0.start()
        g1.start()

    def wait(i, s):
        g0, g1 = _gathers(i, s)
        g0.wait()
        g1.wait()

    mask15 = lax.iota(jnp.int32, L) == (L - 1)

    def compute(i, s):
        rs, rd = rsl[s], rdl[s]
        co = i * C

        def e_body(eb, carry):
            for ee in range(L):
                prods = []
                for d in range(D // (2 * L)):
                    a = plsc.bitcast(rs[eb * L + ee, pl.ds(d * L, L)],
                                     jnp.bfloat16)
                    b = plsc.bitcast(rd[eb * L + ee, pl.ds(d * L, L)],
                                     jnp.bfloat16)
                    p0, p1 = plsc.unpack(a * b, format=plsc.PackFormat.INTERLEAVED,
                                         preferred_element_type=jnp.float32)
                    prods.append(p0 + p1)
                while len(prods) > 1:
                    prods = [x + y for x, y in zip(prods[::2], prods[1::2])]
                cum = jnp.cumsum(prods[0])
                plsc.store_compressed(
                    out_v.at[pl.ds(co + eb * L + ee, L)], cum, mask=mask15)
            return carry

        lax.fori_loop(0, G, e_body, 0)

    for s in range(NSLOT):
        start(s, s)

    NB = (NCH - 1) // NSLOT

    def body(m, carry):
        i0 = NSLOT * m
        for s in range(NSLOT):
            i = i0 + s
            wait(i, s)
            compute(i, s)
            if s == 0:
                start(i + NSLOT, s)
            else:
                @pl.when(m < NB - 1)
                def _():
                    start(i + NSLOT, s)
        return carry

    lax.fori_loop(0, NB, body, 0)
    wait(NCH - 1, 0)
    compute(NCH - 1, 0)

    pltpu.sync_copy(out_v.at[pl.ds(0, EPW)], out_hbm.at[pl.ds(base, EPW)])


@jax.jit
def kernel(embedding, edge_label_index):
    idx = edge_label_index.astype(jnp.int32)
    table = lax.bitcast_convert_type(
        embedding.astype(jnp.bfloat16).reshape(N_NODES, D // 2, 2),
        jnp.int32)
    return _link_classifier(table, idx[0], idx[1])

# --- scband reference (transcript-rebuilt; emitter-appended) ---
"""Pipeline reference for scband-link-classifier-35527969473035 (READ-ONLY COPY).

The authoritative reference and input builder live on the scoring server;
editing this copy changes nothing except your own understanding.
"""

import jax, jax.numpy as jnp
import numpy as np


def setup_inputs(seed: int = 0) -> dict:
    key = jax.random.key(seed)
    k1, k2 = jax.random.split(key)
    embedding = jax.random.normal(k1, (10000, 128), dtype=jnp.float32)
    edge_label_index = jax.random.randint(k2, (2, 320000), 0, 10000, dtype=jnp.int64 if jax.config.jax_enable_x64 else jnp.int32)
    return {"embedding": embedding, "edge_label_index": edge_label_index}


def reference(embedding, edge_label_index):
    # LinkClassifier.forward: dot product of gathered source/dst node embeddings
    src = jnp.take(embedding, edge_label_index[0], axis=0)
    dst = jnp.take(embedding, edge_label_index[1], axis=0)
    return (src * dst).sum(axis=-1)

if __name__ == "__main__":
    import jax
    _d = setup_inputs()
    print(jax.jit(kernel)(*tuple(_d.values())))

</pallas_src>

<mosaic_0001>
#map = affine_map<(d0, d1) -> (0, 0)>
#map1 = affine_map<(d0, d1) -> (0)>
module attributes {stable_mosaic.version = 14 : i64} {
  func.func @_link_classifier(%arg0: i32, %arg1: i32, %arg2: memref<10000x64xi32, #tpu.memory_space<hbm>>, %arg3: memref<320000xi32, #tpu.memory_space<hbm>>, %arg4: memref<320000xi32, #tpu.memory_space<hbm>>, %arg5: memref<320000xf32, #tpu.memory_space<hbm>>, %arg6: memref<10000xi32, #tpu.memory_space<vmem>>, %arg7: memref<10000xi32, #tpu.memory_space<vmem>>, %arg8: memref<80x64xi32, #tpu.memory_space<vmem>>, %arg9: memref<80x64xi32, #tpu.memory_space<vmem>>, %arg10: memref<80x64xi32, #tpu.memory_space<vmem>>, %arg11: memref<80x64xi32, #tpu.memory_space<vmem>>, %arg12: memref<10016xf32, #tpu.memory_space<vmem>>, %arg13: memref<!tpu.dma_semaphore, #tpu.memory_space<semaphore_mem>>, %arg14: memref<!tpu.dma_semaphore, #tpu.memory_space<semaphore_mem>>) attributes {dimension_semantics = [#tpu.dimension_semantics<core_parallel>, #tpu.dimension_semantics<subcore_parallel>], iteration_bounds = array<i64: 2, 16>, scalar_prefetch = 0 : i64, scratch_operands = 9 : i64, tpu.core_type = #tpu.core_type<sc_vector_subcore>, window_params = [{transform_indices = #map}, {transform_indices = #map1}, {transform_indices = #map1}, {transform_indices = #map1}]} {
    %mul3A = arith.constant 2 : i32
    %mul3A_0 = arith.muli %arg1, %mul3A : i32
    %add3A = arith.addi %mul3A_0, %arg0 : i32
    %mul3A_1 = arith.constant 10000 : i32
    %mul3A_2 = arith.muli %add3A, %mul3A_1 : i32
    "tpu.region"() ({
      %run_scoped3A = tpu.sem_alloc : memref<!tpu.dma_semaphore, #tpu.memory_space<semaphore_mem>>
      %dma_start3A_44 = tpu.memref_slice %arg3[%mul3A_2] : memref<320000xi32, #tpu.memory_space<hbm>> -> memref<10000xi32, #tpu.memory_space<hbm>>
      %dma_start3A_45 = tpu.memref_slice %arg3[%mul3A_2] : memref<320000xi32, #tpu.memory_space<hbm>> -> memref<10000xi32, #tpu.memory_space<hbm>>
      tpu.enqueue_dma source(%dma_start3A_45 : memref<10000xi32, #tpu.memory_space<hbm>>) target(%arg6 : memref<10000xi32, #tpu.memory_space<vmem>>) target_semaphore(%run_scoped3A : memref<!tpu.dma_semaphore, #tpu.memory_space<semaphore_mem>>)
      %dma_wait3A_46 = tpu.memref_slice %arg3[%mul3A_2] : memref<320000xi32, #tpu.memory_space<hbm>> -> memref<10000xi32, #tpu.memory_space<hbm>>
      %dma_wait3A_47 = tpu.memref_slice %arg3[%mul3A_2] : memref<320000xi32, #tpu.memory_space<hbm>> -> memref<10000xi32, #tpu.memory_space<hbm>>
      tpu.wait_dma2 semaphore(%run_scoped3A : memref<!tpu.dma_semaphore, #tpu.memory_space<semaphore_mem>>) src(%dma_wait3A_47 : memref<10000xi32, #tpu.memory_space<hbm>>) dst(%arg6 : memref<10000xi32, #tpu.memory_space<vmem>>)
      tpu.yield
    }) : () -> ()
    "tpu.region"() ({
      %run_scoped3A = tpu.sem_alloc : memref<!tpu.dma_semaphore, #tpu.memory_space<semaphore_mem>>
      %dma_start3A_44 = tpu.memref_slice %arg4[%mul3A_2] : memref<320000xi32, #tpu.memory_space<hbm>> -> memref<10000xi32, #tpu.memory_space<hbm>>
      %dma_start3A_45 = tpu.memref_slice %arg4[%mul3A_2] : memref<320000xi32, #tpu.memory_space<hbm>> -> memref<10000xi32, #tpu.memory_space<hbm>>
      tpu.enqueue_dma source(%dma_start3A_45 : memref<10000xi32, #tpu.memory_space<hbm>>) target(%arg7 : memref<10000xi32, #tpu.memory_space<vmem>>) target_semaphore(%run_scoped3A : memref<!tpu.dma_semaphore, #tpu.memory_space<semaphore_mem>>)
      %dma_wait3A_46 = tpu.memref_slice %arg4[%mul3A_2] : memref<320000xi32, #tpu.memory_space<hbm>> -> memref<10000xi32, #tpu.memory_space<hbm>>
      %dma_wait3A_47 = tpu.memref_slice %arg4[%mul3A_2] : memref<320000xi32, #tpu.memory_space<hbm>> -> memref<10000xi32, #tpu.memory_space<hbm>>
      tpu.wait_dma2 semaphore(%run_scoped3A : memref<!tpu.dma_semaphore, #tpu.memory_space<semaphore_mem>>) src(%dma_wait3A_47 : memref<10000xi32, #tpu.memory_space<hbm>>) dst(%arg7 : memref<10000xi32, #tpu.memory_space<vmem>>)
      tpu.yield
    }) : () -> ()
    %iota3A = tpu.iota {dimensions = array<i32: 0>} : vector<16xi32>
    %eq3A = arith.constant 15 : i32
    %eq3A_3 = vector.broadcast %eq3A : i32 to vector<16xi32>
    %eq3A_4 = arith.cmpi eq, %iota3A, %eq3A_3 : vector<16xi32>
    %dma_start3A = arith.constant 0 : i32
    %dma_start3A_5 = tpu.memref_slice %arg6[%dma_start3A] : memref<10000xi32, #tpu.memory_space<vmem>> -> memref<80xi32, #tpu.memory_space<vmem>>
    %dma_start3A_6 = arith.constant 0 : i32
    %dma_start3A_7 = arith.constant 0 : i32
    %dma_start3A_8 = tpu.memref_slice %arg2[%dma_start3A_6, %dma_start3A_7] : memref<10000x64xi32, #tpu.memory_space<hbm>> -> memref<10000x64xi32, #tpu.memory_space<hbm>>
    tpu.enqueue_indirect_dma source(%dma_start3A_8 : memref<10000x64xi32, #tpu.memory_space<hbm>>) target(%arg8 : memref<80x64xi32, #tpu.memory_space<vmem>>) offsets(%dma_start3A_5 : memref<80xi32, #tpu.memory_space<vmem>>) semaphore(%arg13 : memref<!tpu.dma_semaphore, #tpu.memory_space<semaphore_mem>>)
    %dma_start3A_9 = arith.constant 0 : i32
    %dma_start3A_10 = tpu.memref_slice %arg7[%dma_start3A_9] : memref<10000xi32, #tpu.memory_space<vmem>> -> memref<80xi32, #tpu.memory_space<vmem>>
    %dma_start3A_11 = arith.constant 0 : i32
    %dma_start3A_12 = arith.constant 0 : i32
    %dma_start3A_13 = tpu.memref_slice %arg2[%dma_start3A_11, %dma_start3A_12] : memref<10000x64xi32, #tpu.memory_space<hbm>> -> memref<10000x64xi32, #tpu.memory_space<hbm>>
    tpu.enqueue_indirect_dma source(%dma_start3A_13 : memref<10000x64xi32, #tpu.memory_space<hbm>>) target(%arg10 : memref<80x64xi32, #tpu.memory_space<vmem>>) offsets(%dma_start3A_10 : memref<80xi32, #tpu.memory_space<vmem>>) semaphore(%arg13 : memref<!tpu.dma_semaphore, #tpu.memory_space<semaphore_mem>>)
    %dma_start3A_14 = arith.constant 80 : i32
    %dma_start3A_15 = tpu.memref_slice %arg6[%dma_start3A_14] : memref<10000xi32, #tpu.memory_space<vmem>> -> memref<80xi32, #tpu.memory_space<vmem>>
    %dma_start3A_16 = arith.constant 0 : i32
    %dma_start3A_17 = arith.constant 0 : i32
    %dma_start3A_18 = tpu.memref_slice %arg2[%dma_start3A_16, %dma_start3A_17] : memref<10000x64xi32, #tpu.memory_space<hbm>> -> memref<10000x64xi32, #tpu.memory_space<hbm>>
    tpu.enqueue_indirect_dma source(%dma_start3A_18 : memref<10000x64xi32, #tpu.memory_space<hbm>>) target(%arg9 : memref<80x64xi32, #tpu.memory_space<vmem>>) offsets(%dma_start3A_15 : memref<80xi32, #tpu.memory_space<vmem>>) semaphore(%arg14 : memref<!tpu.dma_semaphore, #tpu.memory_space<semaphore_mem>>)
    %dma_start3A_19 = arith.constant 80 : i32
    %dma_start3A_20 = tpu.memref_slice %arg7[%dma_start3A_19] : memref<10000xi32, #tpu.memory_space<vmem>> -> memref<80xi32, #tpu.memory_space<vmem>>
    %dma_start3A_21 = arith.constant 0 : i32
    %dma_start3A_22 = arith.constant 0 : i32
    %dma_start3A_23 = tpu.memref_slice %arg2[%dma_start3A_21, %dma_start3A_22] : memref<10000x64xi32, #tpu.memory_space<hbm>> -> memref<10000x64xi32, #tpu.memory_space<hbm>>
    tpu.enqueue_indirect_dma source(%dma_start3A_23 : memref<10000x64xi32, #tpu.memory_space<hbm>>) target(%arg11 : memref<80x64xi32, #tpu.memory_space<vmem>>) offsets(%dma_start3A_20 : memref<80xi32, #tpu.memory_space<vmem>>) semaphore(%arg14 : memref<!tpu.dma_semaphore, #tpu.memory_space<semaphore_mem>>)
    %scan3A = arith.constant 0 : i32
    %scan3A_24 = arith.constant 0 : i32
    %scan3A_25 = arith.constant 62 : i32
    %scan3A_26 = arith.addi %scan3A_24, %scan3A_25 : i32
    %scan3A_27 = arith.constant 1 : i32
    scf.for %scan3A_44 = %scan3A_24 to %scan3A_26 step %scan3A_27  : i32 {
      %mul3A_45 = arith.constant 2 : i32
      %mul3A_46 = arith.muli %mul3A_45, %scan3A_44 : i32
      %add3A_47 = arith.constant 0 : i32
      %add3A_48 = arith.addi %mul3A_46, %add3A_47 : i32
      %mul3A_49 = arith.constant 80 : i32
      %mul3A_50 = arith.muli %add3A_48, %mul3A_49 : i32
      %dma_wait3A_51 = tpu.memref_slice %arg6[%mul3A_50] : memref<10000xi32, #tpu.memory_space<vmem>> -> memref<80xi32, #tpu.memory_space<vmem>>
      %dma_wait3A_52 = arith.constant 0 : i32
      %dma_wait3A_53 = arith.constant 0 : i32
      %dma_wait3A_54 = tpu.memref_slice %arg2[%dma_wait3A_52, %dma_wait3A_53] : memref<10000x64xi32, #tpu.memory_space<hbm>> -> memref<10000x64xi32, #tpu.memory_space<hbm>>
      tpu.wait_indirect_dma semaphore(%arg13 : memref<!tpu.dma_semaphore, #tpu.memory_space<semaphore_mem>>) src(%dma_wait3A_54 : memref<10000x64xi32, #tpu.memory_space<hbm>>) dst(%arg8 : memref<80x64xi32, #tpu.memory_space<vmem>>)
      %dma_wait3A_55 = tpu.memref_slice %arg7[%mul3A_50] : memref<10000xi32, #tpu.memory_space<vmem>> -> memref<80xi32, #tpu.memory_space<vmem>>
      %dma_wait3A_56 = arith.constant 0 : i32
      %dma_wait3A_57 = arith.constant 0 : i32
      %dma_wait3A_58 = tpu.memref_slice %arg2[%dma_wait3A_56, %dma_wait3A_57] : memref<10000x64xi32, #tpu.memory_space<hbm>> -> memref<10000x64xi32, #tpu.memory_space<hbm>>
      tpu.wait_indirect_dma semaphore(%arg13 : memref<!tpu.dma_semaphore, #tpu.memory_space<semaphore_mem>>) src(%dma_wait3A_58 : memref<10000x64xi32, #tpu.memory_space<hbm>>) dst(%arg10 : memref<80x64xi32, #tpu.memory_space<vmem>>)
      %mul3A_59 = arith.constant 80 : i32
      %mul3A_60 = arith.muli %add3A_48, %mul3A_59 : i32
      %scan3A_61 = arith.constant 0 : i32
      %scan3A_62 = arith.constant 0 : i32
      %scan3A_63 = arith.constant 5 : i32
      %scan3A_64 = arith.addi %scan3A_62, %scan3A_63 : i32
      %scan3A_65 = arith.constant 1 : i32
      scf.for %scan3A_101 = %scan3A_62 to %scan3A_64 step %scan3A_65  : i32 {
        %mul3A_102 = arith.constant 16 : i32
        %mul3A_103 = arith.muli %scan3A_101, %mul3A_102 : i32
        %add3A_104 = arith.constant 0 : i32
        %add3A_105 = arith.addi %mul3A_103, %add3A_104 : i32
        %get3A = arith.index_cast %add3A_105 : i32 to index
        %get3A_106 = arith.constant 0 : index
        %get3A_107 = tpu.vector_load %arg8[%get3A, %get3A_106] {strides = array<i32>} : memref<80x64xi32, #tpu.memory_space<vmem>>, vector<16xi32>,
        %bitcast3A = vector.bitcast %get3A_107 : vector<16xi32> to vector<32xbf16>
        %mul3A_108 = arith.constant 16 : i32
        %mul3A_109 = arith.muli %scan3A_101, %mul3A_108 : i32
        %add3A_110 = arith.constant 0 : i32
        %add3A_111 = arith.addi %mul3A_109, %add3A_110 : i32
        %get3A_112 = arith.index_cast %add3A_111 : i32 to index
        %get3A_113 = arith.constant 0 : index
        %get3A_114 = tpu.vector_load %arg10[%get3A_112, %get3A_113] {strides = array<i32>} : memref<80x64xi32, #tpu.memory_space<vmem>>, vector<16xi32>,
        %bitcast3A_115 = vector.bitcast %get3A_114 : vector<16xi32> to vector<32xbf16>
        %mul3A_116 = arith.mulf %bitcast3A, %bitcast3A_115 : vector<32xbf16>
        %unpack3A = tpu.unpack_subelements %mul3A_116, 0 {pack_format = #tpu.pack_format<interleaved>} : vector<32xbf16> -> vector<16xf32>
        %unpack3A_117 = tpu.unpack_subelements %mul3A_116, 1 {pack_format = #tpu.pack_format<interleaved>} : vector<32xbf16> -> vector<16xf32>
        %add3A_118 = arith.addf %unpack3A, %unpack3A_117 : vector<16xf32>
        %mul3A_119 = arith.constant 16 : i32
        %mul3A_120 = arith.muli %scan3A_101, %mul3A_119 : i32
        %add3A_121 = arith.constant 0 : i32
        %add3A_122 = arith.addi %mul3A_120, %add3A_121 : i32
        %get3A_123 = arith.index_cast %add3A_122 : i32 to index
        %get3A_124 = arith.constant 16 : index
        %get3A_125 = tpu.vector_load %arg8[%get3A_123, %get3A_124] {strides = array<i32>} : memref<80x64xi32, #tpu.memory_space<vmem>>, vector<16xi32>,
        %bitcast3A_126 = vector.bitcast %get3A_125 : vector<16xi32> to vector<32xbf16>
        %mul3A_127 = arith.constant 16 : i32
        %mul3A_128 = arith.muli %scan3A_101, %mul3A_127 : i32
        %add3A_129 = arith.constant 0 : i32
        %add3A_130 = arith.addi %mul3A_128, %add3A_129 : i32
        %get3A_131 = arith.index_cast %add3A_130 : i32 to index
        %get3A_132 = arith.constant 16 : index
        %get3A_133 = tpu.vector_load %arg10[%get3A_131, %get3A_132] {strides = array<i32>} : memref<80x64xi32, #tpu.memory_space<vmem>>, vector<16xi32>,
        %bitcast3A_134 = vector.bitcast %get3A_133 : vector<16xi32> to vector<32xbf16>
        %mul3A_135 = arith.mulf %bitcast3A_126, %bitcast3A_134 : vector<32xbf16>
        %unpack3A_136 = tpu.unpack_subelements %mul3A_135, 0 {pack_format = #tpu.pack_format<interleaved>} : vector<32xbf16> -> vector<16xf32>
        %unpack3A_137 = tpu.unpack_subelements %mul3A_135, 1 {pack_format = #tpu.pack_format<interleaved>} : vector<32xbf16> -> vector<16xf32>
        %add3A_138 = arith.addf %unpack3A_136, %unpack3A_137 : vector<16xf32>
        %mul3A_139 = arith.constant 16 : i32
        %mul3A_140 = arith.muli %scan3A_101, %mul3A_139 : i32
        %add3A_141 = arith.constant 0 : i32
        %add3A_142 = arith.addi %mul3A_140, %add3A_141 : i32
        %get3A_143 = arith.index_cast %add3A_142 : i32 to index
        %get3A_144 = arith.constant 32 : index
        %get3A_145 = tpu.vector_load %arg8[%get3A_143, %get3A_144] {strides = array<i32>} : memref<80x64xi32, #tpu.memory_space<vmem>>, vector<16xi32>,
        %bitcast3A_146 = vector.bitcast %get3A_145 : vector<16xi32> to vector<32xbf16>
        %mul3A_147 = arith.constant 16 : i32
        %mul3A_148 = arith.muli %scan3A_101, %mul3A_147 : i32
        %add3A_149 = arith.constant 0 : i32
        %add3A_150 = arith.addi %mul3A_148, %add3A_149 : i32
        %get3A_151 = arith.index_cast %add3A_150 : i32 to index
        %get3A_152 = arith.constant 32 : index
        %get3A_153 = tpu.vector_load %arg10[%get3A_151, %get3A_152] {strides = array<i32>} : memref<80x64xi32, #tpu.memory_space<vmem>>, vector<16xi32>,
        %bitcast3A_154 = vector.bitcast %get3A_153 : vector<16xi32> to vector<32xbf16>
        %mul3A_155 = arith.mulf %bitcast3A_146, %bitcast3A_154 : vector<32xbf16>
        %unpack3A_156 = tpu.unpack_subelements %mul3A_155, 0 {pack_format = #tpu.pack_format<interleaved>} : vector<32xbf16> -> vector<16xf32>
        %unpack3A_157 = tpu.unpack_subelements %mul3A_155, 1 {pack_format = #tpu.pack_format<interleaved>} : vector<32xbf16> -> vector<16xf32>
        %add3A_158 = arith.addf %unpack3A_156, %unpack3A_157 : vector<16xf32>
        %mul3A_159 = arith.constant 16 : i32
        %mul3A_160 = arith.muli %scan3A_101, %mul3A_159 : i32
        %add3A_161 = arith.constant 0 : i32
        %add3A_162 = arith.addi %mul3A_160, %add3A_161 : i32
        %get3A_163 = arith.index_cast %add3A_162 : i32 to index
        %get3A_164 = arith.constant 48 : index
        %get3A_165 = tpu.vector_load %arg8[%get3A_163, %get3A_164] {strides = array<i32>} : memref<80x64xi32, #tpu.memory_space<vmem>>, vector<16xi32>,
        %bitcast3A_166 = vector.bitcast %get3A_165 : vector<16xi32> to vector<32xbf16>
        %mul3A_167 = arith.constant 16 : i32
        %mul3A_168 = arith.muli %scan3A_101, %mul3A_167 : i32
        %add3A_169 = arith.constant 0 : i32
        %add3A_170 = arith.addi %mul3A_168, %add3A_169 : i32
        %get3A_171 = arith.index_cast %add3A_170 : i32 to index
        %get3A_172 = arith.constant 48 : index
        %get3A_173 = tpu.vector_load %arg10[%get3A_171, %get3A_172] {strides = array<i32>} : memref<80x64xi32, #tpu.memory_space<vmem>>, vector<16xi32>,
        %bitcast3A_174 = vector.bitcast %get3A_173 : vector<16xi32> to vector<32xbf16>
        %mul3A_175 = arith.mulf %bitcast3A_166, %bitcast3A_174 : vector<32xbf16>
        %unpack3A_176 = tpu.unpack_subelements %mul3A_175, 0 {pack_format = #tpu.pack_format<interleaved>} : vector<32xbf16> -> vector<16xf32>
        %unpack3A_177 = tpu.unpack_subelements %mul3A_175, 1 {pack_format = #tpu.pack_format<interleaved>} : vector<32xbf16> -> vector<16xf32>
        %add3A_178 = arith.addf %unpack3A_176, %unpack3A_177 : vector<16xf32>
        %add3A_179 = arith.addf %add3A_118, %add3A_138 : vector<16xf32>
        %add3A_180 = arith.addf %add3A_158, %add3A_178 : vector<16xf32>
        %add3A_181 = arith.addf %add3A_179, %add3A_180 : vector<16xf32>
        %cumsum3A = arith.constant true
        %cumsum3A_182 = vector.broadcast %cumsum3A : i1 to vector<16xi1>
        %cumsum3A_183 = tpu.scan <sum>, %add3A_181 masked %cumsum3A_182 : vector<16xf32>, vector<16xi1> -> vector<16xf32>
        %mul3A_184 = arith.constant 16 : i32
        %mul3A_185 = arith.muli %scan3A_101, %mul3A_184 : i32
        %add3A_186 = arith.addi %mul3A_60, %mul3A_185 : i32
        %add3A_187 = arith.constant 0 : i32
        %add3A_188 = arith.addi %add3A_186, %add3A_187 : i32
        %swap3A = arith.index_cast %add3A_188 : i32 to index
        %swap3A_189 = tpu.vector_load %arg12[%swap3A] masked %eq3A_4 {strides = array<i32>} : memref<10016xf32, #tpu.memory_space<vmem>>, vector<16xf32>, vector<16xi1>
        tpu.vector_store %arg12[%swap3A], %cumsum3A_183 masked %eq3A_4 {strides = array<i32>} : memref<10016xf32, #tpu.memory_space<vmem>>, vector<16xf32>, vector<16xi1>
        %mul3A_190 = arith.constant 16 : i32
        %mul3A_191 = arith.muli %scan3A_101, %mul3A_190 : i32
        %add3A_192 = arith.constant 1 : i32
        %add3A_193 = arith.addi %mul3A_191, %add3A_192 : i32
        %get3A_194 = arith.index_cast %add3A_193 : i32 to index
        %get3A_195 = arith.constant 0 : index
        %get3A_196 = tpu.vector_load %arg8[%get3A_194, %get3A_195] {strides = array<i32>} : memref<80x64xi32, #tpu.memory_space<vmem>>, vector<16xi32>,
        %bitcast3A_197 = vector.bitcast %get3A_196 : vector<16xi32> to vector<32xbf16>
        %mul3A_198 = arith.constant 16 : i32
        %mul3A_199 = arith.muli %scan3A_101, %mul3A_198 : i32
        %add3A_200 = arith.constant 1 : i32
        %add3A_201 = arith.addi %mul3A_199, %add3A_200 : i32
        %get3A_202 = arith.index_cast %add3A_201 : i32 to index
        %get3A_203 = arith.constant 0 : index
        %get3A_204 = tpu.vector_load %arg10[%get3A_202, %get3A_203] {strides = array<i32>} : memref<80x64xi32, #tpu.memory_space<vmem>>, vector<16xi32>,
        %bitcast3A_205 = vector.bitcast %get3A_204 : vector<16xi32> to vector<32xbf16>
        %mul3A_206 = arith.mulf %bitcast3A_197, %bitcast3A_205 : vector<32xbf16>
        %unpack3A_207 = tpu.unpack_subelements %mul3A_206, 0 {pack_format = #tpu.pack_format<interleaved>} : vector<32xbf16> -> vector<16xf32>
        %unpack3A_208 = tpu.unpack_subelements %mul3A_206, 1 {pack_format = #tpu.pack_format<interleaved>} : vector<32xbf16> -> vector<16xf32>
        %add3A_209 = arith.addf %unpack3A_207, %unpack3A_208 : vector<16xf32>
        %mul3A_210 = arith.constant 16 : i32
        %mul3A_211 = arith.muli %scan3A_101, %mul3A_210 : i32
        %add3A_212 = arith.constant 1 : i32
        %add3A_213 = arith.addi %mul3A_211, %add3A_212 : i32
        %get3A_214 = arith.index_cast %add3A_213 : i32 to index
        %get3A_215 = arith.constant 16 : index
        %get3A_216 = tpu.vector_load %arg8[%get3A_214, %get3A_215] {strides = array<i32>} : memref<80x64xi32, #tpu.memory_space<vmem>>, vector<16xi32>,
        %bitcast3A_217 = vector.bitcast %get3A_216 : vector<16xi32> to vector<32xbf16>
        %mul3A_218 = arith.constant 16 : i32
        %mul3A_219 = arith.muli %scan3A_101, %mul3A_218 : i32
        %add3A_220 = arith.constant 1 : i32
        %add3A_221 = arith.addi %mul3A_219, %add3A_220 : i32
        %get3A_222 = arith.index_cast %add3A_221 : i32 to index
        %get3A_223 = arith.constant 16 : index
        %get3A_224 = tpu.vector_load %arg10[%get3A_222, %get3A_223] {strides = array<i32>} : memref<80x64xi32, #tpu.memory_space<vmem>>, vector<16xi32>,
        %bitcast3A_225 = vector.bitcast %get3A_224 : vector<16xi32> to vector<32xbf16>
        %mul3A_226 = arith.mulf %bitcast3A_217, %bitcast3A_225 : vector<32xbf16>
        %unpack3A_227 = tpu.unpack_subelements %mul3A_226, 0 {pack_format = #tpu.pack_format<interleaved>} : vector<32xbf16> -> vector<16xf32>
        %unpack3A_228 = tpu.unpack_subelements %mul3A_226, 1 {pack_format = #tpu.pack_format<interleaved>} : vector<32xbf16> -> vector<16xf32>
        %add3A_229 = arith.addf %unpack3A_227, %unpack3A_228 : vector<16xf32>
        %mul3A_230 = arith.constant 16 : i32
        %mul3A_231 = arith.muli %scan3A_101, %mul3A_230 : i32
        %add3A_232 = arith.constant 1 : i32
        %add3A_233 = arith.addi %mul3A_231, %add3A_232 : i32
        %get3A_234 = arith.index_cast %add3A_233 : i32 to index
        %get3A_235 = arith.constant 32 : index
        %get3A_236 = tpu.vector_load %arg8[%get3A_234, %get3A_235] {strides = array<i32>} : memref<80x64xi32, #tpu.memory_space<vmem>>, vector<16xi32>,
        %bitcast3A_237 = vector.bitcast %get3A_236 : vector<16xi32> to vector<32xbf16>
        %mul3A_238 = arith.constant 16 : i32
        %mul3A_239 = arith.muli %scan3A_101, %mul3A_238 : i32
        %add3A_240 = arith.constant 1 : i32
        %add3A_241 = arith.addi %mul3A_239, %add3A_240 : i32
        %get3A_242 = arith.index_cast %add3A_241 : i32 to index
        %get3A_243 = arith.constant 32 : index
        %get3A_244 = tpu.vector_load %arg10[%get3A_242, %get3A_243] {strides = array<i32>} : memref<80x64xi32, #tpu.memory_space<vmem>>, vector<16xi32>,
        %bitcast3A_245 = vector.bitcast %get3A_244 : vector<16xi32> to vector<32xbf16>
        %mul3A_246 = arith.mulf %bitcast3A_237, %bitcast3A_245 : vector<32xbf16>
        %unpack3A_247 = tpu.unpack_subelements %mul3A_246, 0 {pack_format = #tpu.pack_format<interleaved>} : vector<32xbf16> -> vector<16xf32>
        %unpack3A_248 = tpu.unpack_subelements %mul3A_246, 1 {pack_format = #tpu.pack_format<interleaved>} : vector<32xbf16> -> vector<16xf32>
        %add3A_249 = arith.addf %unpack3A_247, %unpack3A_248 : vector<16xf32>
        %mul3A_250 = arith.constant 16 : i32
        %mul3A_251 = arith.muli %scan3A_101, %mul3A_250 : i32
        %add3A_252 = arith.constant 1 : i32
        %add3A_253 = arith.addi %mul3A_251, %add3A_252 : i32
        %get3A_254 = arith.index_cast %add3A_253 : i32 to index
        %get3A_255 = arith.constant 48 : index
        %get3A_256 = tpu.vector_load %arg8[%get3A_254, %get3A_255] {strides = array<i32>} : memref<80x64xi32, #tpu.memory_space<vmem>>, vector<16xi32>,
        %bitcast3A_257 = vector.bitcast %get3A_256 : vector<16xi32> to vector<32xbf16>
        %mul3A_258 = arith.constant 16 : i32
        %mul3A_259 = arith.muli %scan3A_101, %mul3A_258 : i32
        %add3A_260 = arith.constant 1 : i32
        %add3A_261 = arith.addi %mul3A_259, %add3A_260 : i32
        %get3A_262 = arith.index_cast %add3A_261 : i32 to index
        %get3A_263 = arith.constant 48 : index
        %get3A_264 = tpu.vector_load %arg10[%get3A_262, %get3A_263] {strides = array<i32>} : memref<80x64xi32, #tpu.memory_space<vmem>>, vector<16xi32>,
        %bitcast3A_265 = vector.bitcast %get3A_264 : vector<16xi32> to vector<32xbf16>
        %mul3A_266 = arith.mulf %bitcast3A_257, %bitcast3A_265 : vector<32xbf16>
        %unpack3A_267 = tpu.unpack_subelements %mul3A_266, 0 {pack_format = #tpu.pack_format<interleaved>} : vector<32xbf16> -> vector<16xf32>
        %unpack3A_268 = tpu.unpack_subelements %mul3A_266, 1 {pack_format = #tpu.pack_format<interleaved>} : vector<32xbf16> -> vector<16xf32>
        %add3A_269 = arith.addf %unpack3A_267, %unpack3A_268 : vector<16xf32>
        %add3A_270 = arith.addf %add3A_209, %add3A_229 : vector<16xf32>
        %add3A_271 = arith.addf %add3A_249, %add3A_269 : vector<16xf32>
        %add3A_272 = arith.addf %add3A_270, %add3A_271 : vector<16xf32>
        %cumsum3A_273 = arith.constant true
        %cumsum3A_274 = vector.broadcast %cumsum3A_273 : i1 to vector<16xi1>
        %cumsum3A_275 = tpu.scan <sum>, %add3A_272 masked %cumsum3A_274 : vector<16xf32>, vector<16xi1> -> vector<16xf32>
        %mul3A_276 = arith.constant 16 : i32
        %mul3A_277 = arith.muli %scan3A_101, %mul3A_276 : i32
        %add3A_278 = arith.addi %mul3A_60, %mul3A_277 : i32
        %add3A_279 = arith.constant 1 : i32
        %add3A_280 = arith.addi %add3A_278, %add3A_279 : i32
        %swap3A_281 = arith.index_cast %add3A_280 : i32 to index
        %swap3A_282 = tpu.vector_load %arg12[%swap3A_281] masked %eq3A_4 {strides = array<i32>} : memref<10016xf32, #tpu.memory_space<vmem>>, vector<16xf32>, vector<16xi1>
        tpu.vector_store %arg12[%swap3A_281], %cumsum3A_275 masked %eq3A_4 {strides = array<i32>} : memref<10016xf32, #tpu.memory_space<vmem>>, vector<16xf32>, vector<16xi1>
        %mul3A_283 = arith.constant 16 : i32
        %mul3A_284 = arith.muli %scan3A_101, %mul3A_283 : i32
        %add3A_285 = arith.constant 2 : i32
        %add3A_286 = arith.addi %mul3A_284, %add3A_285 : i32
        %get3A_287 = arith.index_cast %add3A_286 : i32 to index
        %get3A_288 = arith.constant 0 : index
        %get3A_289 = tpu.vector_load %arg8[%get3A_287, %get3A_288] {strides = array<i32>} : memref<80x64xi32, #tpu.memory_space<vmem>>, vector<16xi32>,
        %bitcast3A_290 = vector.bitcast %get3A_289 : vector<16xi32> to vector<32xbf16>
        %mul3A_291 = arith.constant 16 : i32
        %mul3A_292 = arith.muli %scan3A_101, %mul3A_291 : i32
        %add3A_293 = arith.constant 2 : i32
        %add3A_294 = arith.addi %mul3A_292, %add3A_293 : i32
        %get3A_295 = arith.index_cast %add3A_294 : i32 to index
        %get3A_296 = arith.constant 0 : index
        %get3A_297 = tpu.vector_load %arg10[%get3A_295, %get3A_296] {strides = array<i32>} : memref<80x64xi32, #tpu.memory_space<vmem>>, vector<16xi32>,
        %bitcast3A_298 = vector.bitcast %get3A_297 : vector<16xi32> to vector<32xbf16>
        %mul3A_299 = arith.mulf %bitcast3A_290, %bitcast3A_298 : vector<32xbf16>
        %unpack3A_300 = tpu.unpack_subelements %mul3A_299, 0 {pack_format = #tpu.pack_format<interleaved>} : vector<32xbf16> -> vector<16xf32>
        %unpack3A_301 = tpu.unpack_subelements %mul3A_299, 1 {pack_format = #tpu.pack_format<interleaved>} : vector<32xbf16> -> vector<16xf32>
        %add3A_302 = arith.addf %unpack3A_300, %unpack3A_301 : vector<16xf32>
        %mul3A_303 = arith.constant 16 : i32
        %mul3A_304 = arith.muli %scan3A_101, %mul3A_303 : i32
        %add3A_305 = arith.constant 2 : i32
        %add3A_306 = arith.addi %mul3A_304, %add3A_305 : i32
        %get3A_307 = arith.index_cast %add3A_306 : i32 to index
        %get3A_308 = arith.constant 16 : index
        %get3A_309 = tpu.vector_load %arg8[%get3A_307, %get3A_308] {strides = array<i32>} : memref<80x64xi32, #tpu.memory_space<vmem>>, vector<16xi32>,
        %bitcast3A_310 = vector.bitcast %get3A_309 : vector<16xi32> to vector<32xbf16>
        %mul3A_311 = arith.constant 16 : i32
        %mul3A_312 = arith.muli %scan3A_101, %mul3A_311 : i32
        %add3A_313 = arith.constant 2 : i32
        %add3A_314 = arith.addi %mul3A_312, %add3A_313 : i32
        %get3A_315 = arith.index_cast %add3A_314 : i32 to index
        %get3A_316 = arith.constant 16 : index
        %get3A_317 = tpu.vector_load %arg10[%get3A_315, %get3A_316] {strides = array<i32>} : memref<80x64xi32, #tpu.memory_space<vmem>>, vector<16xi32>,
        %bitcast3A_318 = vector.bitcast %get3A_317 : vector<16xi32> to vector<32xbf16>
        %mul3A_319 = arith.mulf %bitcast3A_310, %bitcast3A_318 : vector<32xbf16>
        %unpack3A_320 = tpu.unpack_subelements %mul3A_319, 0 {pack_format = #tpu.pack_format<interleaved>} : vector<32xbf16> -> vector<16xf32>
        %unpack3A_321 = tpu.unpack_subelements %mul3A_319, 1 {pack_format = #tpu.pack_format<interleaved>} : vector<32xbf16> -> vector<16xf32>
        %add3A_322 = arith.addf %unpack3A_320, %unpack3A_321 : vector<16xf32>
        %mul3A_323 = arith.constant 16 : i32
        %mul3A_324 = arith.muli %scan3A_101, %mul3A_323 : i32
        %add3A_325 = arith.constant 2 : i32
        %add3A_326 = arith.addi %mul3A_324, %add3A_325 : i32
        %get3A_327 = arith.index_cast %add3A_326 : i32 to index
        %get3A_328 = arith.constant 32 : index
        %get3A_329 = tpu.vector_load %arg8[%get3A_327, %get3A_328] {strides = array<i32>} : memref<80x64xi32, #tpu.memory_space<vmem>>, vector<16xi32>,
        %bitcast3A_330 = vector.bitcast %get3A_329 : vector<16xi32> to vector<32xbf16>
        %mul3A_331 = arith.constant 16 : i32
        %mul3A_332 = arith.muli %scan3A_101, %mul3A_331 : i32
        %add3A_333 = arith.constant 2 : i32
        %add3A_334 = arith.addi %mul3A_332, %add3A_333 : i32
        %get3A_335 = arith.index_cast %add3A_334 : i32 to index
        %get3A_336 = arith.constant 32 : index
        %get3A_337 = tpu.vector_load %arg10[%get3A_335, %get3A_336] {strides = array<i32>} : memref<80x64xi32, #tpu.memory_space<vmem>>, vector<16xi32>,
        %bitcast3A_338 = vector.bitcast %get3A_337 : vector<16xi32> to vector<32xbf16>
        %mul3A_339 = arith.mulf %bitcast3A_330, %bitcast3A_338 : vector<32xbf16>
        %unpack3A_340 = tpu.unpack_subelements %mul3A_339, 0 {pack_format = #tpu.pack_format<interleaved>} : vector<32xbf16> -> vector<16xf32>
        %unpack3A_341 = tpu.unpack_subelements %mul3A_339, 1 {pack_format = #tpu.pack_format<interleaved>} : vector<32xbf16> -> vector<16xf32>
        %add3A_342 = arith.addf %unpack3A_340, %unpack3A_341 : vector<16xf32>
        %mul3A_343 = arith.constant 16 : i32
        %mul3A_344 = arith.muli %scan3A_101, %mul3A_343 : i32
        %add3A_345 = arith.constant 2 : i32
        %add3A_346 = arith.addi %mul3A_344, %add3A_345 : i32
        %get3A_347 = arith.index_cast %add3A_346 : i32 to index
        %get3A_348 = arith.constant 48 : index
        %get3A_349 = tpu.vector_load %arg8[%get3A_347, %get3A_348] {strides = array<i32>} : memref<80x64xi32, #tpu.memory_space<vmem>>, vector<16xi32>,
        %bitcast3A_350 = vector.bitcast %get3A_349 : vector<16xi32> to vector<32xbf16>
        %mul3A_351 = arith.constant 16 : i32
        %mul3A_352 = arith.muli %scan3A_101, %mul3A_351 : i32
        %add3A_353 = arith.constant 2 : i32
        %add3A_354 = arith.addi %mul3A_352, %add3A_353 : i32
        %get3A_355 = arith.index_cast %add3A_354 : i32 to index
        %get3A_356 = arith.constant 48 : index
        %get3A_357 = tpu.vector_load %arg10[%get3A_355, %get3A_356] {strides = array<i32>} : memref<80x64xi32, #tpu.memory_space<vmem>>, vector<16xi32>,
        %bitcast3A_358 = vector.bitcast %get3A_357 : vector<16xi32> to vector<32xbf16>
        %mul3A_359 = arith.mulf %bitcast3A_350, %bitcast3A_358 : vector<32xbf16>
        %unpack3A_360 = tpu.unpack_subelements %mul3A_359, 0 {pack_format = #tpu.pack_format<interleaved>} : vector<32xbf16> -> vector<16xf32>
        %unpack3A_361 = tpu.unpack_subelements %mul3A_359, 1 {pack_format = #tpu.pack_format<interleaved>} : vector<32xbf16> -> vector<16xf32>
        %add3A_362 = arith.addf %unpack3A_360, %unpack3A_361 : vector<16xf32>
        %add3A_363 = arith.addf %add3A_302, %add3A_322 : vector<16xf32>
        %add3A_364 = arith.addf %add3A_342, %add3A_362 : vector<16xf32>
        %add3A_365 = arith.addf %add3A_363, %add3A_364 : vector<16xf32>
        %cumsum3A_366 = arith.constant true
        %cumsum3A_367 = vector.broadcast %cumsum3A_366 : i1 to vector<16xi1>
        %cumsum3A_368 = tpu.scan <sum>, %add3A_365 masked %cumsum3A_367 : vector<16xf32>, vector<16xi1> -> vector<16xf32>
        %mul3A_369 = arith.constant 16 : i32
        %mul3A_370 = arith.muli %scan3A_101, %mul3A_369 : i32
        %add3A_371 = arith.addi %mul3A_60, %mul3A_370 : i32
        %add3A_372 = arith.constant 2 : i32
        %add3A_373 = arith.addi %add3A_371, %add3A_372 : i32
        %swap3A_374 = arith.index_cast %add3A_373 : i32 to index
        %swap3A_375 = tpu.vector_load %arg12[%swap3A_374] masked %eq3A_4 {strides = array<i32>} : memref<10016xf32, #tpu.memory_space<vmem>>, vector<16xf32>, vector<16xi1>
        tpu.vector_store %arg12[%swap3A_374], %cumsum3A_368 masked %eq3A_4 {strides = array<i32>} : memref<10016xf32, #tpu.memory_space<vmem>>, vector<16xf32>, vector<16xi1>
        %mul3A_376 = arith.constant 16 : i32
        %mul3A_377 = arith.muli %scan3A_101, %mul3A_376 : i32
        %add3A_378 = arith.constant 3 : i32
        %add3A_379 = arith.addi %mul3A_377, %add3A_378 : i32
        %get3A_380 = arith.index_cast %add3A_379 : i32 to index
        %get3A_381 = arith.constant 0 : index
        %get3A_382 = tpu.vector_load %arg8[%get3A_380, %get3A_381] {strides = array<i32>} : memref<80x64xi32, #tpu.memory_space<vmem>>, vector<16xi32>,
        %bitcast3A_383 = vector.bitcast %get3A_382 : vector<16xi32> to vector<32xbf16>
        %mul3A_384 = arith.constant 16 : i32
        %mul3A_385 = arith.muli %scan3A_101, %mul3A_384 : i32
        %add3A_386 = arith.constant 3 : i32
        %add3A_387 = arith.addi %mul3A_385, %add3A_386 : i32
        %get3A_388 = arith.index_cast %add3A_387 : i32 to index
        %get3A_389 = arith.constant 0 : index
        %get3A_390 = tpu.vector_load %arg10[%get3A_388, %get3A_389] {strides = array<i32>} : memref<80x64xi32, #tpu.memory_space<vmem>>, vector<16xi32>,
        %bitcast3A_391 = vector.bitcast %get3A_390 : vector<16xi32> to vector<32xbf16>
        %mul3A_392 = arith.mulf %bitcast3A_383, %bitcast3A_391 : vector<32xbf16>
        %unpack3A_393 = tpu.unpack_subelements %mul3A_392, 0 {pack_format = #tpu.pack_format<interleaved>} : vector<32xbf16> -> vector<16xf32>
        %unpack3A_394 = tpu.unpack_subelements %mul3A_392, 1 {pack_format = #tpu.pack_format<interleaved>} : vector<32xbf16> -> vector<16xf32>
        %add3A_395 = arith.addf %unpack3A_393, %unpack3A_394 : vector<16xf32>
        %mul3A_396 = arith.constant 16 : i32
        %mul3A_397 = arith.muli %scan3A_101, %mul3A_396 : i32
        %add3A_398 = arith.constant 3 : i32
        %add3A_399 = arith.addi %mul3A_397, %add3A_398 : i32
        %get3A_400 = arith.index_cast %add3A_399 : i32 to index
        %get3A_401 = arith.constant 16 : index
        %get3A_402 = tpu.vector_load %arg8[%get3A_400, %get3A_401] {strides = array<i32>} : memref<80x64xi32, #tpu.memory_space<vmem>>, vector<16xi32>,
        %bitcast3A_403 = vector.bitcast %get3A_402 : vector<16xi32> to vector<32xbf16>
        %mul3A_404 = arith.constant 16 : i32
        %mul3A_405 = arith.muli %scan3A_101, %mul3A_404 : i32
        %add3A_406 = arith.constant 3 : i32
        %add3A_407 = arith.addi %mul3A_405, %add3A_406 : i32
        %get3A_408 = arith.index_cast %add3A_407 : i32 to index
        %get3A_409 = arith.constant 16 : index
        %get3A_410 = tpu.vector_load %arg10[%get3A_408, %get3A_409] {strides = array<i32>} : memref<80x64xi32, #tpu.memory_space<vmem>>, vector<16xi32>,
        %bitcast3A_411 = vector.bitcast %get3A_410 : vector<16xi32> to vector<32xbf16>
        %mul3A_412 = arith.mulf %bitcast3A_403, %bitcast3A_411 : vector<32xbf16>
        %unpack3A_413 = tpu.unpack_subelements %mul3A_412, 0 {pack_format = #tpu.pack_format<interleaved>} : vector<32xbf16> -> vector<16xf32>
        %unpack3A_414 = tpu.unpack_subelements %mul3A_412, 1 {pack_format = #tpu.pack_format<interleaved>} : vector<32xbf16> -> vector<16xf32>
        %add3A_415 = arith.addf %unpack3A_413, %unpack3A_414 : vector<16xf32>
        %mul3A_416 = arith.constant 16 : i32
        %mul3A_417 = arith.muli %scan3A_101, %mul3A_416 : i32
        %add3A_418 = arith.constant 3 : i32
        %add3A_419 = arith.addi %mul3A_417, %add3A_418 : i32
        %get3A_420 = arith.index_cast %add3A_419 : i32 to index
        %get3A_421 = arith.constant 32 : index
        %get3A_422 = tpu.vector_load %arg8[%get3A_420, %get3A_421] {strides = array<i32>} : memref<80x64xi32, #tpu.memory_space<vmem>>, vector<16xi32>,
        %bitcast3A_423 = vector.bitcast %get3A_422 : vector<16xi32> to vector<32xbf16>
        %mul3A_424 = arith.constant 16 : i32
        %mul3A_425 = arith.muli %scan3A_101, %mul3A_424 : i32
        %add3A_426 = arith.constant 3 : i32
        %add3A_427 = arith.addi %mul3A_425, %add3A_426 : i32
        %get3A_428 = arith.index_cast %add3A_427 : i32 to index
        %get3A_429 = arith.constant 32 : index
        %get3A_430 = tpu.vector_load %arg10[%get3A_428, %get3A_429] {strides = array<i32>} : memref<80x64xi32, #tpu.memory_space<vmem>>, vector<16xi32>,
        %bitcast3A_431 = vector.bitcast %get3A_430 : vector<16xi32> to vector<32xbf16>
        %mul3A_432 = arith.mulf %bitcast3A_423, %bitcast3A_431 : vector<32xbf16>
        %unpack3A_433 = tpu.unpack_subelements %mul3A_432, 0 {pack_format = #tpu.pack_format<interleaved>} : vector<32xbf16> -> vector<16xf32>
        %unpack3A_434 = tpu.unpack_subelements %mul3A_432, 1 {pack_format = #tpu.pack_format<interleaved>} : vector<32xbf16> -> vector<16xf32>
        %add3A_435 = arith.addf %unpack3A_433, %unpack3A_434 : vector<16xf32>
        %mul3A_436 = arith.constant 16 : i32
        %mul3A_437 = arith.muli %scan3A_101, %mul3A_436 : i32
        %add3A_438 = arith.constant 3 : i32
        %add3A_439 = arith.addi %mul3A_437, %add3A_438 : i32
        %get3A_440 = arith.index_cast %add3A_439 : i32 to index
        %get3A_441 = arith.constant 48 : index
        %get3A_442 = tpu.vector_load %arg8[%get3A_440, %get3A_441] {strides = array<i32>} : memref<80x64xi32, #tpu.memory_space<vmem>>, vector<16xi32>,
        %bitcast3A_443 = vector.bitcast %get3A_442 : vector<16xi32> to vector<32xbf16>
        %mul3A_444 = arith.constant 16 : i32
        %mul3A_445 = arith.muli %scan3A_101, %mul3A_444 : i32
        %add3A_446 = arith.constant 3 : i32
        %add3A_447 = arith.addi %mul3A_445, %add3A_446 : i32
        %get3A_448 = arith.index_cast %add3A_447 : i32 to index
        %get3A_449 = arith.constant 48 : index
        %get3A_450 = tpu.vector_load %arg10[%get3A_448, %get3A_449] {strides = array<i32>} : memref<80x64xi32, #tpu.memory_space<vmem>>, vector<16xi32>,
        %bitcast3A_451 = vector.bitcast %get3A_450 : vector<16xi32> to vector<32xbf16>
        %mul3A_452 = arith.mulf %bitcast3A_443, %bitcast3A_451 : vector<32xbf16>
        %unpack3A_453 = tpu.unpack_subelements %mul3A_452, 0 {pack_format = #tpu.pack_format<interleaved>} : vector<32xbf16> -> vector<16xf32>
        %unpack3A_454 = tpu.unpack_subelements %mul3A_452, 1 {pack_format = #tpu.pack_format<interleaved>} : vector<32xbf16> -> vector<16xf32>
        %add3A_455 = arith.addf %unpack3A_453, %unpack3A_454 : vector<16xf32>
        %add3A_456 = arith.addf %add3A_395, %add3A_415 : vector<16xf32>
        %add3A_457 = arith.addf %add3A_435, %add3A_455 : vector<16xf32>
        %add3A_458 = arith.addf %add3A_456, %add3A_457 : vector<16xf32>
        %cumsum3A_459 = arith.constant true
        %cumsum3A_460 = vector.broadcast %cumsum3A_459 : i1 to vector<16xi1>
        %cumsum3A_461 = tpu.scan <sum>, %add3A_458 masked %cumsum3A_460 : vector<16xf32>, vector<16xi1> -> vector<16xf32>
        %mul3A_462 = arith.constant 16 : i32
        %mul3A_463 = arith.muli %scan3A_101, %mul3A_462 : i32
        %add3A_464 = arith.addi %mul3A_60, %mul3A_463 : i32
        %add3A_465 = arith.constant 3 : i32
        %add3A_466 = arith.addi %add3A_464, %add3A_465 : i32
        %swap3A_467 = arith.index_cast %add3A_466 : i32 to index
        %swap3A_468 = tpu.vector_load %arg12[%swap3A_467] masked %eq3A_4 {strides = array<i32>} : memref<10016xf32, #tpu.memory_space<vmem>>, vector<16xf32>, vector<16xi1>
        tpu.vector_store %arg12[%swap3A_467], %cumsum3A_461 masked %eq3A_4 {strides = array<i32>} : memref<10016xf32, #tpu.memory_space<vmem>>, vector<16xf32>, vector<16xi1>
        %mul3A_469 = arith.constant 16 : i32
        %mul3A_470 = arith.muli %scan3A_101, %mul3A_469 : i32
        %add3A_471 = arith.constant 4 : i32
        %add3A_472 = arith.addi %mul3A_470, %add3A_471 : i32
        %get3A_473 = arith.index_cast %add3A_472 : i32 to index
        %get3A_474 = arith.constant 0 : index
        %get3A_475 = tpu.vector_load %arg8[%get3A_473, %get3A_474] {strides = array<i32>} : memref<80x64xi32, #tpu.memory_space<vmem>>, vector<16xi32>,
        %bitcast3A_476 = vector.bitcast %get3A_475 : vector<16xi32> to vector<32xbf16>
        %mul3A_477 = arith.constant 16 : i32
        %mul3A_478 = arith.muli %scan3A_101, %mul3A_477 : i32
        %add3A_479 = arith.constant 4 : i32
        %add3A_480 = arith.addi %mul3A_478, %add3A_479 : i32
        %get3A_481 = arith.index_cast %add3A_480 : i32 to index
        %get3A_482 = arith.constant 0 : index
        %get3A_483 = tpu.vector_load %arg10[%get3A_481, %get3A_482] {strides = array<i32>} : memref<80x64xi32, #tpu.memory_space<vmem>>, vector<16xi32>,
        %bitcast3A_484 = vector.bitcast %get3A_483 : vector<16xi32> to vector<32xbf16>
        %mul3A_485 = arith.mulf %bitcast3A_476, %bitcast3A_484 : vector<32xbf16>
        %unpack3A_486 = tpu.unpack_subelements %mul3A_485, 0 {pack_format = #tpu.pack_format<interleaved>} : vector<32xbf16> -> vector<16xf32>
        %unpack3A_487 = tpu.unpack_subelements %mul3A_485, 1 {pack_format = #tpu.pack_format<interleaved>} : vector<32xbf16> -> vector<16xf32>
        %add3A_488 = arith.addf %unpack3A_486, %unpack3A_487 : vector<16xf32>
        %mul3A_489 = arith.constant 16 : i32
        %mul3A_490 = arith.muli %scan3A_101, %mul3A_489 : i32
        %add3A_491 = arith.constant 4 : i32
        %add3A_492 = arith.addi %mul3A_490, %add3A_491 : i32
        %get3A_493 = arith.index_cast %add3A_492 : i32 to index
        %get3A_494 = arith.constant 16 : index
        %get3A_495 = tpu.vector_load %arg8[%get3A_493, %get3A_494] {strides = array<i32>} : memref<80x64xi32, #tpu.memory_space<vmem>>, vector<16xi32>,
        %bitcast3A_496 = vector.bitcast %get3A_495 : vector<16xi32> to vector<32xbf16>
        %mul3A_497 = arith.constant 16 : i32
        %mul3A_498 = arith.muli %scan3A_101, %mul3A_497 : i32
        %add3A_499 = arith.constant 4 : i32
        %add3A_500 = arith.addi %mul3A_498, %add3A_499 : i32
        %get3A_501 = arith.index_cast %add3A_500 : i32 to index
        %get3A_502 = arith.constant 16 : index
        %get3A_503 = tpu.vector_load %arg10[%get3A_501, %get3A_502] {strides = array<i32>} : memref<80x64xi32, #tpu.memory_space<vmem>>, vector<16xi32>,
        %bitcast3A_504 = vector.bitcast %get3A_503 : vector<16xi32> to vector<32xbf16>
        %mul3A_505 = arith.mulf %bitcast3A_496, %bitcast3A_504 : vector<32xbf16>
        %unpack3A_506 = tpu.unpack_subelements %mul3A_505, 0 {pack_format = #tpu.pack_format<interleaved>} : vector<32xbf16> -> vector<16xf32>
        %unpack3A_507 = tpu.unpack_subelements %mul3A_505, 1 {pack_format = #tpu.pack_format<interleaved>} : vector<32xbf16> -> vector<16xf32>
        %add3A_508 = arith.addf %unpack3A_506, %unpack3A_507 : vector<16xf32>
        %mul3A_509 = arith.constant 16 : i32
        %mul3A_510 = arith.muli %scan3A_101, %mul3A_509 : i32
        %add3A_511 = arith.constant 4 : i32
        %add3A_512 = arith.addi %mul3A_510, %add3A_511 : i32
        %get3A_513 = arith.index_cast %add3A_512 : i32 to index
        %get3A_514 = arith.constant 32 : index
        %get3A_515 = tpu.vector_load %arg8[%get3A_513, %get3A_514] {strides = array<i32>} : memref<80x64xi32, #tpu.memory_space<vmem>>, vector<16xi32>,
        %bitcast3A_516 = vector.bitcast %get3A_515 : vector<16xi32> to vector<32xbf16>
        %mul3A_517 = arith.constant 16 : i32
        %mul3A_518 = arith.muli %scan3A_101, %mul3A_517 : i32
        %add3A_519 = arith.constant 4 : i32
        %add3A_520 = arith.addi %mul3A_518, %add3A_519 : i32
        %get3A_521 = arith.index_cast %add3A_520 : i32 to index
        %get3A_522 = arith.constant 32 : index
        %get3A_523 = tpu.vector_load %arg10[%get3A_521, %get3A_522] {strides = array<i32>} : memref<80x64xi32, #tpu.memory_space<vmem>>, vector<16xi32>,
        %bitcast3A_524 = vector.bitcast %get3A_523 : vector<16xi32> to vector<32xbf16>
        %mul3A_525 = arith.mulf %bitcast3A_516, %bitcast3A_524 : vector<32xbf16>
        %unpack3A_526 = tpu.unpack_subelements %mul3A_525, 0 {pack_format = #tpu.pack_format<interleaved>} : vector<32xbf16> -> vector<16xf32>
        %unpack3A_527 = tpu.unpack_subelements %mul3A_525, 1 {pack_format = #tpu.pack_format<interleaved>} : vector<32xbf16> -> vector<16xf32>
        %add3A_528 = arith.addf %unpack3A_526, %unpack3A_527 : vector<16xf32>
        %mul3A_529 = arith.constant 16 : i32
        %mul3A_530 = arith.muli %scan3A_101, %mul3A_529 : i32
        %add3A_531 = arith.constant 4 : i32
        %add3A_532 = arith.addi %mul3A_530, %add3A_531 : i32
        %get3A_533 = arith.index_cast %add3A_532 : i32 to index
        %get3A_534 = arith.constant 48 : index
        %get3A_535 = tpu.vector_load %arg8[%get3A_533, %get3A_534] {strides = array<i32>} : memref<80x64xi32, #tpu.memory_space<vmem>>, vector<16xi32>,
        %bitcast3A_536 = vector.bitcast %get3A_535 : vector<16xi32> to vector<32xbf16>
        %mul3A_537 = arith.constant 16 : i32
        %mul3A_538 = arith.muli %scan3A_101, %mul3A_537 : i32
        %add3A_539 = arith.constant 4 : i32
        %add3A_540 = arith.addi %mul3A_538, %add3A_539 : i32
        %get3A_541 = arith.index_cast %add3A_540 : i32 to index
        %get3A_542 = arith.constant 48 : index
        %get3A_543 = tpu.vector_load %arg10[%get3A_541, %get3A_542] {strides = array<i32>} : memref<80x64xi32, #tpu.memory_space<vmem>>, vector<16xi32>,
        %bitcast3A_544 = vector.bitcast %get3A_543 : vector<16xi32> to vector<32xbf16>
        %mul3A_545 = arith.mulf %bitcast3A_536, %bitcast3A_544 : vector<32xbf16>
        %unpack3A_546 = tpu.unpack_subelements %mul3A_545, 0 {pack_format = #tpu.pack_format<interleaved>} : vector<32xbf16> -> vector<16xf32>
        %unpack3A_547 = tpu.unpack_subelements %mul3A_545, 1 {pack_format = #tpu.pack_format<interleaved>} : vector<32xbf16> -> vector<16xf32>
        %add3A_548 = arith.addf %unpack3A_546, %unpack3A_547 : vector<16xf32>
        %add3A_549 = arith.addf %add3A_488, %add3A_508 : vector<16xf32>
        %add3A_550 = arith.addf %add3A_528, %add3A_548 : vector<16xf32>
        %add3A_551 = arith.addf %add3A_549, %add3A_550 : vector<16xf32>
        %cumsum3A_552 = arith.constant true
        %cumsum3A_553 = vector.broadcast %cumsum3A_552 : i1 to vector<16xi1>
        %cumsum3A_554 = tpu.scan <sum>, %add3A_551 masked %cumsum3A_553 : vector<16xf32>, vector<16xi1> -> vector<16xf32>
        %mul3A_555 = arith.constant 16 : i32
        %mul3A_556 = arith.muli %scan3A_101, %mul3A_555 : i32
        %add3A_557 = arith.addi %mul3A_60, %mul3A_556 : i32
        %add3A_558 = arith.constant 4 : i32
        %add3A_559 = arith.addi %add3A_557, %add3A_558 : i32
        %swap3A_560 = arith.index_cast %add3A_559 : i32 to index
        %swap3A_561 = tpu.vector_load %arg12[%swap3A_560] masked %eq3A_4 {strides = array<i32>} : memref<10016xf32, #tpu.memory_space<vmem>>, vector<16xf32>, vector<16xi1>
        tpu.vector_store %arg12[%swap3A_560], %cumsum3A_554 masked %eq3A_4 {strides = array<i32>} : memref<10016xf32, #tpu.memory_space<vmem>>, vector<16xf32>, vector<16xi1>
        %mul3A_562 = arith.constant 16 : i32
        %mul3A_563 = arith.muli %scan3A_101, %mul3A_562 : i32
        %add3A_564 = arith.constant 5 : i32
        %add3A_565 = arith.addi %mul3A_563, %add3A_564 : i32
        %get3A_566 = arith.index_cast %add3A_565 : i32 to index
        %get3A_567 = arith.constant 0 : index
        %get3A_568 = tpu.vector_load %arg8[%get3A_566, %get3A_567] {strides = array<i32>} : memref<80x64xi32, #tpu.memory_space<vmem>>, vector<16xi32>,
        %bitcast3A_569 = vector.bitcast %get3A_568 : vector<16xi32> to vector<32xbf16>
        %mul3A_570 = arith.constant 16 : i32
        %mul3A_571 = arith.muli %scan3A_101, %mul3A_570 : i32
        %add3A_572 = arith.constant 5 : i32
        %add3A_573 = arith.addi %mul3A_571, %add3A_572 : i32
        %get3A_574 = arith.index_cast %add3A_573 : i32 to index
        %get3A_575 = arith.constant 0 : index
        %get3A_576 = tpu.vector_load %arg10[%get3A_574, %get3A_575] {strides = array<i32>} : memref<80x64xi32, #tpu.memory_space<vmem>>, vector<16xi32>,
        %bitcast3A_577 = vector.bitcast %get3A_576 : vector<16xi32> to vector<32xbf16>
        %mul3A_578 = arith.mulf %bitcast3A_569, %bitcast3A_577 : vector<32xbf16>
        %unpack3A_579 = tpu.unpack_subelements %mul3A_578, 0 {pack_format = #tpu.pack_format<interleaved>} : vector<32xbf16> -> vector<16xf32>
        %unpack3A_580 = tpu.unpack_subelements %mul3A_578, 1 {pack_format = #tpu.pack_format<interleaved>} : vector<32xbf16> -> vector<16xf32>
        %add3A_581 = arith.addf %unpack3A_579, %unpack3A_580 : vector<16xf32>
        %mul3A_582 = arith.constant 16 : i32
        %mul3A_583 = arith.muli %scan3A_101, %mul3A_582 : i32
        %add3A_584 = arith.constant 5 : i32
        %add3A_585 = arith.addi %mul3A_583, %add3A_584 : i32
        %get3A_586 = arith.index_cast %add3A_585 : i32 to index
        %get3A_587 = arith.constant 16 : index
        %get3A_588 = tpu.vector_load %arg8[%get3A_586, %get3A_587] {strides = array<i32>} : memref<80x64xi32, #tpu.memory_space<vmem>>, vector<16xi32>,
        %bitcast3A_589 = vector.bitcast %get3A_588 : vector<16xi32> to vector<32xbf16>
        %mul3A_590 = arith.constant 16 : i32
        %mul3A_591 = arith.muli %scan3A_101, %mul3A_590 : i32
        %add3A_592 = arith.constant 5 : i32
        %add3A_593 = arith.addi %mul3A_591, %add3A_592 : i32
        %get3A_594 = arith.index_cast %add3A_593 : i32 to index
        %get3A_595 = arith.constant 16 : index
        %get3A_596 = tpu.vector_load %arg10[%get3A_594, %get3A_595] {strides = array<i32>} : memref<80x64xi32, #tpu.memory_space<vmem>>, vector<16xi32>,
        %bitcast3A_597 = vector.bitcast %get3A_596 : vector<16xi32> to vector<32xbf16>
        %mul3A_598 = arith.mulf %bitcast3A_589, %bitcast3A_597 : vector<32xbf16>
        %unpack3A_599 = tpu.unpack_subelements %mul3A_598, 0 {pack_format = #tpu.pack_format<interleaved>} : vector<32xbf16> -> vector<16xf32>
        %unpack3A_600 = tpu.unpack_subelements %mul3A_598, 1 {pack_format = #tpu.pack_format<interleaved>} : vector<32xbf16> -> vector<16xf32>
        %add3A_601 = arith.addf %unpack3A_599, %unpack3A_600 : vector<16xf32>
        %mul3A_602 = arith.constant 16 : i32
        %mul3A_603 = arith.muli %scan3A_101, %mul3A_602 : i32
        %add3A_604 = arith.constant 5 : i32
        %add3A_605 = arith.addi %mul3A_603, %add3A_604 : i32
        %get3A_606 = arith.index_cast %add3A_605 : i32 to index
        %get3A_607 = arith.constant 32 : index
        %get3A_608 = tpu.vector_load %arg8[%get3A_606, %get3A_607] {strides = array<i32>} : memref<80x64xi32, #tpu.memory_space<vmem>>, vector<16xi32>,
        %bitcast3A_609 = vector.bitcast %get3A_608 : vector<16xi32> to vector<32xbf16>
        %mul3A_610 = arith.constant 16 : i32
        %mul3A_611 = arith.muli %scan3A_101, %mul3A_610 : i32
        %add3A_612 = arith.constant 5 : i32
        %add3A_613 = arith.addi %mul3A_611, %add3A_612 : i32
        %get3A_614 = arith.index_cast %add3A_613 : i32 to index
        %get3A_615 = arith.constant 32 : index
        %get3A_616 = tpu.vector_load %arg10[%get3A_614, %get3A_615] {strides = array<i32>} : memref<80x64xi32, #tpu.memory_space<vmem>>, vector<16xi32>,
        %bitcast3A_617 = vector.bitcast %get3A_616 : vector<16xi32> to vector<32xbf16>
        %mul3A_618 = arith.mulf %bitcast3A_609, %bitcast3A_617 : vector<32xbf16>
        %unpack3A_619 = tpu.unpack_subelements %mul3A_618, 0 {pack_format = #tpu.pack_format<interleaved>} : vector<32xbf16> -> vector<16xf32>
        %unpack3A_620 = tpu.unpack_subelements %mul3A_618, 1 {pack_format = #tpu.pack_format<interleaved>} : vector<32xbf16> -> vector<16xf32>
        %add3A_621 = arith.addf %unpack3A_619, %unpack3A_620 : vector<16xf32>
        %mul3A_622 = arith.constant 16 : i32
        %mul3A_623 = arith.muli %scan3A_101, %mul3A_622 : i32
        %add3A_624 = arith.constant 5 : i32
        %add3A_625 = arith.addi %mul3A_623, %add3A_624 : i32
        %get3A_626 = arith.index_cast %add3A_625 : i32 to index
        %get3A_627 = arith.constant 48 : index
        %get3A_628 = tpu.vector_load %arg8[%get3A_626, %get3A_627] {strides = array<i32>} : memref<80x64xi32, #tpu.memory_space<vmem>>, vector<16xi32>,
        %bitcast3A_629 = vector.bitcast %get3A_628 : vector<16xi32> to vector<32xbf16>
        %mul3A_630 = arith.constant 16 : i32
        %mul3A_631 = arith.muli %scan3A_101, %mul3A_630 : i32
        %add3A_632 = arith.constant 5 : i32
        %add3A_633 = arith.addi %mul3A_631, %add3A_632 : i32
        %get3A_634 = arith.index_cast %add3A_633 : i32 to index
        %get3A_635 = arith.constant 48 : index
        %get3A_636 = tpu.vector_load %arg10[%get3A_634, %get3A_635] {strides = array<i32>} : memref<80x64xi32, #tpu.memory_space<vmem>>, vector<16xi32>,
        %bitcast3A_637 = vector.bitcast %get3A_636 : vector<16xi32> to vector<32xbf16>
        %mul3A_638 = arith.mulf %bitcast3A_629, %bitcast3A_637 : vector<32xbf16>
        %unpack3A_639 = tpu.unpack_subelements %mul3A_638, 0 {pack_format = #tpu.pack_format<interleaved>} : vector<32xbf16> -> vector<16xf32>
        %unpack3A_640 = tpu.unpack_subelements %mul3A_638, 1 {pack_format = #tpu.pack_format<interleaved>} : vector<32xbf16> -> vector<16xf32>
        %add3A_641 = arith.addf %unpack3A_639, %unpack3A_640 : vector<16xf32>
        %add3A_642 = arith.addf %add3A_581, %add3A_601 : vector<16xf32>
        %add3A_643 = arith.addf %add3A_621, %add3A_641 : vector<16xf32>
        %add3A_644 = arith.addf %add3A_642, %add3A_643 : vector<16xf32>
        %cumsum3A_645 = arith.constant true
        %cumsum3A_646 = vector.broadcast %cumsum3A_645 : i1 to vector<16xi1>
        %cumsum3A_647 = tpu.scan <sum>, %add3A_644 masked %cumsum3A_646 : vector<16xf32>, vector<16xi1> -> vector<16xf32>
        %mul3A_648 = arith.constant 16 : i32
        %mul3A_649 = arith.muli %scan3A_101, %mul3A_648 : i32
        %add3A_650 = arith.addi %mul3A_60, %mul3A_649 : i32
        %add3A_651 = arith.constant 5 : i32
        %add3A_652 = arith.addi %add3A_650, %add3A_651 : i32
        %swap3A_653 = arith.index_cast %add3A_652 : i32 to index
        %swap3A_654 = tpu.vector_load %arg12[%swap3A_653] masked %eq3A_4 {strides = array<i32>} : memref<10016xf32, #tpu.memory_space<vmem>>, vector<16xf32>, vector<16xi1>
        tpu.vector_store %arg12[%swap3A_653], %cumsum3A_647 masked %eq3A_4 {strides = array<i32>} : memref<10016xf32, #tpu.memory_space<vmem>>, vector<16xf32>, vector<16xi1>
        %mul3A_655 = arith.constant 16 : i32
        %mul3A_656 = arith.muli %scan3A_101, %mul3A_655 : i32
        %add3A_657 = arith.constant 6 : i32
        %add3A_658 = arith.addi %mul3A_656, %add3A_657 : i32
        %get3A_659 = arith.index_cast %add3A_658 : i32 to index
        %get3A_660 = arith.constant 0 : index
        %get3A_661 = tpu.vector_load %arg8[%get3A_659, %get3A_660] {strides = array<i32>} : memref<80x64xi32, #tpu.memory_space<vmem>>, vector<16xi32>,
        %bitcast3A_662 = vector.bitcast %get3A_661 : vector<16xi32> to vector<32xbf16>
        %mul3A_663 = arith.constant 16 : i32
        %mul3A_664 = arith.muli %scan3A_101, %mul3A_663 : i32
        %add3A_665 = arith.constant 6 : i32
        %add3A_666 = arith.addi %mul3A_664, %add3A_665 : i32
        %get3A_667 = arith.index_cast %add3A_666 : i32 to index
        %get3A_668 = arith.constant 0 : index
        %get3A_669 = tpu.vector_load %arg10[%get3A_667, %get3A_668] {strides = array<i32>} : memref<80x64xi32, #tpu.memory_space<vmem>>, vector<16xi32>,
        %bitcast3A_670 = vector.bitcast %get3A_669 : vector<16xi32> to vector<32xbf16>
        %mul3A_671 = arith.mulf %bitcast3A_662, %bitcast3A_670 : vector<32xbf16>
        %unpack3A_672 = tpu.unpack_subelements %mul3A_671, 0 {pack_format = #tpu.pack_format<interleaved>} : vector<32xbf16> -> vector<16xf32>
        %unpack3A_673 = tpu.unpack_subelements %mul3A_671, 1 {pack_format = #tpu.pack_format<interleaved>} : vector<32xbf16> -> vector<16xf32>
        %add3A_674 = arith.addf %unpack3A_672, %unpack3A_673 : vector<16xf32>
        %mul3A_675 = arith.constant 16 : i32
        %mul3A_676 = arith.muli %scan3A_101, %mul3A_675 : i32
        %add3A_677 = arith.constant 6 : i32
        %add3A_678 = arith.addi %mul3A_676, %add3A_677 : i32
        %get3A_679 = arith.index_cast %add3A_678 : i32 to index
        %get3A_680 = arith.constant 16 : index
        %get3A_681 = tpu.vector_load %arg8[%get3A_679, %get3A_680] {strides = array<i32>} : memref<80x64xi32, #tpu.memory_space<vmem>>, vector<16xi32>,
        %bitcast3A_682 = vector.bitcast %get3A_681 : vector<16xi32> to vector<32xbf16>
        %mul3A_683 = arith.constant 16 : i32
        %mul3A_684 = arith.muli %scan3A_101, %mul3A_683 : i32
        %add3A_685 = arith.constant 6 : i32
        %add3A_686 = arith.addi %mul3A_684, %add3A_685 : i32
        %get3A_687 = arith.index_cast %add3A_686 : i32 to index
        %get3A_688 = arith.constant 16 : index
        %get3A_689 = tpu.vector_load %arg10[%get3A_687, %get3A_688] {strides = array<i32>} : memref<80x64xi32, #tpu.memory_space<vmem>>, vector<16xi32>,
        %bitcast3A_690 = vector.bitcast %get3A_689 : vector<16xi32> to vector<32xbf16>
        %mul3A_691 = arith.mulf %bitcast3A_682, %bitcast3A_690 : vector<32xbf16>
        %unpack3A_692 = tpu.unpack_subelements %mul3A_691, 0 {pack_format = #tpu.pack_format<interleaved>} : vector<32xbf16> -> vector<16xf32>
        %unpack3A_693 = tpu.unpack_subelements %mul3A_691, 1 {pack_format = #tpu.pack_format<interleaved>} : vector<32xbf16> -> vector<16xf32>
        %add3A_694 = arith.addf %unpack3A_692, %unpack3A_693 : vector<16xf32>
        %mul3A_695 = arith.constant 16 : i32
        %mul3A_696 = arith.muli %scan3A_101, %mul3A_695 : i32
        %add3A_697 = arith.constant 6 : i32
        %add3A_698 = arith.addi %mul3A_696, %add3A_697 : i32
        %get3A_699 = arith.index_cast %add3A_698 : i32 to index
        %get3A_700 = arith.constant 32 : index
        %get3A_701 = tpu.vector_load %arg8[%get3A_699, %get3A_700] {strides = array<i32>} : memref<80x64xi32, #tpu.memory_space<vmem>>, vector<16xi32>,
        %bitcast3A_702 = vector.bitcast %get3A_701 : vector<16xi32> to vector<32xbf16>
        %mul3A_703 = arith.constant 16 : i32
        %mul3A_704 = arith.muli %scan3A_101, %mul3A_703 : i32
        %add3A_705 = arith.constant 6 : i32
        %add3A_706 = arith.addi %mul3A_704, %add3A_705 : i32
        %get3A_707 = arith.index_cast %add3A_706 : i32 to index
        %get3A_708 = arith.constant 32 : index
        %get3A_709 = tpu.vector_load %arg10[%get3A_707, %get3A_708] {strides = array<i32>} : memref<80x64xi32, #tpu.memory_space<vmem>>, vector<16xi32>,
        %bitcast3A_710 = vector.bitcast %get3A_709 : vector<16xi32> to vector<32xbf16>
        %mul3A_711 = arith.mulf %bitcast3A_702, %bitcast3A_710 : vector<32xbf16>
        %unpack3A_712 = tpu.unpack_subelements %mul3A_711, 0 {pack_format = #tpu.pack_format<interleaved>} : vector<32xbf16> -> vector<16xf32>
        %unpack3A_713 = tpu.unpack_subelements %mul3A_711, 1 {pack_format = #tpu.pack_format<interleaved>} : vector<32xbf16> -> vector<16xf32>
        %add3A_714 = arith.addf %unpack3A_712, %unpack3A_713 : vector<16xf32>
        %mul3A_715 = arith.constant 16 : i32
        %mul3A_716 = arith.muli %scan3A_101, %mul3A_715 : i32
        %add3A_717 = arith.constant 6 : i32
        %add3A_718 = arith.addi %mul3A_716, %add3A_717 : i32
        %get3A_719 = arith.index_cast %add3A_718 : i32 to index
        %get3A_720 = arith.constant 48 : index
        %get3A_721 = tpu.vector_load %arg8[%get3A_719, %get3A_720] {strides = array<i32>} : memref<80x64xi32, #tpu.memory_space<vmem>>, vector<16xi32>,
        %bitcast3A_722 = vector.bitcast %get3A_721 : vector<16xi32> to vector<32xbf16>
        %mul3A_723 = arith.constant 16 : i32
        %mul3A_724 = arith.muli %scan3A_101, %mul3A_723 : i32
        %add3A_725 = arith.constant 6 : i32
        %add3A_726 = arith.addi %mul3A_724, %add3A_725 : i32
        %get3A_727 = arith.index_cast %add3A_726 : i32 to index
        %get3A_728 = arith.constant 48 : index
        %get3A_729 = tpu.vector_load %arg10[%get3A_727, %get3A_728] {strides = array<i32>} : memref<80x64xi32, #tpu.memory_space<vmem>>, vector<16xi32>,
        %bitcast3A_730 = vector.bitcast %get3A_729 : vector<16xi32> to vector<32xbf16>
        %mul3A_731 = arith.mulf %bitcast3A_722, %bitcast3A_730 : vector<32xbf16>
        %unpack3A_732 = tpu.unpack_subelements %mul3A_731, 0 {pack_format = #tpu.pack_format<interleaved>} : vector<32xbf16> -> vector<16xf32>
        %unpack3A_733 = tpu.unpack_subelements %mul3A_731, 1 {pack_format = #tpu.pack_format<interleaved>} : vector<32xbf16> -> vector<16xf32>
        %add3A_734 = arith.addf %unpack3A_732, %unpack3A_733 : vector<16xf32>
        %add3A_735 = arith.addf %add3A_674, %add3A_694 : vector<16xf32>
        %add3A_736 = arith.addf %add3A_714, %add3A_734 : vector<16xf32>
        %add3A_737 = arith.addf %add3A_735, %add3A_736 : vector<16xf32>
        %cumsum3A_738 = arith.constant true
        %cumsum3A_739 = vector.broadcast %cumsum3A_738 : i1 to vector<16xi1>
        %cumsum3A_740 = tpu.scan <sum>, %add3A_737 masked %cumsum3A_739 : vector<16xf32>, vector<16xi1> -> vector<16xf32>
        %mul3A_741 = arith.constant 16 : i32
        %mul3A_742 = arith.muli %scan3A_101, %mul3A_741 : i32
        %add3A_743 = arith.addi %mul3A_60, %mul3A_742 : i32
        %add3A_744 = arith.constant 6 : i32
        %add3A_745 = arith.addi %add3A_743, %add3A_744 : i32
        %swap3A_746 = arith.index_cast %add3A_745 : i32 to index
        %swap3A_747 = tpu.vector_load %arg12[%swap3A_746] masked %eq3A_4 {strides = array<i32>} : memref<10016xf32, #tpu.memory_space<vmem>>, vector<16xf32>, vector<16xi1>
        tpu.vector_store %arg12[%swap3A_746], %cumsum3A_740 masked %eq3A_4 {strides = array<i32>} : memref<10016xf32, #tpu.memory_space<vmem>>, vector<16xf32>, vector<16xi1>
        %mul3A_748 = arith.constant 16 : i32
        %mul3A_749 = arith.muli %scan3A_101, %mul3A_748 : i32
        %add3A_750 = arith.constant 7 : i32
        %add3A_751 = arith.addi %mul3A_749, %add3A_750 : i32
        %get3A_752 = arith.index_cast %add3A_751 : i32 to index
        %get3A_753 = arith.constant 0 : index
        %get3A_754 = tpu.vector_load %arg8[%get3A_752, %get3A_753] {strides = array<i32>} : memref<80x64xi32, #tpu.memory_space<vmem>>, vector<16xi32>,
        %bitcast3A_755 = vector.bitcast %get3A_754 : vector<16xi32> to vector<32xbf16>
        %mul3A_756 = arith.constant 16 : i32
        %mul3A_757 = arith.muli %scan3A_101, %mul3A_756 : i32
        %add3A_758 = arith.constant 7 : i32
        %add3A_759 = arith.addi %mul3A_757, %add3A_758 : i32
        %get3A_760 = arith.index_cast %add3A_759 : i32 to index
        %get3A_761 = arith.constant 0 : index
        %get3A_762 = tpu.vector_load %arg10[%get3A_760, %get3A_761] {strides = array<i32>} : memref<80x64xi32, #tpu.memory_space<vmem>>, vector<16xi32>,
        %bitcast3A_763 = vector.bitcast %get3A_762 : vector<16xi32> to vector<32xbf16>
        %mul3A_764 = arith.mulf %bitcast3A_755, %bitcast3A_763 : vector<32xbf16>
        %unpack3A_765 = tpu.unpack_subelements %mul3A_764, 0 {pack_format = #tpu.pack_format<interleaved>} : vector<32xbf16> -> vector<16xf32>
        %unpack3A_766 = tpu.unpack_subelements %mul3A_764, 1 {pack_format = #tpu.pack_format<interleaved>} : vector<32xbf16> -> vector<16xf32>
        %add3A_767 = arith.addf %unpack3A_765, %unpack3A_766 : vector<16xf32>
        %mul3A_768 = arith.constant 16 : i32
        %mul3A_769 = arith.muli %scan3A_101, %mul3A_768 : i32
        %add3A_770 = arith.constant 7 : i32
        %add3A_771 = arith.addi %mul3A_769, %add3A_770 : i32
        %get3A_772 = arith.index_cast %add3A_771 : i32 to index
        %get3A_773 = arith.constant 16 : index
        %get3A_774 = tpu.vector_load %arg8[%get3A_772, %get3A_773] {strides = array<i32>} : memref<80x64xi32, #tpu.memory_space<vmem>>, vector<16xi32>,
        %bitcast3A_775 = vector.bitcast %get3A_774 : vector<16xi32> to vector<32xbf16>
        %mul3A_776 = arith.constant 16 : i32
        %mul3A_777 = arith.muli %scan3A_101, %mul3A_776 : i32
        %add3A_778 = arith.constant 7 : i32
        %add3A_779 = arith.addi %mul3A_777, %add3A_778 : i32
        %get3A_780 = arith.index_cast %add3A_779 : i32 to index
        %get3A_781 = arith.constant 16 : index
        %get3A_782 = tpu.vector_load %arg10[%get3A_780, %get3A_781] {strides = array<i32>} : memref<80x64xi32, #tpu.memory_space<vmem>>, vector<16xi32>,
        %bitcast3A_783 = vector.bitcast %get3A_782 : vector<16xi32> to vector<32xbf16>
        %mul3A_784 = arith.mulf %bitcast3A_775, %bitcast3A_783 : vector<32xbf16>
        %unpack3A_785 = tpu.unpack_subelements %mul3A_784, 0 {pack_format = #tpu.pack_format<interleaved>} : vector<32xbf16> -> vector<16xf32>
        %unpack3A_786 = tpu.unpack_subelements %mul3A_784, 1 {pack_format = #tpu.pack_format<interleaved>} : vector<32xbf16> -> vector<16xf32>
        %add3A_787 = arith.addf %unpack3A_785, %unpack3A_786 : vector<16xf32>
        %mul3A_788 = arith.constant 16 : i32
        %mul3A_789 = arith.muli %scan3A_101, %mul3A_788 : i32
        %add3A_790 = arith.constant 7 : i32
        %add3A_791 = arith.addi %mul3A_789, %add3A_790 : i32
        %get3A_792 = arith.index_cast %add3A_791 : i32 to index
        %get3A_793 = arith.constant 32 : index
        %get3A_794 = tpu.vector_load %arg8[%get3A_792, %get3A_793] {strides = array<i32>} : memref<80x64xi32, #tpu.memory_space<vmem>>, vector<16xi32>,
        %bitcast3A_795 = vector.bitcast %get3A_794 : vector<16xi32> to vector<32xbf16>
        %mul3A_796 = arith.constant 16 : i32
        %mul3A_797 = arith.muli %scan3A_101, %mul3A_796 : i32
        %add3A_798 = arith.constant 7 : i32
        %add3A_799 = arith.addi %mul3A_797, %add3A_798 : i32
        %get3A_800 = arith.index_cast %add3A_799 : i32 to index
        %get3A_801 = arith.constant 32 : index
        %get3A_802 = tpu.vector_load %arg10[%get3A_800, %get3A_801] {strides = array<i32>} : memref<80x64xi32, #tpu.memory_space<vmem>>, vector<16xi32>,
        %bitcast3A_803 = vector.bitcast %get3A_802 : vector<16xi32> to vector<32xbf16>
        %mul3A_804 = arith.mulf %bitcast3A_795, %bitcast3A_803 : vector<32xbf16>
        %unpack3A_805 = tpu.unpack_subelements %mul3A_804, 0 {pack_format = #tpu.pack_format<interleaved>} : vector<32xbf16> -> vector<16xf32>
        %unpack3A_806 = tpu.unpack_subelements %mul3A_804, 1 {pack_format = #tpu.pack_format<interleaved>} : vector<32xbf16> -> vector<16xf32>
        %add3A_807 = arith.addf %unpack3A_805, %unpack3A_806 : vector<16xf32>
        %mul3A_808 = arith.constant 16 : i32
        %mul3A_809 = arith.muli %scan3A_101, %mul3A_808 : i32
        %add3A_810 = arith.constant 7 : i32
        %add3A_811 = arith.addi %mul3A_809, %add3A_810 : i32
        %get3A_812 = arith.index_cast %add3A_811 : i32 to index
        %get3A_813 = arith.constant 48 : index
        %get3A_814 = tpu.vector_load %arg8[%get3A_812, %get3A_813] {strides = array<i32>} : memref<80x64xi32, #tpu.memory_space<vmem>>, vector<16xi32>,
        %bitcast3A_815 = vector.bitcast %get3A_814 : vector<16xi32> to vector<32xbf16>
        %mul3A_816 = arith.constant 16 : i32
        %mul3A_817 = arith.muli %scan3A_101, %mul3A_816 : i32
        %add3A_818 = arith.constant 7 : i32
        %add3A_819 = arith.addi %mul3A_817, %add3A_818 : i32
        %get3A_820 = arith.index_cast %add3A_819 : i32 to index
        %get3A_821 = arith.constant 48 : index
        %get3A_822 = tpu.vector_load %arg10[%get3A_820, %get3A_821] {strides = array<i32>} : memref<80x64xi32, #tpu.memory_space<vmem>>, vector<16xi32>,
        %bitcast3A_823 = vector.bitcast %get3A_822 : vector<16xi32> to vector<32xbf16>
        %mul3A_824 = arith.mulf %bitcast3A_815, %bitcast3A_823 : vector<32xbf16>
        %unpack3A_825 = tpu.unpack_subelements %mul3A_824, 0 {pack_format = #tpu.pack_format<interleaved>} : vector<32xbf16> -> vector<16xf32>
        %unpack3A_826 = tpu.unpack_subelements %mul3A_824, 1 {pack_format = #tpu.pack_format<interleaved>} : vector<32xbf16> -> vector<16xf32>
        %add3A_827 = arith.addf %unpack3A_825, %unpack3A_826 : vector<16xf32>
        %add3A_828 = arith.addf %add3A_767, %add3A_787 : vector<16xf32>
        %add3A_829 = arith.addf %add3A_807, %add3A_827 : vector<16xf32>
        %add3A_830 = arith.addf %add3A_828, %add3A_829 : vector<16xf32>
        %cumsum3A_831 = arith.constant true
        %cumsum3A_832 = vector.broadcast %cumsum3A_831 : i1 to vector<16xi1>
        %cumsum3A_833 = tpu.scan <sum>, %add3A_830 masked %cumsum3A_832 : vector<16xf32>, vector<16xi1> -> vector<16xf32>
        %mul3A_834 = arith.constant 16 : i32
        %mul3A_835 = arith.muli %scan3A_101, %mul3A_834 : i32
        %add3A_836 = arith.addi %mul3A_60, %mul3A_835 : i32
        %add3A_837 = arith.constant 7 : i32
        %add3A_838 = arith.addi %add3A_836, %add3A_837 : i32
        %swap3A_839 = arith.index_cast %add3A_838 : i32 to index
        %swap3A_840 = tpu.vector_load %arg12[%swap3A_839] masked %eq3A_4 {strides = array<i32>} : memref<10016xf32, #tpu.memory_space<vmem>>, vector<16xf32>, vector<16xi1>
        tpu.vector_store %arg12[%swap3A_839], %cumsum3A_833 masked %eq3A_4 {strides = array<i32>} : memref<10016xf32, #tpu.memory_space<vmem>>, vector<16xf32>, vector<16xi1>
        %mul3A_841 = arith.constant 16 : i32
        %mul3A_842 = arith.muli %scan3A_101, %mul3A_841 : i32
        %add3A_843 = arith.constant 8 : i32
        %add3A_844 = arith.addi %mul3A_842, %add3A_843 : i32
        %get3A_845 = arith.index_cast %add3A_844 : i32 to index
        %get3A_846 = arith.constant 0 : index
        %get3A_847 = tpu.vector_load %arg8[%get3A_845, %get3A_846] {strides = array<i32>} : memref<80x64xi32, #tpu.memory_space<vmem>>, vector<16xi32>,
        %bitcast3A_848 = vector.bitcast %get3A_847 : vector<16xi32> to vector<32xbf16>
        %mul3A_849 = arith.constant 16 : i32
        %mul3A_850 = arith.muli %scan3A_101, %mul3A_849 : i32
        %add3A_851 = arith.constant 8 : i32
        %add3A_852 = arith.addi %mul3A_850, %add3A_851 : i32
        %get3A_853 = arith.index_cast %add3A_852 : i32 to index
        %get3A_854 = arith.constant 0 : index
        %get3A_855 = tpu.vector_load %arg10[%get3A_853, %get3A_854] {strides = array<i32>} : memref<80x64xi32, #tpu.memory_space<vmem>>, vector<16xi32>,
        %bitcast3A_856 = vector.bitcast %get3A_855 : vector<16xi32> to vector<32xbf16>
        %mul3A_857 = arith.mulf %bitcast3A_848, %bitcast3A_856 : vector<32xbf16>
        %unpack3A_858 = tpu.unpack_subelements %mul3A_857, 0 {pack_format = #tpu.pack_format<interleaved>} : vector<32xbf16> -> vector<16xf32>
        %unpack3A_859 = tpu.unpack_subelements %mul3A_857, 1 {pack_format = #tpu.pack_format<interleaved>} : vector<32xbf16> -> vector<16xf32>
        %add3A_860 = arith.addf %unpack3A_858, %unpack3A_859 : vector<16xf32>
        %mul3A_861 = arith.constant 16 : i32
        %mul3A_862 = arith.muli %scan3A_101, %mul3A_861 : i32
        %add3A_863 = arith.constant 8 : i32
        %add3A_864 = arith.addi %mul3A_862, %add3A_863 : i32
        %get3A_865 = arith.index_cast %add3A_864 : i32 to index
        %get3A_866 = arith.constant 16 : index
        %get3A_867 = tpu.vector_load %arg8[%get3A_865, %get3A_866] {strides = array<i32>} : memref<80x64xi32, #tpu.memory_space<vmem>>, vector<16xi32>,
        %bitcast3A_868 = vector.bitcast %get3A_867 : vector<16xi32> to vector<32xbf16>
        %mul3A_869 = arith.constant 16 : i32
        %mul3A_870 = arith.muli %scan3A_101, %mul3A_869 : i32
        %add3A_871 = arith.constant 8 : i32
        %add3A_872 = arith.addi %mul3A_870, %add3A_871 : i32
        %get3A_873 = arith.index_cast %add3A_872 : i32 to index
        %get3A_874 = arith.constant 16 : index
        %get3A_875 = tpu.vector_load %arg10[%get3A_873, %get3A_874] {strides = array<i32>} : memref<80x64xi32, #tpu.memory_space<vmem>>, vector<16xi32>,
        %bitcast3A_876 = vector.bitcast %get3A_875 : vector<16xi32> to vector<32xbf16>
        %mul3A_877 = arith.mulf %bitcast3A_868, %bitcast3A_876 : vector<32xbf16>
        %unpack3A_878 = tpu.unpack_subelements %mul3A_877, 0 {pack_format = #tpu.pack_format<interleaved>} : vector<32xbf16> -> vector<16xf32>
        %unpack3A_879 = tpu.unpack_subelements %mul3A_877, 1 {pack_format = #tpu.pack_format<interleaved>} : vector<32xbf16> -> vector<16xf32>
        %add3A_880 = arith.addf %unpack3A_878, %unpack3A_879 : vector<16xf32>
        %mul3A_881 = arith.constant 16 : i32
        %mul3A_882 = arith.muli %scan3A_101, %mul3A_881 : i32
        %add3A_883 = arith.constant 8 : i32
        %add3A_884 = arith.addi %mul3A_882, %add3A_883 : i32
        %get3A_885 = arith.index_cast %add3A_884 : i32 to index
        %get3A_886 = arith.constant 32 : index
        %get3A_887 = tpu.vector_load %arg8[%get3A_885, %get3A_886] {strides = array<i32>} : memref<80x64xi32, #tpu.memory_space<vmem>>, vector<16xi32>,
        %bitcast3A_888 = vector.bitcast %get3A_887 : vector<16xi32> to vector<32xbf16>
        %mul3A_889 = arith.constant 16 : i32
        %mul3A_890 = arith.muli %scan3A_101, %mul3A_889 : i32
        %add3A_891 = arith.constant 8 : i32
        %add3A_892 = arith.addi %mul3A_890, %add3A_891 : i32
        %get3A_893 = arith.index_cast %add3A_892 : i32 to index
        %get3A_894 = arith.constant 32 : index
        %get3A_895 = tpu.vector_load %arg10[%get3A_893, %get3A_894] {strides = array<i32>} : memref<80x64xi32, #tpu.memory_space<vmem>>, vector<16xi32>,
        %bitcast3A_896 = vector.bitcast %get3A_895 : vector<16xi32> to vector<32xbf16>
        %mul3A_897 = arith.mulf %bitcast3A_888, %bitcast3A_896 : vector<32xbf16>
        %unpack3A_898 = tpu.unpack_subelements %mul3A_897, 0 {pack_format = #tpu.pack_format<interleaved>} : vector<32xbf16> -> vector<16xf32>
        %unpack3A_899 = tpu.unpack_subelements %mul3A_897, 1 {pack_format = #tpu.pack_format<interleaved>} : vector<32xbf16> -> vector<16xf32>
        %add3A_900 = arith.addf %unpack3A_898, %unpack3A_899 : vector<16xf32>
        %mul3A_901 = arith.constant 16 : i32
        %mul3A_902 = arith.muli %scan3A_101, %mul3A_901 : i32
        %add3A_903 = arith.constant 8 : i32
        %add3A_904 = arith.addi %mul3A_902, %add3A_903 : i32
        %get3A_905 = arith.index_cast %add3A_904 : i32 to index
        %get3A_906 = arith.constant 48 : index
        %get3A_907 = tpu.vector_load %arg8[%get3A_905, %get3A_906] {strides = array<i32>} : memref<80x64xi32, #tpu.memory_space<vmem>>, vector<16xi32>,
        %bitcast3A_908 = vector.bitcast %get3A_907 : vector<16xi32> to vector<32xbf16>
        %mul3A_909 = arith.constant 16 : i32
        %mul3A_910 = arith.muli %scan3A_101, %mul3A_909 : i32
        %add3A_911 = arith.constant 8 : i32
        %add3A_912 = arith.addi %mul3A_910, %add3A_911 : i32
        %get3A_913 = arith.index_cast %add3A_912 : i32 to index
        %get3A_914 = arith.constant 48 : index
        %get3A_915 = tpu.vector_load %arg10[%get3A_913, %get3A_914] {strides = array<i32>} : memref<80x64xi32, #tpu.memory_space<vmem>>, vector<16xi32>,
        %bitcast3A_916 = vector.bitcast %get3A_915 : vector<16xi32> to vector<32xbf16>
        %mul3A_917 = arith.mulf %bitcast3A_908, %bitcast3A_916 : vector<32xbf16>
        %unpack3A_918 = tpu.unpack_subelements %mul3A_917, 0 {pack_format = #tpu.pack_format<interleaved>} : vector<32xbf16> -> vector<16xf32>
        %unpack3A_919 = tpu.unpack_subelements %mul3A_917, 1 {pack_format = #tpu.pack_format<interleaved>} : vector<32xbf16> -> vector<16xf32>
        %add3A_920 = arith.addf %unpack3A_918, %unpack3A_919 : vector<16xf32>
        %add3A_921 = arith.addf %add3A_860, %add3A_880 : vector<16xf32>
        %add3A_922 = arith.addf %add3A_900, %add3A_920 : vector<16xf32>
        %add3A_923 = arith.addf %add3A_921, %add3A_922 : vector<16xf32>
        %cumsum3A_924 = arith.constant true
        %cumsum3A_925 = vector.broadcast %cumsum3A_924 : i1 to vector<16xi1>
        %cumsum3A_926 = tpu.scan <sum>, %add3A_923 masked %cumsum3A_925 : vector<16xf32>, vector<16xi1> -> vector<16xf32>
        %mul3A_927 = arith.constant 16 : i32
        %mul3A_928 = arith.muli %scan3A_101, %mul3A_927 : i32
        %add3A_929 = arith.addi %mul3A_60, %mul3A_928 : i32
        %add3A_930 = arith.constant 8 : i32
        %add3A_931 = arith.addi %add3A_929, %add3A_930 : i32
        %swap3A_932 = arith.index_cast %add3A_931 : i32 to index
        %swap3A_933 = tpu.vector_load %arg12[%swap3A_932] masked %eq3A_4 {strides = array<i32>} : memref<10016xf32, #tpu.memory_space<vmem>>, vector<16xf32>, vector<16xi1>
        tpu.vector_store %arg12[%swap3A_932], %cumsum3A_926 masked %eq3A_4 {strides = array<i32>} : memref<10016xf32, #tpu.memory_space<vmem>>, vector<16xf32>, vector<16xi1>
        %mul3A_934 = arith.constant 16 : i32
        %mul3A_935 = arith.muli %scan3A_101, %mul3A_934 : i32
        %add3A_936 = arith.constant 9 : i32
        %add3A_937 = arith.addi %mul3A_935, %add3A_936 : i32
        %get3A_938 = arith.index_cast %add3A_937 : i32 to index
        %get3A_939 = arith.constant 0 : index
        %get3A_940 = tpu.vector_load %arg8[%get3A_938, %get3A_939] {strides = array<i32>} : memref<80x64xi32, #tpu.memory_space<vmem>>, vector<16xi32>,
        %bitcast3A_941 = vector.bitcast %get3A_940 : vector<16xi32> to vector<32xbf16>
        %mul3A_942 = arith.constant 16 : i32
        %mul3A_943 = arith.muli %scan3A_101, %mul3A_942 : i32
        %add3A_944 = arith.constant 9 : i32
        %add3A_945 = arith.addi %mul3A_943, %add3A_944 : i32
        %get3A_946 = arith.index_cast %add3A_945 : i32 to index
        %get3A_947 = arith.constant 0 : index
        %get3A_948 = tpu.vector_load %arg10[%get3A_946, %get3A_947] {strides = array<i32>} : memref<80x64xi32, #tpu.memory_space<vmem>>, vector<16xi32>,
        %bitcast3A_949 = vector.bitcast %get3A_948 : vector<16xi32> to vector<32xbf16>
        %mul3A_950 = arith.mulf %bitcast3A_941, %bitcast3A_949 : vector<32xbf16>
        %unpack3A_951 = tpu.unpack_subelements %mul3A_950, 0 {pack_format = #tpu.pack_format<interleaved>} : vector<32xbf16> -> vector<16xf32>
        %unpack3A_952 = tpu.unpack_subelements %mul3A_950, 1 {pack_format = #tpu.pack_format<interleaved>} : vector<32xbf16> -> vector<16xf32>
        %add3A_953 = arith.addf %unpack3A_951, %unpack3A_952 : vector<16xf32>
        %mul3A_954 = arith.constant 16 : i32
        %mul3A_955 = arith.muli %scan3A_101, %mul3A_954 : i32
        %add3A_956 = arith.constant 9 : i32
        %add3A_957 = arith.addi %mul3A_955, %add3A_956 : i32
        %get3A_958 = arith.index_cast %add3A_957 : i32 to index
        %get3A_959 = arith.constant 16 : index
        %get3A_960 = tpu.vector_load %arg8[%get3A_958, %get3A_959] {strides = array<i32>} : memref<80x64xi32, #tpu.memory_space<vmem>>, vector<16xi32>,
        %bitcast3A_961 = vector.bitcast %get3A_960 : vector<16xi32> to vector<32xbf16>
        %mul3A_962 = arith.constant 16 : i32
        %mul3A_963 = arith.muli %scan3A_101, %mul3A_962 : i32
        %add3A_964 = arith.constant 9 : i32
        %add3A_965 = arith.addi %mul3A_963, %add3A_964 : i32
        %get3A_966 = arith.index_cast %add3A_965 : i32 to index
        %get3A_967 = arith.constant 16 : index
        %get3A_968 = tpu.vector_load %arg10[%get3A_966, %get3A_967] {strides = array<i32>} : memref<80x64xi32, #tpu.memory_space<vmem>>, vector<16xi32>,
        %bitcast3A_969 = vector.bitcast %get3A_968 : vector<16xi32> to vector<32xbf16>
        %mul3A_970 = arith.mulf %bitcast3A_961, %bitcast3A_969 : vector<32xbf16>
        %unpack3A_971 = tpu.unpack_subelements %mul3A_970, 0 {pack_format = #tpu.pack_format<interleaved>} : vector<32xbf16> -> vector<16xf32>
        %unpack3A_972 = tpu.unpack_subelements %mul3A_970, 1 {pack_format = #tpu.pack_format<interleaved>} : vector<32xbf16> -> vector<16xf32>
        %add3A_973 = arith.addf %unpack3A_971, %unpack3A_972 : vector<16xf32>
        %mul3A_974 = arith.constant 16 : i32
        %mul3A_975 = arith.muli %scan3A_101, %mul3A_974 : i32
        %add3A_976 = arith.constant 9 : i32
        %add3A_977 = arith.addi %mul3A_975, %add3A_976 : i32
        %get3A_978 = arith.index_cast %add3A_977 : i32 to index
        %get3A_979 = arith.constant 32 : index
        %get3A_980 = tpu.vector_load %arg8[%get3A_978, %get3A_979] {strides = array<i32>} : memref<80x64xi32, #tpu.memory_space<vmem>>, vector<16xi32>,
        %bitcast3A_981 = vector.bitcast %get3A_980 : vector<16xi32> to vector<32xbf16>
        %mul3A_982 = arith.constant 16 : i32
        %mul3A_983 = arith.muli %scan3A_101, %mul3A_982 : i32
        %add3A_984 = arith.constant 9 : i32
        %add3A_985 = arith.addi %mul3A_983, %add3A_984 : i32
        %get3A_986 = arith.index_cast %add3A_985 : i32 to index
        %get3A_987 = arith.constant 32 : index
        %get3A_988 = tpu.vector_load %arg10[%get3A_986, %get3A_987] {strides = array<i32>} : memref<80x64xi32, #tpu.memory_space<vmem>>, vector<16xi32>,
        %bitcast3A_989 = vector.bitcast %get3A_988 : vector<16xi32> to vector<32xbf16>
        %mul3A_990 = arith.mulf %bitcast3A_981, %bitcast3A_989 : vector<32xbf16>
        %unpack3A_991 = tpu.unpack_subelements %mul3A_990, 0 {pack_format = #tpu.pack_format<interleaved>} : vector<32xbf16> -> vector<16xf32>
        %unpack3A_992 = tpu.unpack_subelements %mul3A_990, 1 {pack_format = #tpu.pack_format<interleaved>} : vector<32xbf16> -> vector<16xf32>
        %add3A_993 = arith.addf %unpack3A_991, %unpack3A_992 : vector<16xf32>
        %mul3A_994 = arith.constant 16 : i32
        %mul3A_995 = arith.muli %scan3A_101, %mul3A_994 : i32
        %add3A_996 = arith.constant 9 : i32
        %add3A_997 = arith.addi %mul3A_995, %add3A_996 : i32
        %get3A_998 = arith.index_cast %add3A_997 : i32 to index
        %get3A_999 = arith.constant 48 : index
        %get3A_1000 = tpu.vector_load %arg8[%get3A_998, %get3A_999] {strides = array<i32>} : memref<80x64xi32, #tpu.memory_space<vmem>>, vector<16xi32>,
        %bitcast3A_1001 = vector.bitcast %get3A_1000 : vector<16xi32> to vector<32xbf16>
        %mul3A_1002 = arith.constant 16 : i32
        %mul3A_1003 = arith.muli %scan3A_101, %mul3A_1002 : i32
        %add3A_1004 = arith.constant 9 : i32
        %add3A_1005 = arith.addi %mul3A_1003, %add3A_1004 : i32
        %get3A_1006 = arith.index_cast %add3A_1005 : i32 to index
        %get3A_1007 = arith.constant 48 : index
        %get3A_1008 = tpu.vector_load %arg10[%get3A_1006, %get3A_1007] {strides = array<i32>} : memref<80x64xi32, #tpu.memory_space<vmem>>, vector<16xi32>,
        %bitcast3A_1009 = vector.bitcast %get3A_1008 : vector<16xi32> to vector<32xbf16>
        %mul3A_1010 = arith.mulf %bitcast3A_1001, %bitcast3A_1009 : vector<32xbf16>
        %unpack3A_1011 = tpu.unpack_subelements %mul3A_1010, 0 {pack_format = #tpu.pack_format<interleaved>} : vector<32xbf16> -> vector<16xf32>
        %unpack3A_1012 = tpu.unpack_subelements %mul3A_1010, 1 {pack_format = #tpu.pack_format<interleaved>} : vector<32xbf16> -> vector<16xf32>
        %add3A_1013 = arith.addf %unpack3A_1011, %unpack3A_1012 : vector<16xf32>
        %add3A_1014 = arith.addf %add3A_953, %add3A_973 : vector<16xf32>
        %add3A_1015 = arith.addf %add3A_993, %add3A_1013 : vector<16xf32>
        %add3A_1016 = arith.addf %add3A_1014, %add3A_1015 : vector<16xf32>
        %cumsum3A_1017 = arith.constant true
        %cumsum3A_1018 = vector.broadcast %cumsum3A_1017 : i1 to vector<16xi1>
        %cumsum3A_1019 = tpu.scan <sum>, %add3A_1016 masked %cumsum3A_1018 : vector<16xf32>, vector<16xi1> -> vector<16xf32>
        %mul3A_1020 = arith.constant 16 : i32
        %mul3A_1021 = arith.muli %scan3A_101, %mul3A_1020 : i32
        %add3A_1022 = arith.addi %mul3A_60, %mul3A_1021 : i32
        %add3A_1023 = arith.constant 9 : i32
        %add3A_1024 = arith.addi %add3A_1022, %add3A_1023 : i32
        %swap3A_1025 = arith.index_cast %add3A_1024 : i32 to index
        %swap3A_1026 = tpu.vector_load %arg12[%swap3A_1025] masked %eq3A_4 {strides = array<i32>} : memref<10016xf32, #tpu.memory_space<vmem>>, vector<16xf32>, vector<16xi1>
        tpu.vector_store %arg12[%swap3A_1025], %cumsum3A_1019 masked %eq3A_4 {strides = array<i32>} : memref<10016xf32, #tpu.memory_space<vmem>>, vector<16xf32>, vector<16xi1>
        %mul3A_1027 = arith.constant 16 : i32
        %mul3A_1028 = arith.muli %scan3A_101, %mul3A_1027 : i32
        %add3A_1029 = arith.constant 10 : i32
        %add3A_1030 = arith.addi %mul3A_1028, %add3A_1029 : i32
        %get3A_1031 = arith.index_cast %add3A_1030 : i32 to index
        %get3A_1032 = arith.constant 0 : index
        %get3A_1033 = tpu.vector_load %arg8[%get3A_1031, %get3A_1032] {strides = array<i32>} : memref<80x64xi32, #tpu.memory_space<vmem>>, vector<16xi32>,
        %bitcast3A_1034 = vector.bitcast %get3A_1033 : vector<16xi32> to vector<32xbf16>
        %mul3A_1035 = arith.constant 16 : i32
        %mul3A_1036 = arith.muli %scan3A_101, %mul3A_1035 : i32
        %add3A_1037 = arith.constant 10 : i32
        %add3A_1038 = arith.addi %mul3A_1036, %add3A_1037 : i32
        %get3A_1039 = arith.index_cast %add3A_1038 : i32 to index
        %get3A_1040 = arith.constant 0 : index
        %get3A_1041 = tpu.vector_load %arg10[%get3A_1039, %get3A_1040] {strides = array<i32>} : memref<80x64xi32, #tpu.memory_space<vmem>>, vector<16xi32>,
        %bitcast3A_1042 = vector.bitcast %get3A_1041 : vector<16xi32> to vector<32xbf16>
        %mul3A_1043 = arith.mulf %bitcast3A_1034, %bitcast3A_1042 : vector<32xbf16>
        %unpack3A_1044 = tpu.unpack_subelements %mul3A_1043, 0 {pack_format = #tpu.pack_format<interleaved>} : vector<32xbf16> -> vector<16xf32>
        %unpack3A_1045 = tpu.unpack_subelements %mul3A_1043, 1 {pack_format = #tpu.pack_format<interleaved>} : vector<32xbf16> -> vector<16xf32>
        %add3A_1046 = arith.addf %unpack3A_1044, %unpack3A_1045 : vector<16xf32>
        %mul3A_1047 = arith.constant 16 : i32
        %mul3A_1048 = arith.muli %scan3A_101, %mul3A_1047 : i32
        %add3A_1049 = arith.constant 10 : i32
        %add3A_1050 = arith.addi %mul3A_1048, %add3A_1049 : i32
        %get3A_1051 = arith.index_cast %add3A_1050 : i32 to index
        %get3A_1052 = arith.constant 16 : index
        %get3A_1053 = tpu.vector_load %arg8[%get3A_1051, %get3A_1052] {strides = array<i32>} : memref<80x64xi32, #tpu.memory_space<vmem>>, vector<16xi32>,
        %bitcast3A_1054 = vector.bitcast %get3A_1053 : vector<16xi32> to vector<32xbf16>
        %mul3A_1055 = arith.constant 16 : i32
        %mul3A_1056 = arith.muli %scan3A_101, %mul3A_1055 : i32
        %add3A_1057 = arith.constant 10 : i32
        %add3A_1058 = arith.addi %mul3A_1056, %add3A_1057 : i32
        %get3A_1059 = arith.index_cast %add3A_1058 : i32 to index
        %get3A_1060 = arith.constant 16 : index
        %get3A_1061 = tpu.vector_load %arg10[%get3A_1059, %get3A_1060] {strides = array<i32>} : memref<80x64xi32, #tpu.memory_space<vmem>>, vector<16xi32>,
        %bitcast3A_1062 = vector.bitcast %get3A_1061 : vector<16xi32> to vector<32xbf16>
        %mul3A_1063 = arith.mulf %bitcast3A_1054, %bitcast3A_1062 : vector<32xbf16>
        %unpack3A_1064 = tpu.unpack_subelements %mul3A_1063, 0 {pack_format = #tpu.pack_format<interleaved>} : vector<32xbf16> -> vector<16xf32>
        %unpack3A_1065 = tpu.unpack_subelements %mul3A_1063, 1 {pack_format = #tpu.pack_format<interleaved>} : vector<32xbf16> -> vector<16xf32>
        %add3A_1066 = arith.addf %unpack3A_1064, %unpack3A_1065 : vector<16xf32>
        %mul3A_1067 = arith.constant 16 : i32
        %mul3A_1068 = arith.muli %scan3A_101, %mul3A_1067 : i32
        %add3A_1069 = arith.constant 10 : i32
        %add3A_1070 = arith.addi %mul3A_1068, %add3A_1069 : i32
        %get3A_1071 = arith.index_cast %add3A_1070 : i32 to index
        %get3A_1072 = arith.constant 32 : index
        %get3A_1073 = tpu.vector_load %arg8[%get3A_1071, %get3A_1072] {strides = array<i32>} : memref<80x64xi32, #tpu.memory_space<vmem>>, vector<16xi32>,
        %bitcast3A_1074 = vector.bitcast %get3A_1073 : vector<16xi32> to vector<32xbf16>
        %mul3A_1075 = arith.constant 16 : i32
        %mul3A_1076 = arith.muli %scan3A_101, %mul3A_1075 : i32
        %add3A_1077 = arith.constant 10 : i32
        %add3A_1078 = arith.addi %mul3A_1076, %add3A_1077 : i32
        %get3A_1079 = arith.index_cast %add3A_1078 : i32 to index
        %get3A_1080 = arith.constant 32 : index
        %get3A_1081 = tpu.vector_load %arg10[%get3A_1079, %get3A_1080] {strides = array<i32>} : memref<80x64xi32, #tpu.memory_space<vmem>>, vector<16xi32>,
        %bitcast3A_1082 = vector.bitcast %get3A_1081 : vector<16xi32> to vector<32xbf16>
        %mul3A_1083 = arith.mulf %bitcast3A_1074, %bitcast3A_1082 : vector<32xbf16>
        %unpack3A_1084 = tpu.unpack_subelements %mul3A_1083, 0 {pack_format = #tpu.pack_format<interleaved>} : vector<32xbf16> -> vector<16xf32>
        %unpack3A_1085 = tpu.unpack_subelements %mul3A_1083, 1 {pack_format = #tpu.pack_format<interleaved>} : vector<32xbf16> -> vector<16xf32>
        %add3A_1086 = arith.addf %unpack3A_1084, %unpack3A_1085 : vector<16xf32>
        %mul3A_1087 = arith.constant 16 : i32
        %mul3A_1088 = arith.muli %scan3A_101, %mul3A_1087 : i32
        %add3A_1089 = arith.constant 10 : i32
        %add3A_1090 = arith.addi %mul3A_1088, %add3A_1089 : i32
        %get3A_1091 = arith.index_cast %add3A_1090 : i32 to index
        %get3A_1092 = arith.constant 48 : index
        %get3A_1093 = tpu.vector_load %arg8[%get3A_1091, %get3A_1092] {strides = array<i32>} : memref<80x64xi32, #tpu.memory_space<vmem>>, vector<16xi32>,
        %bitcast3A_1094 = vector.bitcast %get3A_1093 : vector<16xi32> to vector<32xbf16>
        %mul3A_1095 = arith.constant 16 : i32
        %mul3A_1096 = arith.muli %scan3A_101, %mul3A_1095 : i32
        %add3A_1097 = arith.constant 10 : i32
        %add3A_1098 = arith.addi %mul3A_1096, %add3A_1097 : i32
        %get3A_1099 = arith.index_cast %add3A_1098 : i32 to index
        %get3A_1100 = arith.constant 48 : index
        %get3A_1101 = tpu.vector_load %arg10[%get3A_1099, %get3A_1100] {strides = array<i32>} : memref<80x64xi32, #tpu.memory_space<vmem>>, vector<16xi32>,
        %bitcast3A_1102 = vector.bitcast %get3A_1101 : vector<16xi32> to vector<32xbf16>
        %mul3A_1103 = arith.mulf %bitcast3A_1094, %bitcast3A_1102 : vector<32xbf16>
        %unpack3A_1104 = tpu.unpack_subelements %mul3A_1103, 0 {pack_format = #tpu.pack_format<interleaved>} : vector<32xbf16> -> vector<16xf32>
        %unpack3A_1105 = tpu.unpack_subelements %mul3A_1103, 1 {pack_format = #tpu.pack_format<interleaved>} : vector<32xbf16> -> vector<16xf32>
        %add3A_1106 = arith.addf %unpack3A_1104, %unpack3A_1105 : vector<16xf32>
        %add3A_1107 = arith.addf %add3A_1046, %add3A_1066 : vector<16xf32>
        %add3A_1108 = arith.addf %add3A_1086, %add3A_1106 : vector<16xf32>
        %add3A_1109 = arith.addf %add3A_1107, %add3A_1108 : vector<16xf32>
        %cumsum3A_1110 = arith.constant true
        %cumsum3A_1111 = vector.broadcast %cumsum3A_1110 : i1 to vector<16xi1>
        %cumsum3A_1112 = tpu.scan <sum>, %add3A_1109 masked %cumsum3A_1111 : vector<16xf32>, vector<16xi1> -> vector<16xf32>
        %mul3A_1113 = arith.constant 16 : i32
        %mul3A_1114 = arith.muli %scan3A_101, %mul3A_1113 : i32
        %add3A_1115 = arith.addi %mul3A_60, %mul3A_1114 : i32
        %add3A_1116 = arith.constant 10 : i32
        %add3A_1117 = arith.addi %add3A_1115, %add3A_1116 : i32
        %swap3A_1118 = arith.index_cast %add3A_1117 : i32 to index
        %swap3A_1119 = tpu.vector_load %arg12[%swap3A_1118] masked %eq3A_4 {strides = array<i32>} : memref<10016xf32, #tpu.memory_space<vmem>>, vector<16xf32>, vector<16xi1>
        tpu.vector_store %arg12[%swap3A_1118], %cumsum3A_1112 masked %eq3A_4 {strides = array<i32>} : memref<10016xf32, #tpu.memory_space<vmem>>, vector<16xf32>, vector<16xi1>
        %mul3A_1120 = arith.constant 16 : i32
        %mul3A_1121 = arith.muli %scan3A_101, %mul3A_1120 : i32
        %add3A_1122 = arith.constant 11 : i32
        %add3A_1123 = arith.addi %mul3A_1121, %add3A_1122 : i32
        %get3A_1124 = arith.index_cast %add3A_1123 : i32 to index
        %get3A_1125 = arith.constant 0 : index
        %get3A_1126 = tpu.vector_load %arg8[%get3A_1124, %get3A_1125] {strides = array<i32>} : memref<80x64xi32, #tpu.memory_space<vmem>>, vector<16xi32>,
        %bitcast3A_1127 = vector.bitcast %get3A_1126 : vector<16xi32> to vector<32xbf16>
        %mul3A_1128 = arith.constant 16 : i32
        %mul3A_1129 = arith.muli %scan3A_101, %mul3A_1128 : i32
        %add3A_1130 = arith.constant 11 : i32
        %add3A_1131 = arith.addi %mul3A_1129, %add3A_1130 : i32
        %get3A_1132 = arith.index_cast %add3A_1131 : i32 to index
        %get3A_1133 = arith.constant 0 : index
        %get3A_1134 = tpu.vector_load %arg10[%get3A_1132, %get3A_1133] {strides = array<i32>} : memref<80x64xi32, #tpu.memory_space<vmem>>, vector<16xi32>,
        %bitcast3A_1135 = vector.bitcast %get3A_1134 : vector<16xi32> to vector<32xbf16>
        %mul3A_1136 = arith.mulf %bitcast3A_1127, %bitcast3A_1135 : vector<32xbf16>
        %unpack3A_1137 = tpu.unpack_subelements %mul3A_1136, 0 {pack_format = #tpu.pack_format<interleaved>} : vector<32xbf16> -> vector<16xf32>
        %unpack3A_1138 = tpu.unpack_subelements %mul3A_1136, 1 {pack_format = #tpu.pack_format<interleaved>} : vector<32xbf16> -> vector<16xf32>
        %add3A_1139 = arith.addf %unpack3A_1137, %unpack3A_1138 : vector<16xf32>
        %mul3A_1140 = arith.constant 16 : i32
        %mul3A_1141 = arith.muli %scan3A_101, %mul3A_1140 : i32
        %add3A_1142 = arith.constant 11 : i32
        %add3A_1143 = arith.addi %mul3A_1141, %add3A_1142 : i32
        %get3A_1144 = arith.index_cast %add3A_1143 : i32 to index
        %get3A_1145 = arith.constant 16 : index
        %get3A_1146 = tpu.vector_load %arg8[%get3A_1144, %get3A_1145] {strides = array<i32>} : memref<80x64xi32, #tpu.memory_space<vmem>>, vector<16xi32>,
        %bitcast3A_1147 = vector.bitcast %get3A_1146 : vector<16xi32> to vector<32xbf16>
        %mul3A_1148 = arith.constant 16 : i32
        %mul3A_1149 = arith.muli %scan3A_101, %mul3A_1148 : i32
        %add3A_1150 = arith.constant 11 : i32
        %add3A_1151 = arith.addi %mul3A_1149, %add3A_1150 : i32
        %get3A_1152 = arith.index_cast %add3A_1151 : i32 to index
        %get3A_1153 = arith.constant 16 : index
        %get3A_1154 = tpu.vector_load %arg10[%get3A_1152, %get3A_1153] {strides = array<i32>} : memref<80x64xi32, #tpu.memory_space<vmem>>, vector<16xi32>,
        %bitcast3A_1155 = vector.bitcast %get3A_1154 : vector<16xi32> to vector<32xbf16>
        %mul3A_1156 = arith.mulf %bitcast3A_1147, %bitcast3A_1155 : vector<32xbf16>
        %unpack3A_1157 = tpu.unpack_subelements %mul3A_1156, 0 {pack_format = #tpu.pack_format<interleaved>} : vector<32xbf16> -> vector<16xf32>
        %unpack3A_1158 = tpu.unpack_subelements %mul3A_1156, 1 {pack_format = #tpu.pack_format<interleaved>} : vector<32xbf16> -> vector<16xf32>
        %add3A_1159 = arith.addf %unpack3A_1157, %unpack3A_1158 : vector<16xf32>
        %mul3A_1160 = arith.constant 16 : i32
        %mul3A_1161 = arith.muli %scan3A_101, %mul3A_1160 : i32
        %add3A_1162 = arith.constant 11 : i32
        %add3A_1163 = arith.addi %mul3A_1161, %add3A_1162 : i32
        %get3A_1164 = arith.index_cast %add3A_1163 : i32 to index
        %get3A_1165 = arith.constant 32 : index
        %get3A_1166 = tpu.vector_load %arg8[%get3A_1164, %get3A_1165] {strides = array<i32>} : memref<80x64xi32, #tpu.memory_space<vmem>>, vector<16xi32>,
        %bitcast3A_1167 = vector.bitcast %get3A_1166 : vector<16xi32> to vector<32xbf16>
        %mul3A_1168 = arith.constant 16 : i32
        %mul3A_1169 = arith.muli %scan3A_101, %mul3A_1168 : i32
        %add3A_1170 = arith.constant 11 : i32
        %add3A_1171 = arith.addi %mul3A_1169, %add3A_1170 : i32
        %get3A_1172 = arith.index_cast %add3A_1171 : i32 to index
        %get3A_1173 = arith.constant 32 : index
        %get3A_1174 = tpu.vector_load %arg10[%get3A_1172, %get3A_1173] {strides = array<i32>} : memref<80x64xi32, #tpu.memory_space<vmem>>, vector<16xi32>,
        %bitcast3A_1175 = vector.bitcast %get3A_1174 : vector<16xi32> to vector<32xbf16>
        %mul3A_1176 = arith.mulf %bitcast3A_1167, %bitcast3A_1175 : vector<32xbf16>
        %unpack3A_1177 = tpu.unpack_subelements %mul3A_1176, 0 {pack_format = #tpu.pack_format<interleaved>} : vector<32xbf16> -> vector<16xf32>
        %unpack3A_1178 = tpu.unpack_subelements %mul3A_1176, 1 {pack_format = #tpu.pack_format<interleaved>} : vector<32xbf16> -> vector<16xf32>
        %add3A_1179 = arith.addf %unpack3A_1177, %unpack3A_1178 : vector<16xf32>
        %mul3A_1180 = arith.constant 16 : i32
        %mul3A_1181 = arith.muli %scan3A_101, %mul3A_1180 : i32
        %add3A_1182 = arith.constant 11 : i32
        %add3A_1183 = arith.addi %mul3A_1181, %add3A_1182 : i32
        %get3A_1184 = arith.index_cast %add3A_1183 : i32 to index
        %get3A_1185 = arith.constant 48 : index
        %get3A_1186 = tpu.vector_load %arg8[%get3A_1184, %get3A_1185] {strides = array<i32>} : memref<80x64xi32, #tpu.memory_space<vmem>>, vector<16xi32>,
        %bitcast3A_1187 = vector.bitcast %get3A_1186 : vector<16xi32> to vector<32xbf16>
        %mul3A_1188 = arith.constant 16 : i32
        %mul3A_1189 = arith.muli %scan3A_101, %mul3A_1188 : i32
        %add3A_1190 = arith.constant 11 : i32
        %add3A_1191 = arith.addi %mul3A_1189, %add3A_1190 : i32
        %get3A_1192 = arith.index_cast %add3A_1191 : i32 to index
        %get3A_1193 = arith.constant 48 : index
        %get3A_1194 = tpu.vector_load %arg10[%get3A_1192, %get3A_1193] {strides = array<i32>} : memref<80x64xi32, #tpu.memory_space<vmem>>, vector<16xi32>,
        %bitcast3A_1195 = vector.bitcast %get3A_1194 : vector<16xi32> to vector<32xbf16>
        %mul3A_1196 = arith.mulf %bitcast3A_1187, %bitcast3A_1195 : vector<32xbf16>
        %unpack3A_1197 = tpu.unpack_subelements %mul3A_1196, 0 {pack_format = #tpu.pack_format<interleaved>} : vector<32xbf16> -> vector<16xf32>
        %unpack3A_1198 = tpu.unpack_subelements %mul3A_1196, 1 {pack_format = #tpu.pack_format<interleaved>} : vector<32xbf16> -> vector<16xf32>
        %add3A_1199 = arith.addf %unpack3A_1197, %unpack3A_1198 : vector<16xf32>
        %add3A_1200 = arith.addf %add3A_1139, %add3A_1159 : vector<16xf32>
        %add3A_1201 = arith.addf %add3A_1179, %add3A_1199 : vector<16xf32>
        %add3A_1202 = arith.addf %add3A_1200, %add3A_1201 : vector<16xf32>
        %cumsum3A_1203 = arith.constant true
        %cumsum3A_1204 = vector.broadcast %cumsum3A_1203 : i1 to vector<16xi1>
        %cumsum3A_1205 = tpu.scan <sum>, %add3A_1202 masked %cumsum3A_1204 : vector<16xf32>, vector<16xi1> -> vector<16xf32>
        %mul3A_1206 = arith.constant 16 : i32
        %mul3A_1207 = arith.muli %scan3A_101, %mul3A_1206 : i32
        %add3A_1208 = arith.addi %mul3A_60, %mul3A_1207 : i32
        %add3A_1209 = arith.constant 11 : i32
        %add3A_1210 = arith.addi %add3A_1208, %add3A_1209 : i32
        %swap3A_1211 = arith.index_cast %add3A_1210 : i32 to index
        %swap3A_1212 = tpu.vector_load %arg12[%swap3A_1211] masked %eq3A_4 {strides = array<i32>} : memref<10016xf32, #tpu.memory_space<vmem>>, vector<16xf32>, vector<16xi1>
        tpu.vector_store %arg12[%swap3A_1211], %cumsum3A_1205 masked %eq3A_4 {strides = array<i32>} : memref<10016xf32, #tpu.memory_space<vmem>>, vector<16xf32>, vector<16xi1>
        %mul3A_1213 = arith.constant 16 : i32
        %mul3A_1214 = arith.muli %scan3A_101, %mul3A_1213 : i32
        %add3A_1215 = arith.constant 12 : i32
        %add3A_1216 = arith.addi %mul3A_1214, %add3A_1215 : i32
        %get3A_1217 = arith.index_cast %add3A_1216 : i32 to index
        %get3A_1218 = arith.constant 0 : index
        %get3A_1219 = tpu.vector_load %arg8[%get3A_1217, %get3A_1218] {strides = array<i32>} : memref<80x64xi32, #tpu.memory_space<vmem>>, vector<16xi32>,
        %bitcast3A_1220 = vector.bitcast %get3A_1219 : vector<16xi32> to vector<32xbf16>
        %mul3A_1221 = arith.constant 16 : i32
        %mul3A_1222 = arith.muli %scan3A_101, %mul3A_1221 : i32
        %add3A_1223 = arith.constant 12 : i32
        %add3A_1224 = arith.addi %mul3A_1222, %add3A_1223 : i32
        %get3A_1225 = arith.index_cast %add3A_1224 : i32 to index
        %get3A_1226 = arith.constant 0 : index
        %get3A_1227 = tpu.vector_load %arg10[%get3A_1225, %get3A_1226] {strides = array<i32>} : memref<80x64xi32, #tpu.memory_space<vmem>>, vector<16xi32>,
        %bitcast3A_1228 = vector.bitcast %get3A_1227 : vector<16xi32> to vector<32xbf16>
        %mul3A_1229 = arith.mulf %bitcast3A_1220, %bitcast3A_1228 : vector<32xbf16>
        %unpack3A_1230 = tpu.unpack_subelements %mul3A_1229, 0 {pack_format = #tpu.pack_format<interleaved>} : vector<32xbf16> -> vector<16xf32>
        %unpack3A_1231 = tpu.unpack_subelements %mul3A_1229, 1 {pack_format = #tpu.pack_format<interleaved>} : vector<32xbf16> -> vector<16xf32>
        %add3A_1232 = arith.addf %unpack3A_1230, %unpack3A_1231 : vector<16xf32>
        %mul3A_1233 = arith.constant 16 : i32
        %mul3A_1234 = arith.muli %scan3A_101, %mul3A_1233 : i32
        %add3A_1235 = arith.constant 12 : i32
        %add3A_1236 = arith.addi %mul3A_1234, %add3A_1235 : i32
        %get3A_1237 = arith.index_cast %add3A_1236 : i32 to index
        %get3A_1238 = arith.constant 16 : index
        %get3A_1239 = tpu.vector_load %arg8[%get3A_1237, %get3A_1238] {strides = array<i32>} : memref<80x64xi32, #tpu.memory_space<vmem>>, vector<16xi32>,
        %bitcast3A_1240 = vector.bitcast %get3A_1239 : vector<16xi32> to vector<32xbf16>
        %mul3A_1241 = arith.constant 16 : i32
        %mul3A_1242 = arith.muli %scan3A_101, %mul3A_1241 : i32
        %add3A_1243 = arith.constant 12 : i32
        %add3A_1244 = arith.addi %mul3A_1242, %add3A_1243 : i32
        %get3A_1245 = arith.index_cast %add3A_1244 : i32 to index
        %get3A_1246 = arith.constant 16 : index
        %get3A_1247 = tpu.vector_load %arg10[%get3A_1245, %get3A_1246] {strides = array<i32>} : memref<80x64xi32, #tpu.memory_space<vmem>>, vector<16xi32>,
        %bitcast3A_1248 = vector.bitcast %get3A_1247 : vector<16xi32> to vector<32xbf16>
        %mul3A_1249 = arith.mulf %bitcast3A_1240, %bitcast3A_1248 : vector<32xbf16>
        %unpack3A_1250 = tpu.unpack_subelements %mul3A_1249, 0 {pack_format = #tpu.pack_format<interleaved>} : vector<32xbf16> -> vector<16xf32>
        %unpack3A_1251 = tpu.unpack_subelements %mul3A_1249, 1 {pack_format = #tpu.pack_format<interleaved>} : vector<32xbf16> -> vector<16xf32>
        %add3A_1252 = arith.addf %unpack3A_1250, %unpack3A_1251 : vector<16xf32>
        %mul3A_1253 = arith.constant 16 : i32
        %mul3A_1254 = arith.muli %scan3A_101, %mul3A_1253 : i32
        %add3A_1255 = arith.constant 12 : i32
        %add3A_1256 = arith.addi %mul3A_1254, %add3A_1255 : i32
        %get3A_1257 = arith.index_cast %add3A_1256 : i32 to index
        %get3A_1258 = arith.constant 32 : index
        %get3A_1259 = tpu.vector_load %arg8[%get3A_1257, %get3A_1258] {strides = array<i32>} : memref<80x64xi32, #tpu.memory_space<vmem>>, vector<16xi32>,
        %bitcast3A_1260 = vector.bitcast %get3A_1259 : vector<16xi32> to vector<32xbf16>
        %mul3A_1261 = arith.constant 16 : i32
        %mul3A_1262 = arith.muli %scan3A_101, %mul3A_1261 : i32
        %add3A_1263 = arith.constant 12 : i32
        %add3A_1264 = arith.addi %mul3A_1262, %add3A_1263 : i32
        %get3A_1265 = arith.index_cast %add3A_1264 : i32 to index
        %get3A_1266 = arith.constant 32 : index
        %get3A_1267 = tpu.vector_load %arg10[%get3A_1265, %get3A_1266] {strides = array<i32>} : memref<80x64xi32, #tpu.memory_space<vmem>>, vector<16xi32>,
        %bitcast3A_1268 = vector.bitcast %get3A_1267 : vector<16xi32> to vector<32xbf16>
        %mul3A_1269 = arith.mulf %bitcast3A_1260, %bitcast3A_1268 : vector<32xbf16>
        %unpack3A_1270 = tpu.unpack_subelements %mul3A_1269, 0 {pack_format = #tpu.pack_format<interleaved>} : vector<32xbf16> -> vector<16xf32>
        %unpack3A_1271 = tpu.unpack_subelements %mul3A_1269, 1 {pack_format = #tpu.pack_format<interleaved>} : vector<32xbf16> -> vector<16xf32>
        %add3A_1272 = arith.addf %unpack3A_1270, %unpack3A_1271 : vector<16xf32>
        %mul3A_1273 = arith.constant 16 : i32
        %mul3A_1274 = arith.muli %scan3A_101, %mul3A_1273 : i32
        %add3A_1275 = arith.constant 12 : i32
        %add3A_1276 = arith.addi %mul3A_1274, %add3A_1275 : i32
        %get3A_1277 = arith.index_cast %add3A_1276 : i32 to index
        %get3A_1278 = arith.constant 48 : index
        %get3A_1279 = tpu.vector_load %arg8[%get3A_1277, %get3A_1278] {strides = array<i32>} : memref<80x64xi32, #tpu.memory_space<vmem>>, vector<16xi32>,
        %bitcast3A_1280 = vector.bitcast %get3A_1279 : vector<16xi32> to vector<32xbf16>
        %mul3A_1281 = arith.constant 16 : i32
        %mul3A_1282 = arith.muli %scan3A_101, %mul3A_1281 : i32
        %add3A_1283 = arith.constant 12 : i32
        %add3A_1284 = arith.addi %mul3A_1282, %add3A_1283 : i32
        %get3A_1285 = arith.index_cast %add3A_1284 : i32 to index
        %get3A_1286 = arith.constant 48 : index
        %get3A_1287 = tpu.vector_load %arg10[%get3A_1285, %get3A_1286] {strides = array<i32>} : memref<80x64xi32, #tpu.memory_space<vmem>>, vector<16xi32>,
        %bitcast3A_1288 = vector.bitcast %get3A_1287 : vector<16xi32> to vector<32xbf16>
        %mul3A_1289 = arith.mulf %bitcast3A_1280, %bitcast3A_1288 : vector<32xbf16>
        %unpack3A_1290 = tpu.unpack_subelements %mul3A_1289, 0 {pack_format = #tpu.pack_format<interleaved>} : vector<32xbf16> -> vector<16xf32>
        %unpack3A_1291 = tpu.unpack_subelements %mul3A_1289, 1 {pack_format = #tpu.pack_format<interleaved>} : vector<32xbf16> -> vector<16xf32>
        %add3A_1292 = arith.addf %unpack3A_1290, %unpack3A_1291 : vector<16xf32>
        %add3A_1293 = arith.addf %add3A_1232, %add3A_1252 : vector<16xf32>
        %add3A_1294 = arith.addf %add3A_1272, %add3A_1292 : vector<16xf32>
        %add3A_1295 = arith.addf %add3A_1293, %add3A_1294 : vector<16xf32>
        %cumsum3A_1296 = arith.constant true
        %cumsum3A_1297 = vector.broadcast %cumsum3A_1296 : i1 to vector<16xi1>
        %cumsum3A_1298 = tpu.scan <sum>, %add3A_1295 masked %cumsum3A_1297 : vector<16xf32>, vector<16xi1> -> vector<16xf32>
        %mul3A_1299 = arith.constant 16 : i32
        %mul3A_1300 = arith.muli %scan3A_101, %mul3A_1299 : i32
        %add3A_1301 = arith.addi %mul3A_60, %mul3A_1300 : i32
        %add3A_1302 = arith.constant 12 : i32
        %add3A_1303 = arith.addi %add3A_1301, %add3A_1302 : i32
        %swap3A_1304 = arith.index_cast %add3A_1303 : i32 to index
        %swap3A_1305 = tpu.vector_load %arg12[%swap3A_1304] masked %eq3A_4 {strides = array<i32>} : memref<10016xf32, #tpu.memory_space<vmem>>, vector<16xf32>, vector<16xi1>
        tpu.vector_store %arg12[%swap3A_1304], %cumsum3A_1298 masked %eq3A_4 {strides = array<i32>} : memref<10016xf32, #tpu.memory_space<vmem>>, vector<16xf32>, vector<16xi1>
        %mul3A_1306 = arith.constant 16 : i32
        %mul3A_1307 = arith.muli %scan3A_101, %mul3A_1306 : i32
        %add3A_1308 = arith.constant 13 : i32
        %add3A_1309 = arith.addi %mul3A_1307, %add3A_1308 : i32
        %get3A_1310 = arith.index_cast %add3A_1309 : i32 to index
        %get3A_1311 = arith.constant 0 : index
        %get3A_1312 = tpu.vector_load %arg8[%get3A_1310, %get3A_1311] {strides = array<i32>} : memref<80x64xi32, #tpu.memory_space<vmem>>, vector<16xi32>,
        %bitcast3A_1313 = vector.bitcast %get3A_1312 : vector<16xi32> to vector<32xbf16>
        %mul3A_1314 = arith.constant 16 : i32
        %mul3A_1315 = arith.muli %scan3A_101, %mul3A_1314 : i32
        %add3A_1316 = arith.constant 13 : i32
        %add3A_1317 = arith.addi %mul3A_1315, %add3A_1316 : i32
        %get3A_1318 = arith.index_cast %add3A_1317 : i32 to index
        %get3A_1319 = arith.constant 0 : index
        %get3A_1320 = tpu.vector_load %arg10[%get3A_1318, %get3A_1319] {strides = array<i32>} : memref<80x64xi32, #tpu.memory_space<vmem>>, vector<16xi32>,
        %bitcast3A_1321 = vector.bitcast %get3A_1320 : vector<16xi32> to vector<32xbf16>
        %mul3A_1322 = arith.mulf %bitcast3A_1313, %bitcast3A_1321 : vector<32xbf16>
        %unpack3A_1323 = tpu.unpack_subelements %mul3A_1322, 0 {pack_format = #tpu.pack_format<interleaved>} : vector<32xbf16> -> vector<16xf32>
        %unpack3A_1324 = tpu.unpack_subelements %mul3A_1322, 1 {pack_format = #tpu.pack_format<interleaved>} : vector<32xbf16> -> vector<16xf32>
        %add3A_1325 = arith.addf %unpack3A_1323, %unpack3A_1324 : vector<16xf32>
        %mul3A_1326 = arith.constant 16 : i32
        %mul3A_1327 = arith.muli %scan3A_101, %mul3A_1326 : i32
        %add3A_1328 = arith.constant 13 : i32
        %add3A_1329 = arith.addi %mul3A_1327, %add3A_1328 : i32
        %get3A_1330 = arith.index_cast %add3A_1329 : i32 to index
        %get3A_1331 = arith.constant 16 : index
        %get3A_1332 = tpu.vector_load %arg8[%get3A_1330, %get3A_1331] {strides = array<i32>} : memref<80x64xi32, #tpu.memory_space<vmem>>, vector<16xi32>,
        %bitcast3A_1333 = vector.bitcast %get3A_1332 : vector<16xi32> to vector<32xbf16>
        %mul3A_1334 = arith.constant 16 : i32
        %mul3A_1335 = arith.muli %scan3A_101, %mul3A_1334 : i32
        %add3A_1336 = arith.constant 13 : i32
        %add3A_1337 = arith.addi %mul3A_1335, %add3A_1336 : i32
        %get3A_1338 = arith.index_cast %add3A_1337 : i32 to index
        %get3A_1339 = arith.constant 16 : index
        %get3A_1340 = tpu.vector_load %arg10[%get3A_1338, %get3A_1339] {strides = array<i32>} : memref<80x64xi32, #tpu.memory_space<vmem>>, vector<16xi32>,
        %bitcast3A_1341 = vector.bitcast %get3A_1340 : vector<16xi32> to vector<32xbf16>
        %mul3A_1342 = arith.mulf %bitcast3A_1333, %bitcast3A_1341 : vector<32xbf16>
        %unpack3A_1343 = tpu.unpack_subelements %mul3A_1342, 0 {pack_format = #tpu.pack_format<interleaved>} : vector<32xbf16> -> vector<16xf32>
        %unpack3A_1344 = tpu.unpack_subelements %mul3A_1342, 1 {pack_format = #tpu.pack_format<interleaved>} : vector<32xbf16> -> vector<16xf32>
        %add3A_1345 = arith.addf %unpack3A_1343, %unpack3A_1344 : vector<16xf32>
        %mul3A_1346 = arith.constant 16 : i32
        %mul3A_1347 = arith.muli %scan3A_101, %mul3A_1346 : i32
        %add3A_1348 = arith.constant 13 : i32
        %add3A_1349 = arith.addi %mul3A_1347, %add3A_1348 : i32
        %get3A_1350 = arith.index_cast %add3A_1349 : i32 to index
        %get3A_1351 = arith.constant 32 : index
        %get3A_1352 = tpu.vector_load %arg8[%get3A_1350, %get3A_1351] {strides = array<i32>} : memref<80x64xi32, #tpu.memory_space<vmem>>, vector<16xi32>,
        %bitcast3A_1353 = vector.bitcast %get3A_1352 : vector<16xi32> to vector<32xbf16>
        %mul3A_1354 = arith.constant 16 : i32
        %mul3A_1355 = arith.muli %scan3A_101, %mul3A_1354 : i32
        %add3A_1356 = arith.constant 13 : i32
        %add3A_1357 = arith.addi %mul3A_1355, %add3A_1356 : i32
        %get3A_1358 = arith.index_cast %add3A_1357 : i32 to index
        %get3A_1359 = arith.constant 32 : index
        %get3A_1360 = tpu.vector_load %arg10[%get3A_1358, %get3A_1359] {strides = array<i32>} : memref<80x64xi32, #tpu.memory_space<vmem>>, vector<16xi32>,
        %bitcast3A_1361 = vector.bitcast %get3A_1360 : vector<16xi32> to vector<32xbf16>
        %mul3A_1362 = arith.mulf %bitcast3A_1353, %bitcast3A_1361 : vector<32xbf16>
        %unpack3A_1363 = tpu.unpack_subelements %mul3A_1362, 0 {pack_format = #tpu.pack_format<interleaved>} : vector<32xbf16> -> vector<16xf32>
        %unpack3A_1364 = tpu.unpack_subelements %mul3A_1362, 1 {pack_format = #tpu.pack_format<interleaved>} : vector<32xbf16> -> vector<16xf32>
        %add3A_1365 = arith.addf %unpack3A_1363, %unpack3A_1364 : vector<16xf32>
        %mul3A_1366 = arith.constant 16 : i32
        %mul3A_1367 = arith.muli %scan3A_101, %mul3A_1366 : i32
        %add3A_1368 = arith.constant 13 : i32
        %add3A_1369 = arith.addi %mul3A_1367, %add3A_1368 : i32
        %get3A_1370 = arith.index_cast %add3A_1369 : i32 to index
        %get3A_1371 = arith.constant 48 : index
        %get3A_1372 = tpu.vector_load %arg8[%get3A_1370, %get3A_1371] {strides = array<i32>} : memref<80x64xi32, #tpu.memory_space<vmem>>, vector<16xi32>,
        %bitcast3A_1373 = vector.bitcast %get3A_1372 : vector<16xi32> to vector<32xbf16>
        %mul3A_1374 = arith.constant 16 : i32
        %mul3A_1375 = arith.muli %scan3A_101, %mul3A_1374 : i32
        %add3A_1376 = arith.constant 13 : i32
        %add3A_1377 = arith.addi %mul3A_1375, %add3A_1376 : i32
        %get3A_1378 = arith.index_cast %add3A_1377 : i32 to index
        %get3A_1379 = arith.constant 48 : index
        %get3A_1380 = tpu.vector_load %arg10[%get3A_1378, %get3A_1379] {strides = array<i32>} : memref<80x64xi32, #tpu.memory_space<vmem>>, vector<16xi32>,
        %bitcast3A_1381 = vector.bitcast %get3A_1380 : vector<16xi32> to vector<32xbf16>
        %mul3A_1382 = arith.mulf %bitcast3A_1373, %bitcast3A_1381 : vector<32xbf16>
        %unpack3A_1383 = tpu.unpack_subelements %mul3A_1382, 0 {pack_format = #tpu.pack_format<interleaved>} : vector<32xbf16> -> vector<16xf32>
        %unpack3A_1384 = tpu.unpack_subelements %mul3A_1382, 1 {pack_format = #tpu.pack_format<interleaved>} : vector<32xbf16> -> vector<16xf32>
        %add3A_1385 = arith.addf %unpack3A_1383, %unpack3A_1384 : vector<16xf32>
        %add3A_1386 = arith.addf %add3A_1325, %add3A_1345 : vector<16xf32>
        %add3A_1387 = arith.addf %add3A_1365, %add3A_1385 : vector<16xf32>
        %add3A_1388 = arith.addf %add3A_1386, %add3A_1387 : vector<16xf32>
        %cumsum3A_1389 = arith.constant true
        %cumsum3A_1390 = vector.broadcast %cumsum3A_1389 : i1 to vector<16xi1>
        %cumsum3A_1391 = tpu.scan <sum>, %add3A_1388 masked %cumsum3A_1390 : vector<16xf32>, vector<16xi1> -> vector<16xf32>
        %mul3A_1392 = arith.constant 16 : i32
        %mul3A_1393 = arith.muli %scan3A_101, %mul3A_1392 : i32
        %add3A_1394 = arith.addi %mul3A_60, %mul3A_1393 : i32
        %add3A_1395 = arith.constant 13 : i32
        %add3A_1396 = arith.addi %add3A_1394, %add3A_1395 : i32
        %swap3A_1397 = arith.index_cast %add3A_1396 : i32 to index
        %swap3A_1398 = tpu.vector_load %arg12[%swap3A_1397] masked %eq3A_4 {strides = array<i32>} : memref<10016xf32, #tpu.memory_space<vmem>>, vector<16xf32>, vector<16xi1>
        tpu.vector_store %arg12[%swap3A_1397], %cumsum3A_1391 masked %eq3A_4 {strides = array<i32>} : memref<10016xf32, #tpu.memory_space<vmem>>, vector<16xf32>, vector<16xi1>
        %mul3A_1399 = arith.constant 16 : i32
        %mul3A_1400 = arith.muli %scan3A_101, %mul3A_1399 : i32
        %add3A_1401 = arith.constant 14 : i32
        %add3A_1402 = arith.addi %mul3A_1400, %add3A_1401 : i32
        %get3A_1403 = arith.index_cast %add3A_1402 : i32 to index
        %get3A_1404 = arith.constant 0 : index
        %get3A_1405 = tpu.vector_load %arg8[%get3A_1403, %get3A_1404] {strides = array<i32>} : memref<80x64xi32, #tpu.memory_space<vmem>>, vector<16xi32>,
        %bitcast3A_1406 = vector.bitcast %get3A_1405 : vector<16xi32> to vector<32xbf16>
        %mul3A_1407 = arith.constant 16 : i32
        %mul3A_1408 = arith.muli %scan3A_101, %mul3A_1407 : i32
        %add3A_1409 = arith.constant 14 : i32
        %add3A_1410 = arith.addi %mul3A_1408, %add3A_1409 : i32
        %get3A_1411 = arith.index_cast %add3A_1410 : i32 to index
        %get3A_1412 = arith.constant 0 : index
        %get3A_1413 = tpu.vector_load %arg10[%get3A_1411, %get3A_1412] {strides = array<i32>} : memref<80x64xi32, #tpu.memory_space<vmem>>, vector<16xi32>,
        %bitcast3A_1414 = vector.bitcast %get3A_1413 : vector<16xi32> to vector<32xbf16>
        %mul3A_1415 = arith.mulf %bitcast3A_1406, %bitcast3A_1414 : vector<32xbf16>
        %unpack3A_1416 = tpu.unpack_subelements %mul3A_1415, 0 {pack_format = #tpu.pack_format<interleaved>} : vector<32xbf16> -> vector<16xf32>
        %unpack3A_1417 = tpu.unpack_subelements %mul3A_1415, 1 {pack_format = #tpu.pack_format<interleaved>} : vector<32xbf16> -> vector<16xf32>
        %add3A_1418 = arith.addf %unpack3A_1416, %unpack3A_1417 : vector<16xf32>
        %mul3A_1419 = arith.constant 16 : i32
        %mul3A_1420 = arith.muli %scan3A_101, %mul3A_1419 : i32
        %add3A_1421 = arith.constant 14 : i32
        %add3A_1422 = arith.addi %mul3A_1420, %add3A_1421 : i32
        %get3A_1423 = arith.index_cast %add3A_1422 : i32 to index
        %get3A_1424 = arith.constant 16 : index
        %get3A_1425 = tpu.vector_load %arg8[%get3A_1423, %get3A_1424] {strides = array<i32>} : memref<80x64xi32, #tpu.memory_space<vmem>>, vector<16xi32>,
        %bitcast3A_1426 = vector.bitcast %get3A_1425 : vector<16xi32> to vector<32xbf16>
        %mul3A_1427 = arith.constant 16 : i32
        %mul3A_1428 = arith.muli %scan3A_101, %mul3A_1427 : i32
        %add3A_1429 = arith.constant 14 : i32
        %add3A_1430 = arith.addi %mul3A_1428, %add3A_1429 : i32
        %get3A_1431 = arith.index_cast %add3A_1430 : i32 to index
        %get3A_1432 = arith.constant 16 : index
        %get3A_1433 = tpu.vector_load %arg10[%get3A_1431, %get3A_1432] {strides = array<i32>} : memref<80x64xi32, #tpu.memory_space<vmem>>, vector<16xi32>,
        %bitcast3A_1434 = vector.bitcast %get3A_1433 : vector<16xi32> to vector<32xbf16>
        %mul3A_1435 = arith.mulf %bitcast3A_1426, %bitcast3A_1434 : vector<32xbf16>
        %unpack3A_1436 = tpu.unpack_subelements %mul3A_1435, 0 {pack_format = #tpu.pack_format<interleaved>} : vector<32xbf16> -> vector<16xf32>
        %unpack3A_1437 = tpu.unpack_subelements %mul3A_1435, 1 {pack_format = #tpu.pack_format<interleaved>} : vector<32xbf16> -> vector<16xf32>
        %add3A_1438 = arith.addf %unpack3A_1436, %unpack3A_1437 : vector<16xf32>
        %mul3A_1439 = arith.constant 16 : i32
        %mul3A_1440 = arith.muli %scan3A_101, %mul3A_1439 : i32
        %add3A_1441 = arith.constant 14 : i32
        %add3A_1442 = arith.addi %mul3A_1440, %add3A_1441 : i32
        %get3A_1443 = arith.index_cast %add3A_1442 : i32 to index
        %get3A_1444 = arith.constant 32 : index
        %get3A_1445 = tpu.vector_load %arg8[%get3A_1443, %get3A_1444] {strides = array<i32>} : memref<80x64xi32, #tpu.memory_space<vmem>>, vector<16xi32>,
        %bitcast3A_1446 = vector.bitcast %get3A_1445 : vector<16xi32> to vector<32xbf16>
        %mul3A_1447 = arith.constant 16 : i32
        %mul3A_1448 = arith.muli %scan3A_101, %mul3A_1447 : i32
        %add3A_1449 = arith.constant 14 : i32
        %add3A_1450 = arith.addi %mul3A_1448, %add3A_1449 : i32
        %get3A_1451 = arith.index_cast %add3A_1450 : i32 to index
        %get3A_1452 = arith.constant 32 : index
        %get3A_1453 = tpu.vector_load %arg10[%get3A_1451, %get3A_1452] {strides = array<i32>} : memref<80x64xi32, #tpu.memory_space<vmem>>, vector<16xi32>,
        %bitcast3A_1454 = vector.bitcast %get3A_1453 : vector<16xi32> to vector<32xbf16>
        %mul3A_1455 = arith.mulf %bitcast3A_1446, %bitcast3A_1454 : vector<32xbf16>
        %unpack3A_1456 = tpu.unpack_subelements %mul3A_1455, 0 {pack_format = #tpu.pack_format<interleaved>} : vector<32xbf16> -> vector<16xf32>
        %unpack3A_1457 = tpu.unpack_subelements %mul3A_1455, 1 {pack_format = #tpu.pack_format<interleaved>} : vector<32xbf16> -> vector<16xf32>
        %add3A_1458 = arith.addf %unpack3A_1456, %unpack3A_1457 : vector<16xf32>
        %mul3A_1459 = arith.constant 16 : i32
        %mul3A_1460 = arith.muli %scan3A_101, %mul3A_1459 : i32
        %add3A_1461 = arith.constant 14 : i32
        %add3A_1462 = arith.addi %mul3A_1460, %add3A_1461 : i32
        %get3A_1463 = arith.index_cast %add3A_1462 : i32 to index
        %get3A_1464 = arith.constant 48 : index
        %get3A_1465 = tpu.vector_load %arg8[%get3A_1463, %get3A_1464] {strides = array<i32>} : memref<80x64xi32, #tpu.memory_space<vmem>>, vector<16xi32>,
        %bitcast3A_1466 = vector.bitcast %get3A_1465 : vector<16xi32> to vector<32xbf16>
        %mul3A_1467 = arith.constant 16 : i32
        %mul3A_1468 = arith.muli %scan3A_101, %mul3A_1467 : i32
        %add3A_1469 = arith.constant 14 : i32
        %add3A_1470 = arith.addi %mul3A_1468, %add3A_1469 : i32
        %get3A_1471 = arith.index_cast %add3A_1470 : i32 to index
        %get3A_1472 = arith.constant 48 : index
        %get3A_1473 = tpu.vector_load %arg10[%get3A_1471, %get3A_1472] {strides = array<i32>} : memref<80x64xi32, #tpu.memory_space<vmem>>, vector<16xi32>,
        %bitcast3A_1474 = vector.bitcast %get3A_1473 : vector<16xi32> to vector<32xbf16>
        %mul3A_1475 = arith.mulf %bitcast3A_1466, %bitcast3A_1474 : vector<32xbf16>
        %unpack3A_1476 = tpu.unpack_subelements %mul3A_1475, 0 {pack_format = #tpu.pack_format<interleaved>} : vector<32xbf16> -> vector<16xf32>
        %unpack3A_1477 = tpu.unpack_subelements %mul3A_1475, 1 {pack_format = #tpu.pack_format<interleaved>} : vector<32xbf16> -> vector<16xf32>
        %add3A_1478 = arith.addf %unpack3A_1476, %unpack3A_1477 : vector<16xf32>
        %add3A_1479 = arith.addf %add3A_1418, %add3A_1438 : vector<16xf32>
        %add3A_1480 = arith.addf %add3A_1458, %add3A_1478 : vector<16xf32>
        %add3A_1481 = arith.addf %add3A_1479, %add3A_1480 : vector<16xf32>
        %cumsum3A_1482 = arith.constant true
        %cumsum3A_1483 = vector.broadcast %cumsum3A_1482 : i1 to vector<16xi1>
        %cumsum3A_1484 = tpu.scan <sum>, %add3A_1481 masked %cumsum3A_1483 : vector<16xf32>, vector<16xi1> -> vector<16xf32>
        %mul3A_1485 = arith.constant 16 : i32
        %mul3A_1486 = arith.muli %scan3A_101, %mul3A_1485 : i32
        %add3A_1487 = arith.addi %mul3A_60, %mul3A_1486 : i32
        %add3A_1488 = arith.constant 14 : i32
        %add3A_1489 = arith.addi %add3A_1487, %add3A_1488 : i32
        %swap3A_1490 = arith.index_cast %add3A_1489 : i32 to index
        %swap3A_1491 = tpu.vector_load %arg12[%swap3A_1490] masked %eq3A_4 {strides = array<i32>} : memref<10016xf32, #tpu.memory_space<vmem>>, vector<16xf32>, vector<16xi1>
        tpu.vector_store %arg12[%swap3A_1490], %cumsum3A_1484 masked %eq3A_4 {strides = array<i32>} : memref<10016xf32, #tpu.memory_space<vmem>>, vector<16xf32>, vector<16xi1>
        %mul3A_1492 = arith.constant 16 : i32
        %mul3A_1493 = arith.muli %scan3A_101, %mul3A_1492 : i32
        %add3A_1494 = arith.constant 15 : i32
        %add3A_1495 = arith.addi %mul3A_1493, %add3A_1494 : i32
        %get3A_1496 = arith.index_cast %add3A_1495 : i32 to index
        %get3A_1497 = arith.constant 0 : index
        %get3A_1498 = tpu.vector_load %arg8[%get3A_1496, %get3A_1497] {strides = array<i32>} : memref<80x64xi32, #tpu.memory_space<vmem>>, vector<16xi32>,
        %bitcast3A_1499 = vector.bitcast %get3A_1498 : vector<16xi32> to vector<32xbf16>
        %mul3A_1500 = arith.constant 16 : i32
        %mul3A_1501 = arith.muli %scan3A_101, %mul3A_1500 : i32
        %add3A_1502 = arith.constant 15 : i32
        %add3A_1503 = arith.addi %mul3A_1501, %add3A_1502 : i32
        %get3A_1504 = arith.index_cast %add3A_1503 : i32 to index
        %get3A_1505 = arith.constant 0 : index
        %get3A_1506 = tpu.vector_load %arg10[%get3A_1504, %get3A_1505] {strides = array<i32>} : memref<80x64xi32, #tpu.memory_space<vmem>>, vector<16xi32>,
        %bitcast3A_1507 = vector.bitcast %get3A_1506 : vector<16xi32> to vector<32xbf16>
        %mul3A_1508 = arith.mulf %bitcast3A_1499, %bitcast3A_1507 : vector<32xbf16>
        %unpack3A_1509 = tpu.unpack_subelements %mul3A_1508, 0 {pack_format = #tpu.pack_format<interleaved>} : vector<32xbf16> -> vector<16xf32>
        %unpack3A_1510 = tpu.unpack_subelements %mul3A_1508, 1 {pack_format = #tpu.pack_format<interleaved>} : vector<32xbf16> -> vector<16xf32>
        %add3A_1511 = arith.addf %unpack3A_1509, %unpack3A_1510 : vector<16xf32>
        %mul3A_1512 = arith.constant 16 : i32
        %mul3A_1513 = arith.muli %scan3A_101, %mul3A_1512 : i32
        %add3A_1514 = arith.constant 15 : i32
        %add3A_1515 = arith.addi %mul3A_1513, %add3A_1514 : i32
        %get3A_1516 = arith.index_cast %add3A_1515 : i32 to index
        %get3A_1517 = arith.constant 16 : index
        %get3A_1518 = tpu.vector_load %arg8[%get3A_1516, %get3A_1517] {strides = array<i32>} : memref<80x64xi32, #tpu.memory_space<vmem>>, vector<16xi32>,
        %bitcast3A_1519 = vector.bitcast %get3A_1518 : vector<16xi32> to vector<32xbf16>
        %mul3A_1520 = arith.constant 16 : i32
        %mul3A_1521 = arith.muli %scan3A_101, %mul3A_1520 : i32
        %add3A_1522 = arith.constant 15 : i32
        %add3A_1523 = arith.addi %mul3A_1521, %add3A_1522 : i32
        %get3A_1524 = arith.index_cast %add3A_1523 : i32 to index
        %get3A_1525 = arith.constant 16 : index
        %get3A_1526 = tpu.vector_load %arg10[%get3A_1524, %get3A_1525] {strides = array<i32>} : memref<80x64xi32, #tpu.memory_space<vmem>>, vector<16xi32>,
        %bitcast3A_1527 = vector.bitcast %get3A_1526 : vector<16xi32> to vector<32xbf16>
        %mul3A_1528 = arith.mulf %bitcast3A_1519, %bitcast3A_1527 : vector<32xbf16>
        %unpack3A_1529 = tpu.unpack_subelements %mul3A_1528, 0 {pack_format = #tpu.pack_format<interleaved>} : vector<32xbf16> -> vector<16xf32>
        %unpack3A_1530 = tpu.unpack_subelements %mul3A_1528, 1 {pack_format = #tpu.pack_format<interleaved>} : vector<32xbf16> -> vector<16xf32>
        %add3A_1531 = arith.addf %unpack3A_1529, %unpack3A_1530 : vector<16xf32>
        %mul3A_1532 = arith.constant 16 : i32
        %mul3A_1533 = arith.muli %scan3A_101, %mul3A_1532 : i32
        %add3A_1534 = arith.constant 15 : i32
        %add3A_1535 = arith.addi %mul3A_1533, %add3A_1534 : i32
        %get3A_1536 = arith.index_cast %add3A_1535 : i32 to index
        %get3A_1537 = arith.constant 32 : index
        %get3A_1538 = tpu.vector_load %arg8[%get3A_1536, %get3A_1537] {strides = array<i32>} : memref<80x64xi32, #tpu.memory_space<vmem>>, vector<16xi32>,
        %bitcast3A_1539 = vector.bitcast %get3A_1538 : vector<16xi32> to vector<32xbf16>
        %mul3A_1540 = arith.constant 16 : i32
        %mul3A_1541 = arith.muli %scan3A_101, %mul3A_1540 : i32
        %add3A_1542 = arith.constant 15 : i32
        %add3A_1543 = arith.addi %mul3A_1541, %add3A_1542 : i32
        %get3A_1544 = arith.index_cast %add3A_1543 : i32 to index
        %get3A_1545 = arith.constant 32 : index
        %get3A_1546 = tpu.vector_load %arg10[%get3A_1544, %get3A_1545] {strides = array<i32>} : memref<80x64xi32, #tpu.memory_space<vmem>>, vector<16xi32>,
        %bitcast3A_1547 = vector.bitcast %get3A_1546 : vector<16xi32> to vector<32xbf16>
        %mul3A_1548 = arith.mulf %bitcast3A_1539, %bitcast3A_1547 : vector<32xbf16>
        %unpack3A_1549 = tpu.unpack_subelements %mul3A_1548, 0 {pack_format = #tpu.pack_format<interleaved>} : vector<32xbf16> -> vector<16xf32>
        %unpack3A_1550 = tpu.unpack_subelements %mul3A_1548, 1 {pack_format = #tpu.pack_format<interleaved>} : vector<32xbf16> -> vector<16xf32>
        %add3A_1551 = arith.addf %unpack3A_1549, %unpack3A_1550 : vector<16xf32>
        %mul3A_1552 = arith.constant 16 : i32
        %mul3A_1553 = arith.muli %scan3A_101, %mul3A_1552 : i32
        %add3A_1554 = arith.constant 15 : i32
        %add3A_1555 = arith.addi %mul3A_1553, %add3A_1554 : i32
        %get3A_1556 = arith.index_cast %add3A_1555 : i32 to index
        %get3A_1557 = arith.constant 48 : index
        %get3A_1558 = tpu.vector_load %arg8[%get3A_1556, %get3A_1557] {strides = array<i32>} : memref<80x64xi32, #tpu.memory_space<vmem>>, vector<16xi32>,
        %bitcast3A_1559 = vector.bitcast %get3A_1558 : vector<16xi32> to vector<32xbf16>
        %mul3A_1560 = arith.constant 16 : i32
        %mul3A_1561 = arith.muli %scan3A_101, %mul3A_1560 : i32
        %add3A_1562 = arith.constant 15 : i32
        %add3A_1563 = arith.addi %mul3A_1561, %add3A_1562 : i32
        %get3A_1564 = arith.index_cast %add3A_1563 : i32 to index
        %get3A_1565 = arith.constant 48 : index
        %get3A_1566 = tpu.vector_load %arg10[%get3A_1564, %get3A_1565] {strides = array<i32>} : memref<80x64xi32, #tpu.memory_space<vmem>>, vector<16xi32>,
        %bitcast3A_1567 = vector.bitcast %get3A_1566 : vector<16xi32> to vector<32xbf16>
        %mul3A_1568 = arith.mulf %bitcast3A_1559, %bitcast3A_1567 : vector<32xbf16>
        %unpack3A_1569 = tpu.unpack_subelements %mul3A_1568, 0 {pack_format = #tpu.pack_format<interleaved>} : vector<32xbf16> -> vector<16xf32>
        %unpack3A_1570 = tpu.unpack_subelements %mul3A_1568, 1 {pack_format = #tpu.pack_format<interleaved>} : vector<32xbf16> -> vector<16xf32>
        %add3A_1571 = arith.addf %unpack3A_1569, %unpack3A_1570 : vector<16xf32>
        %add3A_1572 = arith.addf %add3A_1511, %add3A_1531 : vector<16xf32>
        %add3A_1573 = arith.addf %add3A_1551, %add3A_1571 : vector<16xf32>
        %add3A_1574 = arith.addf %add3A_1572, %add3A_1573 : vector<16xf32>
        %cumsum3A_1575 = arith.constant true
        %cumsum3A_1576 = vector.broadcast %cumsum3A_1575 : i1 to vector<16xi1>
        %cumsum3A_1577 = tpu.scan <sum>, %add3A_1574 masked %cumsum3A_1576 : vector<16xf32>, vector<16xi1> -> vector<16xf32>
        %mul3A_1578 = arith.constant 16 : i32
        %mul3A_1579 = arith.muli %scan3A_101, %mul3A_1578 : i32
        %add3A_1580 = arith.addi %mul3A_60, %mul3A_1579 : i32
        %add3A_1581 = arith.constant 15 : i32
        %add3A_1582 = arith.addi %add3A_1580, %add3A_1581 : i32
        %swap3A_1583 = arith.index_cast %add3A_1582 : i32 to index
        %swap3A_1584 = tpu.vector_load %arg12[%swap3A_1583] masked %eq3A_4 {strides = array<i32>} : memref<10016xf32, #tpu.memory_space<vmem>>, vector<16xf32>, vector<16xi1>
        tpu.vector_store %arg12[%swap3A_1583], %cumsum3A_1577 masked %eq3A_4 {strides = array<i32>} : memref<10016xf32, #tpu.memory_space<vmem>>, vector<16xf32>, vector<16xi1>
      }
      %scan3A_66 = arith.constant 5 : i32
      %add3A_67 = arith.constant 2 : i32
      %add3A_68 = arith.addi %add3A_48, %add3A_67 : i32
      %mul3A_69 = arith.constant 80 : i32
      %mul3A_70 = arith.muli %add3A_68, %mul3A_69 : i32
      %dma_start3A_71 = tpu.memref_slice %arg6[%mul3A_70] : memref<10000xi32, #tpu.memory_space<vmem>> -> memref<80xi32, #tpu.memory_space<vmem>>
      %dma_start3A_72 = arith.constant 0 : i32
      %dma_start3A_73 = arith.constant 0 : i32
      %dma_start3A_74 = tpu.memref_slice %arg2[%dma_start3A_72, %dma_start3A_73] : memref<10000x64xi32, #tpu.memory_space<hbm>> -> memref<10000x64xi32, #tpu.memory_space<hbm>>
      tpu.enqueue_indirect_dma source(%dma_start3A_74 : memref<10000x64xi32, #tpu.memory_space<hbm>>) target(%arg8 : memref<80x64xi32, #tpu.memory_space<vmem>>) offsets(%dma_start3A_71 : memref<80xi32, #tpu.memory_space<vmem>>) semaphore(%arg13 : memref<!tpu.dma_semaphore, #tpu.memory_space<semaphore_mem>>)
      %dma_start3A_75 = tpu.memref_slice %arg7[%mul3A_70] : memref<10000xi32, #tpu.memory_space<vmem>> -> memref<80xi32, #tpu.memory_space<vmem>>
      %dma_start3A_76 = arith.constant 0 : i32
      %dma_start3A_77 = arith.constant 0 : i32
      %dma_start3A_78 = tpu.memref_slice %arg2[%dma_start3A_76, %dma_start3A_77] : memref<10000x64xi32, #tpu.memory_space<hbm>> -> memref<10000x64xi32, #tpu.memory_space<hbm>>
      tpu.enqueue_indirect_dma source(%dma_start3A_78 : memref<10000x64xi32, #tpu.memory_space<hbm>>) target(%arg10 : memref<80x64xi32, #tpu.memory_space<vmem>>) offsets(%dma_start3A_75 : memref<80xi32, #tpu.memory_space<vmem>>) semaphore(%arg13 : memref<!tpu.dma_semaphore, #tpu.memory_space<semaphore_mem>>)
      %add3A_79 = arith.constant 1 : i32
      %add3A_80 = arith.addi %mul3A_46, %add3A_79 : i32
      %mul3A_81 = arith.constant 80 : i32
      %mul3A_82 = arith.muli %add3A_80, %mul3A_81 : i32
      %dma_wait3A_83 = tpu.memref_slice %arg6[%mul3A_82] : memref<10000xi32, #tpu.memory_space<vmem>> -> memref<80xi32, #tpu.memory_space<vmem>>
      %dma_wait3A_84 = arith.constant 0 : i32
      %dma_wait3A_85 = arith.constant 0 : i32
      %dma_wait3A_86 = tpu.memref_slice %arg2[%dma_wait3A_84, %dma_wait3A_85] : memref<10000x64xi32, #tpu.memory_space<hbm>> -> memref<10000x64xi32, #tpu.memory_space<hbm>>
      tpu.wait_indirect_dma semaphore(%arg14 : memref<!tpu.dma_semaphore, #tpu.memory_space<semaphore_mem>>) src(%dma_wait3A_86 : memref<10000x64xi32, #tpu.memory_space<hbm>>) dst(%arg9 : memref<80x64xi32, #tpu.memory_space<vmem>>)
      %dma_wait3A_87 = tpu.memref_slice %arg7[%mul3A_82] : memref<10000xi32, #tpu.memory_space<vmem>> -> memref<80xi32, #tpu.memory_space<vmem>>
      %dma_wait3A_88 = arith.constant 0 : i32
      %dma_wait3A_89 = arith.constant 0 : i32
      %dma_wait3A_90 = tpu.memref_slice %arg2[%dma_wait3A_88, %dma_wait3A_89] : memref<10000x64xi32, #tpu.memory_space<hbm>> -> memref<10000x64xi32, #tpu.memory_space<hbm>>
      tpu.wait_indirect_dma semaphore(%arg14 : memref<!tpu.dma_semaphore, #tpu.memory_space<semaphore_mem>>) src(%dma_wait3A_90 : memref<10000x64xi32, #tpu.memory_space<hbm>>) dst(%arg11 : memref<80x64xi32, #tpu.memory_space<vmem>>)
      %mul3A_91 = arith.constant 80 : i32
      %mul3A_92 = arith.muli %add3A_80, %mul3A_91 : i32
      %scan3A_93 = arith.constant 0 : i32
      %scan3A_94 = arith.constant 0 : i32
      %scan3A_95 = arith.constant 5 : i32
      %scan3A_96 = arith.addi %scan3A_94, %scan3A_95 : i32
      %scan3A_97 = arith.constant 1 : i32
      scf.for %scan3A_101 = %scan3A_94 to %scan3A_96 step %scan3A_97  : i32 {
        %mul3A_102 = arith.constant 16 : i32
        %mul3A_103 = arith.muli %scan3A_101, %mul3A_102 : i32
        %add3A_104 = arith.constant 0 : i32
        %add3A_105 = arith.addi %mul3A_103, %add3A_104 : i32
        %get3A = arith.index_cast %add3A_105 : i32 to index
        %get3A_106 = arith.constant 0 : index
        %get3A_107 = tpu.vector_load %arg9[%get3A, %get3A_106] {strides = array<i32>} : memref<80x64xi32, #tpu.memory_space<vmem>>, vector<16xi32>,
        %bitcast3A = vector.bitcast %get3A_107 : vector<16xi32> to vector<32xbf16>
        %mul3A_108 = arith.constant 16 : i32
        %mul3A_109 = arith.muli %scan3A_101, %mul3A_108 : i32
        %add3A_110 = arith.constant 0 : i32
        %add3A_111 = arith.addi %mul3A_109, %add3A_110 : i32
        %get3A_112 = arith.index_cast %add3A_111 : i32 to index
        %get3A_113 = arith.constant 0 : index
        %get3A_114 = tpu.vector_load %arg11[%get3A_112, %get3A_113] {strides = array<i32>} : memref<80x64xi32, #tpu.memory_space<vmem>>, vector<16xi32>,
        %bitcast3A_115 = vector.bitcast %get3A_114 : vector<16xi32> to vector<32xbf16>
        %mul3A_116 = arith.mulf %bitcast3A, %bitcast3A_115 : vector<32xbf16>
        %unpack3A = tpu.unpack_subelements %mul3A_116, 0 {pack_format = #tpu.pack_format<interleaved>} : vector<32xbf16> -> vector<16xf32>
        %unpack3A_117 = tpu.unpack_subelements %mul3A_116, 1 {pack_format = #tpu.pack_format<interleaved>} : vector<32xbf16> -> vector<16xf32>
        %add3A_118 = arith.addf %unpack3A, %unpack3A_117 : vector<16xf32>
        %mul3A_119 = arith.constant 16 : i32
        %mul3A_120 = arith.muli %scan3A_101, %mul3A_119 : i32
        %add3A_121 = arith.constant 0 : i32
        %add3A_122 = arith.addi %mul3A_120, %add3A_121 : i32
        %get3A_123 = arith.index_cast %add3A_122 : i32 to index
        %get3A_124 = arith.constant 16 : index
        %get3A_125 = tpu.vector_load %arg9[%get3A_123, %get3A_124] {strides = array<i32>} : memref<80x64xi32, #tpu.memory_space<vmem>>, vector<16xi32>,
        %bitcast3A_126 = vector.bitcast %get3A_125 : vector<16xi32> to vector<32xbf16>
        %mul3A_127 = arith.constant 16 : i32
        %mul3A_128 = arith.muli %scan3A_101, %mul3A_127 : i32
        %add3A_129 = arith.constant 0 : i32
        %add3A_130 = arith.addi %mul3A_128, %add3A_129 : i32
        %get3A_131 = arith.index_cast %add3A_130 : i32 to index
        %get3A_132 = arith.constant 16 : index
        %get3A_133 = tpu.vector_load %arg11[%get3A_131, %get3A_132] {strides = array<i32>} : memref<80x64xi32, #tpu.memory_space<vmem>>, vector<16xi32>,
        %bitcast3A_134 = vector.bitcast %get3A_133 : vector<16xi32> to vector<32xbf16>
        %mul3A_135 = arith.mulf %bitcast3A_126, %bitcast3A_134 : vector<32xbf16>
        %unpack3A_136 = tpu.unpack_subelements %mul3A_135, 0 {pack_format = #tpu.pack_format<interleaved>} : vector<32xbf16> -> vector<16xf32>
        %unpack3A_137 = tpu.unpack_subelements %mul3A_135, 1 {pack_format = #tpu.pack_format<interleaved>} : vector<32xbf16> -> vector<16xf32>
        %add3A_138 = arith.addf %unpack3A_136, %unpack3A_137 : vector<16xf32>
        %mul3A_139 = arith.constant 16 : i32
        %mul3A_140 = arith.muli %scan3A_101, %mul3A_139 : i32
        %add3A_141 = arith.constant 0 : i32
        %add3A_142 = arith.addi %mul3A_140, %add3A_141 : i32
        %get3A_143 = arith.index_cast %add3A_142 : i32 to index
        %get3A_144 = arith.constant 32 : index
        %get3A_145 = tpu.vector_load %arg9[%get3A_143, %get3A_144] {strides = array<i32>} : memref<80x64xi32, #tpu.memory_space<vmem>>, vector<16xi32>,
        %bitcast3A_146 = vector.bitcast %get3A_145 : vector<16xi32> to vector<32xbf16>
        %mul3A_147 = arith.constant 16 : i32
        %mul3A_148 = arith.muli %scan3A_101, %mul3A_147 : i32
        %add3A_149 = arith.constant 0 : i32
        %add3A_150 = arith.addi %mul3A_148, %add3A_149 : i32
        %get3A_151 = arith.index_cast %add3A_150 : i32 to index
        %get3A_152 = arith.constant 32 : index
        %get3A_153 = tpu.vector_load %arg11[%get3A_151, %get3A_152] {strides = array<i32>} : memref<80x64xi32, #tpu.memory_space<vmem>>, vector<16xi32>,
        %bitcast3A_154 = vector.bitcast %get3A_153 : vector<16xi32> to vector<32xbf16>
        %mul3A_155 = arith.mulf %bitcast3A_146, %bitcast3A_154 : vector<32xbf16>
        %unpack3A_156 = tpu.unpack_subelements %mul3A_155, 0 {pack_format = #tpu.pack_format<interleaved>} : vector<32xbf16> -> vector<16xf32>
        %unpack3A_157 = tpu.unpack_subelements %mul3A_155, 1 {pack_format = #tpu.pack_format<interleaved>} : vector<32xbf16> -> vector<16xf32>
        %add3A_158 = arith.addf %unpack3A_156, %unpack3A_157 : vector<16xf32>
        %mul3A_159 = arith.constant 16 : i32
        %mul3A_160 = arith.muli %scan3A_101, %mul3A_159 : i32
        %add3A_161 = arith.constant 0 : i32
        %add3A_162 = arith.addi %mul3A_160, %add3A_161 : i32
        %get3A_163 = arith.index_cast %add3A_162 : i32 to index
        %get3A_164 = arith.constant 48 : index
        %get3A_165 = tpu.vector_load %arg9[%get3A_163, %get3A_164] {strides = array<i32>} : memref<80x64xi32, #tpu.memory_space<vmem>>, vector<16xi32>,
        %bitcast3A_166 = vector.bitcast %get3A_165 : vector<16xi32> to vector<32xbf16>
        %mul3A_167 = arith.constant 16 : i32
        %mul3A_168 = arith.muli %scan3A_101, %mul3A_167 : i32
        %add3A_169 = arith.constant 0 : i32
        %add3A_170 = arith.addi %mul3A_168, %add3A_169 : i32
        %get3A_171 = arith.index_cast %add3A_170 : i32 to index
        %get3A_172 = arith.constant 48 : index
        %get3A_173 = tpu.vector_load %arg11[%get3A_171, %get3A_172] {strides = array<i32>} : memref<80x64xi32, #tpu.memory_space<vmem>>, vector<16xi32>,
        %bitcast3A_174 = vector.bitcast %get3A_173 : vector<16xi32> to vector<32xbf16>
        %mul3A_175 = arith.mulf %bitcast3A_166, %bitcast3A_174 : vector<32xbf16>
        %unpack3A_176 = tpu.unpack_subelements %mul3A_175, 0 {pack_format = #tpu.pack_format<interleaved>} : vector<32xbf16> -> vector<16xf32>
        %unpack3A_177 = tpu.unpack_subelements %mul3A_175, 1 {pack_format = #tpu.pack_format<interleaved>} : vector<32xbf16> -> vector<16xf32>
        %add3A_178 = arith.addf %unpack3A_176, %unpack3A_177 : vector<16xf32>
        %add3A_179 = arith.addf %add3A_118, %add3A_138 : vector<16xf32>
        %add3A_180 = arith.addf %add3A_158, %add3A_178 : vector<16xf32>
        %add3A_181 = arith.addf %add3A_179, %add3A_180 : vector<16xf32>
        %cumsum3A = arith.constant true
        %cumsum3A_182 = vector.broadcast %cumsum3A : i1 to vector<16xi1>
        %cumsum3A_183 = tpu.scan <sum>, %add3A_181 masked %cumsum3A_182 : vector<16xf32>, vector<16xi1> -> vector<16xf32>
        %mul3A_184 = arith.constant 16 : i32
        %mul3A_185 = arith.muli %scan3A_101, %mul3A_184 : i32
        %add3A_186 = arith.addi %mul3A_92, %mul3A_185 : i32
        %add3A_187 = arith.constant 0 : i32
        %add3A_188 = arith.addi %add3A_186, %add3A_187 : i32
        %swap3A = arith.index_cast %add3A_188 : i32 to index
        %swap3A_189 = tpu.vector_load %arg12[%swap3A] masked %eq3A_4 {strides = array<i32>} : memref<10016xf32, #tpu.memory_space<vmem>>, vector<16xf32>, vector<16xi1>
        tpu.vector_store %arg12[%swap3A], %cumsum3A_183 masked %eq3A_4 {strides = array<i32>} : memref<10016xf32, #tpu.memory_space<vmem>>, vector<16xf32>, vector<16xi1>
        %mul3A_190 = arith.constant 16 : i32
        %mul3A_191 = arith.muli %scan3A_101, %mul3A_190 : i32
        %add3A_192 = arith.constant 1 : i32
        %add3A_193 = arith.addi %mul3A_191, %add3A_192 : i32
        %get3A_194 = arith.index_cast %add3A_193 : i32 to index
        %get3A_195 = arith.constant 0 : index
        %get3A_196 = tpu.vector_load %arg9[%get3A_194, %get3A_195] {strides = array<i32>} : memref<80x64xi32, #tpu.memory_space<vmem>>, vector<16xi32>,
        %bitcast3A_197 = vector.bitcast %get3A_196 : vector<16xi32> to vector<32xbf16>
        %mul3A_198 = arith.constant 16 : i32
        %mul3A_199 = arith.muli %scan3A_101, %mul3A_198 : i32
        %add3A_200 = arith.constant 1 : i32
        %add3A_201 = arith.addi %mul3A_199, %add3A_200 : i32
        %get3A_202 = arith.index_cast %add3A_201 : i32 to index
        %get3A_203 = arith.constant 0 : index
        %get3A_204 = tpu.vector_load %arg11[%get3A_202, %get3A_203] {strides = array<i32>} : memref<80x64xi32, #tpu.memory_space<vmem>>, vector<16xi32>,
        %bitcast3A_205 = vector.bitcast %get3A_204 : vector<16xi32> to vector<32xbf16>
        %mul3A_206 = arith.mulf %bitcast3A_197, %bitcast3A_205 : vector<32xbf16>
        %unpack3A_207 = tpu.unpack_subelements %mul3A_206, 0 {pack_format = #tpu.pack_format<interleaved>} : vector<32xbf16> -> vector<16xf32>
        %unpack3A_208 = tpu.unpack_subelements %mul3A_206, 1 {pack_format = #tpu.pack_format<interleaved>} : vector<32xbf16> -> vector<16xf32>
        %add3A_209 = arith.addf %unpack3A_207, %unpack3A_208 : vector<16xf32>
        %mul3A_210 = arith.constant 16 : i32
        %mul3A_211 = arith.muli %scan3A_101, %mul3A_210 : i32
        %add3A_212 = arith.constant 1 : i32
        %add3A_213 = arith.addi %mul3A_211, %add3A_212 : i32
        %get3A_214 = arith.index_cast %add3A_213 : i32 to index
        %get3A_215 = arith.constant 16 : index
        %get3A_216 = tpu.vector_load %arg9[%get3A_214, %get3A_215] {strides = array<i32>} : memref<80x64xi32, #tpu.memory_space<vmem>>, vector<16xi32>,
        %bitcast3A_217 = vector.bitcast %get3A_216 : vector<16xi32> to vector<32xbf16>
        %mul3A_218 = arith.constant 16 : i32
        %mul3A_219 = arith.muli %scan3A_101, %mul3A_218 : i32
        %add3A_220 = arith.constant 1 : i32
        %add3A_221 = arith.addi %mul3A_219, %add3A_220 : i32
        %get3A_222 = arith.index_cast %add3A_221 : i32 to index
        %get3A_223 = arith.constant 16 : index
        %get3A_224 = tpu.vector_load %arg11[%get3A_222, %get3A_223] {strides = array<i32>} : memref<80x64xi32, #tpu.memory_space<vmem>>, vector<16xi32>,
        %bitcast3A_225 = vector.bitcast %get3A_224 : vector<16xi32> to vector<32xbf16>
        %mul3A_226 = arith.mulf %bitcast3A_217, %bitcast3A_225 : vector<32xbf16>
        %unpack3A_227 = tpu.unpack_subelements %mul3A_226, 0 {pack_format = #tpu.pack_format<interleaved>} : vector<32xbf16> -> vector<16xf32>
        %unpack3A_228 = tpu.unpack_subelements %mul3A_226, 1 {pack_format = #tpu.pack_format<interleaved>} : vector<32xbf16> -> vector<16xf32>
        %add3A_229 = arith.addf %unpack3A_227, %unpack3A_228 : vector<16xf32>
        %mul3A_230 = arith.constant 16 : i32
        %mul3A_231 = arith.muli %scan3A_101, %mul3A_230 : i32
        %add3A_232 = arith.constant 1 : i32
        %add3A_233 = arith.addi %mul3A_231, %add3A_232 : i32
        %get3A_234 = arith.index_cast %add3A_233 : i32 to index
        %get3A_235 = arith.constant 32 : index
        %get3A_236 = tpu.vector_load %arg9[%get3A_234, %get3A_235] {strides = array<i32>} : memref<80x64xi32, #tpu.memory_space<vmem>>, vector<16xi32>,
        %bitcast3A_237 = vector.bitcast %get3A_236 : vector<16xi32> to vector<32xbf16>
        %mul3A_238 = arith.constant 16 : i32
        %mul3A_239 = arith.muli %scan3A_101, %mul3A_238 : i32
        %add3A_240 = arith.constant 1 : i32
        %add3A_241 = arith.addi %mul3A_239, %add3A_240 : i32
        %get3A_242 = arith.index_cast %add3A_241 : i32 to index
        %get3A_243 = arith.constant 32 : index
        %get3A_244 = tpu.vector_load %arg11[%get3A_242, %get3A_243] {strides = array<i32>} : memref<80x64xi32, #tpu.memory_space<vmem>>, vector<16xi32>,
        %bitcast3A_245 = vector.bitcast %get3A_244 : vector<16xi32> to vector<32xbf16>
        %mul3A_246 = arith.mulf %bitcast3A_237, %bitcast3A_245 : vector<32xbf16>
        %unpack3A_247 = tpu.unpack_subelements %mul3A_246, 0 {pack_format = #tpu.pack_format<interleaved>} : vector<32xbf16> -> vector<16xf32>
        %unpack3A_248 = tpu.unpack_subelements %mul3A_246, 1 {pack_format = #tpu.pack_format<interleaved>} : vector<32xbf16> -> vector<16xf32>
        %add3A_249 = arith.addf %unpack3A_247, %unpack3A_248 : vector<16xf32>
        %mul3A_250 = arith.constant 16 : i32
        %mul3A_251 = arith.muli %scan3A_101, %mul3A_250 : i32
        %add3A_252 = arith.constant 1 : i32
        %add3A_253 = arith.addi %mul3A_251, %add3A_252 : i32
        %get3A_254 = arith.index_cast %add3A_253 : i32 to index
        %get3A_255 = arith.constant 48 : index
        %get3A_256 = tpu.vector_load %arg9[%get3A_254, %get3A_255] {strides = array<i32>} : memref<80x64xi32, #tpu.memory_space<vmem>>, vector<16xi32>,
        %bitcast3A_257 = vector.bitcast %get3A_256 : vector<16xi32> to vector<32xbf16>
        %mul3A_258 = arith.constant 16 : i32
        %mul3A_259 = arith.muli %scan3A_101, %mul3A_258 : i32
        %add3A_260 = arith.constant 1 : i32
        %add3A_261 = arith.addi %mul3A_259, %add3A_260 : i32
        %get3A_262 = arith.index_cast %add3A_261 : i32 to index
        %get3A_263 = arith.constant 48 : index
        %get3A_264 = tpu.vector_load %arg11[%get3A_262, %get3A_263] {strides = array<i32>} : memref<80x64xi32, #tpu.memory_space<vmem>>, vector<16xi32>,
        %bitcast3A_265 = vector.bitcast %get3A_264 : vector<16xi32> to vector<32xbf16>
        %mul3A_266 = arith.mulf %bitcast3A_257, %bitcast3A_265 : vector<32xbf16>
        %unpack3A_267 = tpu.unpack_subelements %mul3A_266, 0 {pack_format = #tpu.pack_format<interleaved>} : vector<32xbf16> -> vector<16xf32>
        %unpack3A_268 = tpu.unpack_subelements %mul3A_266, 1 {pack_format = #tpu.pack_format<interleaved>} : vector<32xbf16> -> vector<16xf32>
        %add3A_269 = arith.addf %unpack3A_267, %unpack3A_268 : vector<16xf32>
        %add3A_270 = arith.addf %add3A_209, %add3A_229 : vector<16xf32>
        %add3A_271 = arith.addf %add3A_249, %add3A_269 : vector<16xf32>
        %add3A_272 = arith.addf %add3A_270, %add3A_271 : vector<16xf32>
        %cumsum3A_273 = arith.constant true
        %cumsum3A_274 = vector.broadcast %cumsum3A_273 : i1 to vector<16xi1>
        %cumsum3A_275 = tpu.scan <sum>, %add3A_272 masked %cumsum3A_274 : vector<16xf32>, vector<16xi1> -> vector<16xf32>
        %mul3A_276 = arith.constant 16 : i32
        %mul3A_277 = arith.muli %scan3A_101, %mul3A_276 : i32
        %add3A_278 = arith.addi %mul3A_92, %mul3A_277 : i32
        %add3A_279 = arith.constant 1 : i32
        %add3A_280 = arith.addi %add3A_278, %add3A_279 : i32
        %swap3A_281 = arith.index_cast %add3A_280 : i32 to index
        %swap3A_282 = tpu.vector_load %arg12[%swap3A_281] masked %eq3A_4 {strides = array<i32>} : memref<10016xf32, #tpu.memory_space<vmem>>, vector<16xf32>, vector<16xi1>
        tpu.vector_store %arg12[%swap3A_281], %cumsum3A_275 masked %eq3A_4 {strides = array<i32>} : memref<10016xf32, #tpu.memory_space<vmem>>, vector<16xf32>, vector<16xi1>
        %mul3A_283 = arith.constant 16 : i32
        %mul3A_284 = arith.muli %scan3A_101, %mul3A_283 : i32
        %add3A_285 = arith.constant 2 : i32
        %add3A_286 = arith.addi %mul3A_284, %add3A_285 : i32
        %get3A_287 = arith.index_cast %add3A_286 : i32 to index
        %get3A_288 = arith.constant 0 : index
        %get3A_289 = tpu.vector_load %arg9[%get3A_287, %get3A_288] {strides = array<i32>} : memref<80x64xi32, #tpu.memory_space<vmem>>, vector<16xi32>,
        %bitcast3A_290 = vector.bitcast %get3A_289 : vector<16xi32> to vector<32xbf16>
        %mul3A_291 = arith.constant 16 : i32
        %mul3A_292 = arith.muli %scan3A_101, %mul3A_291 : i32
        %add3A_293 = arith.constant 2 : i32
        %add3A_294 = arith.addi %mul3A_292, %add3A_293 : i32
        %get3A_295 = arith.index_cast %add3A_294 : i32 to index
        %get3A_296 = arith.constant 0 : index
        %get3A_297 = tpu.vector_load %arg11[%get3A_295, %get3A_296] {strides = array<i32>} : memref<80x64xi32, #tpu.memory_space<vmem>>, vector<16xi32>,
        %bitcast3A_298 = vector.bitcast %get3A_297 : vector<16xi32> to vector<32xbf16>
        %mul3A_299 = arith.mulf %bitcast3A_290, %bitcast3A_298 : vector<32xbf16>
        %unpack3A_300 = tpu.unpack_subelements %mul3A_299, 0 {pack_format = #tpu.pack_format<interleaved>} : vector<32xbf16> -> vector<16xf32>
        %unpack3A_301 = tpu.unpack_subelements %mul3A_299, 1 {pack_format = #tpu.pack_format<interleaved>} : vector<32xbf16> -> vector<16xf32>
        %add3A_302 = arith.addf %unpack3A_300, %unpack3A_301 : vector<16xf32>
        %mul3A_303 = arith.constant 16 : i32
        %mul3A_304 = arith.muli %scan3A_101, %mul3A_303 : i32
        %add3A_305 = arith.constant 2 : i32
        %add3A_306 = arith.addi %mul3A_304, %add3A_305 : i32
        %get3A_307 = arith.index_cast %add3A_306 : i32 to index
        %get3A_308 = arith.constant 16 : index
        %get3A_309 = tpu.vector_load %arg9[%get3A_307, %get3A_308] {strides = array<i32>} : memref<80x64xi32, #tpu.memory_space<vmem>>, vector<16xi32>,
        %bitcast3A_310 = vector.bitcast %get3A_309 : vector<16xi32> to vector<32xbf16>
        %mul3A_311 = arith.constant 16 : i32
        %mul3A_312 = arith.muli %scan3A_101, %mul3A_311 : i32
        %add3A_313 = arith.constant 2 : i32
        %add3A_314 = arith.addi %mul3A_312, %add3A_313 : i32
        %get3A_315 = arith.index_cast %add3A_314 : i32 to index
        %get3A_316 = arith.constant 16 : index
        %get3A_317 = tpu.vector_load %arg11[%get3A_315, %get3A_316] {strides = array<i32>} : memref<80x64xi32, #tpu.memory_space<vmem>>, vector<16xi32>,
        %bitcast3A_318 = vector.bitcast %get3A_317 : vector<16xi32> to vector<32xbf16>
        %mul3A_319 = arith.mulf %bitcast3A_310, %bitcast3A_318 : vector<32xbf16>
        %unpack3A_320 = tpu.unpack_subelements %mul3A_319, 0 {pack_format = #tpu.pack_format<interleaved>} : vector<32xbf16> -> vector<16xf32>
        %unpack3A_321 = tpu.unpack_subelements %mul3A_319, 1 {pack_format = #tpu.pack_format<interleaved>} : vector<32xbf16> -> vector<16xf32>
        %add3A_322 = arith.addf %unpack3A_320, %unpack3A_321 : vector<16xf32>
        %mul3A_323 = arith.constant 16 : i32
        %mul3A_324 = arith.muli %scan3A_101, %mul3A_323 : i32
        %add3A_325 = arith.constant 2 : i32
        %add3A_326 = arith.addi %mul3A_324, %add3A_325 : i32
        %get3A_327 = arith.index_cast %add3A_326 : i32 to index
        %get3A_328 = arith.constant 32 : index
        %get3A_329 = tpu.vector_load %arg9[%get3A_327, %get3A_328] {strides = array<i32>} : memref<80x64xi32, #tpu.memory_space<vmem>>, vector<16xi32>,
        %bitcast3A_330 = vector.bitcast %get3A_329 : vector<16xi32> to vector<32xbf16>
        %mul3A_331 = arith.constant 16 : i32
        %mul3A_332 = arith.muli %scan3A_101, %mul3A_331 : i32
        %add3A_333 = arith.constant 2 : i32
        %add3A_334 = arith.addi %mul3A_332, %add3A_333 : i32
        %get3A_335 = arith.index_cast %add3A_334 : i32 to index
        %get3A_336 = arith.constant 32 : index
        %get3A_337 = tpu.vector_load %arg11[%get3A_335, %get3A_336] {strides = array<i32>} : memref<80x64xi32, #tpu.memory_space<vmem>>, vector<16xi32>,
        %bitcast3A_338 = vector.bitcast %get3A_337 : vector<16xi32> to vector<32xbf16>
        %mul3A_339 = arith.mulf %bitcast3A_330, %bitcast3A_338 : vector<32xbf16>
        %unpack3A_340 = tpu.unpack_subelements %mul3A_339, 0 {pack_format = #tpu.pack_format<interleaved>} : vector<32xbf16> -> vector<16xf32>
        %unpack3A_341 = tpu.unpack_subelements %mul3A_339, 1 {pack_format = #tpu.pack_format<interleaved>} : vector<32xbf16> -> vector<16xf32>
        %add3A_342 = arith.addf %unpack3A_340, %unpack3A_341 : vector<16xf32>
        %mul3A_343 = arith.constant 16 : i32
        %mul3A_344 = arith.muli %scan3A_101, %mul3A_343 : i32
        %add3A_345 = arith.constant 2 : i32
        %add3A_346 = arith.addi %mul3A_344, %add3A_345 : i32
        %get3A_347 = arith.index_cast %add3A_346 : i32 to index
        %get3A_348 = arith.constant 48 : index
        %get3A_349 = tpu.vector_load %arg9[%get3A_347, %get3A_348] {strides = array<i32>} : memref<80x64xi32, #tpu.memory_space<vmem>>, vector<16xi32>,
        %bitcast3A_350 = vector.bitcast %get3A_349 : vector<16xi32> to vector<32xbf16>
        %mul3A_351 = arith.constant 16 : i32
        %mul3A_352 = arith.muli %scan3A_101, %mul3A_351 : i32
        %add3A_353 = arith.constant 2 : i32
        %add3A_354 = arith.addi %mul3A_352, %add3A_353 : i32
        %get3A_355 = arith.index_cast %add3A_354 : i32 to index
        %get3A_356 = arith.constant 48 : index
        %get3A_357 = tpu.vector_load %arg11[%get3A_355, %get3A_356] {strides = array<i32>} : memref<80x64xi32, #tpu.memory_space<vmem>>, vector<16xi32>,
        %bitcast3A_358 = vector.bitcast %get3A_357 : vector<16xi32> to vector<32xbf16>
        %mul3A_359 = arith.mulf %bitcast3A_350, %bitcast3A_358 : vector<32xbf16>
        %unpack3A_360 = tpu.unpack_subelements %mul3A_359, 0 {pack_format = #tpu.pack_format<interleaved>} : vector<32xbf16> -> vector<16xf32>
        %unpack3A_361 = tpu.unpack_subelements %mul3A_359, 1 {pack_format = #tpu.pack_format<interleaved>} : vector<32xbf16> -> vector<16xf32>
        %add3A_362 = arith.addf %unpack3A_360, %unpack3A_361 : vector<16xf32>
        %add3A_363 = arith.addf %add3A_302, %add3A_322 : vector<16xf32>
        %add3A_364 = arith.addf %add3A_342, %add3A_362 : vector<16xf32>
        %add3A_365 = arith.addf %add3A_363, %add3A_364 : vector<16xf32>
        %cumsum3A_366 = arith.constant true
        %cumsum3A_367 = vector.broadcast %cumsum3A_366 : i1 to vector<16xi1>
        %cumsum3A_368 = tpu.scan <sum>, %add3A_365 masked %cumsum3A_367 : vector<16xf32>, vector<16xi1> -> vector<16xf32>
        %mul3A_369 = arith.constant 16 : i32
        %mul3A_370 = arith.muli %scan3A_101, %mul3A_369 : i32
        %add3A_371 = arith.addi %mul3A_92, %mul3A_370 : i32
        %add3A_372 = arith.constant 2 : i32
        %add3A_373 = arith.addi %add3A_371, %add3A_372 : i32
        %swap3A_374 = arith.index_cast %add3A_373 : i32 to index
        %swap3A_375 = tpu.vector_load %arg12[%swap3A_374] masked %eq3A_4 {strides = array<i32>} : memref<10016xf32, #tpu.memory_space<vmem>>, vector<16xf32>, vector<16xi1>
        tpu.vector_store %arg12[%swap3A_374], %cumsum3A_368 masked %eq3A_4 {strides = array<i32>} : memref<10016xf32, #tpu.memory_space<vmem>>, vector<16xf32>, vector<16xi1>
        %mul3A_376 = arith.constant 16 : i32
        %mul3A_377 = arith.muli %scan3A_101, %mul3A_376 : i32
        %add3A_378 = arith.constant 3 : i32
        %add3A_379 = arith.addi %mul3A_377, %add3A_378 : i32
        %get3A_380 = arith.index_cast %add3A_379 : i32 to index
        %get3A_381 = arith.constant 0 : index
        %get3A_382 = tpu.vector_load %arg9[%get3A_380, %get3A_381] {strides = array<i32>} : memref<80x64xi32, #tpu.memory_space<vmem>>, vector<16xi32>,
        %bitcast3A_383 = vector.bitcast %get3A_382 : vector<16xi32> to vector<32xbf16>
        %mul3A_384 = arith.constant 16 : i32
        %mul3A_385 = arith.muli %scan3A_101, %mul3A_384 : i32
        %add3A_386 = arith.constant 3 : i32
        %add3A_387 = arith.addi %mul3A_385, %add3A_386 : i32
        %get3A_388 = arith.index_cast %add3A_387 : i32 to index
        %get3A_389 = arith.constant 0 : index
        %get3A_390 = tpu.vector_load %arg11[%get3A_388, %get3A_389] {strides = array<i32>} : memref<80x64xi32, #tpu.memory_space<vmem>>, vector<16xi32>,
        %bitcast3A_391 = vector.bitcast %get3A_390 : vector<16xi32> to vector<32xbf16>
        %mul3A_392 = arith.mulf %bitcast3A_383, %bitcast3A_391 : vector<32xbf16>
        %unpack3A_393 = tpu.unpack_subelements %mul3A_392, 0 {pack_format = #tpu.pack_format<interleaved>} : vector<32xbf16> -> vector<16xf32>
        %unpack3A_394 = tpu.unpack_subelements %mul3A_392, 1 {pack_format = #tpu.pack_format<interleaved>} : vector<32xbf16> -> vector<16xf32>
        %add3A_395 = arith.addf %unpack3A_393, %unpack3A_394 : vector<16xf32>
        %mul3A_396 = arith.constant 16 : i32
        %mul3A_397 = arith.muli %scan3A_101, %mul3A_396 : i32
        %add3A_398 = arith.constant 3 : i32
        %add3A_399 = arith.addi %mul3A_397, %add3A_398 : i32
        %get3A_400 = arith.index_cast %add3A_399 : i32 to index
        %get3A_401 = arith.constant 16 : index
        %get3A_402 = tpu.vector_load %arg9[%get3A_400, %get3A_401] {strides = array<i32>} : memref<80x64xi32, #tpu.memory_space<vmem>>, vector<16xi32>,
        %bitcast3A_403 = vector.bitcast %get3A_402 : vector<16xi32> to vector<32xbf16>
        %mul3A_404 = arith.constant 16 : i32
        %mul3A_405 = arith.muli %scan3A_101, %mul3A_404 : i32
        %add3A_406 = arith.constant 3 : i32
        %add3A_407 = arith.addi %mul3A_405, %add3A_406 : i32
        %get3A_408 = arith.index_cast %add3A_407 : i32 to index
        %get3A_409 = arith.constant 16 : index
        %get3A_410 = tpu.vector_load %arg11[%get3A_408, %get3A_409] {strides = array<i32>} : memref<80x64xi32, #tpu.memory_space<vmem>>, vector<16xi32>,
        %bitcast3A_411 = vector.bitcast %get3A_410 : vector<16xi32> to vector<32xbf16>
        %mul3A_412 = arith.mulf %bitcast3A_403, %bitcast3A_411 : vector<32xbf16>
        %unpack3A_413 = tpu.unpack_subelements %mul3A_412, 0 {pack_format = #tpu.pack_format<interleaved>} : vector<32xbf16> -> vector<16xf32>
        %unpack3A_414 = tpu.unpack_subelements %mul3A_412, 1 {pack_format = #tpu.pack_format<interleaved>} : vector<32xbf16> -> vector<16xf32>
        %add3A_415 = arith.addf %unpack3A_413, %unpack3A_414 : vector<16xf32>
        %mul3A_416 = arith.constant 16 : i32
        %mul3A_417 = arith.muli %scan3A_101, %mul3A_416 : i32
        %add3A_418 = arith.constant 3 : i32
        %add3A_419 = arith.addi %mul3A_417, %add3A_418 : i32
        %get3A_420 = arith.index_cast %add3A_419 : i32 to index
        %get3A_421 = arith.constant 32 : index
        %get3A_422 = tpu.vector_load %arg9[%get3A_420, %get3A_421] {strides = array<i32>} : memref<80x64xi32, #tpu.memory_space<vmem>>, vector<16xi32>,
        %bitcast3A_423 = vector.bitcast %get3A_422 : vector<16xi32> to vector<32xbf16>
        %mul3A_424 = arith.constant 16 : i32
        %mul3A_425 = arith.muli %scan3A_101, %mul3A_424 : i32
        %add3A_426 = arith.constant 3 : i32
        %add3A_427 = arith.addi %mul3A_425, %add3A_426 : i32
        %get3A_428 = arith.index_cast %add3A_427 : i32 to index
        %get3A_429 = arith.constant 32 : index
        %get3A_430 = tpu.vector_load %arg11[%get3A_428, %get3A_429] {strides = array<i32>} : memref<80x64xi32, #tpu.memory_space<vmem>>, vector<16xi32>,
        %bitcast3A_431 = vector.bitcast %get3A_430 : vector<16xi32> to vector<32xbf16>
        %mul3A_432 = arith.mulf %bitcast3A_423, %bitcast3A_431 : vector<32xbf16>
        %unpack3A_433 = tpu.unpack_subelements %mul3A_432, 0 {pack_format = #tpu.pack_format<interleaved>} : vector<32xbf16> -> vector<16xf32>
        %unpack3A_434 = tpu.unpack_subelements %mul3A_432, 1 {pack_format = #tpu.pack_format<interleaved>} : vector<32xbf16> -> vector<16xf32>
        %add3A_435 = arith.addf %unpack3A_433, %unpack3A_434 : vector<16xf32>
        %mul3A_436 = arith.constant 16 : i32
        %mul3A_437 = arith.muli %scan3A_101, %mul3A_436 : i32
        %add3A_438 = arith.constant 3 : i32
        %add3A_439 = arith.addi %mul3A_437, %add3A_438 : i32
        %get3A_440 = arith.index_cast %add3A_439 : i32 to index
        %get3A_441 = arith.constant 48 : index
        %get3A_442 = tpu.vector_load %arg9[%get3A_440, %get3A_441] {strides = array<i32>} : memref<80x64xi32, #tpu.memory_space<vmem>>, vector<16xi32>,
        %bitcast3A_443 = vector.bitcast %get3A_442 : vector<16xi32> to vector<32xbf16>
        %mul3A_444 = arith.constant 16 : i32
        %mul3A_445 = arith.muli %scan3A_101, %mul3A_444 : i32
        %add3A_446 = arith.constant 3 : i32
        %add3A_447 = arith.addi %mul3A_445, %add3A_446 : i32
        %get3A_448 = arith.index_cast %add3A_447 : i32 to index
        %get3A_449 = arith.constant 48 : index
        %get3A_450 = tpu.vector_load %arg11[%get3A_448, %get3A_449] {strides = array<i32>} : memref<80x64xi32, #tpu.memory_space<vmem>>, vector<16xi32>,
        %bitcast3A_451 = vector.bitcast %get3A_450 : vector<16xi32> to vector<32xbf16>
        %mul3A_452 = arith.mulf %bitcast3A_443, %bitcast3A_451 : vector<32xbf16>
        %unpack3A_453 = tpu.unpack_subelements %mul3A_452, 0 {pack_format = #tpu.pack_format<interleaved>} : vector<32xbf16> -> vector<16xf32>
        %unpack3A_454 = tpu.unpack_subelements %mul3A_452, 1 {pack_format = #tpu.pack_format<interleaved>} : vector<32xbf16> -> vector<16xf32>
        %add3A_455 = arith.addf %unpack3A_453, %unpack3A_454 : vector<16xf32>
        %add3A_456 = arith.addf %add3A_395, %add3A_415 : vector<16xf32>
        %add3A_457 = arith.addf %add3A_435, %add3A_455 : vector<16xf32>
        %add3A_458 = arith.addf %add3A_456, %add3A_457 : vector<16xf32>
        %cumsum3A_459 = arith.constant true
        %cumsum3A_460 = vector.broadcast %cumsum3A_459 : i1 to vector<16xi1>
        %cumsum3A_461 = tpu.scan <sum>, %add3A_458 masked %cumsum3A_460 : vector<16xf32>, vector<16xi1> -> vector<16xf32>
        %mul3A_462 = arith.constant 16 : i32
        %mul3A_463 = arith.muli %scan3A_101, %mul3A_462 : i32
        %add3A_464 = arith.addi %mul3A_92, %mul3A_463 : i32
        %add3A_465 = arith.constant 3 : i32
        %add3A_466 = arith.addi %add3A_464, %add3A_465 : i32
        %swap3A_467 = arith.index_cast %add3A_466 : i32 to index
        %swap3A_468 = tpu.vector_load %arg12[%swap3A_467] masked %eq3A_4 {strides = array<i32>} : memref<10016xf32, #tpu.memory_space<vmem>>, vector<16xf32>, vector<16xi1>
        tpu.vector_store %arg12[%swap3A_467], %cumsum3A_461 masked %eq3A_4 {strides = array<i32>} : memref<10016xf32, #tpu.memory_space<vmem>>, vector<16xf32>, vector<16xi1>
        %mul3A_469 = arith.constant 16 : i32
        %mul3A_470 = arith.muli %scan3A_101, %mul3A_469 : i32
        %add3A_471 = arith.constant 4 : i32
        %add3A_472 = arith.addi %mul3A_470, %add3A_471 : i32
        %get3A_473 = arith.index_cast %add3A_472 : i32 to index
        %get3A_474 = arith.constant 0 : index
        %get3A_475 = tpu.vector_load %arg9[%get3A_473, %get3A_474] {strides = array<i32>} : memref<80x64xi32, #tpu.memory_space<vmem>>, vector<16xi32>,
        %bitcast3A_476 = vector.bitcast %get3A_475 : vector<16xi32> to vector<32xbf16>
        %mul3A_477 = arith.constant 16 : i32
        %mul3A_478 = arith.muli %scan3A_101, %mul3A_477 : i32
        %add3A_479 = arith.constant 4 : i32
        %add3A_480 = arith.addi %mul3A_478, %add3A_479 : i32
        %get3A_481 = arith.index_cast %add3A_480 : i32 to index
        %get3A_482 = arith.constant 0 : index
        %get3A_483 = tpu.vector_load %arg11[%get3A_481, %get3A_482] {strides = array<i32>} : memref<80x64xi32, #tpu.memory_space<vmem>>, vector<16xi32>,
        %bitcast3A_484 = vector.bitcast %get3A_483 : vector<16xi32> to vector<32xbf16>
        %mul3A_485 = arith.mulf %bitcast3A_476, %bitcast3A_484 : vector<32xbf16>
        %unpack3A_486 = tpu.unpack_subelements %mul3A_485, 0 {pack_format = #tpu.pack_format<interleaved>} : vector<32xbf16> -> vector<16xf32>
        %unpack3A_487 = tpu.unpack_subelements %mul3A_485, 1 {pack_format = #tpu.pack_format<interleaved>} : vector<32xbf16> -> vector<16xf32>
        %add3A_488 = arith.addf %unpack3A_486, %unpack3A_487 : vector<16xf32>
        %mul3A_489 = arith.constant 16 : i32
        %mul3A_490 = arith.muli %scan3A_101, %mul3A_489 : i32
        %add3A_491 = arith.constant 4 : i32
        %add3A_492 = arith.addi %mul3A_490, %add3A_491 : i32
        %get3A_493 = arith.index_cast %add3A_492 : i32 to index
        %get3A_494 = arith.constant 16 : index
        %get3A_495 = tpu.vector_load %arg9[%get3A_493, %get3A_494] {strides = array<i32>} : memref<80x64xi32, #tpu.memory_space<vmem>>, vector<16xi32>,
        %bitcast3A_496 = vector.bitcast %get3A_495 : vector<16xi32> to vector<32xbf16>
        %mul3A_497 = arith.constant 16 : i32
        %mul3A_498 = arith.muli %scan3A_101, %mul3A_497 : i32
        %add3A_499 = arith.constant 4 : i32
        %add3A_500 = arith.addi %mul3A_498, %add3A_499 : i32
        %get3A_501 = arith.index_cast %add3A_500 : i32 to index
        %get3A_502 = arith.constant 16 : index
        %get3A_503 = tpu.vector_load %arg11[%get3A_501, %get3A_502] {strides = array<i32>} : memref<80x64xi32, #tpu.memory_space<vmem>>, vector<16xi32>,
        %bitcast3A_504 = vector.bitcast %get3A_503 : vector<16xi32> to vector<32xbf16>
        %mul3A_505 = arith.mulf %bitcast3A_496, %bitcast3A_504 : vector<32xbf16>
        %unpack3A_506 = tpu.unpack_subelements %mul3A_505, 0 {pack_format = #tpu.pack_format<interleaved>} : vector<32xbf16> -> vector<16xf32>
        %unpack3A_507 = tpu.unpack_subelements %mul3A_505, 1 {pack_format = #tpu.pack_format<interleaved>} : vector<32xbf16> -> vector<16xf32>
        %add3A_508 = arith.addf %unpack3A_506, %unpack3A_507 : vector<16xf32>
        %mul3A_509 = arith.constant 16 : i32
        %mul3A_510 = arith.muli %scan3A_101, %mul3A_509 : i32
        %add3A_511 = arith.constant 4 : i32
        %add3A_512 = arith.addi %mul3A_510, %add3A_511 : i32
        %get3A_513 = arith.index_cast %add3A_512 : i32 to index
        %get3A_514 = arith.constant 32 : index
        %get3A_515 = tpu.vector_load %arg9[%get3A_513, %get3A_514] {strides = array<i32>} : memref<80x64xi32, #tpu.memory_space<vmem>>, vector<16xi32>,
        %bitcast3A_516 = vector.bitcast %get3A_515 : vector<16xi32> to vector<32xbf16>
        %mul3A_517 = arith.constant 16 : i32
        %mul3A_518 = arith.muli %scan3A_101, %mul3A_517 : i32
        %add3A_519 = arith.constant 4 : i32
        %add3A_520 = arith.addi %mul3A_518, %add3A_519 : i32
        %get3A_521 = arith.index_cast %add3A_520 : i32 to index
        %get3A_522 = arith.constant 32 : index
        %get3A_523 = tpu.vector_load %arg11[%get3A_521, %get3A_522] {strides = array<i32>} : memref<80x64xi32, #tpu.memory_space<vmem>>, vector<16xi32>,
        %bitcast3A_524 = vector.bitcast %get3A_523 : vector<16xi32> to vector<32xbf16>
        %mul3A_525 = arith.mulf %bitcast3A_516, %bitcast3A_524 : vector<32xbf16>
        %unpack3A_526 = tpu.unpack_subelements %mul3A_525, 0 {pack_format = #tpu.pack_format<interleaved>} : vector<32xbf16> -> vector<16xf32>
        %unpack3A_527 = tpu.unpack_subelements %mul3A_525, 1 {pack_format = #tpu.pack_format<interleaved>} : vector<32xbf16> -> vector<16xf32>
        %add3A_528 = arith.addf %unpack3A_526, %unpack3A_527 : vector<16xf32>
        %mul3A_529 = arith.constant 16 : i32
        %mul3A_530 = arith.muli %scan3A_101, %mul3A_529 : i32
        %add3A_531 = arith.constant 4 : i32
        %add3A_532 = arith.addi %mul3A_530, %add3A_531 : i32
        %get3A_533 = arith.index_cast %add3A_532 : i32 to index
        %get3A_534 = arith.constant 48 : index
        %get3A_535 = tpu.vector_load %arg9[%get3A_533, %get3A_534] {strides = array<i32>} : memref<80x64xi32, #tpu.memory_space<vmem>>, vector<16xi32>,
        %bitcast3A_536 = vector.bitcast %get3A_535 : vector<16xi32> to vector<32xbf16>
        %mul3A_537 = arith.constant 16 : i32
        %mul3A_538 = arith.muli %scan3A_101, %mul3A_537 : i32
        %add3A_539 = arith.constant 4 : i32
        %add3A_540 = arith.addi %mul3A_538, %add3A_539 : i32
        %get3A_541 = arith.index_cast %add3A_540 : i32 to index
        %get3A_542 = arith.constant 48 : index
        %get3A_543 = tpu.vector_load %arg11[%get3A_541, %get3A_542] {strides = array<i32>} : memref<80x64xi32, #tpu.memory_space<vmem>>, vector<16xi32>,
        %bitcast3A_544 = vector.bitcast %get3A_543 : vector<16xi32> to vector<32xbf16>
        %mul3A_545 = arith.mulf %bitcast3A_536, %bitcast3A_544 : vector<32xbf16>
        %unpack3A_546 = tpu.unpack_subelements %mul3A_545, 0 {pack_format = #tpu.pack_format<interleaved>} : vector<32xbf16> -> vector<16xf32>
        %unpack3A_547 = tpu.unpack_subelements %mul3A_545, 1 {pack_format = #tpu.pack_format<interleaved>} : vector<32xbf16> -> vector<16xf32>
        %add3A_548 = arith.addf %unpack3A_546, %unpack3A_547 : vector<16xf32>
        %add3A_549 = arith.addf %add3A_488, %add3A_508 : vector<16xf32>
        %add3A_550 = arith.addf %add3A_528, %add3A_548 : vector<16xf32>
        %add3A_551 = arith.addf %add3A_549, %add3A_550 : vector<16xf32>
        %cumsum3A_552 = arith.constant true
        %cumsum3A_553 = vector.broadcast %cumsum3A_552 : i1 to vector<16xi1>
        %cumsum3A_554 = tpu.scan <sum>, %add3A_551 masked %cumsum3A_553 : vector<16xf32>, vector<16xi1> -> vector<16xf32>
        %mul3A_555 = arith.constant 16 : i32
        %mul3A_556 = arith.muli %scan3A_101, %mul3A_555 : i32
        %add3A_557 = arith.addi %mul3A_92, %mul3A_556 : i32
        %add3A_558 = arith.constant 4 : i32
        %add3A_559 = arith.addi %add3A_557, %add3A_558 : i32
        %swap3A_560 = arith.index_cast %add3A_559 : i32 to index
        %swap3A_561 = tpu.vector_load %arg12[%swap3A_560] masked %eq3A_4 {strides = array<i32>} : memref<10016xf32, #tpu.memory_space<vmem>>, vector<16xf32>, vector<16xi1>
        tpu.vector_store %arg12[%swap3A_560], %cumsum3A_554 masked %eq3A_4 {strides = array<i32>} : memref<10016xf32, #tpu.memory_space<vmem>>, vector<16xf32>, vector<16xi1>
        %mul3A_562 = arith.constant 16 : i32
        %mul3A_563 = arith.muli %scan3A_101, %mul3A_562 : i32
        %add3A_564 = arith.constant 5 : i32
        %add3A_565 = arith.addi %mul3A_563, %add3A_564 : i32
        %get3A_566 = arith.index_cast %add3A_565 : i32 to index
        %get3A_567 = arith.constant 0 : index
        %get3A_568 = tpu.vector_load %arg9[%get3A_566, %get3A_567] {strides = array<i32>} : memref<80x64xi32, #tpu.memory_space<vmem>>, vector<16xi32>,
        %bitcast3A_569 = vector.bitcast %get3A_568 : vector<16xi32> to vector<32xbf16>
        %mul3A_570 = arith.constant 16 : i32
        %mul3A_571 = arith.muli %scan3A_101, %mul3A_570 : i32
        %add3A_572 = arith.constant 5 : i32
        %add3A_573 = arith.addi %mul3A_571, %add3A_572 : i32
        %get3A_574 = arith.index_cast %add3A_573 : i32 to index
        %get3A_575 = arith.constant 0 : index
        %get3A_576 = tpu.vector_load %arg11[%get3A_574, %get3A_575] {strides = array<i32>} : memref<80x64xi32, #tpu.memory_space<vmem>>, vector<16xi32>,
        %bitcast3A_577 = vector.bitcast %get3A_576 : vector<16xi32> to vector<32xbf16>
        %mul3A_578 = arith.mulf %bitcast3A_569, %bitcast3A_577 : vector<32xbf16>
        %unpack3A_579 = tpu.unpack_subelements %mul3A_578, 0 {pack_format = #tpu.pack_format<interleaved>} : vector<32xbf16> -> vector<16xf32>
        %unpack3A_580 = tpu.unpack_subelements %mul3A_578, 1 {pack_format = #tpu.pack_format<interleaved>} : vector<32xbf16> -> vector<16xf32>
        %add3A_581 = arith.addf %unpack3A_579, %unpack3A_580 : vector<16xf32>
        %mul3A_582 = arith.constant 16 : i32
        %mul3A_583 = arith.muli %scan3A_101, %mul3A_582 : i32
        %add3A_584 = arith.constant 5 : i32
        %add3A_585 = arith.addi %mul3A_583, %add3A_584 : i32
        %get3A_586 = arith.index_cast %add3A_585 : i32 to index
        %get3A_587 = arith.constant 16 : index
        %get3A_588 = tpu.vector_load %arg9[%get3A_586, %get3A_587] {strides = array<i32>} : memref<80x64xi32, #tpu.memory_space<vmem>>, vector<16xi32>,
        %bitcast3A_589 = vector.bitcast %get3A_588 : vector<16xi32> to vector<32xbf16>
        %mul3A_590 = arith.constant 16 : i32
        %mul3A_591 = arith.muli %scan3A_101, %mul3A_590 : i32
        %add3A_592 = arith.constant 5 : i32
        %add3A_593 = arith.addi %mul3A_591, %add3A_592 : i32
        %get3A_594 = arith.index_cast %add3A_593 : i32 to index
        %get3A_595 = arith.constant 16 : index
        %get3A_596 = tpu.vector_load %arg11[%get3A_594, %get3A_595] {strides = array<i32>} : memref<80x64xi32, #tpu.memory_space<vmem>>, vector<16xi32>,
        %bitcast3A_597 = vector.bitcast %get3A_596 : vector<16xi32> to vector<32xbf16>
        %mul3A_598 = arith.mulf %bitcast3A_589, %bitcast3A_597 : vector<32xbf16>
        %unpack3A_599 = tpu.unpack_subelements %mul3A_598, 0 {pack_format = #tpu.pack_format<interleaved>} : vector<32xbf16> -> vector<16xf32>
        %unpack3A_600 = tpu.unpack_subelements %mul3A_598, 1 {pack_format = #tpu.pack_format<interleaved>} : vector<32xbf16> -> vector<16xf32>
        %add3A_601 = arith.addf %unpack3A_599, %unpack3A_600 : vector<16xf32>
        %mul3A_602 = arith.constant 16 : i32
        %mul3A_603 = arith.muli %scan3A_101, %mul3A_602 : i32
        %add3A_604 = arith.constant 5 : i32
        %add3A_605 = arith.addi %mul3A_603, %add3A_604 : i32
        %get3A_606 = arith.index_cast %add3A_605 : i32 to index
        %get3A_607 = arith.constant 32 : index
        %get3A_608 = tpu.vector_load %arg9[%get3A_606, %get3A_607] {strides = array<i32>} : memref<80x64xi32, #tpu.memory_space<vmem>>, vector<16xi32>,
        %bitcast3A_609 = vector.bitcast %get3A_608 : vector<16xi32> to vector<32xbf16>
        %mul3A_610 = arith.constant 16 : i32
        %mul3A_611 = arith.muli %scan3A_101, %mul3A_610 : i32
        %add3A_612 = arith.constant 5 : i32
        %add3A_613 = arith.addi %mul3A_611, %add3A_612 : i32
        %get3A_614 = arith.index_cast %add3A_613 : i32 to index
        %get3A_615 = arith.constant 32 : index
        %get3A_616 = tpu.vector_load %arg11[%get3A_614, %get3A_615] {strides = array<i32>} : memref<80x64xi32, #tpu.memory_space<vmem>>, vector<16xi32>,
        %bitcast3A_617 = vector.bitcast %get3A_616 : vector<16xi32> to vector<32xbf16>
        %mul3A_618 = arith.mulf %bitcast3A_609, %bitcast3A_617 : vector<32xbf16>
        %unpack3A_619 = tpu.unpack_subelements %mul3A_618, 0 {pack_format = #tpu.pack_format<interleaved>} : vector<32xbf16> -> vector<16xf32>
        %unpack3A_620 = tpu.unpack_subelements %mul3A_618, 1 {pack_format = #tpu.pack_format<interleaved>} : vector<32xbf16> -> vector<16xf32>
        %add3A_621 = arith.addf %unpack3A_619, %unpack3A_620 : vector<16xf32>
        %mul3A_622 = arith.constant 16 : i32
        %mul3A_623 = arith.muli %scan3A_101, %mul3A_622 : i32
        %add3A_624 = arith.constant 5 : i32
        %add3A_625 = arith.addi %mul3A_623, %add3A_624 : i32
        %get3A_626 = arith.index_cast %add3A_625 : i32 to index
        %get3A_627 = arith.constant 48 : index
        %get3A_628 = tpu.vector_load %arg9[%get3A_626, %get3A_627] {strides = array<i32>} : memref<80x64xi32, #tpu.memory_space<vmem>>, vector<16xi32>,
        %bitcast3A_629 = vector.bitcast %get3A_628 : vector<16xi32> to vector<32xbf16>
        %mul3A_630 = arith.constant 16 : i32
        %mul3A_631 = arith.muli %scan3A_101, %mul3A_630 : i32
        %add3A_632 = arith.constant 5 : i32
        %add3A_633 = arith.addi %mul3A_631, %add3A_632 : i32
        %get3A_634 = arith.index_cast %add3A_633 : i32 to index
        %get3A_635 = arith.constant 48 : index
        %get3A_636 = tpu.vector_load %arg11[%get3A_634, %get3A_635] {strides = array<i32>} : memref<80x64xi32, #tpu.memory_space<vmem>>, vector<16xi32>,
        %bitcast3A_637 = vector.bitcast %get3A_636 : vector<16xi32> to vector<32xbf16>
        %mul3A_638 = arith.mulf %bitcast3A_629, %bitcast3A_637 : vector<32xbf16>
        %unpack3A_639 = tpu.unpack_subelements %mul3A_638, 0 {pack_format = #tpu.pack_format<interleaved>} : vector<32xbf16> -> vector<16xf32>
        %unpack3A_640 = tpu.unpack_subelements %mul3A_638, 1 {pack_format = #tpu.pack_format<interleaved>} : vector<32xbf16> -> vector<16xf32>
        %add3A_641 = arith.addf %unpack3A_639, %unpack3A_640 : vector<16xf32>
        %add3A_642 = arith.addf %add3A_581, %add3A_601 : vector<16xf32>
        %add3A_643 = arith.addf %add3A_621, %add3A_641 : vector<16xf32>
        %add3A_644 = arith.addf %add3A_642, %add3A_643 : vector<16xf32>
        %cumsum3A_645 = arith.constant true
        %cumsum3A_646 = vector.broadcast %cumsum3A_645 : i1 to vector<16xi1>
        %cumsum3A_647 = tpu.scan <sum>, %add3A_644 masked %cumsum3A_646 : vector<16xf32>, vector<16xi1> -> vector<16xf32>
        %mul3A_648 = arith.constant 16 : i32
        %mul3A_649 = arith.muli %scan3A_101, %mul3A_648 : i32
        %add3A_650 = arith.addi %mul3A_92, %mul3A_649 : i32
        %add3A_651 = arith.constant 5 : i32
        %add3A_652 = arith.addi %add3A_650, %add3A_651 : i32
        %swap3A_653 = arith.index_cast %add3A_652 : i32 to index
        %swap3A_654 = tpu.vector_load %arg12[%swap3A_653] masked %eq3A_4 {strides = array<i32>} : memref<10016xf32, #tpu.memory_space<vmem>>, vector<16xf32>, vector<16xi1>
        tpu.vector_store %arg12[%swap3A_653], %cumsum3A_647 masked %eq3A_4 {strides = array<i32>} : memref<10016xf32, #tpu.memory_space<vmem>>, vector<16xf32>, vector<16xi1>
        %mul3A_655 = arith.constant 16 : i32
        %mul3A_656 = arith.muli %scan3A_101, %mul3A_655 : i32
        %add3A_657 = arith.constant 6 : i32
        %add3A_658 = arith.addi %mul3A_656, %add3A_657 : i32
        %get3A_659 = arith.index_cast %add3A_658 : i32 to index
        %get3A_660 = arith.constant 0 : index
        %get3A_661 = tpu.vector_load %arg9[%get3A_659, %get3A_660] {strides = array<i32>} : memref<80x64xi32, #tpu.memory_space<vmem>>, vector<16xi32>,
        %bitcast3A_662 = vector.bitcast %get3A_661 : vector<16xi32> to vector<32xbf16>
        %mul3A_663 = arith.constant 16 : i32
        %mul3A_664 = arith.muli %scan3A_101, %mul3A_663 : i32
        %add3A_665 = arith.constant 6 : i32
        %add3A_666 = arith.addi %mul3A_664, %add3A_665 : i32
        %get3A_667 = arith.index_cast %add3A_666 : i32 to index
        %get3A_668 = arith.constant 0 : index
        %get3A_669 = tpu.vector_load %arg11[%get3A_667, %get3A_668] {strides = array<i32>} : memref<80x64xi32, #tpu.memory_space<vmem>>, vector<16xi32>,
        %bitcast3A_670 = vector.bitcast %get3A_669 : vector<16xi32> to vector<32xbf16>
        %mul3A_671 = arith.mulf %bitcast3A_662, %bitcast3A_670 : vector<32xbf16>
        %unpack3A_672 = tpu.unpack_subelements %mul3A_671, 0 {pack_format = #tpu.pack_format<interleaved>} : vector<32xbf16> -> vector<16xf32>
        %unpack3A_673 = tpu.unpack_subelements %mul3A_671, 1 {pack_format = #tpu.pack_format<interleaved>} : vector<32xbf16> -> vector<16xf32>
        %add3A_674 = arith.addf %unpack3A_672, %unpack3A_673 : vector<16xf32>
        %mul3A_675 = arith.constant 16 : i32
        %mul3A_676 = arith.muli %scan3A_101, %mul3A_675 : i32
        %add3A_677 = arith.constant 6 : i32
        %add3A_678 = arith.addi %mul3A_676, %add3A_677 : i32
        %get3A_679 = arith.index_cast %add3A_678 : i32 to index
        %get3A_680 = arith.constant 16 : index
        %get3A_681 = tpu.vector_load %arg9[%get3A_679, %get3A_680] {strides = array<i32>} : memref<80x64xi32, #tpu.memory_space<vmem>>, vector<16xi32>,
        %bitcast3A_682 = vector.bitcast %get3A_681 : vector<16xi32> to vector<32xbf16>
        %mul3A_683 = arith.constant 16 : i32
        %mul3A_684 = arith.muli %scan3A_101, %mul3A_683 : i32
        %add3A_685 = arith.constant 6 : i32
        %add3A_686 = arith.addi %mul3A_684, %add3A_685 : i32
        %get3A_687 = arith.index_cast %add3A_686 : i32 to index
        %get3A_688 = arith.constant 16 : index
        %get3A_689 = tpu.vector_load %arg11[%get3A_687, %get3A_688] {strides = array<i32>} : memref<80x64xi32, #tpu.memory_space<vmem>>, vector<16xi32>,
        %bitcast3A_690 = vector.bitcast %get3A_689 : vector<16xi32> to vector<32xbf16>
        %mul3A_691 = arith.mulf %bitcast3A_682, %bitcast3A_690 : vector<32xbf16>
        %unpack3A_692 = tpu.unpack_subelements %mul3A_691, 0 {pack_format = #tpu.pack_format<interleaved>} : vector<32xbf16> -> vector<16xf32>
        %unpack3A_693 = tpu.unpack_subelements %mul3A_691, 1 {pack_format = #tpu.pack_format<interleaved>} : vector<32xbf16> -> vector<16xf32>
        %add3A_694 = arith.addf %unpack3A_692, %unpack3A_693 : vector<16xf32>
        %mul3A_695 = arith.constant 16 : i32
        %mul3A_696 = arith.muli %scan3A_101, %mul3A_695 : i32
        %add3A_697 = arith.constant 6 : i32
        %add3A_698 = arith.addi %mul3A_696, %add3A_697 : i32
        %get3A_699 = arith.index_cast %add3A_698 : i32 to index
        %get3A_700 = arith.constant 32 : index
        %get3A_701 = tpu.vector_load %arg9[%get3A_699, %get3A_700] {strides = array<i32>} : memref<80x64xi32, #tpu.memory_space<vmem>>, vector<16xi32>,
        %bitcast3A_702 = vector.bitcast %get3A_701 : vector<16xi32> to vector<32xbf16>
        %mul3A_703 = arith.constant 16 : i32
        %mul3A_704 = arith.muli %scan3A_101, %mul3A_703 : i32
        %add3A_705 = arith.constant 6 : i32
        %add3A_706 = arith.addi %mul3A_704, %add3A_705 : i32
        %get3A_707 = arith.index_cast %add3A_706 : i32 to index
        %get3A_708 = arith.constant 32 : index
        %get3A_709 = tpu.vector_load %arg11[%get3A_707, %get3A_708] {strides = array<i32>} : memref<80x64xi32, #tpu.memory_space<vmem>>, vector<16xi32>,
        %bitcast3A_710 = vector.bitcast %get3A_709 : vector<16xi32> to vector<32xbf16>
        %mul3A_711 = arith.mulf %bitcast3A_702, %bitcast3A_710 : vector<32xbf16>
        %unpack3A_712 = tpu.unpack_subelements %mul3A_711, 0 {pack_format = #tpu.pack_format<interleaved>} : vector<32xbf16> -> vector<16xf32>
        %unpack3A_713 = tpu.unpack_subelements %mul3A_711, 1 {pack_format = #tpu.pack_format<interleaved>} : vector<32xbf16> -> vector<16xf32>
        %add3A_714 = arith.addf %unpack3A_712, %unpack3A_713 : vector<16xf32>
        %mul3A_715 = arith.constant 16 : i32
        %mul3A_716 = arith.muli %scan3A_101, %mul3A_715 : i32
        %add3A_717 = arith.constant 6 : i32
        %add3A_718 = arith.addi %mul3A_716, %add3A_717 : i32
        %get3A_719 = arith.index_cast %add3A_718 : i32 to index
        %get3A_720 = arith.constant 48 : index
        %get3A_721 = tpu.vector_load %arg9[%get3A_719, %get3A_720] {strides = array<i32>} : memref<80x64xi32, #tpu.memory_space<vmem>>, vector<16xi32>,
        %bitcast3A_722 = vector.bitcast %get3A_721 : vector<16xi32> to vector<32xbf16>
        %mul3A_723 = arith.constant 16 : i32
        %mul3A_724 = arith.muli %scan3A_101, %mul3A_723 : i32
        %add3A_725 = arith.constant 6 : i32
        %add3A_726 = arith.addi %mul3A_724, %add3A_725 : i32
        %get3A_727 = arith.index_cast %add3A_726 : i32 to index
        %get3A_728 = arith.constant 48 : index
        %get3A_729 = tpu.vector_load %arg11[%get3A_727, %get3A_728] {strides = array<i32>} : memref<80x64xi32, #tpu.memory_space<vmem>>, vector<16xi32>,
        %bitcast3A_730 = vector.bitcast %get3A_729 : vector<16xi32> to vector<32xbf16>
        %mul3A_731 = arith.mulf %bitcast3A_722, %bitcast3A_730 : vector<32xbf16>
        %unpack3A_732 = tpu.unpack_subelements %mul3A_731, 0 {pack_format = #tpu.pack_format<interleaved>} : vector<32xbf16> -> vector<16xf32>
        %unpack3A_733 = tpu.unpack_subelements %mul3A_731, 1 {pack_format = #tpu.pack_format<interleaved>} : vector<32xbf16> -> vector<16xf32>
        %add3A_734 = arith.addf %unpack3A_732, %unpack3A_733 : vector<16xf32>
        %add3A_735 = arith.addf %add3A_674, %add3A_694 : vector<16xf32>
        %add3A_736 = arith.addf %add3A_714, %add3A_734 : vector<16xf32>
        %add3A_737 = arith.addf %add3A_735, %add3A_736 : vector<16xf32>
        %cumsum3A_738 = arith.constant true
        %cumsum3A_739 = vector.broadcast %cumsum3A_738 : i1 to vector<16xi1>
        %cumsum3A_740 = tpu.scan <sum>, %add3A_737 masked %cumsum3A_739 : vector<16xf32>, vector<16xi1> -> vector<16xf32>
        %mul3A_741 = arith.constant 16 : i32
        %mul3A_742 = arith.muli %scan3A_101, %mul3A_741 : i32
        %add3A_743 = arith.addi %mul3A_92, %mul3A_742 : i32
        %add3A_744 = arith.constant 6 : i32
        %add3A_745 = arith.addi %add3A_743, %add3A_744 : i32
        %swap3A_746 = arith.index_cast %add3A_745 : i32 to index
        %swap3A_747 = tpu.vector_load %arg12[%swap3A_746] masked %eq3A_4 {strides = array<i32>} : memref<10016xf32, #tpu.memory_space<vmem>>, vector<16xf32>, vector<16xi1>
        tpu.vector_store %arg12[%swap3A_746], %cumsum3A_740 masked %eq3A_4 {strides = array<i32>} : memref<10016xf32, #tpu.memory_space<vmem>>, vector<16xf32>, vector<16xi1>
        %mul3A_748 = arith.constant 16 : i32
        %mul3A_749 = arith.muli %scan3A_101, %mul3A_748 : i32
        %add3A_750 = arith.constant 7 : i32
        %add3A_751 = arith.addi %mul3A_749, %add3A_750 : i32
        %get3A_752 = arith.index_cast %add3A_751 : i32 to index
        %get3A_753 = arith.constant 0 : index
        %get3A_754 = tpu.vector_load %arg9[%get3A_752, %get3A_753] {strides = array<i32>} : memref<80x64xi32, #tpu.memory_space<vmem>>, vector<16xi32>,
        %bitcast3A_755 = vector.bitcast %get3A_754 : vector<16xi32> to vector<32xbf16>
        %mul3A_756 = arith.constant 16 : i32
        %mul3A_757 = arith.muli %scan3A_101, %mul3A_756 : i32
        %add3A_758 = arith.constant 7 : i32
        %add3A_759 = arith.addi %mul3A_757, %add3A_758 : i32
        %get3A_760 = arith.index_cast %add3A_759 : i32 to index
        %get3A_761 = arith.constant 0 : index
        %get3A_762 = tpu.vector_load %arg11[%get3A_760, %get3A_761] {strides = array<i32>} : memref<80x64xi32, #tpu.memory_space<vmem>>, vector<16xi32>,
        %bitcast3A_763 = vector.bitcast %get3A_762 : vector<16xi32> to vector<32xbf16>
        %mul3A_764 = arith.mulf %bitcast3A_755, %bitcast3A_763 : vector<32xbf16>
        %unpack3A_765 = tpu.unpack_subelements %mul3A_764, 0 {pack_format = #tpu.pack_format<interleaved>} : vector<32xbf16> -> vector<16xf32>
        %unpack3A_766 = tpu.unpack_subelements %mul3A_764, 1 {pack_format = #tpu.pack_format<interleaved>} : vector<32xbf16> -> vector<16xf32>
        %add3A_767 = arith.addf %unpack3A_765, %unpack3A_766 : vector<16xf32>
        %mul3A_768 = arith.constant 16 : i32
        %mul3A_769 = arith.muli %scan3A_101, %mul3A_768 : i32
        %add3A_770 = arith.constant 7 : i32
        %add3A_771 = arith.addi %mul3A_769, %add3A_770 : i32
        %get3A_772 = arith.index_cast %add3A_771 : i32 to index
        %get3A_773 = arith.constant 16 : index
        %get3A_774 = tpu.vector_load %arg9[%get3A_772, %get3A_773] {strides = array<i32>} : memref<80x64xi32, #tpu.memory_space<vmem>>, vector<16xi32>,
        %bitcast3A_775 = vector.bitcast %get3A_774 : vector<16xi32> to vector<32xbf16>
        %mul3A_776 = arith.constant 16 : i32
        %mul3A_777 = arith.muli %scan3A_101, %mul3A_776 : i32
        %add3A_778 = arith.constant 7 : i32
        %add3A_779 = arith.addi %mul3A_777, %add3A_778 : i32
        %get3A_780 = arith.index_cast %add3A_779 : i32 to index
        %get3A_781 = arith.constant 16 : index
        %get3A_782 = tpu.vector_load %arg11[%get3A_780, %get3A_781] {strides = array<i32>} : memref<80x64xi32, #tpu.memory_space<vmem>>, vector<16xi32>,
        %bitcast3A_783 = vector.bitcast %get3A_782 : vector<16xi32> to vector<32xbf16>
        %mul3A_784 = arith.mulf %bitcast3A_775, %bitcast3A_783 : vector<32xbf16>
        %unpack3A_785 = tpu.unpack_subelements %mul3A_784, 0 {pack_format = #tpu.pack_format<interleaved>} : vector<32xbf16> -> vector<16xf32>
        %unpack3A_786 = tpu.unpack_subelements %mul3A_784, 1 {pack_format = #tpu.pack_format<interleaved>} : vector<32xbf16> -> vector<16xf32>
        %add3A_787 = arith.addf %unpack3A_785, %unpack3A_786 : vector<16xf32>
        %mul3A_788 = arith.constant 16 : i32
        %mul3A_789 = arith.muli %scan3A_101, %mul3A_788 : i32
        %add3A_790 = arith.constant 7 : i32
        %add3A_791 = arith.addi %mul3A_789, %add3A_790 : i32
        %get3A_792 = arith.index_cast %add3A_791 : i32 to index
        %get3A_793 = arith.constant 32 : index
        %get3A_794 = tpu.vector_load %arg9[%get3A_792, %get3A_793] {strides = array<i32>} : memref<80x64xi32, #tpu.memory_space<vmem>>, vector<16xi32>,
        %bitcast3A_795 = vector.bitcast %get3A_794 : vector<16xi32> to vector<32xbf16>
        %mul3A_796 = arith.constant 16 : i32
        %mul3A_797 = arith.muli %scan3A_101, %mul3A_796 : i32
        %add3A_798 = arith.constant 7 : i32
        %add3A_799 = arith.addi %mul3A_797, %add3A_798 : i32
        %get3A_800 = arith.index_cast %add3A_799 : i32 to index
        %get3A_801 = arith.constant 32 : index
        %get3A_802 = tpu.vector_load %arg11[%get3A_800, %get3A_801] {strides = array<i32>} : memref<80x64xi32, #tpu.memory_space<vmem>>, vector<16xi32>,
        %bitcast3A_803 = vector.bitcast %get3A_802 : vector<16xi32> to vector<32xbf16>
        %mul3A_804 = arith.mulf %bitcast3A_795, %bitcast3A_803 : vector<32xbf16>
        %unpack3A_805 = tpu.unpack_subelements %mul3A_804, 0 {pack_format = #tpu.pack_format<interleaved>} : vector<32xbf16> -> vector<16xf32>
        %unpack3A_806 = tpu.unpack_subelements %mul3A_804, 1 {pack_format = #tpu.pack_format<interleaved>} : vector<32xbf16> -> vector<16xf32>
        %add3A_807 = arith.addf %unpack3A_805, %unpack3A_806 : vector<16xf32>
        %mul3A_808 = arith.constant 16 : i32
        %mul3A_809 = arith.muli %scan3A_101, %mul3A_808 : i32
        %add3A_810 = arith.constant 7 : i32
        %add3A_811 = arith.addi %mul3A_809, %add3A_810 : i32
        %get3A_812 = arith.index_cast %add3A_811 : i32 to index
        %get3A_813 = arith.constant 48 : index
        %get3A_814 = tpu.vector_load %arg9[%get3A_812, %get3A_813] {strides = array<i32>} : memref<80x64xi32, #tpu.memory_space<vmem>>, vector<16xi32>,
        %bitcast3A_815 = vector.bitcast %get3A_814 : vector<16xi32> to vector<32xbf16>
        %mul3A_816 = arith.constant 16 : i32
        %mul3A_817 = arith.muli %scan3A_101, %mul3A_816 : i32
        %add3A_818 = arith.constant 7 : i32
        %add3A_819 = arith.addi %mul3A_817, %add3A_818 : i32
        %get3A_820 = arith.index_cast %add3A_819 : i32 to index
        %get3A_821 = arith.constant 48 : index
        %get3A_822 = tpu.vector_load %arg11[%get3A_820, %get3A_821] {strides = array<i32>} : memref<80x64xi32, #tpu.memory_space<vmem>>, vector<16xi32>,
        %bitcast3A_823 = vector.bitcast %get3A_822 : vector<16xi32> to vector<32xbf16>
        %mul3A_824 = arith.mulf %bitcast3A_815, %bitcast3A_823 : vector<32xbf16>
        %unpack3A_825 = tpu.unpack_subelements %mul3A_824, 0 {pack_format = #tpu.pack_format<interleaved>} : vector<32xbf16> -> vector<16xf32>
        %unpack3A_826 = tpu.unpack_subelements %mul3A_824, 1 {pack_format = #tpu.pack_format<interleaved>} : vector<32xbf16> -> vector<16xf32>
        %add3A_827 = arith.addf %unpack3A_825, %unpack3A_826 : vector<16xf32>
        %add3A_828 = arith.addf %add3A_767, %add3A_787 : vector<16xf32>
        %add3A_829 = arith.addf %add3A_807, %add3A_827 : vector<16xf32>
        %add3A_830 = arith.addf %add3A_828, %add3A_829 : vector<16xf32>
        %cumsum3A_831 = arith.constant true
        %cumsum3A_832 = vector.broadcast %cumsum3A_831 : i1 to vector<16xi1>
        %cumsum3A_833 = tpu.scan <sum>, %add3A_830 masked %cumsum3A_832 : vector<16xf32>, vector<16xi1> -> vector<16xf32>
        %mul3A_834 = arith.constant 16 : i32
        %mul3A_835 = arith.muli %scan3A_101, %mul3A_834 : i32
        %add3A_836 = arith.addi %mul3A_92, %mul3A_835 : i32
        %add3A_837 = arith.constant 7 : i32
        %add3A_838 = arith.addi %add3A_836, %add3A_837 : i32
        %swap3A_839 = arith.index_cast %add3A_838 : i32 to index
        %swap3A_840 = tpu.vector_load %arg12[%swap3A_839] masked %eq3A_4 {strides = array<i32>} : memref<10016xf32, #tpu.memory_space<vmem>>, vector<16xf32>, vector<16xi1>
        tpu.vector_store %arg12[%swap3A_839], %cumsum3A_833 masked %eq3A_4 {strides = array<i32>} : memref<10016xf32, #tpu.memory_space<vmem>>, vector<16xf32>, vector<16xi1>
        %mul3A_841 = arith.constant 16 : i32
        %mul3A_842 = arith.muli %scan3A_101, %mul3A_841 : i32
        %add3A_843 = arith.constant 8 : i32
        %add3A_844 = arith.addi %mul3A_842, %add3A_843 : i32
        %get3A_845 = arith.index_cast %add3A_844 : i32 to index
        %get3A_846 = arith.constant 0 : index
        %get3A_847 = tpu.vector_load %arg9[%get3A_845, %get3A_846] {strides = array<i32>} : memref<80x64xi32, #tpu.memory_space<vmem>>, vector<16xi32>,
        %bitcast3A_848 = vector.bitcast %get3A_847 : vector<16xi32> to vector<32xbf16>
        %mul3A_849 = arith.constant 16 : i32
        %mul3A_850 = arith.muli %scan3A_101, %mul3A_849 : i32
        %add3A_851 = arith.constant 8 : i32
        %add3A_852 = arith.addi %mul3A_850, %add3A_851 : i32
        %get3A_853 = arith.index_cast %add3A_852 : i32 to index
        %get3A_854 = arith.constant 0 : index
        %get3A_855 = tpu.vector_load %arg11[%get3A_853, %get3A_854] {strides = array<i32>} : memref<80x64xi32, #tpu.memory_space<vmem>>, vector<16xi32>,
        %bitcast3A_856 = vector.bitcast %get3A_855 : vector<16xi32> to vector<32xbf16>
        %mul3A_857 = arith.mulf %bitcast3A_848, %bitcast3A_856 : vector<32xbf16>
        %unpack3A_858 = tpu.unpack_subelements %mul3A_857, 0 {pack_format = #tpu.pack_format<interleaved>} : vector<32xbf16> -> vector<16xf32>
        %unpack3A_859 = tpu.unpack_subelements %mul3A_857, 1 {pack_format = #tpu.pack_format<interleaved>} : vector<32xbf16> -> vector<16xf32>
        %add3A_860 = arith.addf %unpack3A_858, %unpack3A_859 : vector<16xf32>
        %mul3A_861 = arith.constant 16 : i32
        %mul3A_862 = arith.muli %scan3A_101, %mul3A_861 : i32
        %add3A_863 = arith.constant 8 : i32
        %add3A_864 = arith.addi %mul3A_862, %add3A_863 : i32
        %get3A_865 = arith.index_cast %add3A_864 : i32 to index
        %get3A_866 = arith.constant 16 : index
        %get3A_867 = tpu.vector_load %arg9[%get3A_865, %get3A_866] {strides = array<i32>} : memref<80x64xi32, #tpu.memory_space<vmem>>, vector<16xi32>,
        %bitcast3A_868 = vector.bitcast %get3A_867 : vector<16xi32> to vector<32xbf16>
        %mul3A_869 = arith.constant 16 : i32
        %mul3A_870 = arith.muli %scan3A_101, %mul3A_869 : i32
        %add3A_871 = arith.constant 8 : i32
        %add3A_872 = arith.addi %mul3A_870, %add3A_871 : i32
        %get3A_873 = arith.index_cast %add3A_872 : i32 to index
        %get3A_874 = arith.constant 16 : index
        %get3A_875 = tpu.vector_load %arg11[%get3A_873, %get3A_874] {strides = array<i32>} : memref<80x64xi32, #tpu.memory_space<vmem>>, vector<16xi32>,
        %bitcast3A_876 = vector.bitcast %get3A_875 : vector<16xi32> to vector<32xbf16>
        %mul3A_877 = arith.mulf %bitcast3A_868, %bitcast3A_876 : vector<32xbf16>
        %unpack3A_878 = tpu.unpack_subelements %mul3A_877, 0 {pack_format = #tpu.pack_format<interleaved>} : vector<32xbf16> -> vector<16xf32>
        %unpack3A_879 = tpu.unpack_subelements %mul3A_877, 1 {pack_format = #tpu.pack_format<interleaved>} : vector<32xbf16> -> vector<16xf32>
        %add3A_880 = arith.addf %unpack3A_878, %unpack3A_879 : vector<16xf32>
        %mul3A_881 = arith.constant 16 : i32
        %mul3A_882 = arith.muli %scan3A_101, %mul3A_881 : i32
        %add3A_883 = arith.constant 8 : i32
        %add3A_884 = arith.addi %mul3A_882, %add3A_883 : i32
        %get3A_885 = arith.index_cast %add3A_884 : i32 to index
        %get3A_886 = arith.constant 32 : index
        %get3A_887 = tpu.vector_load %arg9[%get3A_885, %get3A_886] {strides = array<i32>} : memref<80x64xi32, #tpu.memory_space<vmem>>, vector<16xi32>,
        %bitcast3A_888 = vector.bitcast %get3A_887 : vector<16xi32> to vector<32xbf16>
        %mul3A_889 = arith.constant 16 : i32
        %mul3A_890 = arith.muli %scan3A_101, %mul3A_889 : i32
        %add3A_891 = arith.constant 8 : i32
        %add3A_892 = arith.addi %mul3A_890, %add3A_891 : i32
        %get3A_893 = arith.index_cast %add3A_892 : i32 to index
        %get3A_894 = arith.constant 32 : index
        %get3A_895 = tpu.vector_load %arg11[%get3A_893, %get3A_894] {strides = array<i32>} : memref<80x64xi32, #tpu.memory_space<vmem>>, vector<16xi32>,
        %bitcast3A_896 = vector.bitcast %get3A_895 : vector<16xi32> to vector<32xbf16>
        %mul3A_897 = arith.mulf %bitcast3A_888, %bitcast3A_896 : vector<32xbf16>
        %unpack3A_898 = tpu.unpack_subelements %mul3A_897, 0 {pack_format = #tpu.pack_format<interleaved>} : vector<32xbf16> -> vector<16xf32>
        %unpack3A_899 = tpu.unpack_subelements %mul3A_897, 1 {pack_format = #tpu.pack_format<interleaved>} : vector<32xbf16> -> vector<16xf32>
        %add3A_900 = arith.addf %unpack3A_898, %unpack3A_899 : vector<16xf32>
        %mul3A_901 = arith.constant 16 : i32
        %mul3A_902 = arith.muli %scan3A_101, %mul3A_901 : i32
        %add3A_903 = arith.constant 8 : i32
        %add3A_904 = arith.addi %mul3A_902, %add3A_903 : i32
        %get3A_905 = arith.index_cast %add3A_904 : i32 to index
        %get3A_906 = arith.constant 48 : index
        %get3A_907 = tpu.vector_load %arg9[%get3A_905, %get3A_906] {strides = array<i32>} : memref<80x64xi32, #tpu.memory_space<vmem>>, vector<16xi32>,
        %bitcast3A_908 = vector.bitcast %get3A_907 : vector<16xi32> to vector<32xbf16>
        %mul3A_909 = arith.constant 16 : i32
        %mul3A_910 = arith.muli %scan3A_101, %mul3A_909 : i32
        %add3A_911 = arith.constant 8 : i32
        %add3A_912 = arith.addi %mul3A_910, %add3A_911 : i32
        %get3A_913 = arith.index_cast %add3A_912 : i32 to index
        %get3A_914 = arith.constant 48 : index
        %get3A_915 = tpu.vector_load %arg11[%get3A_913, %get3A_914] {strides = array<i32>} : memref<80x64xi32, #tpu.memory_space<vmem>>, vector<16xi32>,
        %bitcast3A_916 = vector.bitcast %get3A_915 : vector<16xi32> to vector<32xbf16>
        %mul3A_917 = arith.mulf %bitcast3A_908, %bitcast3A_916 : vector<32xbf16>
        %unpack3A_918 = tpu.unpack_subelements %mul3A_917, 0 {pack_format = #tpu.pack_format<interleaved>} : vector<32xbf16> -> vector<16xf32>
        %unpack3A_919 = tpu.unpack_subelements %mul3A_917, 1 {pack_format = #tpu.pack_format<interleaved>} : vector<32xbf16> -> vector<16xf32>
        %add3A_920 = arith.addf %unpack3A_918, %unpack3A_919 : vector<16xf32>
        %add3A_921 = arith.addf %add3A_860, %add3A_880 : vector<16xf32>
        %add3A_922 = arith.addf %add3A_900, %add3A_920 : vector<16xf32>
        %add3A_923 = arith.addf %add3A_921, %add3A_922 : vector<16xf32>
        %cumsum3A_924 = arith.constant true
        %cumsum3A_925 = vector.broadcast %cumsum3A_924 : i1 to vector<16xi1>
        %cumsum3A_926 = tpu.scan <sum>, %add3A_923 masked %cumsum3A_925 : vector<16xf32>, vector<16xi1> -> vector<16xf32>
        %mul3A_927 = arith.constant 16 : i32
        %mul3A_928 = arith.muli %scan3A_101, %mul3A_927 : i32
        %add3A_929 = arith.addi %mul3A_92, %mul3A_928 : i32
        %add3A_930 = arith.constant 8 : i32
        %add3A_931 = arith.addi %add3A_929, %add3A_930 : i32
        %swap3A_932 = arith.index_cast %add3A_931 : i32 to index
        %swap3A_933 = tpu.vector_load %arg12[%swap3A_932] masked %eq3A_4 {strides = array<i32>} : memref<10016xf32, #tpu.memory_space<vmem>>, vector<16xf32>, vector<16xi1>
        tpu.vector_store %arg12[%swap3A_932], %cumsum3A_926 masked %eq3A_4 {strides = array<i32>} : memref<10016xf32, #tpu.memory_space<vmem>>, vector<16xf32>, vector<16xi1>
        %mul3A_934 = arith.constant 16 : i32
        %mul3A_935 = arith.muli %scan3A_101, %mul3A_934 : i32
        %add3A_936 = arith.constant 9 : i32
        %add3A_937 = arith.addi %mul3A_935, %add3A_936 : i32
        %get3A_938 = arith.index_cast %add3A_937 : i32 to index
        %get3A_939 = arith.constant 0 : index
        %get3A_940 = tpu.vector_load %arg9[%get3A_938, %get3A_939] {strides = array<i32>} : memref<80x64xi32, #tpu.memory_space<vmem>>, vector<16xi32>,
        %bitcast3A_941 = vector.bitcast %get3A_940 : vector<16xi32> to vector<32xbf16>
        %mul3A_942 = arith.constant 16 : i32
        %mul3A_943 = arith.muli %scan3A_101, %mul3A_942 : i32
        %add3A_944 = arith.constant 9 : i32
        %add3A_945 = arith.addi %mul3A_943, %add3A_944 : i32
        %get3A_946 = arith.index_cast %add3A_945 : i32 to index
        %get3A_947 = arith.constant 0 : index
        %get3A_948 = tpu.vector_load %arg11[%get3A_946, %get3A_947] {strides = array<i32>} : memref<80x64xi32, #tpu.memory_space<vmem>>, vector<16xi32>,
        %bitcast3A_949 = vector.bitcast %get3A_948 : vector<16xi32> to vector<32xbf16>
        %mul3A_950 = arith.mulf %bitcast3A_941, %bitcast3A_949 : vector<32xbf16>
        %unpack3A_951 = tpu.unpack_subelements %mul3A_950, 0 {pack_format = #tpu.pack_format<interleaved>} : vector<32xbf16> -> vector<16xf32>
        %unpack3A_952 = tpu.unpack_subelements %mul3A_950, 1 {pack_format = #tpu.pack_format<interleaved>} : vector<32xbf16> -> vector<16xf32>
        %add3A_953 = arith.addf %unpack3A_951, %unpack3A_952 : vector<16xf32>
        %mul3A_954 = arith.constant 16 : i32
        %mul3A_955 = arith.muli %scan3A_101, %mul3A_954 : i32
        %add3A_956 = arith.constant 9 : i32
        %add3A_957 = arith.addi %mul3A_955, %add3A_956 : i32
        %get3A_958 = arith.index_cast %add3A_957 : i32 to index
        %get3A_959 = arith.constant 16 : index
        %get3A_960 = tpu.vector_load %arg9[%get3A_958, %get3A_959] {strides = array<i32>} : memref<80x64xi32, #tpu.memory_space<vmem>>, vector<16xi32>,
        %bitcast3A_961 = vector.bitcast %get3A_960 : vector<16xi32> to vector<32xbf16>
        %mul3A_962 = arith.constant 16 : i32
        %mul3A_963 = arith.muli %scan3A_101, %mul3A_962 : i32
        %add3A_964 = arith.constant 9 : i32
        %add3A_965 = arith.addi %mul3A_963, %add3A_964 : i32
        %get3A_966 = arith.index_cast %add3A_965 : i32 to index
        %get3A_967 = arith.constant 16 : index
        %get3A_968 = tpu.vector_load %arg11[%get3A_966, %get3A_967] {strides = array<i32>} : memref<80x64xi32, #tpu.memory_space<vmem>>, vector<16xi32>,
        %bitcast3A_969 = vector.bitcast %get3A_968 : vector<16xi32> to vector<32xbf16>
        %mul3A_970 = arith.mulf %bitcast3A_961, %bitcast3A_969 : vector<32xbf16>
        %unpack3A_971 = tpu.unpack_subelements %mul3A_970, 0 {pack_format = #tpu.pack_format<interleaved>} : vector<32xbf16> -> vector<16xf32>
        %unpack3A_972 = tpu.unpack_subelements %mul3A_970, 1 {pack_format = #tpu.pack_format<interleaved>} : vector<32xbf16> -> vector<16xf32>
        %add3A_973 = arith.addf %unpack3A_971, %unpack3A_972 : vector<16xf32>
        %mul3A_974 = arith.constant 16 : i32
        %mul3A_975 = arith.muli %scan3A_101, %mul3A_974 : i32
        %add3A_976 = arith.constant 9 : i32
        %add3A_977 = arith.addi %mul3A_975, %add3A_976 : i32
        %get3A_978 = arith.index_cast %add3A_977 : i32 to index
        %get3A_979 = arith.constant 32 : index
        %get3A_980 = tpu.vector_load %arg9[%get3A_978, %get3A_979] {strides = array<i32>} : memref<80x64xi32, #tpu.memory_space<vmem>>, vector<16xi32>,
        %bitcast3A_981 = vector.bitcast %get3A_980 : vector<16xi32> to vector<32xbf16>
        %mul3A_982 = arith.constant 16 : i32
        %mul3A_983 = arith.muli %scan3A_101, %mul3A_982 : i32
        %add3A_984 = arith.constant 9 : i32
        %add3A_985 = arith.addi %mul3A_983, %add3A_984 : i32
        %get3A_986 = arith.index_cast %add3A_985 : i32 to index
        %get3A_987 = arith.constant 32 : index
        %get3A_988 = tpu.vector_load %arg11[%get3A_986, %get3A_987] {strides = array<i32>} : memref<80x64xi32, #tpu.memory_space<vmem>>, vector<16xi32>,
        %bitcast3A_989 = vector.bitcast %get3A_988 : vector<16xi32> to vector<32xbf16>
        %mul3A_990 = arith.mulf %bitcast3A_981, %bitcast3A_989 : vector<32xbf16>
        %unpack3A_991 = tpu.unpack_subelements %mul3A_990, 0 {pack_format = #tpu.pack_format<interleaved>} : vector<32xbf16> -> vector<16xf32>
        %unpack3A_992 = tpu.unpack_subelements %mul3A_990, 1 {pack_format = #tpu.pack_format<interleaved>} : vector<32xbf16> -> vector<16xf32>
        %add3A_993 = arith.addf %unpack3A_991, %unpack3A_992 : vector<16xf32>
        %mul3A_994 = arith.constant 16 : i32
        %mul3A_995 = arith.muli %scan3A_101, %mul3A_994 : i32
        %add3A_996 = arith.constant 9 : i32
        %add3A_997 = arith.addi %mul3A_995, %add3A_996 : i32
        %get3A_998 = arith.index_cast %add3A_997 : i32 to index
        %get3A_999 = arith.constant 48 : index
        %get3A_1000 = tpu.vector_load %arg9[%get3A_998, %get3A_999] {strides = array<i32>} : memref<80x64xi32, #tpu.memory_space<vmem>>, vector<16xi32>,
        %bitcast3A_1001 = vector.bitcast %get3A_1000 : vector<16xi32> to vector<32xbf16>
        %mul3A_1002 = arith.constant 16 : i32
        %mul3A_1003 = arith.muli %scan3A_101, %mul3A_1002 : i32
        %add3A_1004 = arith.constant 9 : i32
        %add3A_1005 = arith.addi %mul3A_1003, %add3A_1004 : i32
        %get3A_1006 = arith.index_cast %add3A_1005 : i32 to index
        %get3A_1007 = arith.constant 48 : index
        %get3A_1008 = tpu.vector_load %arg11[%get3A_1006, %get3A_1007] {strides = array<i32>} : memref<80x64xi32, #tpu.memory_space<vmem>>, vector<16xi32>,
        %bitcast3A_1009 = vector.bitcast %get3A_1008 : vector<16xi32> to vector<32xbf16>
        %mul3A_1010 = arith.mulf %bitcast3A_1001, %bitcast3A_1009 : vector<32xbf16>
        %unpack3A_1011 = tpu.unpack_subelements %mul3A_1010, 0 {pack_format = #tpu.pack_format<interleaved>} : vector<32xbf16> -> vector<16xf32>
        %unpack3A_1012 = tpu.unpack_subelements %mul3A_1010, 1 {pack_format = #tpu.pack_format<interleaved>} : vector<32xbf16> -> vector<16xf32>
        %add3A_1013 = arith.addf %unpack3A_1011, %unpack3A_1012 : vector<16xf32>
        %add3A_1014 = arith.addf %add3A_953, %add3A_973 : vector<16xf32>
        %add3A_1015 = arith.addf %add3A_993, %add3A_1013 : vector<16xf32>
        %add3A_1016 = arith.addf %add3A_1014, %add3A_1015 : vector<16xf32>
        %cumsum3A_1017 = arith.constant true
        %cumsum3A_1018 = vector.broadcast %cumsum3A_1017 : i1 to vector<16xi1>
        %cumsum3A_1019 = tpu.scan <sum>, %add3A_1016 masked %cumsum3A_1018 : vector<16xf32>, vector<16xi1> -> vector<16xf32>
        %mul3A_1020 = arith.constant 16 : i32
        %mul3A_1021 = arith.muli %scan3A_101, %mul3A_1020 : i32
        %add3A_1022 = arith.addi %mul3A_92, %mul3A_1021 : i32
        %add3A_1023 = arith.constant 9 : i32
        %add3A_1024 = arith.addi %add3A_1022, %add3A_1023 : i32
        %swap3A_1025 = arith.index_cast %add3A_1024 : i32 to index
        %swap3A_1026 = tpu.vector_load %arg12[%swap3A_1025] masked %eq3A_4 {strides = array<i32>} : memref<10016xf32, #tpu.memory_space<vmem>>, vector<16xf32>, vector<16xi1>
        tpu.vector_store %arg12[%swap3A_1025], %cumsum3A_1019 masked %eq3A_4 {strides = array<i32>} : memref<10016xf32, #tpu.memory_space<vmem>>, vector<16xf32>, vector<16xi1>
        %mul3A_1027 = arith.constant 16 : i32
        %mul3A_1028 = arith.muli %scan3A_101, %mul3A_1027 : i32
        %add3A_1029 = arith.constant 10 : i32
        %add3A_1030 = arith.addi %mul3A_1028, %add3A_1029 : i32
        %get3A_1031 = arith.index_cast %add3A_1030 : i32 to index
        %get3A_1032 = arith.constant 0 : index
        %get3A_1033 = tpu.vector_load %arg9[%get3A_1031, %get3A_1032] {strides = array<i32>} : memref<80x64xi32, #tpu.memory_space<vmem>>, vector<16xi32>,
        %bitcast3A_1034 = vector.bitcast %get3A_1033 : vector<16xi32> to vector<32xbf16>
        %mul3A_1035 = arith.constant 16 : i32
        %mul3A_1036 = arith.muli %scan3A_101, %mul3A_1035 : i32
        %add3A_1037 = arith.constant 10 : i32
        %add3A_1038 = arith.addi %mul3A_1036, %add3A_1037 : i32
        %get3A_1039 = arith.index_cast %add3A_1038 : i32 to index
        %get3A_1040 = arith.constant 0 : index
        %get3A_1041 = tpu.vector_load %arg11[%get3A_1039, %get3A_1040] {strides = array<i32>} : memref<80x64xi32, #tpu.memory_space<vmem>>, vector<16xi32>,
        %bitcast3A_1042 = vector.bitcast %get3A_1041 : vector<16xi32> to vector<32xbf16>
        %mul3A_1043 = arith.mulf %bitcast3A_1034, %bitcast3A_1042 : vector<32xbf16>
        %unpack3A_1044 = tpu.unpack_subelements %mul3A_1043, 0 {pack_format = #tpu.pack_format<interleaved>} : vector<32xbf16> -> vector<16xf32>
        %unpack3A_1045 = tpu.unpack_subelements %mul3A_1043, 1 {pack_format = #tpu.pack_format<interleaved>} : vector<32xbf16> -> vector<16xf32>
        %add3A_1046 = arith.addf %unpack3A_1044, %unpack3A_1045 : vector<16xf32>
        %mul3A_1047 = arith.constant 16 : i32
        %mul3A_1048 = arith.muli %scan3A_101, %mul3A_1047 : i32
        %add3A_1049 = arith.constant 10 : i32
        %add3A_1050 = arith.addi %mul3A_1048, %add3A_1049 : i32
        %get3A_1051 = arith.index_cast %add3A_1050 : i32 to index
        %get3A_1052 = arith.constant 16 : index
        %get3A_1053 = tpu.vector_load %arg9[%get3A_1051, %get3A_1052] {strides = array<i32>} : memref<80x64xi32, #tpu.memory_space<vmem>>, vector<16xi32>,
        %bitcast3A_1054 = vector.bitcast %get3A_1053 : vector<16xi32> to vector<32xbf16>
        %mul3A_1055 = arith.constant 16 : i32
        %mul3A_1056 = arith.muli %scan3A_101, %mul3A_1055 : i32
        %add3A_1057 = arith.constant 10 : i32
        %add3A_1058 = arith.addi %mul3A_1056, %add3A_1057 : i32
        %get3A_1059 = arith.index_cast %add3A_1058 : i32 to index
        %get3A_1060 = arith.constant 16 : index
        %get3A_1061 = tpu.vector_load %arg11[%get3A_1059, %get3A_1060] {strides = array<i32>} : memref<80x64xi32, #tpu.memory_space<vmem>>, vector<16xi32>,
        %bitcast3A_1062 = vector.bitcast %get3A_1061 : vector<16xi32> to vector<32xbf16>
        %mul3A_1063 = arith.mulf %bitcast3A_1054, %bitcast3A_1062 : vector<32xbf16>
        %unpack3A_1064 = tpu.unpack_subelements %mul3A_1063, 0 {pack_format = #tpu.pack_format<interleaved>} : vector<32xbf16> -> vector<16xf32>
        %unpack3A_1065 = tpu.unpack_subelements %mul3A_1063, 1 {pack_format = #tpu.pack_format<interleaved>} : vector<32xbf16> -> vector<16xf32>
        %add3A_1066 = arith.addf %unpack3A_1064, %unpack3A_1065 : vector<16xf32>
        %mul3A_1067 = arith.constant 16 : i32
        %mul3A_1068 = arith.muli %scan3A_101, %mul3A_1067 : i32
        %add3A_1069 = arith.constant 10 : i32
        %add3A_1070 = arith.addi %mul3A_1068, %add3A_1069 : i32
        %get3A_1071 = arith.index_cast %add3A_1070 : i32 to index
        %get3A_1072 = arith.constant 32 : index
        %get3A_1073 = tpu.vector_load %arg9[%get3A_1071, %get3A_1072] {strides = array<i32>} : memref<80x64xi32, #tpu.memory_space<vmem>>, vector<16xi32>,
        %bitcast3A_1074 = vector.bitcast %get3A_1073 : vector<16xi32> to vector<32xbf16>
        %mul3A_1075 = arith.constant 16 : i32
        %mul3A_1076 = arith.muli %scan3A_101, %mul3A_1075 : i32
        %add3A_1077 = arith.constant 10 : i32
        %add3A_1078 = arith.addi %mul3A_1076, %add3A_1077 : i32
        %get3A_1079 = arith.index_cast %add3A_1078 : i32 to index
        %get3A_1080 = arith.constant 32 : index
        %get3A_1081 = tpu.vector_load %arg11[%get3A_1079, %get3A_1080] {strides = array<i32>} : memref<80x64xi32, #tpu.memory_space<vmem>>, vector<16xi32>,
        %bitcast3A_1082 = vector.bitcast %get3A_1081 : vector<16xi32> to vector<32xbf16>
        %mul3A_1083 = arith.mulf %bitcast3A_1074, %bitcast3A_1082 : vector<32xbf16>
        %unpack3A_1084 = tpu.unpack_subelements %mul3A_1083, 0 {pack_format = #tpu.pack_format<interleaved>} : vector<32xbf16> -> vector<16xf32>
        %unpack3A_1085 = tpu.unpack_subelements %mul3A_1083, 1 {pack_format = #tpu.pack_format<interleaved>} : vector<32xbf16> -> vector<16xf32>
        %add3A_1086 = arith.addf %unpack3A_1084, %unpack3A_1085 : vector<16xf32>
        %mul3A_1087 = arith.constant 16 : i32
        %mul3A_1088 = arith.muli %scan3A_101, %mul3A_1087 : i32
        %add3A_1089 = arith.constant 10 : i32
        %add3A_1090 = arith.addi %mul3A_1088, %add3A_1089 : i32
        %get3A_1091 = arith.index_cast %add3A_1090 : i32 to index
        %get3A_1092 = arith.constant 48 : index
        %get3A_1093 = tpu.vector_load %arg9[%get3A_1091, %get3A_1092] {strides = array<i32>} : memref<80x64xi32, #tpu.memory_space<vmem>>, vector<16xi32>,
        %bitcast3A_1094 = vector.bitcast %get3A_1093 : vector<16xi32> to vector<32xbf16>
        %mul3A_1095 = arith.constant 16 : i32
        %mul3A_1096 = arith.muli %scan3A_101, %mul3A_1095 : i32
        %add3A_1097 = arith.constant 10 : i32
        %add3A_1098 = arith.addi %mul3A_1096, %add3A_1097 : i32
        %get3A_1099 = arith.index_cast %add3A_1098 : i32 to index
        %get3A_1100 = arith.constant 48 : index
        %get3A_1101 = tpu.vector_load %arg11[%get3A_1099, %get3A_1100] {strides = array<i32>} : memref<80x64xi32, #tpu.memory_space<vmem>>, vector<16xi32>,
        %bitcast3A_1102 = vector.bitcast %get3A_1101 : vector<16xi32> to vector<32xbf16>
        %mul3A_1103 = arith.mulf %bitcast3A_1094, %bitcast3A_1102 : vector<32xbf16>
        %unpack3A_1104 = tpu.unpack_subelements %mul3A_1103, 0 {pack_format = #tpu.pack_format<interleaved>} : vector<32xbf16> -> vector<16xf32>
        %unpack3A_1105 = tpu.unpack_subelements %mul3A_1103, 1 {pack_format = #tpu.pack_format<interleaved>} : vector<32xbf16> -> vector<16xf32>
        %add3A_1106 = arith.addf %unpack3A_1104, %unpack3A_1105 : vector<16xf32>
        %add3A_1107 = arith.addf %add3A_1046, %add3A_1066 : vector<16xf32>
        %add3A_1108 = arith.addf %add3A_1086, %add3A_1106 : vector<16xf32>
        %add3A_1109 = arith.addf %add3A_1107, %add3A_1108 : vector<16xf32>
        %cumsum3A_1110 = arith.constant true
        %cumsum3A_1111 = vector.broadcast %cumsum3A_1110 : i1 to vector<16xi1>
        %cumsum3A_1112 = tpu.scan <sum>, %add3A_1109 masked %cumsum3A_1111 : vector<16xf32>, vector<16xi1> -> vector<16xf32>
        %mul3A_1113 = arith.constant 16 : i32
        %mul3A_1114 = arith.muli %scan3A_101, %mul3A_1113 : i32
        %add3A_1115 = arith.addi %mul3A_92, %mul3A_1114 : i32
        %add3A_1116 = arith.constant 10 : i32
        %add3A_1117 = arith.addi %add3A_1115, %add3A_1116 : i32
        %swap3A_1118 = arith.index_cast %add3A_1117 : i32 to index
        %swap3A_1119 = tpu.vector_load %arg12[%swap3A_1118] masked %eq3A_4 {strides = array<i32>} : memref<10016xf32, #tpu.memory_space<vmem>>, vector<16xf32>, vector<16xi1>
        tpu.vector_store %arg12[%swap3A_1118], %cumsum3A_1112 masked %eq3A_4 {strides = array<i32>} : memref<10016xf32, #tpu.memory_space<vmem>>, vector<16xf32>, vector<16xi1>
        %mul3A_1120 = arith.constant 16 : i32
        %mul3A_1121 = arith.muli %scan3A_101, %mul3A_1120 : i32
        %add3A_1122 = arith.constant 11 : i32
        %add3A_1123 = arith.addi %mul3A_1121, %add3A_1122 : i32
        %get3A_1124 = arith.index_cast %add3A_1123 : i32 to index
        %get3A_1125 = arith.constant 0 : index
        %get3A_1126 = tpu.vector_load %arg9[%get3A_1124, %get3A_1125] {strides = array<i32>} : memref<80x64xi32, #tpu.memory_space<vmem>>, vector<16xi32>,
        %bitcast3A_1127 = vector.bitcast %get3A_1126 : vector<16xi32> to vector<32xbf16>
        %mul3A_1128 = arith.constant 16 : i32
        %mul3A_1129 = arith.muli %scan3A_101, %mul3A_1128 : i32
        %add3A_1130 = arith.constant 11 : i32
        %add3A_1131 = arith.addi %mul3A_1129, %add3A_1130 : i32
        %get3A_1132 = arith.index_cast %add3A_1131 : i32 to index
        %get3A_1133 = arith.constant 0 : index
        %get3A_1134 = tpu.vector_load %arg11[%get3A_1132, %get3A_1133] {strides = array<i32>} : memref<80x64xi32, #tpu.memory_space<vmem>>, vector<16xi32>,
        %bitcast3A_1135 = vector.bitcast %get3A_1134 : vector<16xi32> to vector<32xbf16>
        %mul3A_1136 = arith.mulf %bitcast3A_1127, %bitcast3A_1135 : vector<32xbf16>
        %unpack3A_1137 = tpu.unpack_subelements %mul3A_1136, 0 {pack_format = #tpu.pack_format<interleaved>} : vector<32xbf16> -> vector<16xf32>
        %unpack3A_1138 = tpu.unpack_subelements %mul3A_1136, 1 {pack_format = #tpu.pack_format<interleaved>} : vector<32xbf16> -> vector<16xf32>
        %add3A_1139 = arith.addf %unpack3A_1137, %unpack3A_1138 : vector<16xf32>
        %mul3A_1140 = arith.constant 16 : i32
        %mul3A_1141 = arith.muli %scan3A_101, %mul3A_1140 : i32
        %add3A_1142 = arith.constant 11 : i32
        %add3A_1143 = arith.addi %mul3A_1141, %add3A_1142 : i32
        %get3A_1144 = arith.index_cast %add3A_1143 : i32 to index
        %get3A_1145 = arith.constant 16 : index
        %get3A_1146 = tpu.vector_load %arg9[%get3A_1144, %get3A_1145] {strides = array<i32>} : memref<80x64xi32, #tpu.memory_space<vmem>>, vector<16xi32>,
        %bitcast3A_1147 = vector.bitcast %get3A_1146 : vector<16xi32> to vector<32xbf16>
        %mul3A_1148 = arith.constant 16 : i32
        %mul3A_1149 = arith.muli %scan3A_101, %mul3A_1148 : i32
        %add3A_1150 = arith.constant 11 : i32
        %add3A_1151 = arith.addi %mul3A_1149, %add3A_1150 : i32
        %get3A_1152 = arith.index_cast %add3A_1151 : i32 to index
        %get3A_1153 = arith.constant 16 : index
        %get3A_1154 = tpu.vector_load %arg11[%get3A_1152, %get3A_1153] {strides = array<i32>} : memref<80x64xi32, #tpu.memory_space<vmem>>, vector<16xi32>,
        %bitcast3A_1155 = vector.bitcast %get3A_1154 : vector<16xi32> to vector<32xbf16>
        %mul3A_1156 = arith.mulf %bitcast3A_1147, %bitcast3A_1155 : vector<32xbf16>
        %unpack3A_1157 = tpu.unpack_subelements %mul3A_1156, 0 {pack_format = #tpu.pack_format<interleaved>} : vector<32xbf16> -> vector<16xf32>
        %unpack3A_1158 = tpu.unpack_subelements %mul3A_1156, 1 {pack_format = #tpu.pack_format<interleaved>} : vector<32xbf16> -> vector<16xf32>
        %add3A_1159 = arith.addf %unpack3A_1157, %unpack3A_1158 : vector<16xf32>
        %mul3A_1160 = arith.constant 16 : i32
        %mul3A_1161 = arith.muli %scan3A_101, %mul3A_1160 : i32
        %add3A_1162 = arith.constant 11 : i32
        %add3A_1163 = arith.addi %mul3A_1161, %add3A_1162 : i32
        %get3A_1164 = arith.index_cast %add3A_1163 : i32 to index
        %get3A_1165 = arith.constant 32 : index
        %get3A_1166 = tpu.vector_load %arg9[%get3A_1164, %get3A_1165] {strides = array<i32>} : memref<80x64xi32, #tpu.memory_space<vmem>>, vector<16xi32>,
        %bitcast3A_1167 = vector.bitcast %get3A_1166 : vector<16xi32> to vector<32xbf16>
        %mul3A_1168 = arith.constant 16 : i32
        %mul3A_1169 = arith.muli %scan3A_101, %mul3A_1168 : i32
        %add3A_1170 = arith.constant 11 : i32
        %add3A_1171 = arith.addi %mul3A_1169, %add3A_1170 : i32
        %get3A_1172 = arith.index_cast %add3A_1171 : i32 to index
        %get3A_1173 = arith.constant 32 : index
        %get3A_1174 = tpu.vector_load %arg11[%get3A_1172, %get3A_1173] {strides = array<i32>} : memref<80x64xi32, #tpu.memory_space<vmem>>, vector<16xi32>,
        %bitcast3A_1175 = vector.bitcast %get3A_1174 : vector<16xi32> to vector<32xbf16>
        %mul3A_1176 = arith.mulf %bitcast3A_1167, %bitcast3A_1175 : vector<32xbf16>
        %unpack3A_1177 = tpu.unpack_subelements %mul3A_1176, 0 {pack_format = #tpu.pack_format<interleaved>} : vector<32xbf16> -> vector<16xf32>
        %unpack3A_1178 = tpu.unpack_subelements %mul3A_1176, 1 {pack_format = #tpu.pack_format<interleaved>} : vector<32xbf16> -> vector<16xf32>
        %add3A_1179 = arith.addf %unpack3A_1177, %unpack3A_1178 : vector<16xf32>
        %mul3A_1180 = arith.constant 16 : i32
        %mul3A_1181 = arith.muli %scan3A_101, %mul3A_1180 : i32
        %add3A_1182 = arith.constant 11 : i32
        %add3A_1183 = arith.addi %mul3A_1181, %add3A_1182 : i32
        %get3A_1184 = arith.index_cast %add3A_1183 : i32 to index
        %get3A_1185 = arith.constant 48 : index
        %get3A_1186 = tpu.vector_load %arg9[%get3A_1184, %get3A_1185] {strides = array<i32>} : memref<80x64xi32, #tpu.memory_space<vmem>>, vector<16xi32>,
        %bitcast3A_1187 = vector.bitcast %get3A_1186 : vector<16xi32> to vector<32xbf16>
        %mul3A_1188 = arith.constant 16 : i32
        %mul3A_1189 = arith.muli %scan3A_101, %mul3A_1188 : i32
        %add3A_1190 = arith.constant 11 : i32
        %add3A_1191 = arith.addi %mul3A_1189, %add3A_1190 : i32
        %get3A_1192 = arith.index_cast %add3A_1191 : i32 to index
        %get3A_1193 = arith.constant 48 : index
        %get3A_1194 = tpu.vector_load %arg11[%get3A_1192, %get3A_1193] {strides = array<i32>} : memref<80x64xi32, #tpu.memory_space<vmem>>, vector<16xi32>,
        %bitcast3A_1195 = vector.bitcast %get3A_1194 : vector<16xi32> to vector<32xbf16>
        %mul3A_1196 = arith.mulf %bitcast3A_1187, %bitcast3A_1195 : vector<32xbf16>
        %unpack3A_1197 = tpu.unpack_subelements %mul3A_1196, 0 {pack_format = #tpu.pack_format<interleaved>} : vector<32xbf16> -> vector<16xf32>
        %unpack3A_1198 = tpu.unpack_subelements %mul3A_1196, 1 {pack_format = #tpu.pack_format<interleaved>} : vector<32xbf16> -> vector<16xf32>
        %add3A_1199 = arith.addf %unpack3A_1197, %unpack3A_1198 : vector<16xf32>
        %add3A_1200 = arith.addf %add3A_1139, %add3A_1159 : vector<16xf32>
        %add3A_1201 = arith.addf %add3A_1179, %add3A_1199 : vector<16xf32>
        %add3A_1202 = arith.addf %add3A_1200, %add3A_1201 : vector<16xf32>
        %cumsum3A_1203 = arith.constant true
        %cumsum3A_1204 = vector.broadcast %cumsum3A_1203 : i1 to vector<16xi1>
        %cumsum3A_1205 = tpu.scan <sum>, %add3A_1202 masked %cumsum3A_1204 : vector<16xf32>, vector<16xi1> -> vector<16xf32>
        %mul3A_1206 = arith.constant 16 : i32
        %mul3A_1207 = arith.muli %scan3A_101, %mul3A_1206 : i32
        %add3A_1208 = arith.addi %mul3A_92, %mul3A_1207 : i32
        %add3A_1209 = arith.constant 11 : i32
        %add3A_1210 = arith.addi %add3A_1208, %add3A_1209 : i32
        %swap3A_1211 = arith.index_cast %add3A_1210 : i32 to index
        %swap3A_1212 = tpu.vector_load %arg12[%swap3A_1211] masked %eq3A_4 {strides = array<i32>} : memref<10016xf32, #tpu.memory_space<vmem>>, vector<16xf32>, vector<16xi1>
        tpu.vector_store %arg12[%swap3A_1211], %cumsum3A_1205 masked %eq3A_4 {strides = array<i32>} : memref<10016xf32, #tpu.memory_space<vmem>>, vector<16xf32>, vector<16xi1>
        %mul3A_1213 = arith.constant 16 : i32
        %mul3A_1214 = arith.muli %scan3A_101, %mul3A_1213 : i32
        %add3A_1215 = arith.constant 12 : i32
        %add3A_1216 = arith.addi %mul3A_1214, %add3A_1215 : i32
        %get3A_1217 = arith.index_cast %add3A_1216 : i32 to index
        %get3A_1218 = arith.constant 0 : index
        %get3A_1219 = tpu.vector_load %arg9[%get3A_1217, %get3A_1218] {strides = array<i32>} : memref<80x64xi32, #tpu.memory_space<vmem>>, vector<16xi32>,
        %bitcast3A_1220 = vector.bitcast %get3A_1219 : vector<16xi32> to vector<32xbf16>
        %mul3A_1221 = arith.constant 16 : i32
        %mul3A_1222 = arith.muli %scan3A_101, %mul3A_1221 : i32
        %add3A_1223 = arith.constant 12 : i32
        %add3A_1224 = arith.addi %mul3A_1222, %add3A_1223 : i32
        %get3A_1225 = arith.index_cast %add3A_1224 : i32 to index
        %get3A_1226 = arith.constant 0 : index
        %get3A_1227 = tpu.vector_load %arg11[%get3A_1225, %get3A_1226] {strides = array<i32>} : memref<80x64xi32, #tpu.memory_space<vmem>>, vector<16xi32>,
        %bitcast3A_1228 = vector.bitcast %get3A_1227 : vector<16xi32> to vector<32xbf16>
        %mul3A_1229 = arith.mulf %bitcast3A_1220, %bitcast3A_1228 : vector<32xbf16>
        %unpack3A_1230 = tpu.unpack_subelements %mul3A_1229, 0 {pack_format = #tpu.pack_format<interleaved>} : vector<32xbf16> -> vector<16xf32>
        %unpack3A_1231 = tpu.unpack_subelements %mul3A_1229, 1 {pack_format = #tpu.pack_format<interleaved>} : vector<32xbf16> -> vector<16xf32>
        %add3A_1232 = arith.addf %unpack3A_1230, %unpack3A_1231 : vector<16xf32>
        %mul3A_1233 = arith.constant 16 : i32
        %mul3A_1234 = arith.muli %scan3A_101, %mul3A_1233 : i32
        %add3A_1235 = arith.constant 12 : i32
        %add3A_1236 = arith.addi %mul3A_1234, %add3A_1235 : i32
        %get3A_1237 = arith.index_cast %add3A_1236 : i32 to index
        %get3A_1238 = arith.constant 16 : index
        %get3A_1239 = tpu.vector_load %arg9[%get3A_1237, %get3A_1238] {strides = array<i32>} : memref<80x64xi32, #tpu.memory_space<vmem>>, vector<16xi32>,
        %bitcast3A_1240 = vector.bitcast %get3A_1239 : vector<16xi32> to vector<32xbf16>
        %mul3A_1241 = arith.constant 16 : i32
        %mul3A_1242 = arith.muli %scan3A_101, %mul3A_1241 : i32
        %add3A_1243 = arith.constant 12 : i32
        %add3A_1244 = arith.addi %mul3A_1242, %add3A_1243 : i32
        %get3A_1245 = arith.index_cast %add3A_1244 : i32 to index
        %get3A_1246 = arith.constant 16 : index
        %get3A_1247 = tpu.vector_load %arg11[%get3A_1245, %get3A_1246] {strides = array<i32>} : memref<80x64xi32, #tpu.memory_space<vmem>>, vector<16xi32>,
        %bitcast3A_1248 = vector.bitcast %get3A_1247 : vector<16xi32> to vector<32xbf16>
        %mul3A_1249 = arith.mulf %bitcast3A_1240, %bitcast3A_1248 : vector<32xbf16>
        %unpack3A_1250 = tpu.unpack_subelements %mul3A_1249, 0 {pack_format = #tpu.pack_format<interleaved>} : vector<32xbf16> -> vector<16xf32>
        %unpack3A_1251 = tpu.unpack_subelements %mul3A_1249, 1 {pack_format = #tpu.pack_format<interleaved>} : vector<32xbf16> -> vector<16xf32>
        %add3A_1252 = arith.addf %unpack3A_1250, %unpack3A_1251 : vector<16xf32>
        %mul3A_1253 = arith.constant 16 : i32
        %mul3A_1254 = arith.muli %scan3A_101, %mul3A_1253 : i32
        %add3A_1255 = arith.constant 12 : i32
        %add3A_1256 = arith.addi %mul3A_1254, %add3A_1255 : i32
        %get3A_1257 = arith.index_cast %add3A_1256 : i32 to index
        %get3A_1258 = arith.constant 32 : index
        %get3A_1259 = tpu.vector_load %arg9[%get3A_1257, %get3A_1258] {strides = array<i32>} : memref<80x64xi32, #tpu.memory_space<vmem>>, vector<16xi32>,
        %bitcast3A_1260 = vector.bitcast %get3A_1259 : vector<16xi32> to vector<32xbf16>
        %mul3A_1261 = arith.constant 16 : i32
        %mul3A_1262 = arith.muli %scan3A_101, %mul3A_1261 : i32
        %add3A_1263 = arith.constant 12 : i32
        %add3A_1264 = arith.addi %mul3A_1262, %add3A_1263 : i32
        %get3A_1265 = arith.index_cast %add3A_1264 : i32 to index
        %get3A_1266 = arith.constant 32 : index
        %get3A_1267 = tpu.vector_load %arg11[%get3A_1265, %get3A_1266] {strides = array<i32>} : memref<80x64xi32, #tpu.memory_space<vmem>>, vector<16xi32>,
        %bitcast3A_1268 = vector.bitcast %get3A_1267 : vector<16xi32> to vector<32xbf16>
        %mul3A_1269 = arith.mulf %bitcast3A_1260, %bitcast3A_1268 : vector<32xbf16>
        %unpack3A_1270 = tpu.unpack_subelements %mul3A_1269, 0 {pack_format = #tpu.pack_format<interleaved>} : vector<32xbf16> -> vector<16xf32>
        %unpack3A_1271 = tpu.unpack_subelements %mul3A_1269, 1 {pack_format = #tpu.pack_format<interleaved>} : vector<32xbf16> -> vector<16xf32>
        %add3A_1272 = arith.addf %unpack3A_1270, %unpack3A_1271 : vector<16xf32>
        %mul3A_1273 = arith.constant 16 : i32
        %mul3A_1274 = arith.muli %scan3A_101, %mul3A_1273 : i32
        %add3A_1275 = arith.constant 12 : i32
        %add3A_1276 = arith.addi %mul3A_1274, %add3A_1275 : i32
        %get3A_1277 = arith.index_cast %add3A_1276 : i32 to index
        %get3A_1278 = arith.constant 48 : index
        %get3A_1279 = tpu.vector_load %arg9[%get3A_1277, %get3A_1278] {strides = array<i32>} : memref<80x64xi32, #tpu.memory_space<vmem>>, vector<16xi32>,
        %bitcast3A_1280 = vector.bitcast %get3A_1279 : vector<16xi32> to vector<32xbf16>
        %mul3A_1281 = arith.constant 16 : i32
        %mul3A_1282 = arith.muli %scan3A_101, %mul3A_1281 : i32
        %add3A_1283 = arith.constant 12 : i32
        %add3A_1284 = arith.addi %mul3A_1282, %add3A_1283 : i32
        %get3A_1285 = arith.index_cast %add3A_1284 : i32 to index
        %get3A_1286 = arith.constant 48 : index
        %get3A_1287 = tpu.vector_load %arg11[%get3A_1285, %get3A_1286] {strides = array<i32>} : memref<80x64xi32, #tpu.memory_space<vmem>>, vector<16xi32>,
        %bitcast3A_1288 = vector.bitcast %get3A_1287 : vector<16xi32> to vector<32xbf16>
        %mul3A_1289 = arith.mulf %bitcast3A_1280, %bitcast3A_1288 : vector<32xbf16>
        %unpack3A_1290 = tpu.unpack_subelements %mul3A_1289, 0 {pack_format = #tpu.pack_format<interleaved>} : vector<32xbf16> -> vector<16xf32>
        %unpack3A_1291 = tpu.unpack_subelements %mul3A_1289, 1 {pack_format = #tpu.pack_format<interleaved>} : vector<32xbf16> -> vector<16xf32>
        %add3A_1292 = arith.addf %unpack3A_1290, %unpack3A_1291 : vector<16xf32>
        %add3A_1293 = arith.addf %add3A_1232, %add3A_1252 : vector<16xf32>
        %add3A_1294 = arith.addf %add3A_1272, %add3A_1292 : vector<16xf32>
        %add3A_1295 = arith.addf %add3A_1293, %add3A_1294 : vector<16xf32>
        %cumsum3A_1296 = arith.constant true
        %cumsum3A_1297 = vector.broadcast %cumsum3A_1296 : i1 to vector<16xi1>
        %cumsum3A_1298 = tpu.scan <sum>, %add3A_1295 masked %cumsum3A_1297 : vector<16xf32>, vector<16xi1> -> vector<16xf32>
        %mul3A_1299 = arith.constant 16 : i32
        %mul3A_1300 = arith.muli %scan3A_101, %mul3A_1299 : i32
        %add3A_1301 = arith.addi %mul3A_92, %mul3A_1300 : i32
        %add3A_1302 = arith.constant 12 : i32
        %add3A_1303 = arith.addi %add3A_1301, %add3A_1302 : i32
        %swap3A_1304 = arith.index_cast %add3A_1303 : i32 to index
        %swap3A_1305 = tpu.vector_load %arg12[%swap3A_1304] masked %eq3A_4 {strides = array<i32>} : memref<10016xf32, #tpu.memory_space<vmem>>, vector<16xf32>, vector<16xi1>
        tpu.vector_store %arg12[%swap3A_1304], %cumsum3A_1298 masked %eq3A_4 {strides = array<i32>} : memref<10016xf32, #tpu.memory_space<vmem>>, vector<16xf32>, vector<16xi1>
        %mul3A_1306 = arith.constant 16 : i32
        %mul3A_1307 = arith.muli %scan3A_101, %mul3A_1306 : i32
        %add3A_1308 = arith.constant 13 : i32
        %add3A_1309 = arith.addi %mul3A_1307, %add3A_1308 : i32
        %get3A_1310 = arith.index_cast %add3A_1309 : i32 to index
        %get3A_1311 = arith.constant 0 : index
        %get3A_1312 = tpu.vector_load %arg9[%get3A_1310, %get3A_1311] {strides = array<i32>} : memref<80x64xi32, #tpu.memory_space<vmem>>, vector<16xi32>,
        %bitcast3A_1313 = vector.bitcast %get3A_1312 : vector<16xi32> to vector<32xbf16>
        %mul3A_1314 = arith.constant 16 : i32
        %mul3A_1315 = arith.muli %scan3A_101, %mul3A_1314 : i32
        %add3A_1316 = arith.constant 13 : i32
        %add3A_1317 = arith.addi %mul3A_1315, %add3A_1316 : i32
        %get3A_1318 = arith.index_cast %add3A_1317 : i32 to index
        %get3A_1319 = arith.constant 0 : index
        %get3A_1320 = tpu.vector_load %arg11[%get3A_1318, %get3A_1319] {strides = array<i32>} : memref<80x64xi32, #tpu.memory_space<vmem>>, vector<16xi32>,
        %bitcast3A_1321 = vector.bitcast %get3A_1320 : vector<16xi32> to vector<32xbf16>
        %mul3A_1322 = arith.mulf %bitcast3A_1313, %bitcast3A_1321 : vector<32xbf16>
        %unpack3A_1323 = tpu.unpack_subelements %mul3A_1322, 0 {pack_format = #tpu.pack_format<interleaved>} : vector<32xbf16> -> vector<16xf32>
        %unpack3A_1324 = tpu.unpack_subelements %mul3A_1322, 1 {pack_format = #tpu.pack_format<interleaved>} : vector<32xbf16> -> vector<16xf32>
        %add3A_1325 = arith.addf %unpack3A_1323, %unpack3A_1324 : vector<16xf32>
        %mul3A_1326 = arith.constant 16 : i32
        %mul3A_1327 = arith.muli %scan3A_101, %mul3A_1326 : i32
        %add3A_1328 = arith.constant 13 : i32
        %add3A_1329 = arith.addi %mul3A_1327, %add3A_1328 : i32
        %get3A_1330 = arith.index_cast %add3A_1329 : i32 to index
        %get3A_1331 = arith.constant 16 : index
        %get3A_1332 = tpu.vector_load %arg9[%get3A_1330, %get3A_1331] {strides = array<i32>} : memref<80x64xi32, #tpu.memory_space<vmem>>, vector<16xi32>,
        %bitcast3A_1333 = vector.bitcast %get3A_1332 : vector<16xi32> to vector<32xbf16>
        %mul3A_1334 = arith.constant 16 : i32
        %mul3A_1335 = arith.muli %scan3A_101, %mul3A_1334 : i32
        %add3A_1336 = arith.constant 13 : i32
        %add3A_1337 = arith.addi %mul3A_1335, %add3A_1336 : i32
        %get3A_1338 = arith.index_cast %add3A_1337 : i32 to index
        %get3A_1339 = arith.constant 16 : index
        %get3A_1340 = tpu.vector_load %arg11[%get3A_1338, %get3A_1339] {strides = array<i32>} : memref<80x64xi32, #tpu.memory_space<vmem>>, vector<16xi32>,
        %bitcast3A_1341 = vector.bitcast %get3A_1340 : vector<16xi32> to vector<32xbf16>
        %mul3A_1342 = arith.mulf %bitcast3A_1333, %bitcast3A_1341 : vector<32xbf16>
        %unpack3A_1343 = tpu.unpack_subelements %mul3A_1342, 0 {pack_format = #tpu.pack_format<interleaved>} : vector<32xbf16> -> vector<16xf32>
        %unpack3A_1344 = tpu.unpack_subelements %mul3A_1342, 1 {pack_format = #tpu.pack_format<interleaved>} : vector<32xbf16> -> vector<16xf32>
        %add3A_1345 = arith.addf %unpack3A_1343, %unpack3A_1344 : vector<16xf32>
        %mul3A_1346 = arith.constant 16 : i32
        %mul3A_1347 = arith.muli %scan3A_101, %mul3A_1346 : i32
        %add3A_1348 = arith.constant 13 : i32
        %add3A_1349 = arith.addi %mul3A_1347, %add3A_1348 : i32
        %get3A_1350 = arith.index_cast %add3A_1349 : i32 to index
        %get3A_1351 = arith.constant 32 : index
        %get3A_1352 = tpu.vector_load %arg9[%get3A_1350, %get3A_1351] {strides = array<i32>} : memref<80x64xi32, #tpu.memory_space<vmem>>, vector<16xi32>,
        %bitcast3A_1353 = vector.bitcast %get3A_1352 : vector<16xi32> to vector<32xbf16>
        %mul3A_1354 = arith.constant 16 : i32
        %mul3A_1355 = arith.muli %scan3A_101, %mul3A_1354 : i32
        %add3A_1356 = arith.constant 13 : i32
        %add3A_1357 = arith.addi %mul3A_1355, %add3A_1356 : i32
        %get3A_1358 = arith.index_cast %add3A_1357 : i32 to index
        %get3A_1359 = arith.constant 32 : index
        %get3A_1360 = tpu.vector_load %arg11[%get3A_1358, %get3A_1359] {strides = array<i32>} : memref<80x64xi32, #tpu.memory_space<vmem>>, vector<16xi32>,
        %bitcast3A_1361 = vector.bitcast %get3A_1360 : vector<16xi32> to vector<32xbf16>
        %mul3A_1362 = arith.mulf %bitcast3A_1353, %bitcast3A_1361 : vector<32xbf16>
        %unpack3A_1363 = tpu.unpack_subelements %mul3A_1362, 0 {pack_format = #tpu.pack_format<interleaved>} : vector<32xbf16> -> vector<16xf32>
        %unpack3A_1364 = tpu.unpack_subelements %mul3A_1362, 1 {pack_format = #tpu.pack_format<interleaved>} : vector<32xbf16> -> vector<16xf32>
        %add3A_1365 = arith.addf %unpack3A_1363, %unpack3A_1364 : vector<16xf32>
        %mul3A_1366 = arith.constant 16 : i32
        %mul3A_1367 = arith.muli %scan3A_101, %mul3A_1366 : i32
        %add3A_1368 = arith.constant 13 : i32
        %add3A_1369 = arith.addi %mul3A_1367, %add3A_1368 : i32
        %get3A_1370 = arith.index_cast %add3A_1369 : i32 to index
        %get3A_1371 = arith.constant 48 : index
        %get3A_1372 = tpu.vector_load %arg9[%get3A_1370, %get3A_1371] {strides = array<i32>} : memref<80x64xi32, #tpu.memory_space<vmem>>, vector<16xi32>,
        %bitcast3A_1373 = vector.bitcast %get3A_1372 : vector<16xi32> to vector<32xbf16>
        %mul3A_1374 = arith.constant 16 : i32
        %mul3A_1375 = arith.muli %scan3A_101, %mul3A_1374 : i32
        %add3A_1376 = arith.constant 13 : i32
        %add3A_1377 = arith.addi %mul3A_1375, %add3A_1376 : i32
        %get3A_1378 = arith.index_cast %add3A_1377 : i32 to index
        %get3A_1379 = arith.constant 48 : index
        %get3A_1380 = tpu.vector_load %arg11[%get3A_1378, %get3A_1379] {strides = array<i32>} : memref<80x64xi32, #tpu.memory_space<vmem>>, vector<16xi32>,
        %bitcast3A_1381 = vector.bitcast %get3A_1380 : vector<16xi32> to vector<32xbf16>
        %mul3A_1382 = arith.mulf %bitcast3A_1373, %bitcast3A_1381 : vector<32xbf16>
        %unpack3A_1383 = tpu.unpack_subelements %mul3A_1382, 0 {pack_format = #tpu.pack_format<interleaved>} : vector<32xbf16> -> vector<16xf32>
        %unpack3A_1384 = tpu.unpack_subelements %mul3A_1382, 1 {pack_format = #tpu.pack_format<interleaved>} : vector<32xbf16> -> vector<16xf32>
        %add3A_1385 = arith.addf %unpack3A_1383, %unpack3A_1384 : vector<16xf32>
        %add3A_1386 = arith.addf %add3A_1325, %add3A_1345 : vector<16xf32>
        %add3A_1387 = arith.addf %add3A_1365, %add3A_1385 : vector<16xf32>
        %add3A_1388 = arith.addf %add3A_1386, %add3A_1387 : vector<16xf32>
        %cumsum3A_1389 = arith.constant true
        %cumsum3A_1390 = vector.broadcast %cumsum3A_1389 : i1 to vector<16xi1>
        %cumsum3A_1391 = tpu.scan <sum>, %add3A_1388 masked %cumsum3A_1390 : vector<16xf32>, vector<16xi1> -> vector<16xf32>
        %mul3A_1392 = arith.constant 16 : i32
        %mul3A_1393 = arith.muli %scan3A_101, %mul3A_1392 : i32
        %add3A_1394 = arith.addi %mul3A_92, %mul3A_1393 : i32
        %add3A_1395 = arith.constant 13 : i32
        %add3A_1396 = arith.addi %add3A_1394, %add3A_1395 : i32
        %swap3A_1397 = arith.index_cast %add3A_1396 : i32 to index
        %swap3A_1398 = tpu.vector_load %arg12[%swap3A_1397] masked %eq3A_4 {strides = array<i32>} : memref<10016xf32, #tpu.memory_space<vmem>>, vector<16xf32>, vector<16xi1>
        tpu.vector_store %arg12[%swap3A_1397], %cumsum3A_1391 masked %eq3A_4 {strides = array<i32>} : memref<10016xf32, #tpu.memory_space<vmem>>, vector<16xf32>, vector<16xi1>
        %mul3A_1399 = arith.constant 16 : i32
        %mul3A_1400 = arith.muli %scan3A_101, %mul3A_1399 : i32
        %add3A_1401 = arith.constant 14 : i32
        %add3A_1402 = arith.addi %mul3A_1400, %add3A_1401 : i32
        %get3A_1403 = arith.index_cast %add3A_1402 : i32 to index
        %get3A_1404 = arith.constant 0 : index
        %get3A_1405 = tpu.vector_load %arg9[%get3A_1403, %get3A_1404] {strides = array<i32>} : memref<80x64xi32, #tpu.memory_space<vmem>>, vector<16xi32>,
        %bitcast3A_1406 = vector.bitcast %get3A_1405 : vector<16xi32> to vector<32xbf16>
        %mul3A_1407 = arith.constant 16 : i32
        %mul3A_1408 = arith.muli %scan3A_101, %mul3A_1407 : i32
        %add3A_1409 = arith.constant 14 : i32
        %add3A_1410 = arith.addi %mul3A_1408, %add3A_1409 : i32
        %get3A_1411 = arith.index_cast %add3A_1410 : i32 to index
        %get3A_1412 = arith.constant 0 : index
        %get3A_1413 = tpu.vector_load %arg11[%get3A_1411, %get3A_1412] {strides = array<i32>} : memref<80x64xi32, #tpu.memory_space<vmem>>, vector<16xi32>,
        %bitcast3A_1414 = vector.bitcast %get3A_1413 : vector<16xi32> to vector<32xbf16>
        %mul3A_1415 = arith.mulf %bitcast3A_1406, %bitcast3A_1414 : vector<32xbf16>
        %unpack3A_1416 = tpu.unpack_subelements %mul3A_1415, 0 {pack_format = #tpu.pack_format<interleaved>} : vector<32xbf16> -> vector<16xf32>
        %unpack3A_1417 = tpu.unpack_subelements %mul3A_1415, 1 {pack_format = #tpu.pack_format<interleaved>} : vector<32xbf16> -> vector<16xf32>
        %add3A_1418 = arith.addf %unpack3A_1416, %unpack3A_1417 : vector<16xf32>
        %mul3A_1419 = arith.constant 16 : i32
        %mul3A_1420 = arith.muli %scan3A_101, %mul3A_1419 : i32
        %add3A_1421 = arith.constant 14 : i32
        %add3A_1422 = arith.addi %mul3A_1420, %add3A_1421 : i32
        %get3A_1423 = arith.index_cast %add3A_1422 : i32 to index
        %get3A_1424 = arith.constant 16 : index
        %get3A_1425 = tpu.vector_load %arg9[%get3A_1423, %get3A_1424] {strides = array<i32>} : memref<80x64xi32, #tpu.memory_space<vmem>>, vector<16xi32>,
        %bitcast3A_1426 = vector.bitcast %get3A_1425 : vector<16xi32> to vector<32xbf16>
        %mul3A_1427 = arith.constant 16 : i32
        %mul3A_1428 = arith.muli %scan3A_101, %mul3A_1427 : i32
        %add3A_1429 = arith.constant 14 : i32
        %add3A_1430 = arith.addi %mul3A_1428, %add3A_1429 : i32
        %get3A_1431 = arith.index_cast %add3A_1430 : i32 to index
        %get3A_1432 = arith.constant 16 : index
        %get3A_1433 = tpu.vector_load %arg11[%get3A_1431, %get3A_1432] {strides = array<i32>} : memref<80x64xi32, #tpu.memory_space<vmem>>, vector<16xi32>,
        %bitcast3A_1434 = vector.bitcast %get3A_1433 : vector<16xi32> to vector<32xbf16>
        %mul3A_1435 = arith.mulf %bitcast3A_1426, %bitcast3A_1434 : vector<32xbf16>
        %unpack3A_1436 = tpu.unpack_subelements %mul3A_1435, 0 {pack_format = #tpu.pack_format<interleaved>} : vector<32xbf16> -> vector<16xf32>
        %unpack3A_1437 = tpu.unpack_subelements %mul3A_1435, 1 {pack_format = #tpu.pack_format<interleaved>} : vector<32xbf16> -> vector<16xf32>
        %add3A_1438 = arith.addf %unpack3A_1436, %unpack3A_1437 : vector<16xf32>
        %mul3A_1439 = arith.constant 16 : i32
        %mul3A_1440 = arith.muli %scan3A_101, %mul3A_1439 : i32
        %add3A_1441 = arith.constant 14 : i32
        %add3A_1442 = arith.addi %mul3A_1440, %add3A_1441 : i32
        %get3A_1443 = arith.index_cast %add3A_1442 : i32 to index
        %get3A_1444 = arith.constant 32 : index
        %get3A_1445 = tpu.vector_load %arg9[%get3A_1443, %get3A_1444] {strides = array<i32>} : memref<80x64xi32, #tpu.memory_space<vmem>>, vector<16xi32>,
        %bitcast3A_1446 = vector.bitcast %get3A_1445 : vector<16xi32> to vector<32xbf16>
        %mul3A_1447 = arith.constant 16 : i32
        %mul3A_1448 = arith.muli %scan3A_101, %mul3A_1447 : i32
        %add3A_1449 = arith.constant 14 : i32
        %add3A_1450 = arith.addi %mul3A_1448, %add3A_1449 : i32
        %get3A_1451 = arith.index_cast %add3A_1450 : i32 to index
        %get3A_1452 = arith.constant 32 : index
        %get3A_1453 = tpu.vector_load %arg11[%get3A_1451, %get3A_1452] {strides = array<i32>} : memref<80x64xi32, #tpu.memory_space<vmem>>, vector<16xi32>,
        %bitcast3A_1454 = vector.bitcast %get3A_1453 : vector<16xi32> to vector<32xbf16>
        %mul3A_1455 = arith.mulf %bitcast3A_1446, %bitcast3A_1454 : vector<32xbf16>
        %unpack3A_1456 = tpu.unpack_subelements %mul3A_1455, 0 {pack_format = #tpu.pack_format<interleaved>} : vector<32xbf16> -> vector<16xf32>
        %unpack3A_1457 = tpu.unpack_subelements %mul3A_1455, 1 {pack_format = #tpu.pack_format<interleaved>} : vector<32xbf16> -> vector<16xf32>
        %add3A_1458 = arith.addf %unpack3A_1456, %unpack3A_1457 : vector<16xf32>
        %mul3A_1459 = arith.constant 16 : i32
        %mul3A_1460 = arith.muli %scan3A_101, %mul3A_1459 : i32
        %add3A_1461 = arith.constant 14 : i32
        %add3A_1462 = arith.addi %mul3A_1460, %add3A_1461 : i32
        %get3A_1463 = arith.index_cast %add3A_1462 : i32 to index
        %get3A_1464 = arith.constant 48 : index
        %get3A_1465 = tpu.vector_load %arg9[%get3A_1463, %get3A_1464] {strides = array<i32>} : memref<80x64xi32, #tpu.memory_space<vmem>>, vector<16xi32>,
        %bitcast3A_1466 = vector.bitcast %get3A_1465 : vector<16xi32> to vector<32xbf16>
        %mul3A_1467 = arith.constant 16 : i32
        %mul3A_1468 = arith.muli %scan3A_101, %mul3A_1467 : i32
        %add3A_1469 = arith.constant 14 : i32
        %add3A_1470 = arith.addi %mul3A_1468, %add3A_1469 : i32
        %get3A_1471 = arith.index_cast %add3A_1470 : i32 to index
        %get3A_1472 = arith.constant 48 : index
        %get3A_1473 = tpu.vector_load %arg11[%get3A_1471, %get3A_1472] {strides = array<i32>} : memref<80x64xi32, #tpu.memory_space<vmem>>, vector<16xi32>,
        %bitcast3A_1474 = vector.bitcast %get3A_1473 : vector<16xi32> to vector<32xbf16>
        %mul3A_1475 = arith.mulf %bitcast3A_1466, %bitcast3A_1474 : vector<32xbf16>
        %unpack3A_1476 = tpu.unpack_subelements %mul3A_1475, 0 {pack_format = #tpu.pack_format<interleaved>} : vector<32xbf16> -> vector<16xf32>
        %unpack3A_1477 = tpu.unpack_subelements %mul3A_1475, 1 {pack_format = #tpu.pack_format<interleaved>} : vector<32xbf16> -> vector<16xf32>
        %add3A_1478 = arith.addf %unpack3A_1476, %unpack3A_1477 : vector<16xf32>
        %add3A_1479 = arith.addf %add3A_1418, %add3A_1438 : vector<16xf32>
        %add3A_1480 = arith.addf %add3A_1458, %add3A_1478 : vector<16xf32>
        %add3A_1481 = arith.addf %add3A_1479, %add3A_1480 : vector<16xf32>
        %cumsum3A_1482 = arith.constant true
        %cumsum3A_1483 = vector.broadcast %cumsum3A_1482 : i1 to vector<16xi1>
        %cumsum3A_1484 = tpu.scan <sum>, %add3A_1481 masked %cumsum3A_1483 : vector<16xf32>, vector<16xi1> -> vector<16xf32>
        %mul3A_1485 = arith.constant 16 : i32
        %mul3A_1486 = arith.muli %scan3A_101, %mul3A_1485 : i32
        %add3A_1487 = arith.addi %mul3A_92, %mul3A_1486 : i32
        %add3A_1488 = arith.constant 14 : i32
        %add3A_1489 = arith.addi %add3A_1487, %add3A_1488 : i32
        %swap3A_1490 = arith.index_cast %add3A_1489 : i32 to index
        %swap3A_1491 = tpu.vector_load %arg12[%swap3A_1490] masked %eq3A_4 {strides = array<i32>} : memref<10016xf32, #tpu.memory_space<vmem>>, vector<16xf32>, vector<16xi1>
        tpu.vector_store %arg12[%swap3A_1490], %cumsum3A_1484 masked %eq3A_4 {strides = array<i32>} : memref<10016xf32, #tpu.memory_space<vmem>>, vector<16xf32>, vector<16xi1>
        %mul3A_1492 = arith.constant 16 : i32
        %mul3A_1493 = arith.muli %scan3A_101, %mul3A_1492 : i32
        %add3A_1494 = arith.constant 15 : i32
        %add3A_1495 = arith.addi %mul3A_1493, %add3A_1494 : i32
        %get3A_1496 = arith.index_cast %add3A_1495 : i32 to index
        %get3A_1497 = arith.constant 0 : index
        %get3A_1498 = tpu.vector_load %arg9[%get3A_1496, %get3A_1497] {strides = array<i32>} : memref<80x64xi32, #tpu.memory_space<vmem>>, vector<16xi32>,
        %bitcast3A_1499 = vector.bitcast %get3A_1498 : vector<16xi32> to vector<32xbf16>
        %mul3A_1500 = arith.constant 16 : i32
        %mul3A_1501 = arith.muli %scan3A_101, %mul3A_1500 : i32
        %add3A_1502 = arith.constant 15 : i32
        %add3A_1503 = arith.addi %mul3A_1501, %add3A_1502 : i32
        %get3A_1504 = arith.index_cast %add3A_1503 : i32 to index
        %get3A_1505 = arith.constant 0 : index
        %get3A_1506 = tpu.vector_load %arg11[%get3A_1504, %get3A_1505] {strides = array<i32>} : memref<80x64xi32, #tpu.memory_space<vmem>>, vector<16xi32>,
        %bitcast3A_1507 = vector.bitcast %get3A_1506 : vector<16xi32> to vector<32xbf16>
        %mul3A_1508 = arith.mulf %bitcast3A_1499, %bitcast3A_1507 : vector<32xbf16>
        %unpack3A_1509 = tpu.unpack_subelements %mul3A_1508, 0 {pack_format = #tpu.pack_format<interleaved>} : vector<32xbf16> -> vector<16xf32>
        %unpack3A_1510 = tpu.unpack_subelements %mul3A_1508, 1 {pack_format = #tpu.pack_format<interleaved>} : vector<32xbf16> -> vector<16xf32>
        %add3A_1511 = arith.addf %unpack3A_1509, %unpack3A_1510 : vector<16xf32>
        %mul3A_1512 = arith.constant 16 : i32
        %mul3A_1513 = arith.muli %scan3A_101, %mul3A_1512 : i32
        %add3A_1514 = arith.constant 15 : i32
        %add3A_1515 = arith.addi %mul3A_1513, %add3A_1514 : i32
        %get3A_1516 = arith.index_cast %add3A_1515 : i32 to index
        %get3A_1517 = arith.constant 16 : index
        %get3A_1518 = tpu.vector_load %arg9[%get3A_1516, %get3A_1517] {strides = array<i32>} : memref<80x64xi32, #tpu.memory_space<vmem>>, vector<16xi32>,
        %bitcast3A_1519 = vector.bitcast %get3A_1518 : vector<16xi32> to vector<32xbf16>
        %mul3A_1520 = arith.constant 16 : i32
        %mul3A_1521 = arith.muli %scan3A_101, %mul3A_1520 : i32
        %add3A_1522 = arith.constant 15 : i32
        %add3A_1523 = arith.addi %mul3A_1521, %add3A_1522 : i32
        %get3A_1524 = arith.index_cast %add3A_1523 : i32 to index
        %get3A_1525 = arith.constant 16 : index
        %get3A_1526 = tpu.vector_load %arg11[%get3A_1524, %get3A_1525] {strides = array<i32>} : memref<80x64xi32, #tpu.memory_space<vmem>>, vector<16xi32>,
        %bitcast3A_1527 = vector.bitcast %get3A_1526 : vector<16xi32> to vector<32xbf16>
        %mul3A_1528 = arith.mulf %bitcast3A_1519, %bitcast3A_1527 : vector<32xbf16>
        %unpack3A_1529 = tpu.unpack_subelements %mul3A_1528, 0 {pack_format = #tpu.pack_format<interleaved>} : vector<32xbf16> -> vector<16xf32>
        %unpack3A_1530 = tpu.unpack_subelements %mul3A_1528, 1 {pack_format = #tpu.pack_format<interleaved>} : vector<32xbf16> -> vector<16xf32>
        %add3A_1531 = arith.addf %unpack3A_1529, %unpack3A_1530 : vector<16xf32>
        %mul3A_1532 = arith.constant 16 : i32
        %mul3A_1533 = arith.muli %scan3A_101, %mul3A_1532 : i32
        %add3A_1534 = arith.constant 15 : i32
        %add3A_1535 = arith.addi %mul3A_1533, %add3A_1534 : i32
        %get3A_1536 = arith.index_cast %add3A_1535 : i32 to index
        %get3A_1537 = arith.constant 32 : index
        %get3A_1538 = tpu.vector_load %arg9[%get3A_1536, %get3A_1537] {strides = array<i32>} : memref<80x64xi32, #tpu.memory_space<vmem>>, vector<16xi32>,
        %bitcast3A_1539 = vector.bitcast %get3A_1538 : vector<16xi32> to vector<32xbf16>
        %mul3A_1540 = arith.constant 16 : i32
        %mul3A_1541 = arith.muli %scan3A_101, %mul3A_1540 : i32
        %add3A_1542 = arith.constant 15 : i32
        %add3A_1543 = arith.addi %mul3A_1541, %add3A_1542 : i32
        %get3A_1544 = arith.index_cast %add3A_1543 : i32 to index
        %get3A_1545 = arith.constant 32 : index
        %get3A_1546 = tpu.vector_load %arg11[%get3A_1544, %get3A_1545] {strides = array<i32>} : memref<80x64xi32, #tpu.memory_space<vmem>>, vector<16xi32>,
        %bitcast3A_1547 = vector.bitcast %get3A_1546 : vector<16xi32> to vector<32xbf16>
        %mul3A_1548 = arith.mulf %bitcast3A_1539, %bitcast3A_1547 : vector<32xbf16>
        %unpack3A_1549 = tpu.unpack_subelements %mul3A_1548, 0 {pack_format = #tpu.pack_format<interleaved>} : vector<32xbf16> -> vector<16xf32>
        %unpack3A_1550 = tpu.unpack_subelements %mul3A_1548, 1 {pack_format = #tpu.pack_format<interleaved>} : vector<32xbf16> -> vector<16xf32>
        %add3A_1551 = arith.addf %unpack3A_1549, %unpack3A_1550 : vector<16xf32>
        %mul3A_1552 = arith.constant 16 : i32
        %mul3A_1553 = arith.muli %scan3A_101, %mul3A_1552 : i32
        %add3A_1554 = arith.constant 15 : i32
        %add3A_1555 = arith.addi %mul3A_1553, %add3A_1554 : i32
        %get3A_1556 = arith.index_cast %add3A_1555 : i32 to index
        %get3A_1557 = arith.constant 48 : index
        %get3A_1558 = tpu.vector_load %arg9[%get3A_1556, %get3A_1557] {strides = array<i32>} : memref<80x64xi32, #tpu.memory_space<vmem>>, vector<16xi32>,
        %bitcast3A_1559 = vector.bitcast %get3A_1558 : vector<16xi32> to vector<32xbf16>
        %mul3A_1560 = arith.constant 16 : i32
        %mul3A_1561 = arith.muli %scan3A_101, %mul3A_1560 : i32
        %add3A_1562 = arith.constant 15 : i32
        %add3A_1563 = arith.addi %mul3A_1561, %add3A_1562 : i32
        %get3A_1564 = arith.index_cast %add3A_1563 : i32 to index
        %get3A_1565 = arith.constant 48 : index
        %get3A_1566 = tpu.vector_load %arg11[%get3A_1564, %get3A_1565] {strides = array<i32>} : memref<80x64xi32, #tpu.memory_space<vmem>>, vector<16xi32>,
        %bitcast3A_1567 = vector.bitcast %get3A_1566 : vector<16xi32> to vector<32xbf16>
        %mul3A_1568 = arith.mulf %bitcast3A_1559, %bitcast3A_1567 : vector<32xbf16>
        %unpack3A_1569 = tpu.unpack_subelements %mul3A_1568, 0 {pack_format = #tpu.pack_format<interleaved>} : vector<32xbf16> -> vector<16xf32>
        %unpack3A_1570 = tpu.unpack_subelements %mul3A_1568, 1 {pack_format = #tpu.pack_format<interleaved>} : vector<32xbf16> -> vector<16xf32>
        %add3A_1571 = arith.addf %unpack3A_1569, %unpack3A_1570 : vector<16xf32>
        %add3A_1572 = arith.addf %add3A_1511, %add3A_1531 : vector<16xf32>
        %add3A_1573 = arith.addf %add3A_1551, %add3A_1571 : vector<16xf32>
        %add3A_1574 = arith.addf %add3A_1572, %add3A_1573 : vector<16xf32>
        %cumsum3A_1575 = arith.constant true
        %cumsum3A_1576 = vector.broadcast %cumsum3A_1575 : i1 to vector<16xi1>
        %cumsum3A_1577 = tpu.scan <sum>, %add3A_1574 masked %cumsum3A_1576 : vector<16xf32>, vector<16xi1> -> vector<16xf32>
        %mul3A_1578 = arith.constant 16 : i32
        %mul3A_1579 = arith.muli %scan3A_101, %mul3A_1578 : i32
        %add3A_1580 = arith.addi %mul3A_92, %mul3A_1579 : i32
        %add3A_1581 = arith.constant 15 : i32
        %add3A_1582 = arith.addi %add3A_1580, %add3A_1581 : i32
        %swap3A_1583 = arith.index_cast %add3A_1582 : i32 to index
        %swap3A_1584 = tpu.vector_load %arg12[%swap3A_1583] masked %eq3A_4 {strides = array<i32>} : memref<10016xf32, #tpu.memory_space<vmem>>, vector<16xf32>, vector<16xi1>
        tpu.vector_store %arg12[%swap3A_1583], %cumsum3A_1577 masked %eq3A_4 {strides = array<i32>} : memref<10016xf32, #tpu.memory_space<vmem>>, vector<16xf32>, vector<16xi1>
      }
      %scan3A_98 = arith.constant 5 : i32
      %lt3A = arith.constant 61 : i32
      %lt3A_99 = arith.cmpi slt, %scan3A_44, %lt3A : i32
      %convert_element_type3A = arith.extui %lt3A_99 : i1 to i32
      %cond3A = arith.constant 0 : i32
      %cond3A_100 = arith.cmpi ne, %convert_element_type3A, %cond3A : i32
      scf.if %cond3A_100 {
        %add3A_101 = arith.constant 2 : i32
        %add3A_102 = arith.addi %add3A_80, %add3A_101 : i32
        %mul3A_103 = arith.constant 80 : i32
        %mul3A_104 = arith.muli %add3A_102, %mul3A_103 : i32
        %dma_start3A_105 = tpu.memref_slice %arg6[%mul3A_104] : memref<10000xi32, #tpu.memory_space<vmem>> -> memref<80xi32, #tpu.memory_space<vmem>>
        %dma_start3A_106 = arith.constant 0 : i32
        %dma_start3A_107 = arith.constant 0 : i32
        %dma_start3A_108 = tpu.memref_slice %arg2[%dma_start3A_106, %dma_start3A_107] : memref<10000x64xi32, #tpu.memory_space<hbm>> -> memref<10000x64xi32, #tpu.memory_space<hbm>>
        tpu.enqueue_indirect_dma source(%dma_start3A_108 : memref<10000x64xi32, #tpu.memory_space<hbm>>) target(%arg9 : memref<80x64xi32, #tpu.memory_space<vmem>>) offsets(%dma_start3A_105 : memref<80xi32, #tpu.memory_space<vmem>>) semaphore(%arg14 : memref<!tpu.dma_semaphore, #tpu.memory_space<semaphore_mem>>)
        %dma_start3A_109 = tpu.memref_slice %arg7[%mul3A_104] : memref<10000xi32, #tpu.memory_space<vmem>> -> memref<80xi32, #tpu.memory_space<vmem>>
        %dma_start3A_110 = arith.constant 0 : i32
        %dma_start3A_111 = arith.constant 0 : i32
        %dma_start3A_112 = tpu.memref_slice %arg2[%dma_start3A_110, %dma_start3A_111] : memref<10000x64xi32, #tpu.memory_space<hbm>> -> memref<10000x64xi32, #tpu.memory_space<hbm>>
        tpu.enqueue_indirect_dma source(%dma_start3A_112 : memref<10000x64xi32, #tpu.memory_space<hbm>>) target(%arg11 : memref<80x64xi32, #tpu.memory_space<vmem>>) offsets(%dma_start3A_109 : memref<80xi32, #tpu.memory_space<vmem>>) semaphore(%arg14 : memref<!tpu.dma_semaphore, #tpu.memory_space<semaphore_mem>>)
      } else {
      }
    }
    %scan3A_28 = arith.constant 62 : i32
    %dma_wait3A = arith.constant 9920 : i32
    %dma_wait3A_29 = tpu.memref_slice %arg6[%dma_wait3A] : memref<10000xi32, #tpu.memory_space<vmem>> -> memref<80xi32, #tpu.memory_space<vmem>>
    %dma_wait3A_30 = arith.constant 0 : i32
    %dma_wait3A_31 = arith.constant 0 : i32
    %dma_wait3A_32 = tpu.memref_slice %arg2[%dma_wait3A_30, %dma_wait3A_31] : memref<10000x64xi32, #tpu.memory_space<hbm>> -> memref<10000x64xi32, #tpu.memory_space<hbm>>
    tpu.wait_indirect_dma semaphore(%arg13 : memref<!tpu.dma_semaphore, #tpu.memory_space<semaphore_mem>>) src(%dma_wait3A_32 : memref<10000x64xi32, #tpu.memory_space<hbm>>) dst(%arg8 : memref<80x64xi32, #tpu.memory_space<vmem>>)
    %dma_wait3A_33 = arith.constant 9920 : i32
    %dma_wait3A_34 = tpu.memref_slice %arg7[%dma_wait3A_33] : memref<10000xi32, #tpu.memory_space<vmem>> -> memref<80xi32, #tpu.memory_space<vmem>>
    %dma_wait3A_35 = arith.constant 0 : i32
    %dma_wait3A_36 = arith.constant 0 : i32
    %dma_wait3A_37 = tpu.memref_slice %arg2[%dma_wait3A_35, %dma_wait3A_36] : memref<10000x64xi32, #tpu.memory_space<hbm>> -> memref<10000x64xi32, #tpu.memory_space<hbm>>
    tpu.wait_indirect_dma semaphore(%arg13 : memref<!tpu.dma_semaphore, #tpu.memory_space<semaphore_mem>>) src(%dma_wait3A_37 : memref<10000x64xi32, #tpu.memory_space<hbm>>) dst(%arg10 : memref<80x64xi32, #tpu.memory_space<vmem>>)
    %scan3A_38 = arith.constant 0 : i32
    %scan3A_39 = arith.constant 0 : i32
    %scan3A_40 = arith.constant 5 : i32
    %scan3A_41 = arith.addi %scan3A_39, %scan3A_40 : i32
    %scan3A_42 = arith.constant 1 : i32
    scf.for %scan3A_44 = %scan3A_39 to %scan3A_41 step %scan3A_42  : i32 {
      %mul3A_45 = arith.constant 16 : i32
      %mul3A_46 = arith.muli %scan3A_44, %mul3A_45 : i32
      %add3A_47 = arith.constant 0 : i32
      %add3A_48 = arith.addi %mul3A_46, %add3A_47 : i32
      %get3A = arith.index_cast %add3A_48 : i32 to index
      %get3A_49 = arith.constant 0 : index
      %get3A_50 = tpu.vector_load %arg8[%get3A, %get3A_49] {strides = array<i32>} : memref<80x64xi32, #tpu.memory_space<vmem>>, vector<16xi32>,
      %bitcast3A = vector.bitcast %get3A_50 : vector<16xi32> to vector<32xbf16>
      %mul3A_51 = arith.constant 16 : i32
      %mul3A_52 = arith.muli %scan3A_44, %mul3A_51 : i32
      %add3A_53 = arith.constant 0 : i32
      %add3A_54 = arith.addi %mul3A_52, %add3A_53 : i32
      %get3A_55 = arith.index_cast %add3A_54 : i32 to index
      %get3A_56 = arith.constant 0 : index
      %get3A_57 = tpu.vector_load %arg10[%get3A_55, %get3A_56] {strides = array<i32>} : memref<80x64xi32, #tpu.memory_space<vmem>>, vector<16xi32>,
      %bitcast3A_58 = vector.bitcast %get3A_57 : vector<16xi32> to vector<32xbf16>
      %mul3A_59 = arith.mulf %bitcast3A, %bitcast3A_58 : vector<32xbf16>
      %unpack3A = tpu.unpack_subelements %mul3A_59, 0 {pack_format = #tpu.pack_format<interleaved>} : vector<32xbf16> -> vector<16xf32>
      %unpack3A_60 = tpu.unpack_subelements %mul3A_59, 1 {pack_format = #tpu.pack_format<interleaved>} : vector<32xbf16> -> vector<16xf32>
      %add3A_61 = arith.addf %unpack3A, %unpack3A_60 : vector<16xf32>
      %mul3A_62 = arith.constant 16 : i32
      %mul3A_63 = arith.muli %scan3A_44, %mul3A_62 : i32
      %add3A_64 = arith.constant 0 : i32
      %add3A_65 = arith.addi %mul3A_63, %add3A_64 : i32
      %get3A_66 = arith.index_cast %add3A_65 : i32 to index
      %get3A_67 = arith.constant 16 : index
      %get3A_68 = tpu.vector_load %arg8[%get3A_66, %get3A_67] {strides = array<i32>} : memref<80x64xi32, #tpu.memory_space<vmem>>, vector<16xi32>,
      %bitcast3A_69 = vector.bitcast %get3A_68 : vector<16xi32> to vector<32xbf16>
      %mul3A_70 = arith.constant 16 : i32
      %mul3A_71 = arith.muli %scan3A_44, %mul3A_70 : i32
      %add3A_72 = arith.constant 0 : i32
      %add3A_73 = arith.addi %mul3A_71, %add3A_72 : i32
      %get3A_74 = arith.index_cast %add3A_73 : i32 to index
      %get3A_75 = arith.constant 16 : index
      %get3A_76 = tpu.vector_load %arg10[%get3A_74, %get3A_75] {strides = array<i32>} : memref<80x64xi32, #tpu.memory_space<vmem>>, vector<16xi32>,
      %bitcast3A_77 = vector.bitcast %get3A_76 : vector<16xi32> to vector<32xbf16>
      %mul3A_78 = arith.mulf %bitcast3A_69, %bitcast3A_77 : vector<32xbf16>
      %unpack3A_79 = tpu.unpack_subelements %mul3A_78, 0 {pack_format = #tpu.pack_format<interleaved>} : vector<32xbf16> -> vector<16xf32>
      %unpack3A_80 = tpu.unpack_subelements %mul3A_78, 1 {pack_format = #tpu.pack_format<interleaved>} : vector<32xbf16> -> vector<16xf32>
      %add3A_81 = arith.addf %unpack3A_79, %unpack3A_80 : vector<16xf32>
      %mul3A_82 = arith.constant 16 : i32
      %mul3A_83 = arith.muli %scan3A_44, %mul3A_82 : i32
      %add3A_84 = arith.constant 0 : i32
      %add3A_85 = arith.addi %mul3A_83, %add3A_84 : i32
      %get3A_86 = arith.index_cast %add3A_85 : i32 to index
      %get3A_87 = arith.constant 32 : index
      %get3A_88 = tpu.vector_load %arg8[%get3A_86, %get3A_87] {strides = array<i32>} : memref<80x64xi32, #tpu.memory_space<vmem>>, vector<16xi32>,
      %bitcast3A_89 = vector.bitcast %get3A_88 : vector<16xi32> to vector<32xbf16>
      %mul3A_90 = arith.constant 16 : i32
      %mul3A_91 = arith.muli %scan3A_44, %mul3A_90 : i32
      %add3A_92 = arith.constant 0 : i32
      %add3A_93 = arith.addi %mul3A_91, %add3A_92 : i32
      %get3A_94 = arith.index_cast %add3A_93 : i32 to index
      %get3A_95 = arith.constant 32 : index
      %get3A_96 = tpu.vector_load %arg10[%get3A_94, %get3A_95] {strides = array<i32>} : memref<80x64xi32, #tpu.memory_space<vmem>>, vector<16xi32>,
      %bitcast3A_97 = vector.bitcast %get3A_96 : vector<16xi32> to vector<32xbf16>
      %mul3A_98 = arith.mulf %bitcast3A_89, %bitcast3A_97 : vector<32xbf16>
      %unpack3A_99 = tpu.unpack_subelements %mul3A_98, 0 {pack_format = #tpu.pack_format<interleaved>} : vector<32xbf16> -> vector<16xf32>
      %unpack3A_100 = tpu.unpack_subelements %mul3A_98, 1 {pack_format = #tpu.pack_format<interleaved>} : vector<32xbf16> -> vector<16xf32>
      %add3A_101 = arith.addf %unpack3A_99, %unpack3A_100 : vector<16xf32>
      %mul3A_102 = arith.constant 16 : i32
      %mul3A_103 = arith.muli %scan3A_44, %mul3A_102 : i32
      %add3A_104 = arith.constant 0 : i32
      %add3A_105 = arith.addi %mul3A_103, %add3A_104 : i32
      %get3A_106 = arith.index_cast %add3A_105 : i32 to index
      %get3A_107 = arith.constant 48 : index
      %get3A_108 = tpu.vector_load %arg8[%get3A_106, %get3A_107] {strides = array<i32>} : memref<80x64xi32, #tpu.memory_space<vmem>>, vector<16xi32>,
      %bitcast3A_109 = vector.bitcast %get3A_108 : vector<16xi32> to vector<32xbf16>
      %mul3A_110 = arith.constant 16 : i32
      %mul3A_111 = arith.muli %scan3A_44, %mul3A_110 : i32
      %add3A_112 = arith.constant 0 : i32
      %add3A_113 = arith.addi %mul3A_111, %add3A_112 : i32
      %get3A_114 = arith.index_cast %add3A_113 : i32 to index
      %get3A_115 = arith.constant 48 : index
      %get3A_116 = tpu.vector_load %arg10[%get3A_114, %get3A_115] {strides = array<i32>} : memref<80x64xi32, #tpu.memory_space<vmem>>, vector<16xi32>,
      %bitcast3A_117 = vector.bitcast %get3A_116 : vector<16xi32> to vector<32xbf16>
      %mul3A_118 = arith.mulf %bitcast3A_109, %bitcast3A_117 : vector<32xbf16>
      %unpack3A_119 = tpu.unpack_subelements %mul3A_118, 0 {pack_format = #tpu.pack_format<interleaved>} : vector<32xbf16> -> vector<16xf32>
      %unpack3A_120 = tpu.unpack_subelements %mul3A_118, 1 {pack_format = #tpu.pack_format<interleaved>} : vector<32xbf16> -> vector<16xf32>
      %add3A_121 = arith.addf %unpack3A_119, %unpack3A_120 : vector<16xf32>
      %add3A_122 = arith.addf %add3A_61, %add3A_81 : vector<16xf32>
      %add3A_123 = arith.addf %add3A_101, %add3A_121 : vector<16xf32>
      %add3A_124 = arith.addf %add3A_122, %add3A_123 : vector<16xf32>
      %cumsum3A = arith.constant true
      %cumsum3A_125 = vector.broadcast %cumsum3A : i1 to vector<16xi1>
      %cumsum3A_126 = tpu.scan <sum>, %add3A_124 masked %cumsum3A_125 : vector<16xf32>, vector<16xi1> -> vector<16xf32>
      %mul3A_127 = arith.constant 16 : i32
      %mul3A_128 = arith.muli %scan3A_44, %mul3A_127 : i32
      %add3A_129 = arith.constant 9920 : i32
      %add3A_130 = arith.addi %add3A_129, %mul3A_128 : i32
      %add3A_131 = arith.constant 0 : i32
      %add3A_132 = arith.addi %add3A_130, %add3A_131 : i32
      %swap3A = arith.index_cast %add3A_132 : i32 to index
      %swap3A_133 = tpu.vector_load %arg12[%swap3A] masked %eq3A_4 {strides = array<i32>} : memref<10016xf32, #tpu.memory_space<vmem>>, vector<16xf32>, vector<16xi1>
      tpu.vector_store %arg12[%swap3A], %cumsum3A_126 masked %eq3A_4 {strides = array<i32>} : memref<10016xf32, #tpu.memory_space<vmem>>, vector<16xf32>, vector<16xi1>
      %mul3A_134 = arith.constant 16 : i32
      %mul3A_135 = arith.muli %scan3A_44, %mul3A_134 : i32
      %add3A_136 = arith.constant 1 : i32
      %add3A_137 = arith.addi %mul3A_135, %add3A_136 : i32
      %get3A_138 = arith.index_cast %add3A_137 : i32 to index
      %get3A_139 = arith.constant 0 : index
      %get3A_140 = tpu.vector_load %arg8[%get3A_138, %get3A_139] {strides = array<i32>} : memref<80x64xi32, #tpu.memory_space<vmem>>, vector<16xi32>,
      %bitcast3A_141 = vector.bitcast %get3A_140 : vector<16xi32> to vector<32xbf16>
      %mul3A_142 = arith.constant 16 : i32
      %mul3A_143 = arith.muli %scan3A_44, %mul3A_142 : i32
      %add3A_144 = arith.constant 1 : i32
      %add3A_145 = arith.addi %mul3A_143, %add3A_144 : i32
      %get3A_146 = arith.index_cast %add3A_145 : i32 to index
      %get3A_147 = arith.constant 0 : index
      %get3A_148 = tpu.vector_load %arg10[%get3A_146, %get3A_147] {strides = array<i32>} : memref<80x64xi32, #tpu.memory_space<vmem>>, vector<16xi32>,
      %bitcast3A_149 = vector.bitcast %get3A_148 : vector<16xi32> to vector<32xbf16>
      %mul3A_150 = arith.mulf %bitcast3A_141, %bitcast3A_149 : vector<32xbf16>
      %unpack3A_151 = tpu.unpack_subelements %mul3A_150, 0 {pack_format = #tpu.pack_format<interleaved>} : vector<32xbf16> -> vector<16xf32>
      %unpack3A_152 = tpu.unpack_subelements %mul3A_150, 1 {pack_format = #tpu.pack_format<interleaved>} : vector<32xbf16> -> vector<16xf32>
      %add3A_153 = arith.addf %unpack3A_151, %unpack3A_152 : vector<16xf32>
      %mul3A_154 = arith.constant 16 : i32
      %mul3A_155 = arith.muli %scan3A_44, %mul3A_154 : i32
      %add3A_156 = arith.constant 1 : i32
      %add3A_157 = arith.addi %mul3A_155, %add3A_156 : i32
      %get3A_158 = arith.index_cast %add3A_157 : i32 to index
      %get3A_159 = arith.constant 16 : index
      %get3A_160 = tpu.vector_load %arg8[%get3A_158, %get3A_159] {strides = array<i32>} : memref<80x64xi32, #tpu.memory_space<vmem>>, vector<16xi32>,
      %bitcast3A_161 = vector.bitcast %get3A_160 : vector<16xi32> to vector<32xbf16>
      %mul3A_162 = arith.constant 16 : i32
      %mul3A_163 = arith.muli %scan3A_44, %mul3A_162 : i32
      %add3A_164 = arith.constant 1 : i32
      %add3A_165 = arith.addi %mul3A_163, %add3A_164 : i32
      %get3A_166 = arith.index_cast %add3A_165 : i32 to index
      %get3A_167 = arith.constant 16 : index
      %get3A_168 = tpu.vector_load %arg10[%get3A_166, %get3A_167] {strides = array<i32>} : memref<80x64xi32, #tpu.memory_space<vmem>>, vector<16xi32>,
      %bitcast3A_169 = vector.bitcast %get3A_168 : vector<16xi32> to vector<32xbf16>
      %mul3A_170 = arith.mulf %bitcast3A_161, %bitcast3A_169 : vector<32xbf16>
      %unpack3A_171 = tpu.unpack_subelements %mul3A_170, 0 {pack_format = #tpu.pack_format<interleaved>} : vector<32xbf16> -> vector<16xf32>
      %unpack3A_172 = tpu.unpack_subelements %mul3A_170, 1 {pack_format = #tpu.pack_format<interleaved>} : vector<32xbf16> -> vector<16xf32>
      %add3A_173 = arith.addf %unpack3A_171, %unpack3A_172 : vector<16xf32>
      %mul3A_174 = arith.constant 16 : i32
      %mul3A_175 = arith.muli %scan3A_44, %mul3A_174 : i32
      %add3A_176 = arith.constant 1 : i32
      %add3A_177 = arith.addi %mul3A_175, %add3A_176 : i32
      %get3A_178 = arith.index_cast %add3A_177 : i32 to index
      %get3A_179 = arith.constant 32 : index
      %get3A_180 = tpu.vector_load %arg8[%get3A_178, %get3A_179] {strides = array<i32>} : memref<80x64xi32, #tpu.memory_space<vmem>>, vector<16xi32>,
      %bitcast3A_181 = vector.bitcast %get3A_180 : vector<16xi32> to vector<32xbf16>
      %mul3A_182 = arith.constant 16 : i32
      %mul3A_183 = arith.muli %scan3A_44, %mul3A_182 : i32
      %add3A_184 = arith.constant 1 : i32
      %add3A_185 = arith.addi %mul3A_183, %add3A_184 : i32
      %get3A_186 = arith.index_cast %add3A_185 : i32 to index
      %get3A_187 = arith.constant 32 : index
      %get3A_188 = tpu.vector_load %arg10[%get3A_186, %get3A_187] {strides = array<i32>} : memref<80x64xi32, #tpu.memory_space<vmem>>, vector<16xi32>,
      %bitcast3A_189 = vector.bitcast %get3A_188 : vector<16xi32> to vector<32xbf16>
      %mul3A_190 = arith.mulf %bitcast3A_181, %bitcast3A_189 : vector<32xbf16>
      %unpack3A_191 = tpu.unpack_subelements %mul3A_190, 0 {pack_format = #tpu.pack_format<interleaved>} : vector<32xbf16> -> vector<16xf32>
      %unpack3A_192 = tpu.unpack_subelements %mul3A_190, 1 {pack_format = #tpu.pack_format<interleaved>} : vector<32xbf16> -> vector<16xf32>
      %add3A_193 = arith.addf %unpack3A_191, %unpack3A_192 : vector<16xf32>
      %mul3A_194 = arith.constant 16 : i32
      %mul3A_195 = arith.muli %scan3A_44, %mul3A_194 : i32
      %add3A_196 = arith.constant 1 : i32
      %add3A_197 = arith.addi %mul3A_195, %add3A_196 : i32
      %get3A_198 = arith.index_cast %add3A_197 : i32 to index
      %get3A_199 = arith.constant 48 : index
      %get3A_200 = tpu.vector_load %arg8[%get3A_198, %get3A_199] {strides = array<i32>} : memref<80x64xi32, #tpu.memory_space<vmem>>, vector<16xi32>,
      %bitcast3A_201 = vector.bitcast %get3A_200 : vector<16xi32> to vector<32xbf16>
      %mul3A_202 = arith.constant 16 : i32
      %mul3A_203 = arith.muli %scan3A_44, %mul3A_202 : i32
      %add3A_204 = arith.constant 1 : i32
      %add3A_205 = arith.addi %mul3A_203, %add3A_204 : i32
      %get3A_206 = arith.index_cast %add3A_205 : i32 to index
      %get3A_207 = arith.constant 48 : index
      %get3A_208 = tpu.vector_load %arg10[%get3A_206, %get3A_207] {strides = array<i32>} : memref<80x64xi32, #tpu.memory_space<vmem>>, vector<16xi32>,
      %bitcast3A_209 = vector.bitcast %get3A_208 : vector<16xi32> to vector<32xbf16>
      %mul3A_210 = arith.mulf %bitcast3A_201, %bitcast3A_209 : vector<32xbf16>
      %unpack3A_211 = tpu.unpack_subelements %mul3A_210, 0 {pack_format = #tpu.pack_format<interleaved>} : vector<32xbf16> -> vector<16xf32>
      %unpack3A_212 = tpu.unpack_subelements %mul3A_210, 1 {pack_format = #tpu.pack_format<interleaved>} : vector<32xbf16> -> vector<16xf32>
      %add3A_213 = arith.addf %unpack3A_211, %unpack3A_212 : vector<16xf32>
      %add3A_214 = arith.addf %add3A_153, %add3A_173 : vector<16xf32>
      %add3A_215 = arith.addf %add3A_193, %add3A_213 : vector<16xf32>
      %add3A_216 = arith.addf %add3A_214, %add3A_215 : vector<16xf32>
      %cumsum3A_217 = arith.constant true
      %cumsum3A_218 = vector.broadcast %cumsum3A_217 : i1 to vector<16xi1>
      %cumsum3A_219 = tpu.scan <sum>, %add3A_216 masked %cumsum3A_218 : vector<16xf32>, vector<16xi1> -> vector<16xf32>
      %mul3A_220 = arith.constant 16 : i32
      %mul3A_221 = arith.muli %scan3A_44, %mul3A_220 : i32
      %add3A_222 = arith.constant 9920 : i32
      %add3A_223 = arith.addi %add3A_222, %mul3A_221 : i32
      %add3A_224 = arith.constant 1 : i32
      %add3A_225 = arith.addi %add3A_223, %add3A_224 : i32
      %swap3A_226 = arith.index_cast %add3A_225 : i32 to index
      %swap3A_227 = tpu.vector_load %arg12[%swap3A_226] masked %eq3A_4 {strides = array<i32>} : memref<10016xf32, #tpu.memory_space<vmem>>, vector<16xf32>, vector<16xi1>
      tpu.vector_store %arg12[%swap3A_226], %cumsum3A_219 masked %eq3A_4 {strides = array<i32>} : memref<10016xf32, #tpu.memory_space<vmem>>, vector<16xf32>, vector<16xi1>
      %mul3A_228 = arith.constant 16 : i32
      %mul3A_229 = arith.muli %scan3A_44, %mul3A_228 : i32
      %add3A_230 = arith.constant 2 : i32
      %add3A_231 = arith.addi %mul3A_229, %add3A_230 : i32
      %get3A_232 = arith.index_cast %add3A_231 : i32 to index
      %get3A_233 = arith.constant 0 : index
      %get3A_234 = tpu.vector_load %arg8[%get3A_232, %get3A_233] {strides = array<i32>} : memref<80x64xi32, #tpu.memory_space<vmem>>, vector<16xi32>,
      %bitcast3A_235 = vector.bitcast %get3A_234 : vector<16xi32> to vector<32xbf16>
      %mul3A_236 = arith.constant 16 : i32
      %mul3A_237 = arith.muli %scan3A_44, %mul3A_236 : i32
      %add3A_238 = arith.constant 2 : i32
      %add3A_239 = arith.addi %mul3A_237, %add3A_238 : i32
      %get3A_240 = arith.index_cast %add3A_239 : i32 to index
      %get3A_241 = arith.constant 0 : index
      %get3A_242 = tpu.vector_load %arg10[%get3A_240, %get3A_241] {strides = array<i32>} : memref<80x64xi32, #tpu.memory_space<vmem>>, vector<16xi32>,
      %bitcast3A_243 = vector.bitcast %get3A_242 : vector<16xi32> to vector<32xbf16>
      %mul3A_244 = arith.mulf %bitcast3A_235, %bitcast3A_243 : vector<32xbf16>
      %unpack3A_245 = tpu.unpack_subelements %mul3A_244, 0 {pack_format = #tpu.pack_format<interleaved>} : vector<32xbf16> -> vector<16xf32>
      %unpack3A_246 = tpu.unpack_subelements %mul3A_244, 1 {pack_format = #tpu.pack_format<interleaved>} : vector<32xbf16> -> vector<16xf32>
      %add3A_247 = arith.addf %unpack3A_245, %unpack3A_246 : vector<16xf32>
      %mul3A_248 = arith.constant 16 : i32
      %mul3A_249 = arith.muli %scan3A_44, %mul3A_248 : i32
      %add3A_250 = arith.constant 2 : i32
      %add3A_251 = arith.addi %mul3A_249, %add3A_250 : i32
      %get3A_252 = arith.index_cast %add3A_251 : i32 to index
      %get3A_253 = arith.constant 16 : index
      %get3A_254 = tpu.vector_load %arg8[%get3A_252, %get3A_253] {strides = array<i32>} : memref<80x64xi32, #tpu.memory_space<vmem>>, vector<16xi32>,
      %bitcast3A_255 = vector.bitcast %get3A_254 : vector<16xi32> to vector<32xbf16>
      %mul3A_256 = arith.constant 16 : i32
      %mul3A_257 = arith.muli %scan3A_44, %mul3A_256 : i32
      %add3A_258 = arith.constant 2 : i32
      %add3A_259 = arith.addi %mul3A_257, %add3A_258 : i32
      %get3A_260 = arith.index_cast %add3A_259 : i32 to index
      %get3A_261 = arith.constant 16 : index
      %get3A_262 = tpu.vector_load %arg10[%get3A_260, %get3A_261] {strides = array<i32>} : memref<80x64xi32, #tpu.memory_space<vmem>>, vector<16xi32>,
      %bitcast3A_263 = vector.bitcast %get3A_262 : vector<16xi32> to vector<32xbf16>
      %mul3A_264 = arith.mulf %bitcast3A_255, %bitcast3A_263 : vector<32xbf16>
      %unpack3A_265 = tpu.unpack_subelements %mul3A_264, 0 {pack_format = #tpu.pack_format<interleaved>} : vector<32xbf16> -> vector<16xf32>
      %unpack3A_266 = tpu.unpack_subelements %mul3A_264, 1 {pack_format = #tpu.pack_format<interleaved>} : vector<32xbf16> -> vector<16xf32>
      %add3A_267 = arith.addf %unpack3A_265, %unpack3A_266 : vector<16xf32>
      %mul3A_268 = arith.constant 16 : i32
      %mul3A_269 = arith.muli %scan3A_44, %mul3A_268 : i32
      %add3A_270 = arith.constant 2 : i32
      %add3A_271 = arith.addi %mul3A_269, %add3A_270 : i32
      %get3A_272 = arith.index_cast %add3A_271 : i32 to index
      %get3A_273 = arith.constant 32 : index
      %get3A_274 = tpu.vector_load %arg8[%get3A_272, %get3A_273] {strides = array<i32>} : memref<80x64xi32, #tpu.memory_space<vmem>>, vector<16xi32>,
      %bitcast3A_275 = vector.bitcast %get3A_274 : vector<16xi32> to vector<32xbf16>
      %mul3A_276 = arith.constant 16 : i32
      %mul3A_277 = arith.muli %scan3A_44, %mul3A_276 : i32
      %add3A_278 = arith.constant 2 : i32
      %add3A_279 = arith.addi %mul3A_277, %add3A_278 : i32
      %get3A_280 = arith.index_cast %add3A_279 : i32 to index
      %get3A_281 = arith.constant 32 : index
      %get3A_282 = tpu.vector_load %arg10[%get3A_280, %get3A_281] {strides = array<i32>} : memref<80x64xi32, #tpu.memory_space<vmem>>, vector<16xi32>,
      %bitcast3A_283 = vector.bitcast %get3A_282 : vector<16xi32> to vector<32xbf16>
      %mul3A_284 = arith.mulf %bitcast3A_275, %bitcast3A_283 : vector<32xbf16>
      %unpack3A_285 = tpu.unpack_subelements %mul3A_284, 0 {pack_format = #tpu.pack_format<interleaved>} : vector<32xbf16> -> vector<16xf32>
      %unpack3A_286 = tpu.unpack_subelements %mul3A_284, 1 {pack_format = #tpu.pack_format<interleaved>} : vector<32xbf16> -> vector<16xf32>
      %add3A_287 = arith.addf %unpack3A_285, %unpack3A_286 : vector<16xf32>
      %mul3A_288 = arith.constant 16 : i32
      %mul3A_289 = arith.muli %scan3A_44, %mul3A_288 : i32
      %add3A_290 = arith.constant 2 : i32
      %add3A_291 = arith.addi %mul3A_289, %add3A_290 : i32
      %get3A_292 = arith.index_cast %add3A_291 : i32 to index
      %get3A_293 = arith.constant 48 : index
      %get3A_294 = tpu.vector_load %arg8[%get3A_292, %get3A_293] {strides = array<i32>} : memref<80x64xi32, #tpu.memory_space<vmem>>, vector<16xi32>,
      %bitcast3A_295 = vector.bitcast %get3A_294 : vector<16xi32> to vector<32xbf16>
      %mul3A_296 = arith.constant 16 : i32
      %mul3A_297 = arith.muli %scan3A_44, %mul3A_296 : i32
      %add3A_298 = arith.constant 2 : i32
      %add3A_299 = arith.addi %mul3A_297, %add3A_298 : i32
      %get3A_300 = arith.index_cast %add3A_299 : i32 to index
      %get3A_301 = arith.constant 48 : index
      %get3A_302 = tpu.vector_load %arg10[%get3A_300, %get3A_301] {strides = array<i32>} : memref<80x64xi32, #tpu.memory_space<vmem>>, vector<16xi32>,
      %bitcast3A_303 = vector.bitcast %get3A_302 : vector<16xi32> to vector<32xbf16>
      %mul3A_304 = arith.mulf %bitcast3A_295, %bitcast3A_303 : vector<32xbf16>
      %unpack3A_305 = tpu.unpack_subelements %mul3A_304, 0 {pack_format = #tpu.pack_format<interleaved>} : vector<32xbf16> -> vector<16xf32>
      %unpack3A_306 = tpu.unpack_subelements %mul3A_304, 1 {pack_format = #tpu.pack_format<interleaved>} : vector<32xbf16> -> vector<16xf32>
      %add3A_307 = arith.addf %unpack3A_305, %unpack3A_306 : vector<16xf32>
      %add3A_308 = arith.addf %add3A_247, %add3A_267 : vector<16xf32>
      %add3A_309 = arith.addf %add3A_287, %add3A_307 : vector<16xf32>
      %add3A_310 = arith.addf %add3A_308, %add3A_309 : vector<16xf32>
      %cumsum3A_311 = arith.constant true
      %cumsum3A_312 = vector.broadcast %cumsum3A_311 : i1 to vector<16xi1>
      %cumsum3A_313 = tpu.scan <sum>, %add3A_310 masked %cumsum3A_312 : vector<16xf32>, vector<16xi1> -> vector<16xf32>
      %mul3A_314 = arith.constant 16 : i32
      %mul3A_315 = arith.muli %scan3A_44, %mul3A_314 : i32
      %add3A_316 = arith.constant 9920 : i32
      %add3A_317 = arith.addi %add3A_316, %mul3A_315 : i32
      %add3A_318 = arith.constant 2 : i32
      %add3A_319 = arith.addi %add3A_317, %add3A_318 : i32
      %swap3A_320 = arith.index_cast %add3A_319 : i32 to index
      %swap3A_321 = tpu.vector_load %arg12[%swap3A_320] masked %eq3A_4 {strides = array<i32>} : memref<10016xf32, #tpu.memory_space<vmem>>, vector<16xf32>, vector<16xi1>
      tpu.vector_store %arg12[%swap3A_320], %cumsum3A_313 masked %eq3A_4 {strides = array<i32>} : memref<10016xf32, #tpu.memory_space<vmem>>, vector<16xf32>, vector<16xi1>
      %mul3A_322 = arith.constant 16 : i32
      %mul3A_323 = arith.muli %scan3A_44, %mul3A_322 : i32
      %add3A_324 = arith.constant 3 : i32
      %add3A_325 = arith.addi %mul3A_323, %add3A_324 : i32
      %get3A_326 = arith.index_cast %add3A_325 : i32 to index
      %get3A_327 = arith.constant 0 : index
      %get3A_328 = tpu.vector_load %arg8[%get3A_326, %get3A_327] {strides = array<i32>} : memref<80x64xi32, #tpu.memory_space<vmem>>, vector<16xi32>,
      %bitcast3A_329 = vector.bitcast %get3A_328 : vector<16xi32> to vector<32xbf16>
      %mul3A_330 = arith.constant 16 : i32
      %mul3A_331 = arith.muli %scan3A_44, %mul3A_330 : i32
      %add3A_332 = arith.constant 3 : i32
      %add3A_333 = arith.addi %mul3A_331, %add3A_332 : i32
      %get3A_334 = arith.index_cast %add3A_333 : i32 to index
      %get3A_335 = arith.constant 0 : index
      %get3A_336 = tpu.vector_load %arg10[%get3A_334, %get3A_335] {strides = array<i32>} : memref<80x64xi32, #tpu.memory_space<vmem>>, vector<16xi32>,
      %bitcast3A_337 = vector.bitcast %get3A_336 : vector<16xi32> to vector<32xbf16>
      %mul3A_338 = arith.mulf %bitcast3A_329, %bitcast3A_337 : vector<32xbf16>
      %unpack3A_339 = tpu.unpack_subelements %mul3A_338, 0 {pack_format = #tpu.pack_format<interleaved>} : vector<32xbf16> -> vector<16xf32>
      %unpack3A_340 = tpu.unpack_subelements %mul3A_338, 1 {pack_format = #tpu.pack_format<interleaved>} : vector<32xbf16> -> vector<16xf32>
      %add3A_341 = arith.addf %unpack3A_339, %unpack3A_340 : vector<16xf32>
      %mul3A_342 = arith.constant 16 : i32
      %mul3A_343 = arith.muli %scan3A_44, %mul3A_342 : i32
      %add3A_344 = arith.constant 3 : i32
      %add3A_345 = arith.addi %mul3A_343, %add3A_344 : i32
      %get3A_346 = arith.index_cast %add3A_345 : i32 to index
      %get3A_347 = arith.constant 16 : index
      %get3A_348 = tpu.vector_load %arg8[%get3A_346, %get3A_347] {strides = array<i32>} : memref<80x64xi32, #tpu.memory_space<vmem>>, vector<16xi32>,
      %bitcast3A_349 = vector.bitcast %get3A_348 : vector<16xi32> to vector<32xbf16>
      %mul3A_350 = arith.constant 16 : i32
      %mul3A_351 = arith.muli %scan3A_44, %mul3A_350 : i32
      %add3A_352 = arith.constant 3 : i32
      %add3A_353 = arith.addi %mul3A_351, %add3A_352 : i32
      %get3A_354 = arith.index_cast %add3A_353 : i32 to index
      %get3A_355 = arith.constant 16 : index
      %get3A_356 = tpu.vector_load %arg10[%get3A_354, %get3A_355] {strides = array<i32>} : memref<80x64xi32, #tpu.memory_space<vmem>>, vector<16xi32>,
      %bitcast3A_357 = vector.bitcast %get3A_356 : vector<16xi32> to vector<32xbf16>
      %mul3A_358 = arith.mulf %bitcast3A_349, %bitcast3A_357 : vector<32xbf16>
      %unpack3A_359 = tpu.unpack_subelements %mul3A_358, 0 {pack_format = #tpu.pack_format<interleaved>} : vector<32xbf16> -> vector<16xf32>
      %unpack3A_360 = tpu.unpack_subelements %mul3A_358, 1 {pack_format = #tpu.pack_format<interleaved>} : vector<32xbf16> -> vector<16xf32>
      %add3A_361 = arith.addf %unpack3A_359, %unpack3A_360 : vector<16xf32>
      %mul3A_362 = arith.constant 16 : i32
      %mul3A_363 = arith.muli %scan3A_44, %mul3A_362 : i32
      %add3A_364 = arith.constant 3 : i32
      %add3A_365 = arith.addi %mul3A_363, %add3A_364 : i32
      %get3A_366 = arith.index_cast %add3A_365 : i32 to index
      %get3A_367 = arith.constant 32 : index
      %get3A_368 = tpu.vector_load %arg8[%get3A_366, %get3A_367] {strides = array<i32>} : memref<80x64xi32, #tpu.memory_space<vmem>>, vector<16xi32>,
      %bitcast3A_369 = vector.bitcast %get3A_368 : vector<16xi32> to vector<32xbf16>
      %mul3A_370 = arith.constant 16 : i32
      %mul3A_371 = arith.muli %scan3A_44, %mul3A_370 : i32
      %add3A_372 = arith.constant 3 : i32
      %add3A_373 = arith.addi %mul3A_371, %add3A_372 : i32
      %get3A_374 = arith.index_cast %add3A_373 : i32 to index
      %get3A_375 = arith.constant 32 : index
      %get3A_376 = tpu.vector_load %arg10[%get3A_374, %get3A_375] {strides = array<i32>} : memref<80x64xi32, #tpu.memory_space<vmem>>, vector<16xi32>,
      %bitcast3A_377 = vector.bitcast %get3A_376 : vector<16xi32> to vector<32xbf16>
      %mul3A_378 = arith.mulf %bitcast3A_369, %bitcast3A_377 : vector<32xbf16>
      %unpack3A_379 = tpu.unpack_subelements %mul3A_378, 0 {pack_format = #tpu.pack_format<interleaved>} : vector<32xbf16> -> vector<16xf32>
      %unpack3A_380 = tpu.unpack_subelements %mul3A_378, 1 {pack_format = #tpu.pack_format<interleaved>} : vector<32xbf16> -> vector<16xf32>
      %add3A_381 = arith.addf %unpack3A_379, %unpack3A_380 : vector<16xf32>
      %mul3A_382 = arith.constant 16 : i32
      %mul3A_383 = arith.muli %scan3A_44, %mul3A_382 : i32
      %add3A_384 = arith.constant 3 : i32
      %add3A_385 = arith.addi %mul3A_383, %add3A_384 : i32
      %get3A_386 = arith.index_cast %add3A_385 : i32 to index
      %get3A_387 = arith.constant 48 : index
      %get3A_388 = tpu.vector_load %arg8[%get3A_386, %get3A_387] {strides = array<i32>} : memref<80x64xi32, #tpu.memory_space<vmem>>, vector<16xi32>,
      %bitcast3A_389 = vector.bitcast %get3A_388 : vector<16xi32> to vector<32xbf16>
      %mul3A_390 = arith.constant 16 : i32
      %mul3A_391 = arith.muli %scan3A_44, %mul3A_390 : i32
      %add3A_392 = arith.constant 3 : i32
      %add3A_393 = arith.addi %mul3A_391, %add3A_392 : i32
      %get3A_394 = arith.index_cast %add3A_393 : i32 to index
      %get3A_395 = arith.constant 48 : index
      %get3A_396 = tpu.vector_load %arg10[%get3A_394, %get3A_395] {strides = array<i32>} : memref<80x64xi32, #tpu.memory_space<vmem>>, vector<16xi32>,
      %bitcast3A_397 = vector.bitcast %get3A_396 : vector<16xi32> to vector<32xbf16>
      %mul3A_398 = arith.mulf %bitcast3A_389, %bitcast3A_397 : vector<32xbf16>
      %unpack3A_399 = tpu.unpack_subelements %mul3A_398, 0 {pack_format = #tpu.pack_format<interleaved>} : vector<32xbf16> -> vector<16xf32>
      %unpack3A_400 = tpu.unpack_subelements %mul3A_398, 1 {pack_format = #tpu.pack_format<interleaved>} : vector<32xbf16> -> vector<16xf32>
      %add3A_401 = arith.addf %unpack3A_399, %unpack3A_400 : vector<16xf32>
      %add3A_402 = arith.addf %add3A_341, %add3A_361 : vector<16xf32>
      %add3A_403 = arith.addf %add3A_381, %add3A_401 : vector<16xf32>
      %add3A_404 = arith.addf %add3A_402, %add3A_403 : vector<16xf32>
      %cumsum3A_405 = arith.constant true
      %cumsum3A_406 = vector.broadcast %cumsum3A_405 : i1 to vector<16xi1>
      %cumsum3A_407 = tpu.scan <sum>, %add3A_404 masked %cumsum3A_406 : vector<16xf32>, vector<16xi1> -> vector<16xf32>
      %mul3A_408 = arith.constant 16 : i32
      %mul3A_409 = arith.muli %scan3A_44, %mul3A_408 : i32
      %add3A_410 = arith.constant 9920 : i32
      %add3A_411 = arith.addi %add3A_410, %mul3A_409 : i32
      %add3A_412 = arith.constant 3 : i32
      %add3A_413 = arith.addi %add3A_411, %add3A_412 : i32
      %swap3A_414 = arith.index_cast %add3A_413 : i32 to index
      %swap3A_415 = tpu.vector_load %arg12[%swap3A_414] masked %eq3A_4 {strides = array<i32>} : memref<10016xf32, #tpu.memory_space<vmem>>, vector<16xf32>, vector<16xi1>
      tpu.vector_store %arg12[%swap3A_414], %cumsum3A_407 masked %eq3A_4 {strides = array<i32>} : memref<10016xf32, #tpu.memory_space<vmem>>, vector<16xf32>, vector<16xi1>
      %mul3A_416 = arith.constant 16 : i32
      %mul3A_417 = arith.muli %scan3A_44, %mul3A_416 : i32
      %add3A_418 = arith.constant 4 : i32
      %add3A_419 = arith.addi %mul3A_417, %add3A_418 : i32
      %get3A_420 = arith.index_cast %add3A_419 : i32 to index
      %get3A_421 = arith.constant 0 : index
      %get3A_422 = tpu.vector_load %arg8[%get3A_420, %get3A_421] {strides = array<i32>} : memref<80x64xi32, #tpu.memory_space<vmem>>, vector<16xi32>,
      %bitcast3A_423 = vector.bitcast %get3A_422 : vector<16xi32> to vector<32xbf16>
      %mul3A_424 = arith.constant 16 : i32
      %mul3A_425 = arith.muli %scan3A_44, %mul3A_424 : i32
      %add3A_426 = arith.constant 4 : i32
      %add3A_427 = arith.addi %mul3A_425, %add3A_426 : i32
      %get3A_428 = arith.index_cast %add3A_427 : i32 to index
      %get3A_429 = arith.constant 0 : index
      %get3A_430 = tpu.vector_load %arg10[%get3A_428, %get3A_429] {strides = array<i32>} : memref<80x64xi32, #tpu.memory_space<vmem>>, vector<16xi32>,
      %bitcast3A_431 = vector.bitcast %get3A_430 : vector<16xi32> to vector<32xbf16>
      %mul3A_432 = arith.mulf %bitcast3A_423, %bitcast3A_431 : vector<32xbf16>
      %unpack3A_433 = tpu.unpack_subelements %mul3A_432, 0 {pack_format = #tpu.pack_format<interleaved>} : vector<32xbf16> -> vector<16xf32>
      %unpack3A_434 = tpu.unpack_subelements %mul3A_432, 1 {pack_format = #tpu.pack_format<interleaved>} : vector<32xbf16> -> vector<16xf32>
      %add3A_435 = arith.addf %unpack3A_433, %unpack3A_434 : vector<16xf32>
      %mul3A_436 = arith.constant 16 : i32
      %mul3A_437 = arith.muli %scan3A_44, %mul3A_436 : i32
      %add3A_438 = arith.constant 4 : i32
      %add3A_439 = arith.addi %mul3A_437, %add3A_438 : i32
      %get3A_440 = arith.index_cast %add3A_439 : i32 to index
      %get3A_441 = arith.constant 16 : index
      %get3A_442 = tpu.vector_load %arg8[%get3A_440, %get3A_441] {strides = array<i32>} : memref<80x64xi32, #tpu.memory_space<vmem>>, vector<16xi32>,
      %bitcast3A_443 = vector.bitcast %get3A_442 : vector<16xi32> to vector<32xbf16>
      %mul3A_444 = arith.constant 16 : i32
      %mul3A_445 = arith.muli %scan3A_44, %mul3A_444 : i32
      %add3A_446 = arith.constant 4 : i32
      %add3A_447 = arith.addi %mul3A_445, %add3A_446 : i32
      %get3A_448 = arith.index_cast %add3A_447 : i32 to index
      %get3A_449 = arith.constant 16 : index
      %get3A_450 = tpu.vector_load %arg10[%get3A_448, %get3A_449] {strides = array<i32>} : memref<80x64xi32, #tpu.memory_space<vmem>>, vector<16xi32>,
      %bitcast3A_451 = vector.bitcast %get3A_450 : vector<16xi32> to vector<32xbf16>
      %mul3A_452 = arith.mulf %bitcast3A_443, %bitcast3A_451 : vector<32xbf16>
      %unpack3A_453 = tpu.unpack_subelements %mul3A_452, 0 {pack_format = #tpu.pack_format<interleaved>} : vector<32xbf16> -> vector<16xf32>
      %unpack3A_454 = tpu.unpack_subelements %mul3A_452, 1 {pack_format = #tpu.pack_format<interleaved>} : vector<32xbf16> -> vector<16xf32>
      %add3A_455 = arith.addf %unpack3A_453, %unpack3A_454 : vector<16xf32>
      %mul3A_456 = arith.constant 16 : i32
      %mul3A_457 = arith.muli %scan3A_44, %mul3A_456 : i32
      %add3A_458 = arith.constant 4 : i32
      %add3A_459 = arith.addi %mul3A_457, %add3A_458 : i32
      %get3A_460 = arith.index_cast %add3A_459 : i32 to index
      %get3A_461 = arith.constant 32 : index
      %get3A_462 = tpu.vector_load %arg8[%get3A_460, %get3A_461] {strides = array<i32>} : memref<80x64xi32, #tpu.memory_space<vmem>>, vector<16xi32>,
      %bitcast3A_463 = vector.bitcast %get3A_462 : vector<16xi32> to vector<32xbf16>
      %mul3A_464 = arith.constant 16 : i32
      %mul3A_465 = arith.muli %scan3A_44, %mul3A_464 : i32
      %add3A_466 = arith.constant 4 : i32
      %add3A_467 = arith.addi %mul3A_465, %add3A_466 : i32
      %get3A_468 = arith.index_cast %add3A_467 : i32 to index
      %get3A_469 = arith.constant 32 : index
      %get3A_470 = tpu.vector_load %arg10[%get3A_468, %get3A_469] {strides = array<i32>} : memref<80x64xi32, #tpu.memory_space<vmem>>, vector<16xi32>,
      %bitcast3A_471 = vector.bitcast %get3A_470 : vector<16xi32> to vector<32xbf16>
      %mul3A_472 = arith.mulf %bitcast3A_463, %bitcast3A_471 : vector<32xbf16>
      %unpack3A_473 = tpu.unpack_subelements %mul3A_472, 0 {pack_format = #tpu.pack_format<interleaved>} : vector<32xbf16> -> vector<16xf32>
      %unpack3A_474 = tpu.unpack_subelements %mul3A_472, 1 {pack_format = #tpu.pack_format<interleaved>} : vector<32xbf16> -> vector<16xf32>
      %add3A_475 = arith.addf %unpack3A_473, %unpack3A_474 : vector<16xf32>
      %mul3A_476 = arith.constant 16 : i32
      %mul3A_477 = arith.muli %scan3A_44, %mul3A_476 : i32
      %add3A_478 = arith.constant 4 : i32
      %add3A_479 = arith.addi %mul3A_477, %add3A_478 : i32
      %get3A_480 = arith.index_cast %add3A_479 : i32 to index
      %get3A_481 = arith.constant 48 : index
      %get3A_482 = tpu.vector_load %arg8[%get3A_480, %get3A_481] {strides = array<i32>} : memref<80x64xi32, #tpu.memory_space<vmem>>, vector<16xi32>,
      %bitcast3A_483 = vector.bitcast %get3A_482 : vector<16xi32> to vector<32xbf16>
      %mul3A_484 = arith.constant 16 : i32
      %mul3A_485 = arith.muli %scan3A_44, %mul3A_484 : i32
      %add3A_486 = arith.constant 4 : i32
      %add3A_487 = arith.addi %mul3A_485, %add3A_486 : i32
      %get3A_488 = arith.index_cast %add3A_487 : i32 to index
      %get3A_489 = arith.constant 48 : index
      %get3A_490 = tpu.vector_load %arg10[%get3A_488, %get3A_489] {strides = array<i32>} : memref<80x64xi32, #tpu.memory_space<vmem>>, vector<16xi32>,
      %bitcast3A_491 = vector.bitcast %get3A_490 : vector<16xi32> to vector<32xbf16>
      %mul3A_492 = arith.mulf %bitcast3A_483, %bitcast3A_491 : vector<32xbf16>
      %unpack3A_493 = tpu.unpack_subelements %mul3A_492, 0 {pack_format = #tpu.pack_format<interleaved>} : vector<32xbf16> -> vector<16xf32>
      %unpack3A_494 = tpu.unpack_subelements %mul3A_492, 1 {pack_format = #tpu.pack_format<interleaved>} : vector<32xbf16> -> vector<16xf32>
      %add3A_495 = arith.addf %unpack3A_493, %unpack3A_494 : vector<16xf32>
      %add3A_496 = arith.addf %add3A_435, %add3A_455 : vector<16xf32>
      %add3A_497 = arith.addf %add3A_475, %add3A_495 : vector<16xf32>
      %add3A_498 = arith.addf %add3A_496, %add3A_497 : vector<16xf32>
      %cumsum3A_499 = arith.constant true
      %cumsum3A_500 = vector.broadcast %cumsum3A_499 : i1 to vector<16xi1>
      %cumsum3A_501 = tpu.scan <sum>, %add3A_498 masked %cumsum3A_500 : vector<16xf32>, vector<16xi1> -> vector<16xf32>
      %mul3A_502 = arith.constant 16 : i32
      %mul3A_503 = arith.muli %scan3A_44, %mul3A_502 : i32
      %add3A_504 = arith.constant 9920 : i32
      %add3A_505 = arith.addi %add3A_504, %mul3A_503 : i32
      %add3A_506 = arith.constant 4 : i32
      %add3A_507 = arith.addi %add3A_505, %add3A_506 : i32
      %swap3A_508 = arith.index_cast %add3A_507 : i32 to index
      %swap3A_509 = tpu.vector_load %arg12[%swap3A_508] masked %eq3A_4 {strides = array<i32>} : memref<10016xf32, #tpu.memory_space<vmem>>, vector<16xf32>, vector<16xi1>
      tpu.vector_store %arg12[%swap3A_508], %cumsum3A_501 masked %eq3A_4 {strides = array<i32>} : memref<10016xf32, #tpu.memory_space<vmem>>, vector<16xf32>, vector<16xi1>
      %mul3A_510 = arith.constant 16 : i32
      %mul3A_511 = arith.muli %scan3A_44, %mul3A_510 : i32
      %add3A_512 = arith.constant 5 : i32
      %add3A_513 = arith.addi %mul3A_511, %add3A_512 : i32
      %get3A_514 = arith.index_cast %add3A_513 : i32 to index
      %get3A_515 = arith.constant 0 : index
      %get3A_516 = tpu.vector_load %arg8[%get3A_514, %get3A_515] {strides = array<i32>} : memref<80x64xi32, #tpu.memory_space<vmem>>, vector<16xi32>,
      %bitcast3A_517 = vector.bitcast %get3A_516 : vector<16xi32> to vector<32xbf16>
      %mul3A_518 = arith.constant 16 : i32
      %mul3A_519 = arith.muli %scan3A_44, %mul3A_518 : i32
      %add3A_520 = arith.constant 5 : i32
      %add3A_521 = arith.addi %mul3A_519, %add3A_520 : i32
      %get3A_522 = arith.index_cast %add3A_521 : i32 to index
      %get3A_523 = arith.constant 0 : index
      %get3A_524 = tpu.vector_load %arg10[%get3A_522, %get3A_523] {strides = array<i32>} : memref<80x64xi32, #tpu.memory_space<vmem>>, vector<16xi32>,
      %bitcast3A_525 = vector.bitcast %get3A_524 : vector<16xi32> to vector<32xbf16>
      %mul3A_526 = arith.mulf %bitcast3A_517, %bitcast3A_525 : vector<32xbf16>
      %unpack3A_527 = tpu.unpack_subelements %mul3A_526, 0 {pack_format = #tpu.pack_format<interleaved>} : vector<32xbf16> -> vector<16xf32>
      %unpack3A_528 = tpu.unpack_subelements %mul3A_526, 1 {pack_format = #tpu.pack_format<interleaved>} : vector<32xbf16> -> vector<16xf32>
      %add3A_529 = arith.addf %unpack3A_527, %unpack3A_528 : vector<16xf32>
      %mul3A_530 = arith.constant 16 : i32
      %mul3A_531 = arith.muli %scan3A_44, %mul3A_530 : i32
      %add3A_532 = arith.constant 5 : i32
      %add3A_533 = arith.addi %mul3A_531, %add3A_532 : i32
      %get3A_534 = arith.index_cast %add3A_533 : i32 to index
      %get3A_535 = arith.constant 16 : index
      %get3A_536 = tpu.vector_load %arg8[%get3A_534, %get3A_535] {strides = array<i32>} : memref<80x64xi32, #tpu.memory_space<vmem>>, vector<16xi32>,
      %bitcast3A_537 = vector.bitcast %get3A_536 : vector<16xi32> to vector<32xbf16>
      %mul3A_538 = arith.constant 16 : i32
      %mul3A_539 = arith.muli %scan3A_44, %mul3A_538 : i32
      %add3A_540 = arith.constant 5 : i32
      %add3A_541 = arith.addi %mul3A_539, %add3A_540 : i32
      %get3A_542 = arith.index_cast %add3A_541 : i32 to index
      %get3A_543 = arith.constant 16 : index
      %get3A_544 = tpu.vector_load %arg10[%get3A_542, %get3A_543] {strides = array<i32>} : memref<80x64xi32, #tpu.memory_space<vmem>>, vector<16xi32>,
      %bitcast3A_545 = vector.bitcast %get3A_544 : vector<16xi32> to vector<32xbf16>
      %mul3A_546 = arith.mulf %bitcast3A_537, %bitcast3A_545 : vector<32xbf16>
      %unpack3A_547 = tpu.unpack_subelements %mul3A_546, 0 {pack_format = #tpu.pack_format<interleaved>} : vector<32xbf16> -> vector<16xf32>
      %unpack3A_548 = tpu.unpack_subelements %mul3A_546, 1 {pack_format = #tpu.pack_format<interleaved>} : vector<32xbf16> -> vector<16xf32>
      %add3A_549 = arith.addf %unpack3A_547, %unpack3A_548 : vector<16xf32>
      %mul3A_550 = arith.constant 16 : i32
      %mul3A_551 = arith.muli %scan3A_44, %mul3A_550 : i32
      %add3A_552 = arith.constant 5 : i32
      %add3A_553 = arith.addi %mul3A_551, %add3A_552 : i32
      %get3A_554 = arith.index_cast %add3A_553 : i32 to index
      %get3A_555 = arith.constant 32 : index
      %get3A_556 = tpu.vector_load %arg8[%get3A_554, %get3A_555] {strides = array<i32>} : memref<80x64xi32, #tpu.memory_space<vmem>>, vector<16xi32>,
      %bitcast3A_557 = vector.bitcast %get3A_556 : vector<16xi32> to vector<32xbf16>
      %mul3A_558 = arith.constant 16 : i32
      %mul3A_559 = arith.muli %scan3A_44, %mul3A_558 : i32
      %add3A_560 = arith.constant 5 : i32
      %add3A_561 = arith.addi %mul3A_559, %add3A_560 : i32
      %get3A_562 = arith.index_cast %add3A_561 : i32 to index
      %get3A_563 = arith.constant 32 : index
      %get3A_564 = tpu.vector_load %arg10[%get3A_562, %get3A_563] {strides = array<i32>} : memref<80x64xi32, #tpu.memory_space<vmem>>, vector<16xi32>,
      %bitcast3A_565 = vector.bitcast %get3A_564 : vector<16xi32> to vector<32xbf16>
      %mul3A_566 = arith.mulf %bitcast3A_557, %bitcast3A_565 : vector<32xbf16>
      %unpack3A_567 = tpu.unpack_subelements %mul3A_566, 0 {pack_format = #tpu.pack_format<interleaved>} : vector<32xbf16> -> vector<16xf32>
      %unpack3A_568 = tpu.unpack_subelements %mul3A_566, 1 {pack_format = #tpu.pack_format<interleaved>} : vector<32xbf16> -> vector<16xf32>
      %add3A_569 = arith.addf %unpack3A_567, %unpack3A_568 : vector<16xf32>
      %mul3A_570 = arith.constant 16 : i32
      %mul3A_571 = arith.muli %scan3A_44, %mul3A_570 : i32
      %add3A_572 = arith.constant 5 : i32
      %add3A_573 = arith.addi %mul3A_571, %add3A_572 : i32
      %get3A_574 = arith.index_cast %add3A_573 : i32 to index
      %get3A_575 = arith.constant 48 : index
      %get3A_576 = tpu.vector_load %arg8[%get3A_574, %get3A_575] {strides = array<i32>} : memref<80x64xi32, #tpu.memory_space<vmem>>, vector<16xi32>,
      %bitcast3A_577 = vector.bitcast %get3A_576 : vector<16xi32> to vector<32xbf16>
      %mul3A_578 = arith.constant 16 : i32
      %mul3A_579 = arith.muli %scan3A_44, %mul3A_578 : i32
      %add3A_580 = arith.constant 5 : i32
      %add3A_581 = arith.addi %mul3A_579, %add3A_580 : i32
      %get3A_582 = arith.index_cast %add3A_581 : i32 to index
      %get3A_583 = arith.constant 48 : index
      %get3A_584 = tpu.vector_load %arg10[%get3A_582, %get3A_583] {strides = array<i32>} : memref<80x64xi32, #tpu.memory_space<vmem>>, vector<16xi32>,
      %bitcast3A_585 = vector.bitcast %get3A_584 : vector<16xi32> to vector<32xbf16>
      %mul3A_586 = arith.mulf %bitcast3A_577, %bitcast3A_585 : vector<32xbf16>
      %unpack3A_587 = tpu.unpack_subelements %mul3A_586, 0 {pack_format = #tpu.pack_format<interleaved>} : vector<32xbf16> -> vector<16xf32>
      %unpack3A_588 = tpu.unpack_subelements %mul3A_586, 1 {pack_format = #tpu.pack_format<interleaved>} : vector<32xbf16> -> vector<16xf32>
      %add3A_589 = arith.addf %unpack3A_587, %unpack3A_588 : vector<16xf32>
      %add3A_590 = arith.addf %add3A_529, %add3A_549 : vector<16xf32>
      %add3A_591 = arith.addf %add3A_569, %add3A_589 : vector<16xf32>
      %add3A_592 = arith.addf %add3A_590, %add3A_591 : vector<16xf32>
      %cumsum3A_593 = arith.constant true
      %cumsum3A_594 = vector.broadcast %cumsum3A_593 : i1 to vector<16xi1>
      %cumsum3A_595 = tpu.scan <sum>, %add3A_592 masked %cumsum3A_594 : vector<16xf32>, vector<16xi1> -> vector<16xf32>
      %mul3A_596 = arith.constant 16 : i32
      %mul3A_597 = arith.muli %scan3A_44, %mul3A_596 : i32
      %add3A_598 = arith.constant 9920 : i32
      %add3A_599 = arith.addi %add3A_598, %mul3A_597 : i32
      %add3A_600 = arith.constant 5 : i32
      %add3A_601 = arith.addi %add3A_599, %add3A_600 : i32
      %swap3A_602 = arith.index_cast %add3A_601 : i32 to index
      %swap3A_603 = tpu.vector_load %arg12[%swap3A_602] masked %eq3A_4 {strides = array<i32>} : memref<10016xf32, #tpu.memory_space<vmem>>, vector<16xf32>, vector<16xi1>
      tpu.vector_store %arg12[%swap3A_602], %cumsum3A_595 masked %eq3A_4 {strides = array<i32>} : memref<10016xf32, #tpu.memory_space<vmem>>, vector<16xf32>, vector<16xi1>
      %mul3A_604 = arith.constant 16 : i32
      %mul3A_605 = arith.muli %scan3A_44, %mul3A_604 : i32
      %add3A_606 = arith.constant 6 : i32
      %add3A_607 = arith.addi %mul3A_605, %add3A_606 : i32
      %get3A_608 = arith.index_cast %add3A_607 : i32 to index
      %get3A_609 = arith.constant 0 : index
      %get3A_610 = tpu.vector_load %arg8[%get3A_608, %get3A_609] {strides = array<i32>} : memref<80x64xi32, #tpu.memory_space<vmem>>, vector<16xi32>,
      %bitcast3A_611 = vector.bitcast %get3A_610 : vector<16xi32> to vector<32xbf16>
      %mul3A_612 = arith.constant 16 : i32
      %mul3A_613 = arith.muli %scan3A_44, %mul3A_612 : i32
      %add3A_614 = arith.constant 6 : i32
      %add3A_615 = arith.addi %mul3A_613, %add3A_614 : i32
      %get3A_616 = arith.index_cast %add3A_615 : i32 to index
      %get3A_617 = arith.constant 0 : index
      %get3A_618 = tpu.vector_load %arg10[%get3A_616, %get3A_617] {strides = array<i32>} : memref<80x64xi32, #tpu.memory_space<vmem>>, vector<16xi32>,
      %bitcast3A_619 = vector.bitcast %get3A_618 : vector<16xi32> to vector<32xbf16>
      %mul3A_620 = arith.mulf %bitcast3A_611, %bitcast3A_619 : vector<32xbf16>
      %unpack3A_621 = tpu.unpack_subelements %mul3A_620, 0 {pack_format = #tpu.pack_format<interleaved>} : vector<32xbf16> -> vector<16xf32>
      %unpack3A_622 = tpu.unpack_subelements %mul3A_620, 1 {pack_format = #tpu.pack_format<interleaved>} : vector<32xbf16> -> vector<16xf32>
      %add3A_623 = arith.addf %unpack3A_621, %unpack3A_622 : vector<16xf32>
      %mul3A_624 = arith.constant 16 : i32
      %mul3A_625 = arith.muli %scan3A_44, %mul3A_624 : i32
      %add3A_626 = arith.constant 6 : i32
      %add3A_627 = arith.addi %mul3A_625, %add3A_626 : i32
      %get3A_628 = arith.index_cast %add3A_627 : i32 to index
      %get3A_629 = arith.constant 16 : index
      %get3A_630 = tpu.vector_load %arg8[%get3A_628, %get3A_629] {strides = array<i32>} : memref<80x64xi32, #tpu.memory_space<vmem>>, vector<16xi32>,
      %bitcast3A_631 = vector.bitcast %get3A_630 : vector<16xi32> to vector<32xbf16>
      %mul3A_632 = arith.constant 16 : i32
      %mul3A_633 = arith.muli %scan3A_44, %mul3A_632 : i32
      %add3A_634 = arith.constant 6 : i32
      %add3A_635 = arith.addi %mul3A_633, %add3A_634 : i32
      %get3A_636 = arith.index_cast %add3A_635 : i32 to index
      %get3A_637 = arith.constant 16 : index
      %get3A_638 = tpu.vector_load %arg10[%get3A_636, %get3A_637] {strides = array<i32>} : memref<80x64xi32, #tpu.memory_space<vmem>>, vector<16xi32>,
      %bitcast3A_639 = vector.bitcast %get3A_638 : vector<16xi32> to vector<32xbf16>
      %mul3A_640 = arith.mulf %bitcast3A_631, %bitcast3A_639 : vector<32xbf16>
      %unpack3A_641 = tpu.unpack_subelements %mul3A_640, 0 {pack_format = #tpu.pack_format<interleaved>} : vector<32xbf16> -> vector<16xf32>
      %unpack3A_642 = tpu.unpack_subelements %mul3A_640, 1 {pack_format = #tpu.pack_format<interleaved>} : vector<32xbf16> -> vector<16xf32>
      %add3A_643 = arith.addf %unpack3A_641, %unpack3A_642 : vector<16xf32>
      %mul3A_644 = arith.constant 16 : i32
      %mul3A_645 = arith.muli %scan3A_44, %mul3A_644 : i32
      %add3A_646 = arith.constant 6 : i32
      %add3A_647 = arith.addi %mul3A_645, %add3A_646 : i32
      %get3A_648 = arith.index_cast %add3A_647 : i32 to index
      %get3A_649 = arith.constant 32 : index
      %get3A_650 = tpu.vector_load %arg8[%get3A_648, %get3A_649] {strides = array<i32>} : memref<80x64xi32, #tpu.memory_space<vmem>>, vector<16xi32>,
      %bitcast3A_651 = vector.bitcast %get3A_650 : vector<16xi32> to vector<32xbf16>
      %mul3A_652 = arith.constant 16 : i32
      %mul3A_653 = arith.muli %scan3A_44, %mul3A_652 : i32
      %add3A_654 = arith.constant 6 : i32
      %add3A_655 = arith.addi %mul3A_653, %add3A_654 : i32
      %get3A_656 = arith.index_cast %add3A_655 : i32 to index
      %get3A_657 = arith.constant 32 : index
      %get3A_658 = tpu.vector_load %arg10[%get3A_656, %get3A_657] {strides = array<i32>} : memref<80x64xi32, #tpu.memory_space<vmem>>, vector<16xi32>,
      %bitcast3A_659 = vector.bitcast %get3A_658 : vector<16xi32> to vector<32xbf16>
      %mul3A_660 = arith.mulf %bitcast3A_651, %bitcast3A_659 : vector<32xbf16>
      %unpack3A_661 = tpu.unpack_subelements %mul3A_660, 0 {pack_format = #tpu.pack_format<interleaved>} : vector<32xbf16> -> vector<16xf32>
      %unpack3A_662 = tpu.unpack_subelements %mul3A_660, 1 {pack_format = #tpu.pack_format<interleaved>} : vector<32xbf16> -> vector<16xf32>
      %add3A_663 = arith.addf %unpack3A_661, %unpack3A_662 : vector<16xf32>
      %mul3A_664 = arith.constant 16 : i32
      %mul3A_665 = arith.muli %scan3A_44, %mul3A_664 : i32
      %add3A_666 = arith.constant 6 : i32
      %add3A_667 = arith.addi %mul3A_665, %add3A_666 : i32
      %get3A_668 = arith.index_cast %add3A_667 : i32 to index
      %get3A_669 = arith.constant 48 : index
      %get3A_670 = tpu.vector_load %arg8[%get3A_668, %get3A_669] {strides = array<i32>} : memref<80x64xi32, #tpu.memory_space<vmem>>, vector<16xi32>,
      %bitcast3A_671 = vector.bitcast %get3A_670 : vector<16xi32> to vector<32xbf16>
      %mul3A_672 = arith.constant 16 : i32
      %mul3A_673 = arith.muli %scan3A_44, %mul3A_672 : i32
      %add3A_674 = arith.constant 6 : i32
      %add3A_675 = arith.addi %mul3A_673, %add3A_674 : i32
      %get3A_676 = arith.index_cast %add3A_675 : i32 to index
      %get3A_677 = arith.constant 48 : index
      %get3A_678 = tpu.vector_load %arg10[%get3A_676, %get3A_677] {strides = array<i32>} : memref<80x64xi32, #tpu.memory_space<vmem>>, vector<16xi32>,
      %bitcast3A_679 = vector.bitcast %get3A_678 : vector<16xi32> to vector<32xbf16>
      %mul3A_680 = arith.mulf %bitcast3A_671, %bitcast3A_679 : vector<32xbf16>
      %unpack3A_681 = tpu.unpack_subelements %mul3A_680, 0 {pack_format = #tpu.pack_format<interleaved>} : vector<32xbf16> -> vector<16xf32>
      %unpack3A_682 = tpu.unpack_subelements %mul3A_680, 1 {pack_format = #tpu.pack_format<interleaved>} : vector<32xbf16> -> vector<16xf32>
      %add3A_683 = arith.addf %unpack3A_681, %unpack3A_682 : vector<16xf32>
      %add3A_684 = arith.addf %add3A_623, %add3A_643 : vector<16xf32>
      %add3A_685 = arith.addf %add3A_663, %add3A_683 : vector<16xf32>
      %add3A_686 = arith.addf %add3A_684, %add3A_685 : vector<16xf32>
      %cumsum3A_687 = arith.constant true
      %cumsum3A_688 = vector.broadcast %cumsum3A_687 : i1 to vector<16xi1>
      %cumsum3A_689 = tpu.scan <sum>, %add3A_686 masked %cumsum3A_688 : vector<16xf32>, vector<16xi1> -> vector<16xf32>
      %mul3A_690 = arith.constant 16 : i32
      %mul3A_691 = arith.muli %scan3A_44, %mul3A_690 : i32
      %add3A_692 = arith.constant 9920 : i32
      %add3A_693 = arith.addi %add3A_692, %mul3A_691 : i32
      %add3A_694 = arith.constant 6 : i32
      %add3A_695 = arith.addi %add3A_693, %add3A_694 : i32
      %swap3A_696 = arith.index_cast %add3A_695 : i32 to index
      %swap3A_697 = tpu.vector_load %arg12[%swap3A_696] masked %eq3A_4 {strides = array<i32>} : memref<10016xf32, #tpu.memory_space<vmem>>, vector<16xf32>, vector<16xi1>
      tpu.vector_store %arg12[%swap3A_696], %cumsum3A_689 masked %eq3A_4 {strides = array<i32>} : memref<10016xf32, #tpu.memory_space<vmem>>, vector<16xf32>, vector<16xi1>
      %mul3A_698 = arith.constant 16 : i32
      %mul3A_699 = arith.muli %scan3A_44, %mul3A_698 : i32
      %add3A_700 = arith.constant 7 : i32
      %add3A_701 = arith.addi %mul3A_699, %add3A_700 : i32
      %get3A_702 = arith.index_cast %add3A_701 : i32 to index
      %get3A_703 = arith.constant 0 : index
      %get3A_704 = tpu.vector_load %arg8[%get3A_702, %get3A_703] {strides = array<i32>} : memref<80x64xi32, #tpu.memory_space<vmem>>, vector<16xi32>,
      %bitcast3A_705 = vector.bitcast %get3A_704 : vector<16xi32> to vector<32xbf16>
      %mul3A_706 = arith.constant 16 : i32
      %mul3A_707 = arith.muli %scan3A_44, %mul3A_706 : i32
      %add3A_708 = arith.constant 7 : i32
      %add3A_709 = arith.addi %mul3A_707, %add3A_708 : i32
      %get3A_710 = arith.index_cast %add3A_709 : i32 to index
      %get3A_711 = arith.constant 0 : index
      %get3A_712 = tpu.vector_load %arg10[%get3A_710, %get3A_711] {strides = array<i32>} : memref<80x64xi32, #tpu.memory_space<vmem>>, vector<16xi32>,
      %bitcast3A_713 = vector.bitcast %get3A_712 : vector<16xi32> to vector<32xbf16>
      %mul3A_714 = arith.mulf %bitcast3A_705, %bitcast3A_713 : vector<32xbf16>
      %unpack3A_715 = tpu.unpack_subelements %mul3A_714, 0 {pack_format = #tpu.pack_format<interleaved>} : vector<32xbf16> -> vector<16xf32>
      %unpack3A_716 = tpu.unpack_subelements %mul3A_714, 1 {pack_format = #tpu.pack_format<interleaved>} : vector<32xbf16> -> vector<16xf32>
      %add3A_717 = arith.addf %unpack3A_715, %unpack3A_716 : vector<16xf32>
      %mul3A_718 = arith.constant 16 : i32
      %mul3A_719 = arith.muli %scan3A_44, %mul3A_718 : i32
      %add3A_720 = arith.constant 7 : i32
      %add3A_721 = arith.addi %mul3A_719, %add3A_720 : i32
      %get3A_722 = arith.index_cast %add3A_721 : i32 to index
      %get3A_723 = arith.constant 16 : index
      %get3A_724 = tpu.vector_load %arg8[%get3A_722, %get3A_723] {strides = array<i32>} : memref<80x64xi32, #tpu.memory_space<vmem>>, vector<16xi32>,
      %bitcast3A_725 = vector.bitcast %get3A_724 : vector<16xi32> to vector<32xbf16>
      %mul3A_726 = arith.constant 16 : i32
      %mul3A_727 = arith.muli %scan3A_44, %mul3A_726 : i32
      %add3A_728 = arith.constant 7 : i32
      %add3A_729 = arith.addi %mul3A_727, %add3A_728 : i32
      %get3A_730 = arith.index_cast %add3A_729 : i32 to index
      %get3A_731 = arith.constant 16 : index
      %get3A_732 = tpu.vector_load %arg10[%get3A_730, %get3A_731] {strides = array<i32>} : memref<80x64xi32, #tpu.memory_space<vmem>>, vector<16xi32>,
      %bitcast3A_733 = vector.bitcast %get3A_732 : vector<16xi32> to vector<32xbf16>
      %mul3A_734 = arith.mulf %bitcast3A_725, %bitcast3A_733 : vector<32xbf16>
      %unpack3A_735 = tpu.unpack_subelements %mul3A_734, 0 {pack_format = #tpu.pack_format<interleaved>} : vector<32xbf16> -> vector<16xf32>
      %unpack3A_736 = tpu.unpack_subelements %mul3A_734, 1 {pack_format = #tpu.pack_format<interleaved>} : vector<32xbf16> -> vector<16xf32>
      %add3A_737 = arith.addf %unpack3A_735, %unpack3A_736 : vector<16xf32>
      %mul3A_738 = arith.constant 16 : i32
      %mul3A_739 = arith.muli %scan3A_44, %mul3A_738 : i32
      %add3A_740 = arith.constant 7 : i32
      %add3A_741 = arith.addi %mul3A_739, %add3A_740 : i32
      %get3A_742 = arith.index_cast %add3A_741 : i32 to index
      %get3A_743 = arith.constant 32 : index
      %get3A_744 = tpu.vector_load %arg8[%get3A_742, %get3A_743] {strides = array<i32>} : memref<80x64xi32, #tpu.memory_space<vmem>>, vector<16xi32>,
      %bitcast3A_745 = vector.bitcast %get3A_744 : vector<16xi32> to vector<32xbf16>
      %mul3A_746 = arith.constant 16 : i32
      %mul3A_747 = arith.muli %scan3A_44, %mul3A_746 : i32
      %add3A_748 = arith.constant 7 : i32
      %add3A_749 = arith.addi %mul3A_747, %add3A_748 : i32
      %get3A_750 = arith.index_cast %add3A_749 : i32 to index
      %get3A_751 = arith.constant 32 : index
      %get3A_752 = tpu.vector_load %arg10[%get3A_750, %get3A_751] {strides = array<i32>} : memref<80x64xi32, #tpu.memory_space<vmem>>, vector<16xi32>,
      %bitcast3A_753 = vector.bitcast %get3A_752 : vector<16xi32> to vector<32xbf16>
      %mul3A_754 = arith.mulf %bitcast3A_745, %bitcast3A_753 : vector<32xbf16>
      %unpack3A_755 = tpu.unpack_subelements %mul3A_754, 0 {pack_format = #tpu.pack_format<interleaved>} : vector<32xbf16> -> vector<16xf32>
      %unpack3A_756 = tpu.unpack_subelements %mul3A_754, 1 {pack_format = #tpu.pack_format<interleaved>} : vector<32xbf16> -> vector<16xf32>
      %add3A_757 = arith.addf %unpack3A_755, %unpack3A_756 : vector<16xf32>
      %mul3A_758 = arith.constant 16 : i32
      %mul3A_759 = arith.muli %scan3A_44, %mul3A_758 : i32
      %add3A_760 = arith.constant 7 : i32
      %add3A_761 = arith.addi %mul3A_759, %add3A_760 : i32
      %get3A_762 = arith.index_cast %add3A_761 : i32 to index
      %get3A_763 = arith.constant 48 : index
      %get3A_764 = tpu.vector_load %arg8[%get3A_762, %get3A_763] {strides = array<i32>} : memref<80x64xi32, #tpu.memory_space<vmem>>, vector<16xi32>,
      %bitcast3A_765 = vector.bitcast %get3A_764 : vector<16xi32> to vector<32xbf16>
      %mul3A_766 = arith.constant 16 : i32
      %mul3A_767 = arith.muli %scan3A_44, %mul3A_766 : i32
      %add3A_768 = arith.constant 7 : i32
      %add3A_769 = arith.addi %mul3A_767, %add3A_768 : i32
      %get3A_770 = arith.index_cast %add3A_769 : i32 to index
      %get3A_771 = arith.constant 48 : index
      %get3A_772 = tpu.vector_load %arg10[%get3A_770, %get3A_771] {strides = array<i32>} : memref<80x64xi32, #tpu.memory_space<vmem>>, vector<16xi32>,
      %bitcast3A_773 = vector.bitcast %get3A_772 : vector<16xi32> to vector<32xbf16>
      %mul3A_774 = arith.mulf %bitcast3A_765, %bitcast3A_773 : vector<32xbf16>
      %unpack3A_775 = tpu.unpack_subelements %mul3A_774, 0 {pack_format = #tpu.pack_format<interleaved>} : vector<32xbf16> -> vector<16xf32>
      %unpack3A_776 = tpu.unpack_subelements %mul3A_774, 1 {pack_format = #tpu.pack_format<interleaved>} : vector<32xbf16> -> vector<16xf32>
      %add3A_777 = arith.addf %unpack3A_775, %unpack3A_776 : vector<16xf32>
      %add3A_778 = arith.addf %add3A_717, %add3A_737 : vector<16xf32>
      %add3A_779 = arith.addf %add3A_757, %add3A_777 : vector<16xf32>
      %add3A_780 = arith.addf %add3A_778, %add3A_779 : vector<16xf32>
      %cumsum3A_781 = arith.constant true
      %cumsum3A_782 = vector.broadcast %cumsum3A_781 : i1 to vector<16xi1>
      %cumsum3A_783 = tpu.scan <sum>, %add3A_780 masked %cumsum3A_782 : vector<16xf32>, vector<16xi1> -> vector<16xf32>
      %mul3A_784 = arith.constant 16 : i32
      %mul3A_785 = arith.muli %scan3A_44, %mul3A_784 : i32
      %add3A_786 = arith.constant 9920 : i32
      %add3A_787 = arith.addi %add3A_786, %mul3A_785 : i32
      %add3A_788 = arith.constant 7 : i32
      %add3A_789 = arith.addi %add3A_787, %add3A_788 : i32
      %swap3A_790 = arith.index_cast %add3A_789 : i32 to index
      %swap3A_791 = tpu.vector_load %arg12[%swap3A_790] masked %eq3A_4 {strides = array<i32>} : memref<10016xf32, #tpu.memory_space<vmem>>, vector<16xf32>, vector<16xi1>
      tpu.vector_store %arg12[%swap3A_790], %cumsum3A_783 masked %eq3A_4 {strides = array<i32>} : memref<10016xf32, #tpu.memory_space<vmem>>, vector<16xf32>, vector<16xi1>
      %mul3A_792 = arith.constant 16 : i32
      %mul3A_793 = arith.muli %scan3A_44, %mul3A_792 : i32
      %add3A_794 = arith.constant 8 : i32
      %add3A_795 = arith.addi %mul3A_793, %add3A_794 : i32
      %get3A_796 = arith.index_cast %add3A_795 : i32 to index
      %get3A_797 = arith.constant 0 : index
      %get3A_798 = tpu.vector_load %arg8[%get3A_796, %get3A_797] {strides = array<i32>} : memref<80x64xi32, #tpu.memory_space<vmem>>, vector<16xi32>,
      %bitcast3A_799 = vector.bitcast %get3A_798 : vector<16xi32> to vector<32xbf16>
      %mul3A_800 = arith.constant 16 : i32
      %mul3A_801 = arith.muli %scan3A_44, %mul3A_800 : i32
      %add3A_802 = arith.constant 8 : i32
      %add3A_803 = arith.addi %mul3A_801, %add3A_802 : i32
      %get3A_804 = arith.index_cast %add3A_803 : i32 to index
      %get3A_805 = arith.constant 0 : index
      %get3A_806 = tpu.vector_load %arg10[%get3A_804, %get3A_805] {strides = array<i32>} : memref<80x64xi32, #tpu.memory_space<vmem>>, vector<16xi32>,
      %bitcast3A_807 = vector.bitcast %get3A_806 : vector<16xi32> to vector<32xbf16>
      %mul3A_808 = arith.mulf %bitcast3A_799, %bitcast3A_807 : vector<32xbf16>
      %unpack3A_809 = tpu.unpack_subelements %mul3A_808, 0 {pack_format = #tpu.pack_format<interleaved>} : vector<32xbf16> -> vector<16xf32>
      %unpack3A_810 = tpu.unpack_subelements %mul3A_808, 1 {pack_format = #tpu.pack_format<interleaved>} : vector<32xbf16> -> vector<16xf32>
      %add3A_811 = arith.addf %unpack3A_809, %unpack3A_810 : vector<16xf32>
      %mul3A_812 = arith.constant 16 : i32
      %mul3A_813 = arith.muli %scan3A_44, %mul3A_812 : i32
      %add3A_814 = arith.constant 8 : i32
      %add3A_815 = arith.addi %mul3A_813, %add3A_814 : i32
      %get3A_816 = arith.index_cast %add3A_815 : i32 to index
      %get3A_817 = arith.constant 16 : index
      %get3A_818 = tpu.vector_load %arg8[%get3A_816, %get3A_817] {strides = array<i32>} : memref<80x64xi32, #tpu.memory_space<vmem>>, vector<16xi32>,
      %bitcast3A_819 = vector.bitcast %get3A_818 : vector<16xi32> to vector<32xbf16>
      %mul3A_820 = arith.constant 16 : i32
      %mul3A_821 = arith.muli %scan3A_44, %mul3A_820 : i32
      %add3A_822 = arith.constant 8 : i32
      %add3A_823 = arith.addi %mul3A_821, %add3A_822 : i32
      %get3A_824 = arith.index_cast %add3A_823 : i32 to index
      %get3A_825 = arith.constant 16 : index
      %get3A_826 = tpu.vector_load %arg10[%get3A_824, %get3A_825] {strides = array<i32>} : memref<80x64xi32, #tpu.memory_space<vmem>>, vector<16xi32>,
      %bitcast3A_827 = vector.bitcast %get3A_826 : vector<16xi32> to vector<32xbf16>
      %mul3A_828 = arith.mulf %bitcast3A_819, %bitcast3A_827 : vector<32xbf16>
      %unpack3A_829 = tpu.unpack_subelements %mul3A_828, 0 {pack_format = #tpu.pack_format<interleaved>} : vector<32xbf16> -> vector<16xf32>
      %unpack3A_830 = tpu.unpack_subelements %mul3A_828, 1 {pack_format = #tpu.pack_format<interleaved>} : vector<32xbf16> -> vector<16xf32>
      %add3A_831 = arith.addf %unpack3A_829, %unpack3A_830 : vector<16xf32>
      %mul3A_832 = arith.constant 16 : i32
      %mul3A_833 = arith.muli %scan3A_44, %mul3A_832 : i32
      %add3A_834 = arith.constant 8 : i32
      %add3A_835 = arith.addi %mul3A_833, %add3A_834 : i32
      %get3A_836 = arith.index_cast %add3A_835 : i32 to index
      %get3A_837 = arith.constant 32 : index
      %get3A_838 = tpu.vector_load %arg8[%get3A_836, %get3A_837] {strides = array<i32>} : memref<80x64xi32, #tpu.memory_space<vmem>>, vector<16xi32>,
      %bitcast3A_839 = vector.bitcast %get3A_838 : vector<16xi32> to vector<32xbf16>
      %mul3A_840 = arith.constant 16 : i32
      %mul3A_841 = arith.muli %scan3A_44, %mul3A_840 : i32
      %add3A_842 = arith.constant 8 : i32
      %add3A_843 = arith.addi %mul3A_841, %add3A_842 : i32
      %get3A_844 = arith.index_cast %add3A_843 : i32 to index
      %get3A_845 = arith.constant 32 : index
      %get3A_846 = tpu.vector_load %arg10[%get3A_844, %get3A_845] {strides = array<i32>} : memref<80x64xi32, #tpu.memory_space<vmem>>, vector<16xi32>,
      %bitcast3A_847 = vector.bitcast %get3A_846 : vector<16xi32> to vector<32xbf16>
      %mul3A_848 = arith.mulf %bitcast3A_839, %bitcast3A_847 : vector<32xbf16>
      %unpack3A_849 = tpu.unpack_subelements %mul3A_848, 0 {pack_format = #tpu.pack_format<interleaved>} : vector<32xbf16> -> vector<16xf32>
      %unpack3A_850 = tpu.unpack_subelements %mul3A_848, 1 {pack_format = #tpu.pack_format<interleaved>} : vector<32xbf16> -> vector<16xf32>
      %add3A_851 = arith.addf %unpack3A_849, %unpack3A_850 : vector<16xf32>
      %mul3A_852 = arith.constant 16 : i32
      %mul3A_853 = arith.muli %scan3A_44, %mul3A_852 : i32
      %add3A_854 = arith.constant 8 : i32
      %add3A_855 = arith.addi %mul3A_853, %add3A_854 : i32
      %get3A_856 = arith.index_cast %add3A_855 : i32 to index
      %get3A_857 = arith.constant 48 : index
      %get3A_858 = tpu.vector_load %arg8[%get3A_856, %get3A_857] {strides = array<i32>} : memref<80x64xi32, #tpu.memory_space<vmem>>, vector<16xi32>,
      %bitcast3A_859 = vector.bitcast %get3A_858 : vector<16xi32> to vector<32xbf16>
      %mul3A_860 = arith.constant 16 : i32
      %mul3A_861 = arith.muli %scan3A_44, %mul3A_860 : i32
      %add3A_862 = arith.constant 8 : i32
      %add3A_863 = arith.addi %mul3A_861, %add3A_862 : i32
      %get3A_864 = arith.index_cast %add3A_863 : i32 to index
      %get3A_865 = arith.constant 48 : index
      %get3A_866 = tpu.vector_load %arg10[%get3A_864, %get3A_865] {strides = array<i32>} : memref<80x64xi32, #tpu.memory_space<vmem>>, vector<16xi32>,
      %bitcast3A_867 = vector.bitcast %get3A_866 : vector<16xi32> to vector<32xbf16>
      %mul3A_868 = arith.mulf %bitcast3A_859, %bitcast3A_867 : vector<32xbf16>
      %unpack3A_869 = tpu.unpack_subelements %mul3A_868, 0 {pack_format = #tpu.pack_format<interleaved>} : vector<32xbf16> -> vector<16xf32>
      %unpack3A_870 = tpu.unpack_subelements %mul3A_868, 1 {pack_format = #tpu.pack_format<interleaved>} : vector<32xbf16> -> vector<16xf32>
      %add3A_871 = arith.addf %unpack3A_869, %unpack3A_870 : vector<16xf32>
      %add3A_872 = arith.addf %add3A_811, %add3A_831 : vector<16xf32>
      %add3A_873 = arith.addf %add3A_851, %add3A_871 : vector<16xf32>
      %add3A_874 = arith.addf %add3A_872, %add3A_873 : vector<16xf32>
      %cumsum3A_875 = arith.constant true
      %cumsum3A_876 = vector.broadcast %cumsum3A_875 : i1 to vector<16xi1>
      %cumsum3A_877 = tpu.scan <sum>, %add3A_874 masked %cumsum3A_876 : vector<16xf32>, vector<16xi1> -> vector<16xf32>
      %mul3A_878 = arith.constant 16 : i32
      %mul3A_879 = arith.muli %scan3A_44, %mul3A_878 : i32
      %add3A_880 = arith.constant 9920 : i32
      %add3A_881 = arith.addi %add3A_880, %mul3A_879 : i32
      %add3A_882 = arith.constant 8 : i32
      %add3A_883 = arith.addi %add3A_881, %add3A_882 : i32
      %swap3A_884 = arith.index_cast %add3A_883 : i32 to index
      %swap3A_885 = tpu.vector_load %arg12[%swap3A_884] masked %eq3A_4 {strides = array<i32>} : memref<10016xf32, #tpu.memory_space<vmem>>, vector<16xf32>, vector<16xi1>
      tpu.vector_store %arg12[%swap3A_884], %cumsum3A_877 masked %eq3A_4 {strides = array<i32>} : memref<10016xf32, #tpu.memory_space<vmem>>, vector<16xf32>, vector<16xi1>
      %mul3A_886 = arith.constant 16 : i32
      %mul3A_887 = arith.muli %scan3A_44, %mul3A_886 : i32
      %add3A_888 = arith.constant 9 : i32
      %add3A_889 = arith.addi %mul3A_887, %add3A_888 : i32
      %get3A_890 = arith.index_cast %add3A_889 : i32 to index
      %get3A_891 = arith.constant 0 : index
      %get3A_892 = tpu.vector_load %arg8[%get3A_890, %get3A_891] {strides = array<i32>} : memref<80x64xi32, #tpu.memory_space<vmem>>, vector<16xi32>,
      %bitcast3A_893 = vector.bitcast %get3A_892 : vector<16xi32> to vector<32xbf16>
      %mul3A_894 = arith.constant 16 : i32
      %mul3A_895 = arith.muli %scan3A_44, %mul3A_894 : i32
      %add3A_896 = arith.constant 9 : i32
      %add3A_897 = arith.addi %mul3A_895, %add3A_896 : i32
      %get3A_898 = arith.index_cast %add3A_897 : i32 to index
      %get3A_899 = arith.constant 0 : index
      %get3A_900 = tpu.vector_load %arg10[%get3A_898, %get3A_899] {strides = array<i32>} : memref<80x64xi32, #tpu.memory_space<vmem>>, vector<16xi32>,
      %bitcast3A_901 = vector.bitcast %get3A_900 : vector<16xi32> to vector<32xbf16>
      %mul3A_902 = arith.mulf %bitcast3A_893, %bitcast3A_901 : vector<32xbf16>
      %unpack3A_903 = tpu.unpack_subelements %mul3A_902, 0 {pack_format = #tpu.pack_format<interleaved>} : vector<32xbf16> -> vector<16xf32>
      %unpack3A_904 = tpu.unpack_subelements %mul3A_902, 1 {pack_format = #tpu.pack_format<interleaved>} : vector<32xbf16> -> vector<16xf32>
      %add3A_905 = arith.addf %unpack3A_903, %unpack3A_904 : vector<16xf32>
      %mul3A_906 = arith.constant 16 : i32
      %mul3A_907 = arith.muli %scan3A_44, %mul3A_906 : i32
      %add3A_908 = arith.constant 9 : i32
      %add3A_909 = arith.addi %mul3A_907, %add3A_908 : i32
      %get3A_910 = arith.index_cast %add3A_909 : i32 to index
      %get3A_911 = arith.constant 16 : index
      %get3A_912 = tpu.vector_load %arg8[%get3A_910, %get3A_911] {strides = array<i32>} : memref<80x64xi32, #tpu.memory_space<vmem>>, vector<16xi32>,
      %bitcast3A_913 = vector.bitcast %get3A_912 : vector<16xi32> to vector<32xbf16>
      %mul3A_914 = arith.constant 16 : i32
      %mul3A_915 = arith.muli %scan3A_44, %mul3A_914 : i32
      %add3A_916 = arith.constant 9 : i32
      %add3A_917 = arith.addi %mul3A_915, %add3A_916 : i32
      %get3A_918 = arith.index_cast %add3A_917 : i32 to index
      %get3A_919 = arith.constant 16 : index
      %get3A_920 = tpu.vector_load %arg10[%get3A_918, %get3A_919] {strides = array<i32>} : memref<80x64xi32, #tpu.memory_space<vmem>>, vector<16xi32>,
      %bitcast3A_921 = vector.bitcast %get3A_920 : vector<16xi32> to vector<32xbf16>
      %mul3A_922 = arith.mulf %bitcast3A_913, %bitcast3A_921 : vector<32xbf16>
      %unpack3A_923 = tpu.unpack_subelements %mul3A_922, 0 {pack_format = #tpu.pack_format<interleaved>} : vector<32xbf16> -> vector<16xf32>
      %unpack3A_924 = tpu.unpack_subelements %mul3A_922, 1 {pack_format = #tpu.pack_format<interleaved>} : vector<32xbf16> -> vector<16xf32>
      %add3A_925 = arith.addf %unpack3A_923, %unpack3A_924 : vector<16xf32>
      %mul3A_926 = arith.constant 16 : i32
      %mul3A_927 = arith.muli %scan3A_44, %mul3A_926 : i32
      %add3A_928 = arith.constant 9 : i32
      %add3A_929 = arith.addi %mul3A_927, %add3A_928 : i32
      %get3A_930 = arith.index_cast %add3A_929 : i32 to index
      %get3A_931 = arith.constant 32 : index
      %get3A_932 = tpu.vector_load %arg8[%get3A_930, %get3A_931] {strides = array<i32>} : memref<80x64xi32, #tpu.memory_space<vmem>>, vector<16xi32>,
      %bitcast3A_933 = vector.bitcast %get3A_932 : vector<16xi32> to vector<32xbf16>
      %mul3A_934 = arith.constant 16 : i32
      %mul3A_935 = arith.muli %scan3A_44, %mul3A_934 : i32
      %add3A_936 = arith.constant 9 : i32
      %add3A_937 = arith.addi %mul3A_935, %add3A_936 : i32
      %get3A_938 = arith.index_cast %add3A_937 : i32 to index
      %get3A_939 = arith.constant 32 : index
      %get3A_940 = tpu.vector_load %arg10[%get3A_938, %get3A_939] {strides = array<i32>} : memref<80x64xi32, #tpu.memory_space<vmem>>, vector<16xi32>,
      %bitcast3A_941 = vector.bitcast %get3A_940 : vector<16xi32> to vector<32xbf16>
      %mul3A_942 = arith.mulf %bitcast3A_933, %bitcast3A_941 : vector<32xbf16>
      %unpack3A_943 = tpu.unpack_subelements %mul3A_942, 0 {pack_format = #tpu.pack_format<interleaved>} : vector<32xbf16> -> vector<16xf32>
      %unpack3A_944 = tpu.unpack_subelements %mul3A_942, 1 {pack_format = #tpu.pack_format<interleaved>} : vector<32xbf16> -> vector<16xf32>
      %add3A_945 = arith.addf %unpack3A_943, %unpack3A_944 : vector<16xf32>
      %mul3A_946 = arith.constant 16 : i32
      %mul3A_947 = arith.muli %scan3A_44, %mul3A_946 : i32
      %add3A_948 = arith.constant 9 : i32
      %add3A_949 = arith.addi %mul3A_947, %add3A_948 : i32
      %get3A_950 = arith.index_cast %add3A_949 : i32 to index
      %get3A_951 = arith.constant 48 : index
      %get3A_952 = tpu.vector_load %arg8[%get3A_950, %get3A_951] {strides = array<i32>} : memref<80x64xi32, #tpu.memory_space<vmem>>, vector<16xi32>,
      %bitcast3A_953 = vector.bitcast %get3A_952 : vector<16xi32> to vector<32xbf16>
      %mul3A_954 = arith.constant 16 : i32
      %mul3A_955 = arith.muli %scan3A_44, %mul3A_954 : i32
      %add3A_956 = arith.constant 9 : i32
      %add3A_957 = arith.addi %mul3A_955, %add3A_956 : i32
      %get3A_958 = arith.index_cast %add3A_957 : i32 to index
      %get3A_959 = arith.constant 48 : index
      %get3A_960 = tpu.vector_load %arg10[%get3A_958, %get3A_959] {strides = array<i32>} : memref<80x64xi32, #tpu.memory_space<vmem>>, vector<16xi32>,
      %bitcast3A_961 = vector.bitcast %get3A_960 : vector<16xi32> to vector<32xbf16>
      %mul3A_962 = arith.mulf %bitcast3A_953, %bitcast3A_961 : vector<32xbf16>
      %unpack3A_963 = tpu.unpack_subelements %mul3A_962, 0 {pack_format = #tpu.pack_format<interleaved>} : vector<32xbf16> -> vector<16xf32>
      %unpack3A_964 = tpu.unpack_subelements %mul3A_962, 1 {pack_format = #tpu.pack_format<interleaved>} : vector<32xbf16> -> vector<16xf32>
      %add3A_965 = arith.addf %unpack3A_963, %unpack3A_964 : vector<16xf32>
      %add3A_966 = arith.addf %add3A_905, %add3A_925 : vector<16xf32>
      %add3A_967 = arith.addf %add3A_945, %add3A_965 : vector<16xf32>
      %add3A_968 = arith.addf %add3A_966, %add3A_967 : vector<16xf32>
      %cumsum3A_969 = arith.constant true
      %cumsum3A_970 = vector.broadcast %cumsum3A_969 : i1 to vector<16xi1>
      %cumsum3A_971 = tpu.scan <sum>, %add3A_968 masked %cumsum3A_970 : vector<16xf32>, vector<16xi1> -> vector<16xf32>
      %mul3A_972 = arith.constant 16 : i32
      %mul3A_973 = arith.muli %scan3A_44, %mul3A_972 : i32
      %add3A_974 = arith.constant 9920 : i32
      %add3A_975 = arith.addi %add3A_974, %mul3A_973 : i32
      %add3A_976 = arith.constant 9 : i32
      %add3A_977 = arith.addi %add3A_975, %add3A_976 : i32
      %swap3A_978 = arith.index_cast %add3A_977 : i32 to index
      %swap3A_979 = tpu.vector_load %arg12[%swap3A_978] masked %eq3A_4 {strides = array<i32>} : memref<10016xf32, #tpu.memory_space<vmem>>, vector<16xf32>, vector<16xi1>
      tpu.vector_store %arg12[%swap3A_978], %cumsum3A_971 masked %eq3A_4 {strides = array<i32>} : memref<10016xf32, #tpu.memory_space<vmem>>, vector<16xf32>, vector<16xi1>
      %mul3A_980 = arith.constant 16 : i32
      %mul3A_981 = arith.muli %scan3A_44, %mul3A_980 : i32
      %add3A_982 = arith.constant 10 : i32
      %add3A_983 = arith.addi %mul3A_981, %add3A_982 : i32
      %get3A_984 = arith.index_cast %add3A_983 : i32 to index
      %get3A_985 = arith.constant 0 : index
      %get3A_986 = tpu.vector_load %arg8[%get3A_984, %get3A_985] {strides = array<i32>} : memref<80x64xi32, #tpu.memory_space<vmem>>, vector<16xi32>,
      %bitcast3A_987 = vector.bitcast %get3A_986 : vector<16xi32> to vector<32xbf16>
      %mul3A_988 = arith.constant 16 : i32
      %mul3A_989 = arith.muli %scan3A_44, %mul3A_988 : i32
      %add3A_990 = arith.constant 10 : i32
      %add3A_991 = arith.addi %mul3A_989, %add3A_990 : i32
      %get3A_992 = arith.index_cast %add3A_991 : i32 to index
      %get3A_993 = arith.constant 0 : index
      %get3A_994 = tpu.vector_load %arg10[%get3A_992, %get3A_993] {strides = array<i32>} : memref<80x64xi32, #tpu.memory_space<vmem>>, vector<16xi32>,
      %bitcast3A_995 = vector.bitcast %get3A_994 : vector<16xi32> to vector<32xbf16>
      %mul3A_996 = arith.mulf %bitcast3A_987, %bitcast3A_995 : vector<32xbf16>
      %unpack3A_997 = tpu.unpack_subelements %mul3A_996, 0 {pack_format = #tpu.pack_format<interleaved>} : vector<32xbf16> -> vector<16xf32>
      %unpack3A_998 = tpu.unpack_subelements %mul3A_996, 1 {pack_format = #tpu.pack_format<interleaved>} : vector<32xbf16> -> vector<16xf32>
      %add3A_999 = arith.addf %unpack3A_997, %unpack3A_998 : vector<16xf32>
      %mul3A_1000 = arith.constant 16 : i32
      %mul3A_1001 = arith.muli %scan3A_44, %mul3A_1000 : i32
      %add3A_1002 = arith.constant 10 : i32
      %add3A_1003 = arith.addi %mul3A_1001, %add3A_1002 : i32
      %get3A_1004 = arith.index_cast %add3A_1003 : i32 to index
      %get3A_1005 = arith.constant 16 : index
      %get3A_1006 = tpu.vector_load %arg8[%get3A_1004, %get3A_1005] {strides = array<i32>} : memref<80x64xi32, #tpu.memory_space<vmem>>, vector<16xi32>,
      %bitcast3A_1007 = vector.bitcast %get3A_1006 : vector<16xi32> to vector<32xbf16>
      %mul3A_1008 = arith.constant 16 : i32
      %mul3A_1009 = arith.muli %scan3A_44, %mul3A_1008 : i32
      %add3A_1010 = arith.constant 10 : i32
      %add3A_1011 = arith.addi %mul3A_1009, %add3A_1010 : i32
      %get3A_1012 = arith.index_cast %add3A_1011 : i32 to index
      %get3A_1013 = arith.constant 16 : index
      %get3A_1014 = tpu.vector_load %arg10[%get3A_1012, %get3A_1013] {strides = array<i32>} : memref<80x64xi32, #tpu.memory_space<vmem>>, vector<16xi32>,
      %bitcast3A_1015 = vector.bitcast %get3A_1014 : vector<16xi32> to vector<32xbf16>
      %mul3A_1016 = arith.mulf %bitcast3A_1007, %bitcast3A_1015 : vector<32xbf16>
      %unpack3A_1017 = tpu.unpack_subelements %mul3A_1016, 0 {pack_format = #tpu.pack_format<interleaved>} : vector<32xbf16> -> vector<16xf32>
      %unpack3A_1018 = tpu.unpack_subelements %mul3A_1016, 1 {pack_format = #tpu.pack_format<interleaved>} : vector<32xbf16> -> vector<16xf32>
      %add3A_1019 = arith.addf %unpack3A_1017, %unpack3A_1018 : vector<16xf32>
      %mul3A_1020 = arith.constant 16 : i32
      %mul3A_1021 = arith.muli %scan3A_44, %mul3A_1020 : i32
      %add3A_1022 = arith.constant 10 : i32
      %add3A_1023 = arith.addi %mul3A_1021, %add3A_1022 : i32
      %get3A_1024 = arith.index_cast %add3A_1023 : i32 to index
      %get3A_1025 = arith.constant 32 : index
      %get3A_1026 = tpu.vector_load %arg8[%get3A_1024, %get3A_1025] {strides = array<i32>} : memref<80x64xi32, #tpu.memory_space<vmem>>, vector<16xi32>,
      %bitcast3A_1027 = vector.bitcast %get3A_1026 : vector<16xi32> to vector<32xbf16>
      %mul3A_1028 = arith.constant 16 : i32
      %mul3A_1029 = arith.muli %scan3A_44, %mul3A_1028 : i32
      %add3A_1030 = arith.constant 10 : i32
      %add3A_1031 = arith.addi %mul3A_1029, %add3A_1030 : i32
      %get3A_1032 = arith.index_cast %add3A_1031 : i32 to index
      %get3A_1033 = arith.constant 32 : index
      %get3A_1034 = tpu.vector_load %arg10[%get3A_1032, %get3A_1033] {strides = array<i32>} : memref<80x64xi32, #tpu.memory_space<vmem>>, vector<16xi32>,
      %bitcast3A_1035 = vector.bitcast %get3A_1034 : vector<16xi32> to vector<32xbf16>
      %mul3A_1036 = arith.mulf %bitcast3A_1027, %bitcast3A_1035 : vector<32xbf16>
      %unpack3A_1037 = tpu.unpack_subelements %mul3A_1036, 0 {pack_format = #tpu.pack_format<interleaved>} : vector<32xbf16> -> vector<16xf32>
      %unpack3A_1038 = tpu.unpack_subelements %mul3A_1036, 1 {pack_format = #tpu.pack_format<interleaved>} : vector<32xbf16> -> vector<16xf32>
      %add3A_1039 = arith.addf %unpack3A_1037, %unpack3A_1038 : vector<16xf32>
      %mul3A_1040 = arith.constant 16 : i32
      %mul3A_1041 = arith.muli %scan3A_44, %mul3A_1040 : i32
      %add3A_1042 = arith.constant 10 : i32
      %add3A_1043 = arith.addi %mul3A_1041, %add3A_1042 : i32
      %get3A_1044 = arith.index_cast %add3A_1043 : i32 to index
      %get3A_1045 = arith.constant 48 : index
      %get3A_1046 = tpu.vector_load %arg8[%get3A_1044, %get3A_1045] {strides = array<i32>} : memref<80x64xi32, #tpu.memory_space<vmem>>, vector<16xi32>,
      %bitcast3A_1047 = vector.bitcast %get3A_1046 : vector<16xi32> to vector<32xbf16>
      %mul3A_1048 = arith.constant 16 : i32
      %mul3A_1049 = arith.muli %scan3A_44, %mul3A_1048 : i32
      %add3A_1050 = arith.constant 10 : i32
      %add3A_1051 = arith.addi %mul3A_1049, %add3A_1050 : i32
      %get3A_1052 = arith.index_cast %add3A_1051 : i32 to index
      %get3A_1053 = arith.constant 48 : index
      %get3A_1054 = tpu.vector_load %arg10[%get3A_1052, %get3A_1053] {strides = array<i32>} : memref<80x64xi32, #tpu.memory_space<vmem>>, vector<16xi32>,
      %bitcast3A_1055 = vector.bitcast %get3A_1054 : vector<16xi32> to vector<32xbf16>
      %mul3A_1056 = arith.mulf %bitcast3A_1047, %bitcast3A_1055 : vector<32xbf16>
      %unpack3A_1057 = tpu.unpack_subelements %mul3A_1056, 0 {pack_format = #tpu.pack_format<interleaved>} : vector<32xbf16> -> vector<16xf32>
      %unpack3A_1058 = tpu.unpack_subelements %mul3A_1056, 1 {pack_format = #tpu.pack_format<interleaved>} : vector<32xbf16> -> vector<16xf32>
      %add3A_1059 = arith.addf %unpack3A_1057, %unpack3A_1058 : vector<16xf32>
      %add3A_1060 = arith.addf %add3A_999, %add3A_1019 : vector<16xf32>
      %add3A_1061 = arith.addf %add3A_1039, %add3A_1059 : vector<16xf32>
      %add3A_1062 = arith.addf %add3A_1060, %add3A_1061 : vector<16xf32>
      %cumsum3A_1063 = arith.constant true
      %cumsum3A_1064 = vector.broadcast %cumsum3A_1063 : i1 to vector<16xi1>
      %cumsum3A_1065 = tpu.scan <sum>, %add3A_1062 masked %cumsum3A_1064 : vector<16xf32>, vector<16xi1> -> vector<16xf32>
      %mul3A_1066 = arith.constant 16 : i32
      %mul3A_1067 = arith.muli %scan3A_44, %mul3A_1066 : i32
      %add3A_1068 = arith.constant 9920 : i32
      %add3A_1069 = arith.addi %add3A_1068, %mul3A_1067 : i32
      %add3A_1070 = arith.constant 10 : i32
      %add3A_1071 = arith.addi %add3A_1069, %add3A_1070 : i32
      %swap3A_1072 = arith.index_cast %add3A_1071 : i32 to index
      %swap3A_1073 = tpu.vector_load %arg12[%swap3A_1072] masked %eq3A_4 {strides = array<i32>} : memref<10016xf32, #tpu.memory_space<vmem>>, vector<16xf32>, vector<16xi1>
      tpu.vector_store %arg12[%swap3A_1072], %cumsum3A_1065 masked %eq3A_4 {strides = array<i32>} : memref<10016xf32, #tpu.memory_space<vmem>>, vector<16xf32>, vector<16xi1>
      %mul3A_1074 = arith.constant 16 : i32
      %mul3A_1075 = arith.muli %scan3A_44, %mul3A_1074 : i32
      %add3A_1076 = arith.constant 11 : i32
      %add3A_1077 = arith.addi %mul3A_1075, %add3A_1076 : i32
      %get3A_1078 = arith.index_cast %add3A_1077 : i32 to index
      %get3A_1079 = arith.constant 0 : index
      %get3A_1080 = tpu.vector_load %arg8[%get3A_1078, %get3A_1079] {strides = array<i32>} : memref<80x64xi32, #tpu.memory_space<vmem>>, vector<16xi32>,
      %bitcast3A_1081 = vector.bitcast %get3A_1080 : vector<16xi32> to vector<32xbf16>
      %mul3A_1082 = arith.constant 16 : i32
      %mul3A_1083 = arith.muli %scan3A_44, %mul3A_1082 : i32
      %add3A_1084 = arith.constant 11 : i32
      %add3A_1085 = arith.addi %mul3A_1083, %add3A_1084 : i32
      %get3A_1086 = arith.index_cast %add3A_1085 : i32 to index
      %get3A_1087 = arith.constant 0 : index
      %get3A_1088 = tpu.vector_load %arg10[%get3A_1086, %get3A_1087] {strides = array<i32>} : memref<80x64xi32, #tpu.memory_space<vmem>>, vector<16xi32>,
      %bitcast3A_1089 = vector.bitcast %get3A_1088 : vector<16xi32> to vector<32xbf16>
      %mul3A_1090 = arith.mulf %bitcast3A_1081, %bitcast3A_1089 : vector<32xbf16>
      %unpack3A_1091 = tpu.unpack_subelements %mul3A_1090, 0 {pack_format = #tpu.pack_format<interleaved>} : vector<32xbf16> -> vector<16xf32>
      %unpack3A_1092 = tpu.unpack_subelements %mul3A_1090, 1 {pack_format = #tpu.pack_format<interleaved>} : vector<32xbf16> -> vector<16xf32>
      %add3A_1093 = arith.addf %unpack3A_1091, %unpack3A_1092 : vector<16xf32>
      %mul3A_1094 = arith.constant 16 : i32
      %mul3A_1095 = arith.muli %scan3A_44, %mul3A_1094 : i32
      %add3A_1096 = arith.constant 11 : i32
      %add3A_1097 = arith.addi %mul3A_1095, %add3A_1096 : i32
      %get3A_1098 = arith.index_cast %add3A_1097 : i32 to index
      %get3A_1099 = arith.constant 16 : index
      %get3A_1100 = tpu.vector_load %arg8[%get3A_1098, %get3A_1099] {strides = array<i32>} : memref<80x64xi32, #tpu.memory_space<vmem>>, vector<16xi32>,
      %bitcast3A_1101 = vector.bitcast %get3A_1100 : vector<16xi32> to vector<32xbf16>
      %mul3A_1102 = arith.constant 16 : i32
      %mul3A_1103 = arith.muli %scan3A_44, %mul3A_1102 : i32
      %add3A_1104 = arith.constant 11 : i32
      %add3A_1105 = arith.addi %mul3A_1103, %add3A_1104 : i32
      %get3A_1106 = arith.index_cast %add3A_1105 : i32 to index
      %get3A_1107 = arith.constant 16 : index
      %get3A_1108 = tpu.vector_load %arg10[%get3A_1106, %get3A_1107] {strides = array<i32>} : memref<80x64xi32, #tpu.memory_space<vmem>>, vector<16xi32>,
      %bitcast3A_1109 = vector.bitcast %get3A_1108 : vector<16xi32> to vector<32xbf16>
      %mul3A_1110 = arith.mulf %bitcast3A_1101, %bitcast3A_1109 : vector<32xbf16>
      %unpack3A_1111 = tpu.unpack_subelements %mul3A_1110, 0 {pack_format = #tpu.pack_format<interleaved>} : vector<32xbf16> -> vector<16xf32>
      %unpack3A_1112 = tpu.unpack_subelements %mul3A_1110, 1 {pack_format = #tpu.pack_format<interleaved>} : vector<32xbf16> -> vector<16xf32>
      %add3A_1113 = arith.addf %unpack3A_1111, %unpack3A_1112 : vector<16xf32>
      %mul3A_1114 = arith.constant 16 : i32
      %mul3A_1115 = arith.muli %scan3A_44, %mul3A_1114 : i32
      %add3A_1116 = arith.constant 11 : i32
      %add3A_1117 = arith.addi %mul3A_1115, %add3A_1116 : i32
      %get3A_1118 = arith.index_cast %add3A_1117 : i32 to index
      %get3A_1119 = arith.constant 32 : index
      %get3A_1120 = tpu.vector_load %arg8[%get3A_1118, %get3A_1119] {strides = array<i32>} : memref<80x64xi32, #tpu.memory_space<vmem>>, vector<16xi32>,
      %bitcast3A_1121 = vector.bitcast %get3A_1120 : vector<16xi32> to vector<32xbf16>
      %mul3A_1122 = arith.constant 16 : i32
      %mul3A_1123 = arith.muli %scan3A_44, %mul3A_1122 : i32
      %add3A_1124 = arith.constant 11 : i32
      %add3A_1125 = arith.addi %mul3A_1123, %add3A_1124 : i32
      %get3A_1126 = arith.index_cast %add3A_1125 : i32 to index
      %get3A_1127 = arith.constant 32 : index
      %get3A_1128 = tpu.vector_load %arg10[%get3A_1126, %get3A_1127] {strides = array<i32>} : memref<80x64xi32, #tpu.memory_space<vmem>>, vector<16xi32>,
      %bitcast3A_1129 = vector.bitcast %get3A_1128 : vector<16xi32> to vector<32xbf16>
      %mul3A_1130 = arith.mulf %bitcast3A_1121, %bitcast3A_1129 : vector<32xbf16>
      %unpack3A_1131 = tpu.unpack_subelements %mul3A_1130, 0 {pack_format = #tpu.pack_format<interleaved>} : vector<32xbf16> -> vector<16xf32>
      %unpack3A_1132 = tpu.unpack_subelements %mul3A_1130, 1 {pack_format = #tpu.pack_format<interleaved>} : vector<32xbf16> -> vector<16xf32>
      %add3A_1133 = arith.addf %unpack3A_1131, %unpack3A_1132 : vector<16xf32>
      %mul3A_1134 = arith.constant 16 : i32
      %mul3A_1135 = arith.muli %scan3A_44, %mul3A_1134 : i32
      %add3A_1136 = arith.constant 11 : i32
      %add3A_1137 = arith.addi %mul3A_1135, %add3A_1136 : i32
      %get3A_1138 = arith.index_cast %add3A_1137 : i32 to index
      %get3A_1139 = arith.constant 48 : index
      %get3A_1140 = tpu.vector_load %arg8[%get3A_1138, %get3A_1139] {strides = array<i32>} : memref<80x64xi32, #tpu.memory_space<vmem>>, vector<16xi32>,
      %bitcast3A_1141 = vector.bitcast %get3A_1140 : vector<16xi32> to vector<32xbf16>
      %mul3A_1142 = arith.constant 16 : i32
      %mul3A_1143 = arith.muli %scan3A_44, %mul3A_1142 : i32
      %add3A_1144 = arith.constant 11 : i32
      %add3A_1145 = arith.addi %mul3A_1143, %add3A_1144 : i32
      %get3A_1146 = arith.index_cast %add3A_1145 : i32 to index
      %get3A_1147 = arith.constant 48 : index
      %get3A_1148 = tpu.vector_load %arg10[%get3A_1146, %get3A_1147] {strides = array<i32>} : memref<80x64xi32, #tpu.memory_space<vmem>>, vector<16xi32>,
      %bitcast3A_1149 = vector.bitcast %get3A_1148 : vector<16xi32> to vector<32xbf16>
      %mul3A_1150 = arith.mulf %bitcast3A_1141, %bitcast3A_1149 : vector<32xbf16>
      %unpack3A_1151 = tpu.unpack_subelements %mul3A_1150, 0 {pack_format = #tpu.pack_format<interleaved>} : vector<32xbf16> -> vector<16xf32>
      %unpack3A_1152 = tpu.unpack_subelements %mul3A_1150, 1 {pack_format = #tpu.pack_format<interleaved>} : vector<32xbf16> -> vector<16xf32>
      %add3A_1153 = arith.addf %unpack3A_1151, %unpack3A_1152 : vector<16xf32>
      %add3A_1154 = arith.addf %add3A_1093, %add3A_1113 : vector<16xf32>
      %add3A_1155 = arith.addf %add3A_1133, %add3A_1153 : vector<16xf32>
      %add3A_1156 = arith.addf %add3A_1154, %add3A_1155 : vector<16xf32>
      %cumsum3A_1157 = arith.constant true
      %cumsum3A_1158 = vector.broadcast %cumsum3A_1157 : i1 to vector<16xi1>
      %cumsum3A_1159 = tpu.scan <sum>, %add3A_1156 masked %cumsum3A_1158 : vector<16xf32>, vector<16xi1> -> vector<16xf32>
      %mul3A_1160 = arith.constant 16 : i32
      %mul3A_1161 = arith.muli %scan3A_44, %mul3A_1160 : i32
      %add3A_1162 = arith.constant 9920 : i32
      %add3A_1163 = arith.addi %add3A_1162, %mul3A_1161 : i32
      %add3A_1164 = arith.constant 11 : i32
      %add3A_1165 = arith.addi %add3A_1163, %add3A_1164 : i32
      %swap3A_1166 = arith.index_cast %add3A_1165 : i32 to index
      %swap3A_1167 = tpu.vector_load %arg12[%swap3A_1166] masked %eq3A_4 {strides = array<i32>} : memref<10016xf32, #tpu.memory_space<vmem>>, vector<16xf32>, vector<16xi1>
      tpu.vector_store %arg12[%swap3A_1166], %cumsum3A_1159 masked %eq3A_4 {strides = array<i32>} : memref<10016xf32, #tpu.memory_space<vmem>>, vector<16xf32>, vector<16xi1>
      %mul3A_1168 = arith.constant 16 : i32
      %mul3A_1169 = arith.muli %scan3A_44, %mul3A_1168 : i32
      %add3A_1170 = arith.constant 12 : i32
      %add3A_1171 = arith.addi %mul3A_1169, %add3A_1170 : i32
      %get3A_1172 = arith.index_cast %add3A_1171 : i32 to index
      %get3A_1173 = arith.constant 0 : index
      %get3A_1174 = tpu.vector_load %arg8[%get3A_1172, %get3A_1173] {strides = array<i32>} : memref<80x64xi32, #tpu.memory_space<vmem>>, vector<16xi32>,
      %bitcast3A_1175 = vector.bitcast %get3A_1174 : vector<16xi32> to vector<32xbf16>
      %mul3A_1176 = arith.constant 16 : i32
      %mul3A_1177 = arith.muli %scan3A_44, %mul3A_1176 : i32
      %add3A_1178 = arith.constant 12 : i32
      %add3A_1179 = arith.addi %mul3A_1177, %add3A_1178 : i32
      %get3A_1180 = arith.index_cast %add3A_1179 : i32 to index
      %get3A_1181 = arith.constant 0 : index
      %get3A_1182 = tpu.vector_load %arg10[%get3A_1180, %get3A_1181] {strides = array<i32>} : memref<80x64xi32, #tpu.memory_space<vmem>>, vector<16xi32>,
      %bitcast3A_1183 = vector.bitcast %get3A_1182 : vector<16xi32> to vector<32xbf16>
      %mul3A_1184 = arith.mulf %bitcast3A_1175, %bitcast3A_1183 : vector<32xbf16>
      %unpack3A_1185 = tpu.unpack_subelements %mul3A_1184, 0 {pack_format = #tpu.pack_format<interleaved>} : vector<32xbf16> -> vector<16xf32>
      %unpack3A_1186 = tpu.unpack_subelements %mul3A_1184, 1 {pack_format = #tpu.pack_format<interleaved>} : vector<32xbf16> -> vector<16xf32>
      %add3A_1187 = arith.addf %unpack3A_1185, %unpack3A_1186 : vector<16xf32>
      %mul3A_1188 = arith.constant 16 : i32
      %mul3A_1189 = arith.muli %scan3A_44, %mul3A_1188 : i32
      %add3A_1190 = arith.constant 12 : i32
      %add3A_1191 = arith.addi %mul3A_1189, %add3A_1190 : i32
      %get3A_1192 = arith.index_cast %add3A_1191 : i32 to index
      %get3A_1193 = arith.constant 16 : index
      %get3A_1194 = tpu.vector_load %arg8[%get3A_1192, %get3A_1193] {strides = array<i32>} : memref<80x64xi32, #tpu.memory_space<vmem>>, vector<16xi32>,
      %bitcast3A_1195 = vector.bitcast %get3A_1194 : vector<16xi32> to vector<32xbf16>
      %mul3A_1196 = arith.constant 16 : i32
      %mul3A_1197 = arith.muli %scan3A_44, %mul3A_1196 : i32
      %add3A_1198 = arith.constant 12 : i32
      %add3A_1199 = arith.addi %mul3A_1197, %add3A_1198 : i32
      %get3A_1200 = arith.index_cast %add3A_1199 : i32 to index
      %get3A_1201 = arith.constant 16 : index
      %get3A_1202 = tpu.vector_load %arg10[%get3A_1200, %get3A_1201] {strides = array<i32>} : memref<80x64xi32, #tpu.memory_space<vmem>>, vector<16xi32>,
      %bitcast3A_1203 = vector.bitcast %get3A_1202 : vector<16xi32> to vector<32xbf16>
      %mul3A_1204 = arith.mulf %bitcast3A_1195, %bitcast3A_1203 : vector<32xbf16>
      %unpack3A_1205 = tpu.unpack_subelements %mul3A_1204, 0 {pack_format = #tpu.pack_format<interleaved>} : vector<32xbf16> -> vector<16xf32>
      %unpack3A_1206 = tpu.unpack_subelements %mul3A_1204, 1 {pack_format = #tpu.pack_format<interleaved>} : vector<32xbf16> -> vector<16xf32>
      %add3A_1207 = arith.addf %unpack3A_1205, %unpack3A_1206 : vector<16xf32>
      %mul3A_1208 = arith.constant 16 : i32
      %mul3A_1209 = arith.muli %scan3A_44, %mul3A_1208 : i32
      %add3A_1210 = arith.constant 12 : i32
      %add3A_1211 = arith.addi %mul3A_1209, %add3A_1210 : i32
      %get3A_1212 = arith.index_cast %add3A_1211 : i32 to index
      %get3A_1213 = arith.constant 32 : index
      %get3A_1214 = tpu.vector_load %arg8[%get3A_1212, %get3A_1213] {strides = array<i32>} : memref<80x64xi32, #tpu.memory_space<vmem>>, vector<16xi32>,
      %bitcast3A_1215 = vector.bitcast %get3A_1214 : vector<16xi32> to vector<32xbf16>
      %mul3A_1216 = arith.constant 16 : i32
      %mul3A_1217 = arith.muli %scan3A_44, %mul3A_1216 : i32
      %add3A_1218 = arith.constant 12 : i32
      %add3A_1219 = arith.addi %mul3A_1217, %add3A_1218 : i32
      %get3A_1220 = arith.index_cast %add3A_1219 : i32 to index
      %get3A_1221 = arith.constant 32 : index
      %get3A_1222 = tpu.vector_load %arg10[%get3A_1220, %get3A_1221] {strides = array<i32>} : memref<80x64xi32, #tpu.memory_space<vmem>>, vector<16xi32>,
      %bitcast3A_1223 = vector.bitcast %get3A_1222 : vector<16xi32> to vector<32xbf16>
      %mul3A_1224 = arith.mulf %bitcast3A_1215, %bitcast3A_1223 : vector<32xbf16>
      %unpack3A_1225 = tpu.unpack_subelements %mul3A_1224, 0 {pack_format = #tpu.pack_format<interleaved>} : vector<32xbf16> -> vector<16xf32>
      %unpack3A_1226 = tpu.unpack_subelements %mul3A_1224, 1 {pack_format = #tpu.pack_format<interleaved>} : vector<32xbf16> -> vector<16xf32>
      %add3A_1227 = arith.addf %unpack3A_1225, %unpack3A_1226 : vector<16xf32>
      %mul3A_1228 = arith.constant 16 : i32
      %mul3A_1229 = arith.muli %scan3A_44, %mul3A_1228 : i32
      %add3A_1230 = arith.constant 12 : i32
      %add3A_1231 = arith.addi %mul3A_1229, %add3A_1230 : i32
      %get3A_1232 = arith.index_cast %add3A_1231 : i32 to index
      %get3A_1233 = arith.constant 48 : index
      %get3A_1234 = tpu.vector_load %arg8[%get3A_1232, %get3A_1233] {strides = array<i32>} : memref<80x64xi32, #tpu.memory_space<vmem>>, vector<16xi32>,
      %bitcast3A_1235 = vector.bitcast %get3A_1234 : vector<16xi32> to vector<32xbf16>
      %mul3A_1236 = arith.constant 16 : i32
      %mul3A_1237 = arith.muli %scan3A_44, %mul3A_1236 : i32
      %add3A_1238 = arith.constant 12 : i32
      %add3A_1239 = arith.addi %mul3A_1237, %add3A_1238 : i32
      %get3A_1240 = arith.index_cast %add3A_1239 : i32 to index
      %get3A_1241 = arith.constant 48 : index
      %get3A_1242 = tpu.vector_load %arg10[%get3A_1240, %get3A_1241] {strides = array<i32>} : memref<80x64xi32, #tpu.memory_space<vmem>>, vector<16xi32>,
      %bitcast3A_1243 = vector.bitcast %get3A_1242 : vector<16xi32> to vector<32xbf16>
      %mul3A_1244 = arith.mulf %bitcast3A_1235, %bitcast3A_1243 : vector<32xbf16>
      %unpack3A_1245 = tpu.unpack_subelements %mul3A_1244, 0 {pack_format = #tpu.pack_format<interleaved>} : vector<32xbf16> -> vector<16xf32>
      %unpack3A_1246 = tpu.unpack_subelements %mul3A_1244, 1 {pack_format = #tpu.pack_format<interleaved>} : vector<32xbf16> -> vector<16xf32>
      %add3A_1247 = arith.addf %unpack3A_1245, %unpack3A_1246 : vector<16xf32>
      %add3A_1248 = arith.addf %add3A_1187, %add3A_1207 : vector<16xf32>
      %add3A_1249 = arith.addf %add3A_1227, %add3A_1247 : vector<16xf32>
      %add3A_1250 = arith.addf %add3A_1248, %add3A_1249 : vector<16xf32>
      %cumsum3A_1251 = arith.constant true
      %cumsum3A_1252 = vector.broadcast %cumsum3A_1251 : i1 to vector<16xi1>
      %cumsum3A_1253 = tpu.scan <sum>, %add3A_1250 masked %cumsum3A_1252 : vector<16xf32>, vector<16xi1> -> vector<16xf32>
      %mul3A_1254 = arith.constant 16 : i32
      %mul3A_1255 = arith.muli %scan3A_44, %mul3A_1254 : i32
      %add3A_1256 = arith.constant 9920 : i32
      %add3A_1257 = arith.addi %add3A_1256, %mul3A_1255 : i32
      %add3A_1258 = arith.constant 12 : i32
      %add3A_1259 = arith.addi %add3A_1257, %add3A_1258 : i32
      %swap3A_1260 = arith.index_cast %add3A_1259 : i32 to index
      %swap3A_1261 = tpu.vector_load %arg12[%swap3A_1260] masked %eq3A_4 {strides = array<i32>} : memref<10016xf32, #tpu.memory_space<vmem>>, vector<16xf32>, vector<16xi1>
      tpu.vector_store %arg12[%swap3A_1260], %cumsum3A_1253 masked %eq3A_4 {strides = array<i32>} : memref<10016xf32, #tpu.memory_space<vmem>>, vector<16xf32>, vector<16xi1>
      %mul3A_1262 = arith.constant 16 : i32
      %mul3A_1263 = arith.muli %scan3A_44, %mul3A_1262 : i32
      %add3A_1264 = arith.constant 13 : i32
      %add3A_1265 = arith.addi %mul3A_1263, %add3A_1264 : i32
      %get3A_1266 = arith.index_cast %add3A_1265 : i32 to index
      %get3A_1267 = arith.constant 0 : index
      %get3A_1268 = tpu.vector_load %arg8[%get3A_1266, %get3A_1267] {strides = array<i32>} : memref<80x64xi32, #tpu.memory_space<vmem>>, vector<16xi32>,
      %bitcast3A_1269 = vector.bitcast %get3A_1268 : vector<16xi32> to vector<32xbf16>
      %mul3A_1270 = arith.constant 16 : i32
      %mul3A_1271 = arith.muli %scan3A_44, %mul3A_1270 : i32
      %add3A_1272 = arith.constant 13 : i32
      %add3A_1273 = arith.addi %mul3A_1271, %add3A_1272 : i32
      %get3A_1274 = arith.index_cast %add3A_1273 : i32 to index
      %get3A_1275 = arith.constant 0 : index
      %get3A_1276 = tpu.vector_load %arg10[%get3A_1274, %get3A_1275] {strides = array<i32>} : memref<80x64xi32, #tpu.memory_space<vmem>>, vector<16xi32>,
      %bitcast3A_1277 = vector.bitcast %get3A_1276 : vector<16xi32> to vector<32xbf16>
      %mul3A_1278 = arith.mulf %bitcast3A_1269, %bitcast3A_1277 : vector<32xbf16>
      %unpack3A_1279 = tpu.unpack_subelements %mul3A_1278, 0 {pack_format = #tpu.pack_format<interleaved>} : vector<32xbf16> -> vector<16xf32>
      %unpack3A_1280 = tpu.unpack_subelements %mul3A_1278, 1 {pack_format = #tpu.pack_format<interleaved>} : vector<32xbf16> -> vector<16xf32>
      %add3A_1281 = arith.addf %unpack3A_1279, %unpack3A_1280 : vector<16xf32>
      %mul3A_1282 = arith.constant 16 : i32
      %mul3A_1283 = arith.muli %scan3A_44, %mul3A_1282 : i32
      %add3A_1284 = arith.constant 13 : i32
      %add3A_1285 = arith.addi %mul3A_1283, %add3A_1284 : i32
      %get3A_1286 = arith.index_cast %add3A_1285 : i32 to index
      %get3A_1287 = arith.constant 16 : index
      %get3A_1288 = tpu.vector_load %arg8[%get3A_1286, %get3A_1287] {strides = array<i32>} : memref<80x64xi32, #tpu.memory_space<vmem>>, vector<16xi32>,
      %bitcast3A_1289 = vector.bitcast %get3A_1288 : vector<16xi32> to vector<32xbf16>
      %mul3A_1290 = arith.constant 16 : i32
      %mul3A_1291 = arith.muli %scan3A_44, %mul3A_1290 : i32
      %add3A_1292 = arith.constant 13 : i32
      %add3A_1293 = arith.addi %mul3A_1291, %add3A_1292 : i32
      %get3A_1294 = arith.index_cast %add3A_1293 : i32 to index
      %get3A_1295 = arith.constant 16 : index
      %get3A_1296 = tpu.vector_load %arg10[%get3A_1294, %get3A_1295] {strides = array<i32>} : memref<80x64xi32, #tpu.memory_space<vmem>>, vector<16xi32>,
      %bitcast3A_1297 = vector.bitcast %get3A_1296 : vector<16xi32> to vector<32xbf16>
      %mul3A_1298 = arith.mulf %bitcast3A_1289, %bitcast3A_1297 : vector<32xbf16>
      %unpack3A_1299 = tpu.unpack_subelements %mul3A_1298, 0 {pack_format = #tpu.pack_format<interleaved>} : vector<32xbf16> -> vector<16xf32>
      %unpack3A_1300 = tpu.unpack_subelements %mul3A_1298, 1 {pack_format = #tpu.pack_format<interleaved>} : vector<32xbf16> -> vector<16xf32>
      %add3A_1301 = arith.addf %unpack3A_1299, %unpack3A_1300 : vector<16xf32>
      %mul3A_1302 = arith.constant 16 : i32
      %mul3A_1303 = arith.muli %scan3A_44, %mul3A_1302 : i32
      %add3A_1304 = arith.constant 13 : i32
      %add3A_1305 = arith.addi %mul3A_1303, %add3A_1304 : i32
      %get3A_1306 = arith.index_cast %add3A_1305 : i32 to index
      %get3A_1307 = arith.constant 32 : index
      %get3A_1308 = tpu.vector_load %arg8[%get3A_1306, %get3A_1307] {strides = array<i32>} : memref<80x64xi32, #tpu.memory_space<vmem>>, vector<16xi32>,
      %bitcast3A_1309 = vector.bitcast %get3A_1308 : vector<16xi32> to vector<32xbf16>
      %mul3A_1310 = arith.constant 16 : i32
      %mul3A_1311 = arith.muli %scan3A_44, %mul3A_1310 : i32
      %add3A_1312 = arith.constant 13 : i32
      %add3A_1313 = arith.addi %mul3A_1311, %add3A_1312 : i32
      %get3A_1314 = arith.index_cast %add3A_1313 : i32 to index
      %get3A_1315 = arith.constant 32 : index
      %get3A_1316 = tpu.vector_load %arg10[%get3A_1314, %get3A_1315] {strides = array<i32>} : memref<80x64xi32, #tpu.memory_space<vmem>>, vector<16xi32>,
      %bitcast3A_1317 = vector.bitcast %get3A_1316 : vector<16xi32> to vector<32xbf16>
      %mul3A_1318 = arith.mulf %bitcast3A_1309, %bitcast3A_1317 : vector<32xbf16>
      %unpack3A_1319 = tpu.unpack_subelements %mul3A_1318, 0 {pack_format = #tpu.pack_format<interleaved>} : vector<32xbf16> -> vector<16xf32>
      %unpack3A_1320 = tpu.unpack_subelements %mul3A_1318, 1 {pack_format = #tpu.pack_format<interleaved>} : vector<32xbf16> -> vector<16xf32>
      %add3A_1321 = arith.addf %unpack3A_1319, %unpack3A_1320 : vector<16xf32>
      %mul3A_1322 = arith.constant 16 : i32
      %mul3A_1323 = arith.muli %scan3A_44, %mul3A_1322 : i32
      %add3A_1324 = arith.constant 13 : i32
      %add3A_1325 = arith.addi %mul3A_1323, %add3A_1324 : i32
      %get3A_1326 = arith.index_cast %add3A_1325 : i32 to index
      %get3A_1327 = arith.constant 48 : index
      %get3A_1328 = tpu.vector_load %arg8[%get3A_1326, %get3A_1327] {strides = array<i32>} : memref<80x64xi32, #tpu.memory_space<vmem>>, vector<16xi32>,
      %bitcast3A_1329 = vector.bitcast %get3A_1328 : vector<16xi32> to vector<32xbf16>
      %mul3A_1330 = arith.constant 16 : i32
      %mul3A_1331 = arith.muli %scan3A_44, %mul3A_1330 : i32
      %add3A_1332 = arith.constant 13 : i32
      %add3A_1333 = arith.addi %mul3A_1331, %add3A_1332 : i32
      %get3A_1334 = arith.index_cast %add3A_1333 : i32 to index
      %get3A_1335 = arith.constant 48 : index
      %get3A_1336 = tpu.vector_load %arg10[%get3A_1334, %get3A_1335] {strides = array<i32>} : memref<80x64xi32, #tpu.memory_space<vmem>>, vector<16xi32>,
      %bitcast3A_1337 = vector.bitcast %get3A_1336 : vector<16xi32> to vector<32xbf16>
      %mul3A_1338 = arith.mulf %bitcast3A_1329, %bitcast3A_1337 : vector<32xbf16>
      %unpack3A_1339 = tpu.unpack_subelements %mul3A_1338, 0 {pack_format = #tpu.pack_format<interleaved>} : vector<32xbf16> -> vector<16xf32>
      %unpack3A_1340 = tpu.unpack_subelements %mul3A_1338, 1 {pack_format = #tpu.pack_format<interleaved>} : vector<32xbf16> -> vector<16xf32>
      %add3A_1341 = arith.addf %unpack3A_1339, %unpack3A_1340 : vector<16xf32>
      %add3A_1342 = arith.addf %add3A_1281, %add3A_1301 : vector<16xf32>
      %add3A_1343 = arith.addf %add3A_1321, %add3A_1341 : vector<16xf32>
      %add3A_1344 = arith.addf %add3A_1342, %add3A_1343 : vector<16xf32>
      %cumsum3A_1345 = arith.constant true
      %cumsum3A_1346 = vector.broadcast %cumsum3A_1345 : i1 to vector<16xi1>
      %cumsum3A_1347 = tpu.scan <sum>, %add3A_1344 masked %cumsum3A_1346 : vector<16xf32>, vector<16xi1> -> vector<16xf32>
      %mul3A_1348 = arith.constant 16 : i32
      %mul3A_1349 = arith.muli %scan3A_44, %mul3A_1348 : i32
      %add3A_1350 = arith.constant 9920 : i32
      %add3A_1351 = arith.addi %add3A_1350, %mul3A_1349 : i32
      %add3A_1352 = arith.constant 13 : i32
      %add3A_1353 = arith.addi %add3A_1351, %add3A_1352 : i32
      %swap3A_1354 = arith.index_cast %add3A_1353 : i32 to index
      %swap3A_1355 = tpu.vector_load %arg12[%swap3A_1354] masked %eq3A_4 {strides = array<i32>} : memref<10016xf32, #tpu.memory_space<vmem>>, vector<16xf32>, vector<16xi1>
      tpu.vector_store %arg12[%swap3A_1354], %cumsum3A_1347 masked %eq3A_4 {strides = array<i32>} : memref<10016xf32, #tpu.memory_space<vmem>>, vector<16xf32>, vector<16xi1>
      %mul3A_1356 = arith.constant 16 : i32
      %mul3A_1357 = arith.muli %scan3A_44, %mul3A_1356 : i32
      %add3A_1358 = arith.constant 14 : i32
      %add3A_1359 = arith.addi %mul3A_1357, %add3A_1358 : i32
      %get3A_1360 = arith.index_cast %add3A_1359 : i32 to index
      %get3A_1361 = arith.constant 0 : index
      %get3A_1362 = tpu.vector_load %arg8[%get3A_1360, %get3A_1361] {strides = array<i32>} : memref<80x64xi32, #tpu.memory_space<vmem>>, vector<16xi32>,
      %bitcast3A_1363 = vector.bitcast %get3A_1362 : vector<16xi32> to vector<32xbf16>
      %mul3A_1364 = arith.constant 16 : i32
      %mul3A_1365 = arith.muli %scan3A_44, %mul3A_1364 : i32
      %add3A_1366 = arith.constant 14 : i32
      %add3A_1367 = arith.addi %mul3A_1365, %add3A_1366 : i32
      %get3A_1368 = arith.index_cast %add3A_1367 : i32 to index
      %get3A_1369 = arith.constant 0 : index
      %get3A_1370 = tpu.vector_load %arg10[%get3A_1368, %get3A_1369] {strides = array<i32>} : memref<80x64xi32, #tpu.memory_space<vmem>>, vector<16xi32>,
      %bitcast3A_1371 = vector.bitcast %get3A_1370 : vector<16xi32> to vector<32xbf16>
      %mul3A_1372 = arith.mulf %bitcast3A_1363, %bitcast3A_1371 : vector<32xbf16>
      %unpack3A_1373 = tpu.unpack_subelements %mul3A_1372, 0 {pack_format = #tpu.pack_format<interleaved>} : vector<32xbf16> -> vector<16xf32>
      %unpack3A_1374 = tpu.unpack_subelements %mul3A_1372, 1 {pack_format = #tpu.pack_format<interleaved>} : vector<32xbf16> -> vector<16xf32>
      %add3A_1375 = arith.addf %unpack3A_1373, %unpack3A_1374 : vector<16xf32>
      %mul3A_1376 = arith.constant 16 : i32
      %mul3A_1377 = arith.muli %scan3A_44, %mul3A_1376 : i32
      %add3A_1378 = arith.constant 14 : i32
      %add3A_1379 = arith.addi %mul3A_1377, %add3A_1378 : i32
      %get3A_1380 = arith.index_cast %add3A_1379 : i32 to index
      %get3A_1381 = arith.constant 16 : index
      %get3A_1382 = tpu.vector_load %arg8[%get3A_1380, %get3A_1381] {strides = array<i32>} : memref<80x64xi32, #tpu.memory_space<vmem>>, vector<16xi32>,
      %bitcast3A_1383 = vector.bitcast %get3A_1382 : vector<16xi32> to vector<32xbf16>
      %mul3A_1384 = arith.constant 16 : i32
      %mul3A_1385 = arith.muli %scan3A_44, %mul3A_1384 : i32
      %add3A_1386 = arith.constant 14 : i32
      %add3A_1387 = arith.addi %mul3A_1385, %add3A_1386 : i32
      %get3A_1388 = arith.index_cast %add3A_1387 : i32 to index
      %get3A_1389 = arith.constant 16 : index
      %get3A_1390 = tpu.vector_load %arg10[%get3A_1388, %get3A_1389] {strides = array<i32>} : memref<80x64xi32, #tpu.memory_space<vmem>>, vector<16xi32>,
      %bitcast3A_1391 = vector.bitcast %get3A_1390 : vector<16xi32> to vector<32xbf16>
      %mul3A_1392 = arith.mulf %bitcast3A_1383, %bitcast3A_1391 : vector<32xbf16>
      %unpack3A_1393 = tpu.unpack_subelements %mul3A_1392, 0 {pack_format = #tpu.pack_format<interleaved>} : vector<32xbf16> -> vector<16xf32>
      %unpack3A_1394 = tpu.unpack_subelements %mul3A_1392, 1 {pack_format = #tpu.pack_format<interleaved>} : vector<32xbf16> -> vector<16xf32>
      %add3A_1395 = arith.addf %unpack3A_1393, %unpack3A_1394 : vector<16xf32>
      %mul3A_1396 = arith.constant 16 : i32
      %mul3A_1397 = arith.muli %scan3A_44, %mul3A_1396 : i32
      %add3A_1398 = arith.constant 14 : i32
      %add3A_1399 = arith.addi %mul3A_1397, %add3A_1398 : i32
      %get3A_1400 = arith.index_cast %add3A_1399 : i32 to index
      %get3A_1401 = arith.constant 32 : index
      %get3A_1402 = tpu.vector_load %arg8[%get3A_1400, %get3A_1401] {strides = array<i32>} : memref<80x64xi32, #tpu.memory_space<vmem>>, vector<16xi32>,
      %bitcast3A_1403 = vector.bitcast %get3A_1402 : vector<16xi32> to vector<32xbf16>
      %mul3A_1404 = arith.constant 16 : i32
      %mul3A_1405 = arith.muli %scan3A_44, %mul3A_1404 : i32
      %add3A_1406 = arith.constant 14 : i32
      %add3A_1407 = arith.addi %mul3A_1405, %add3A_1406 : i32
      %get3A_1408 = arith.index_cast %add3A_1407 : i32 to index
      %get3A_1409 = arith.constant 32 : index
      %get3A_1410 = tpu.vector_load %arg10[%get3A_1408, %get3A_1409] {strides = array<i32>} : memref<80x64xi32, #tpu.memory_space<vmem>>, vector<16xi32>,
      %bitcast3A_1411 = vector.bitcast %get3A_1410 : vector<16xi32> to vector<32xbf16>
      %mul3A_1412 = arith.mulf %bitcast3A_1403, %bitcast3A_1411 : vector<32xbf16>
      %unpack3A_1413 = tpu.unpack_subelements %mul3A_1412, 0 {pack_format = #tpu.pack_format<interleaved>} : vector<32xbf16> -> vector<16xf32>
      %unpack3A_1414 = tpu.unpack_subelements %mul3A_1412, 1 {pack_format = #tpu.pack_format<interleaved>} : vector<32xbf16> -> vector<16xf32>
      %add3A_1415 = arith.addf %unpack3A_1413, %unpack3A_1414 : vector<16xf32>
      %mul3A_1416 = arith.constant 16 : i32
      %mul3A_1417 = arith.muli %scan3A_44, %mul3A_1416 : i32
      %add3A_1418 = arith.constant 14 : i32
      %add3A_1419 = arith.addi %mul3A_1417, %add3A_1418 : i32
      %get3A_1420 = arith.index_cast %add3A_1419 : i32 to index
      %get3A_1421 = arith.constant 48 : index
      %get3A_1422 = tpu.vector_load %arg8[%get3A_1420, %get3A_1421] {strides = array<i32>} : memref<80x64xi32, #tpu.memory_space<vmem>>, vector<16xi32>,
      %bitcast3A_1423 = vector.bitcast %get3A_1422 : vector<16xi32> to vector<32xbf16>
      %mul3A_1424 = arith.constant 16 : i32
      %mul3A_1425 = arith.muli %scan3A_44, %mul3A_1424 : i32
      %add3A_1426 = arith.constant 14 : i32
      %add3A_1427 = arith.addi %mul3A_1425, %add3A_1426 : i32
      %get3A_1428 = arith.index_cast %add3A_1427 : i32 to index
      %get3A_1429 = arith.constant 48 : index
      %get3A_1430 = tpu.vector_load %arg10[%get3A_1428, %get3A_1429] {strides = array<i32>} : memref<80x64xi32, #tpu.memory_space<vmem>>, vector<16xi32>,
      %bitcast3A_1431 = vector.bitcast %get3A_1430 : vector<16xi32> to vector<32xbf16>
      %mul3A_1432 = arith.mulf %bitcast3A_1423, %bitcast3A_1431 : vector<32xbf16>
      %unpack3A_1433 = tpu.unpack_subelements %mul3A_1432, 0 {pack_format = #tpu.pack_format<interleaved>} : vector<32xbf16> -> vector<16xf32>
      %unpack3A_1434 = tpu.unpack_subelements %mul3A_1432, 1 {pack_format = #tpu.pack_format<interleaved>} : vector<32xbf16> -> vector<16xf32>
      %add3A_1435 = arith.addf %unpack3A_1433, %unpack3A_1434 : vector<16xf32>
      %add3A_1436 = arith.addf %add3A_1375, %add3A_1395 : vector<16xf32>
      %add3A_1437 = arith.addf %add3A_1415, %add3A_1435 : vector<16xf32>
      %add3A_1438 = arith.addf %add3A_1436, %add3A_1437 : vector<16xf32>
      %cumsum3A_1439 = arith.constant true
      %cumsum3A_1440 = vector.broadcast %cumsum3A_1439 : i1 to vector<16xi1>
      %cumsum3A_1441 = tpu.scan <sum>, %add3A_1438 masked %cumsum3A_1440 : vector<16xf32>, vector<16xi1> -> vector<16xf32>
      %mul3A_1442 = arith.constant 16 : i32
      %mul3A_1443 = arith.muli %scan3A_44, %mul3A_1442 : i32
      %add3A_1444 = arith.constant 9920 : i32
      %add3A_1445 = arith.addi %add3A_1444, %mul3A_1443 : i32
      %add3A_1446 = arith.constant 14 : i32
      %add3A_1447 = arith.addi %add3A_1445, %add3A_1446 : i32
      %swap3A_1448 = arith.index_cast %add3A_1447 : i32 to index
      %swap3A_1449 = tpu.vector_load %arg12[%swap3A_1448] masked %eq3A_4 {strides = array<i32>} : memref<10016xf32, #tpu.memory_space<vmem>>, vector<16xf32>, vector<16xi1>
      tpu.vector_store %arg12[%swap3A_1448], %cumsum3A_1441 masked %eq3A_4 {strides = array<i32>} : memref<10016xf32, #tpu.memory_space<vmem>>, vector<16xf32>, vector<16xi1>
      %mul3A_1450 = arith.constant 16 : i32
      %mul3A_1451 = arith.muli %scan3A_44, %mul3A_1450 : i32
      %add3A_1452 = arith.constant 15 : i32
      %add3A_1453 = arith.addi %mul3A_1451, %add3A_1452 : i32
      %get3A_1454 = arith.index_cast %add3A_1453 : i32 to index
      %get3A_1455 = arith.constant 0 : index
      %get3A_1456 = tpu.vector_load %arg8[%get3A_1454, %get3A_1455] {strides = array<i32>} : memref<80x64xi32, #tpu.memory_space<vmem>>, vector<16xi32>,
      %bitcast3A_1457 = vector.bitcast %get3A_1456 : vector<16xi32> to vector<32xbf16>
      %mul3A_1458 = arith.constant 16 : i32
      %mul3A_1459 = arith.muli %scan3A_44, %mul3A_1458 : i32
      %add3A_1460 = arith.constant 15 : i32
      %add3A_1461 = arith.addi %mul3A_1459, %add3A_1460 : i32
      %get3A_1462 = arith.index_cast %add3A_1461 : i32 to index
      %get3A_1463 = arith.constant 0 : index
      %get3A_1464 = tpu.vector_load %arg10[%get3A_1462, %get3A_1463] {strides = array<i32>} : memref<80x64xi32, #tpu.memory_space<vmem>>, vector<16xi32>,
      %bitcast3A_1465 = vector.bitcast %get3A_1464 : vector<16xi32> to vector<32xbf16>
      %mul3A_1466 = arith.mulf %bitcast3A_1457, %bitcast3A_1465 : vector<32xbf16>
      %unpack3A_1467 = tpu.unpack_subelements %mul3A_1466, 0 {pack_format = #tpu.pack_format<interleaved>} : vector<32xbf16> -> vector<16xf32>
      %unpack3A_1468 = tpu.unpack_subelements %mul3A_1466, 1 {pack_format = #tpu.pack_format<interleaved>} : vector<32xbf16> -> vector<16xf32>
      %add3A_1469 = arith.addf %unpack3A_1467, %unpack3A_1468 : vector<16xf32>
      %mul3A_1470 = arith.constant 16 : i32
      %mul3A_1471 = arith.muli %scan3A_44, %mul3A_1470 : i32
      %add3A_1472 = arith.constant 15 : i32
      %add3A_1473 = arith.addi %mul3A_1471, %add3A_1472 : i32
      %get3A_1474 = arith.index_cast %add3A_1473 : i32 to index
      %get3A_1475 = arith.constant 16 : index
      %get3A_1476 = tpu.vector_load %arg8[%get3A_1474, %get3A_1475] {strides = array<i32>} : memref<80x64xi32, #tpu.memory_space<vmem>>, vector<16xi32>,
      %bitcast3A_1477 = vector.bitcast %get3A_1476 : vector<16xi32> to vector<32xbf16>
      %mul3A_1478 = arith.constant 16 : i32
      %mul3A_1479 = arith.muli %scan3A_44, %mul3A_1478 : i32
      %add3A_1480 = arith.constant 15 : i32
      %add3A_1481 = arith.addi %mul3A_1479, %add3A_1480 : i32
      %get3A_1482 = arith.index_cast %add3A_1481 : i32 to index
      %get3A_1483 = arith.constant 16 : index
      %get3A_1484 = tpu.vector_load %arg10[%get3A_1482, %get3A_1483] {strides = array<i32>} : memref<80x64xi32, #tpu.memory_space<vmem>>, vector<16xi32>,
      %bitcast3A_1485 = vector.bitcast %get3A_1484 : vector<16xi32> to vector<32xbf16>
      %mul3A_1486 = arith.mulf %bitcast3A_1477, %bitcast3A_1485 : vector<32xbf16>
      %unpack3A_1487 = tpu.unpack_subelements %mul3A_1486, 0 {pack_format = #tpu.pack_format<interleaved>} : vector<32xbf16> -> vector<16xf32>
      %unpack3A_1488 = tpu.unpack_subelements %mul3A_1486, 1 {pack_format = #tpu.pack_format<interleaved>} : vector<32xbf16> -> vector<16xf32>
      %add3A_1489 = arith.addf %unpack3A_1487, %unpack3A_1488 : vector<16xf32>
      %mul3A_1490 = arith.constant 16 : i32
      %mul3A_1491 = arith.muli %scan3A_44, %mul3A_1490 : i32
      %add3A_1492 = arith.constant 15 : i32
      %add3A_1493 = arith.addi %mul3A_1491, %add3A_1492 : i32
      %get3A_1494 = arith.index_cast %add3A_1493 : i32 to index
      %get3A_1495 = arith.constant 32 : index
      %get3A_1496 = tpu.vector_load %arg8[%get3A_1494, %get3A_1495] {strides = array<i32>} : memref<80x64xi32, #tpu.memory_space<vmem>>, vector<16xi32>,
      %bitcast3A_1497 = vector.bitcast %get3A_1496 : vector<16xi32> to vector<32xbf16>
      %mul3A_1498 = arith.constant 16 : i32
      %mul3A_1499 = arith.muli %scan3A_44, %mul3A_1498 : i32
      %add3A_1500 = arith.constant 15 : i32
      %add3A_1501 = arith.addi %mul3A_1499, %add3A_1500 : i32
      %get3A_1502 = arith.index_cast %add3A_1501 : i32 to index
      %get3A_1503 = arith.constant 32 : index
      %get3A_1504 = tpu.vector_load %arg10[%get3A_1502, %get3A_1503] {strides = array<i32>} : memref<80x64xi32, #tpu.memory_space<vmem>>, vector<16xi32>,
      %bitcast3A_1505 = vector.bitcast %get3A_1504 : vector<16xi32> to vector<32xbf16>
      %mul3A_1506 = arith.mulf %bitcast3A_1497, %bitcast3A_1505 : vector<32xbf16>
      %unpack3A_1507 = tpu.unpack_subelements %mul3A_1506, 0 {pack_format = #tpu.pack_format<interleaved>} : vector<32xbf16> -> vector<16xf32>
      %unpack3A_1508 = tpu.unpack_subelements %mul3A_1506, 1 {pack_format = #tpu.pack_format<interleaved>} : vector<32xbf16> -> vector<16xf32>
      %add3A_1509 = arith.addf %unpack3A_1507, %unpack3A_1508 : vector<16xf32>
      %mul3A_1510 = arith.constant 16 : i32
      %mul3A_1511 = arith.muli %scan3A_44, %mul3A_1510 : i32
      %add3A_1512 = arith.constant 15 : i32
      %add3A_1513 = arith.addi %mul3A_1511, %add3A_1512 : i32
      %get3A_1514 = arith.index_cast %add3A_1513 : i32 to index
      %get3A_1515 = arith.constant 48 : index
      %get3A_1516 = tpu.vector_load %arg8[%get3A_1514, %get3A_1515] {strides = array<i32>} : memref<80x64xi32, #tpu.memory_space<vmem>>, vector<16xi32>,
      %bitcast3A_1517 = vector.bitcast %get3A_1516 : vector<16xi32> to vector<32xbf16>
      %mul3A_1518 = arith.constant 16 : i32
      %mul3A_1519 = arith.muli %scan3A_44, %mul3A_1518 : i32
      %add3A_1520 = arith.constant 15 : i32
      %add3A_1521 = arith.addi %mul3A_1519, %add3A_1520 : i32
      %get3A_1522 = arith.index_cast %add3A_1521 : i32 to index
      %get3A_1523 = arith.constant 48 : index
      %get3A_1524 = tpu.vector_load %arg10[%get3A_1522, %get3A_1523] {strides = array<i32>} : memref<80x64xi32, #tpu.memory_space<vmem>>, vector<16xi32>,
      %bitcast3A_1525 = vector.bitcast %get3A_1524 : vector<16xi32> to vector<32xbf16>
      %mul3A_1526 = arith.mulf %bitcast3A_1517, %bitcast3A_1525 : vector<32xbf16>
      %unpack3A_1527 = tpu.unpack_subelements %mul3A_1526, 0 {pack_format = #tpu.pack_format<interleaved>} : vector<32xbf16> -> vector<16xf32>
      %unpack3A_1528 = tpu.unpack_subelements %mul3A_1526, 1 {pack_format = #tpu.pack_format<interleaved>} : vector<32xbf16> -> vector<16xf32>
      %add3A_1529 = arith.addf %unpack3A_1527, %unpack3A_1528 : vector<16xf32>
      %add3A_1530 = arith.addf %add3A_1469, %add3A_1489 : vector<16xf32>
      %add3A_1531 = arith.addf %add3A_1509, %add3A_1529 : vector<16xf32>
      %add3A_1532 = arith.addf %add3A_1530, %add3A_1531 : vector<16xf32>
      %cumsum3A_1533 = arith.constant true
      %cumsum3A_1534 = vector.broadcast %cumsum3A_1533 : i1 to vector<16xi1>
      %cumsum3A_1535 = tpu.scan <sum>, %add3A_1532 masked %cumsum3A_1534 : vector<16xf32>, vector<16xi1> -> vector<16xf32>
      %mul3A_1536 = arith.constant 16 : i32
      %mul3A_1537 = arith.muli %scan3A_44, %mul3A_1536 : i32
      %add3A_1538 = arith.constant 9920 : i32
      %add3A_1539 = arith.addi %add3A_1538, %mul3A_1537 : i32
      %add3A_1540 = arith.constant 15 : i32
      %add3A_1541 = arith.addi %add3A_1539, %add3A_1540 : i32
      %swap3A_1542 = arith.index_cast %add3A_1541 : i32 to index
      %swap3A_1543 = tpu.vector_load %arg12[%swap3A_1542] masked %eq3A_4 {strides = array<i32>} : memref<10016xf32, #tpu.memory_space<vmem>>, vector<16xf32>, vector<16xi1>
      tpu.vector_store %arg12[%swap3A_1542], %cumsum3A_1535 masked %eq3A_4 {strides = array<i32>} : memref<10016xf32, #tpu.memory_space<vmem>>, vector<16xf32>, vector<16xi1>
    }
    %scan3A_43 = arith.constant 5 : i32
    "tpu.region"() ({
      %run_scoped3A = tpu.sem_alloc : memref<!tpu.dma_semaphore, #tpu.memory_space<semaphore_mem>>
      %dma_start3A_44 = arith.constant 0 : i32
      %dma_start3A_45 = tpu.memref_slice %arg12[%dma_start3A_44] : memref<10016xf32, #tpu.memory_space<vmem>> -> memref<10000xf32, #tpu.memory_space<vmem>>
      %dma_start3A_46 = tpu.memref_slice %arg5[%mul3A_2] : memref<320000xf32, #tpu.memory_space<hbm>> -> memref<10000xf32, #tpu.memory_space<hbm>>
      %dma_start3A_47 = tpu.memref_slice %arg5[%mul3A_2] : memref<320000xf32, #tpu.memory_space<hbm>> -> memref<10000xf32, #tpu.memory_space<hbm>>
      %dma_start3A_48 = arith.constant 0 : i32
      %dma_start3A_49 = tpu.memref_slice %arg12[%dma_start3A_48] : memref<10016xf32, #tpu.memory_space<vmem>> -> memref<10000xf32, #tpu.memory_space<vmem>>
      tpu.enqueue_dma source(%dma_start3A_49 : memref<10000xf32, #tpu.memory_space<vmem>>) target(%dma_start3A_47 : memref<10000xf32, #tpu.memory_space<hbm>>) target_semaphore(%run_scoped3A : memref<!tpu.dma_semaphore, #tpu.memory_space<semaphore_mem>>)
      %dma_wait3A_50 = arith.constant 0 : i32
      %dma_wait3A_51 = tpu.memref_slice %arg12[%dma_wait3A_50] : memref<10016xf32, #tpu.memory_space<vmem>> -> memref<10000xf32, #tpu.memory_space<vmem>>
      %dma_wait3A_52 = tpu.memref_slice %arg5[%mul3A_2] : memref<320000xf32, #tpu.memory_space<hbm>> -> memref<10000xf32, #tpu.memory_space<hbm>>
      %dma_wait3A_53 = tpu.memref_slice %arg5[%mul3A_2] : memref<320000xf32, #tpu.memory_space<hbm>> -> memref<10000xf32, #tpu.memory_space<hbm>>
      %dma_wait3A_54 = arith.constant 0 : i32
      %dma_wait3A_55 = tpu.memref_slice %arg12[%dma_wait3A_54] : memref<10016xf32, #tpu.memory_space<vmem>> -> memref<10000xf32, #tpu.memory_space<vmem>>
      tpu.wait_dma2 semaphore(%run_scoped3A : memref<!tpu.dma_semaphore, #tpu.memory_space<semaphore_mem>>) src(%dma_wait3A_55 : memref<10000xf32, #tpu.memory_space<vmem>>) dst(%dma_wait3A_53 : memref<10000xf32, #tpu.memory_space<hbm>>)
      tpu.yield
    }) : () -> ()
    return
  }
}

</mosaic_0001>

<sc_bundles>
// kernel: kernel.3.cloned.1.call-start
scs
__scs_entry_jumppad:
0x0: {  	(pc) =	sbr.rel $0x88, $3  }
0x1: {  	(tag) =	ssettag $0x0;
	lr =	simm.s32 $0x1  }
0x2: {  	[smem:$0x3F9F] =	sst lr;
	_ =	strace $0xD0000000  }
0x3: {  	_ = 	snop  }
0x4: {  	_ = 	snop  }
0x5: {  	_ = 	snop  }
0x6: {  	_ = 	snop  }
0x7: {  	_ = 	snop  }
__scs_overlays_trampoline_lowered:
0x8: {  	[smem:$0x3FAE] =	sst s0  }
0x9: {  	[smem:$0x3FAF] =	sst s1  }
0xa: {  	[smem:$0x3FB0] =	sst s2  }
0xb: {  	[smem:$0x3FB1] =	sst s3  }
0xc: {  	[smem:$0x3FB2] =	sst s4  }
0xd: {  	[smem:$0x3FB3] =	sst s5  }
0xe: {  	[smem:$0x3FB4] =	sst s6  }
0xf: {  	[smem:$0x3FB5] =	sst s7  }
0x10: {  	[smem:$0x3FB6] =	sst s8  }
0x11: {  	[smem:$0x3FB7] =	sst s9;
	s0 =	simm.s32 @!p0 $0x0  }
0x12: {  	s1 =	sld [smem:$0x3F9D];
	s0 =	simm.s32 @p0 $0x1  }
0x13: {  	[smem:$0x3FB8] =	sst s0;
	s0 =	simm.s32 @!p1 $0x0  }
0x14: {  	s2 =	sld [smem:$0x3F9C];
	s0 =	simm.s32 @p1 $0x1  }
0x15: {  	[smem:$0x3FB9] =	sst s0;
	s0 =	simm.s32 @!p2 $0x0  }
0x16: {  	s3 =	sld [smem:$0x3FDB];
	s0 =	simm.s32 @p2 $0x1  }
0x17: {  	s4 =	simm.s32 $0x1BF5;
	[smem:$0x3FBB] =	sst s0  }
0x18: {  	s0 =	sld [smem:$0x3F9E];
	_ =	swait.ge [sflag:s4], $0x0  }
0x19: {  	s7 =	sld [smem:$0x3F9F]  }
0x1a: {  	s8 =	sadd.s32 $0xFFFFE003, lr  }
0x1b: {  	s9 =	sadd.s32 $0xFFFFFEF7, lr;
	s5 =	simm.s32 $0xFFFFFFFF;
	p2 =	slt.u32 s8, $0xFFFFF086  }
0x1c: {  	p1 =	slt.u32 s9, $0xF7A;
	s5 =	simm.s32 @!p2 $0x0  }
0x1d: {  	s5 =	simm.s32 @p1 $0x1;
	p0 =	seq.s32 s7, s2  }
0x1e: {  	s7 =	smul.u32 @!p0 $0xF7A, s2;
	p2 =	seq.s32 @!p0 s5, $0x0  }
0x1f: {  	s9 =	smul.u32 $0xF7A, s1;
	s8 =	simm.s32 @!p0 $0x1BF5;
	p2 =	por !p2, p0  }
0x20: {  	[sflag:s8] =	ssyncset.s32 @!p0 $0xFFFFF086;
	s6 =	sadd.s32 @!p0 s3, s7;
	s7 =	simm.s32 @!p0 $0x108  }
0x21: {  	s3 =	sadd.s32 s3, s9;
	s6 =	sadd.s32 @!p0 $0x88, s6;
	s7 =	simm.s32 @p2 $0x1082  }
0x22: {  	[simem:s7], [sflag:s8] =	dma.local @!p0 [hbm:s6], $0xF7A  }
0x23: {  	s9 =	sor.u32 $0xD0000000, s2;
	s6 =	simm.s32 $0x108;
	_ =	swait.ge @!p0 [sflag:s8], $0x0  }
0x24: {  	s3 =	sadd.s32 $0x88, s3;
	s6 =	simm.s32 @!p1 $0x1082;
	[sflag:s4] =	ssyncset.s32 $0xFFFFF086  }
0x25: {  	[simem:s6], [sflag:s4] =	dma.local [hbm:s3], $0xF7A  }
0x26: {  	[smem:$0x3F9F] =	sst s1;
	(tag) =	ssettag s2;
	_ =	strace s9  }
0x27: {  	s1 =	sld [smem:$0x3FAF]  }
0x28: {  	s2 =	sld [smem:$0x3FB0]  }
0x29: {  	s4 =	sld [smem:$0x3FB2]  }
0x2a: {  	p0 =	seq.s32 s5, $0x0;
	s5 =	sld [smem:$0x3FB3]  }
0x2b: {  	s6 =	sld [smem:$0x3FB4]  }
0x2c: {  	s7 =	sld [smem:$0x3FB5]  }
0x2d: {  	s3 =	simm.s32 $0x108;
	s8 =	sld [smem:$0x3FB6]  }
0x2e: {  	s3 =	simm.s32 @!p0 $0x1082;
	s9 =	sld [smem:$0x3FB7]  }
0x2f: {  	lr =	sadd.s32 s0, s3;
	s0 =	sld [smem:$0x3FAE]  }
0x30: {  	s3 =	sld [smem:$0x3FB1]  }
0x31: {  	[smem:$0x3FBA] =	sst s10  }
0x32: {  	s10 =	sld [smem:$0x3FB8];
	_ =	sdelay $0x3  }
0x33: {  	p0 =	seq.s32 s10, $0x1;
	s10 =	sld [smem:$0x3FBA];
	_ =	sdelay $0x3  }
0x34: {  	[smem:$0x3FBA] =	sst s10  }
0x35: {  	s10 =	sld [smem:$0x3FB9];
	_ =	sdelay $0x3  }
0x36: {  	p1 =	seq.s32 s10, $0x1;
	s10 =	sld [smem:$0x3FBA];
	_ =	sdelay $0x3  }
0x37: {  	[smem:$0x3FBA] =	sst s10  }
0x38: {  	s10 =	sld [smem:$0x3FBB]  }
0x39: {  	_ = 	snop;
	(pc) =	sbr.ind lr, $3  }
0x3a: {  	_ = 	snop  }
0x3b: {  	_ = 	snop  }
0x3c: {  	p2 =	seq.s32 s10, $0x1;
	s10 =	sld [smem:$0x3FBA]  }
0x3d: {  	_ =	shalt  }
0x3e: {  	_ =	shalt  }
0x3f: {  	_ =	shalt  }
0x40: {  	_ =	shalt  }
0x41: {  	_ =	shalt  }
0x42: {  	_ =	shalt  }
0x43: {  	_ =	shalt  }
0x44: {  	_ =	shalt  }
0x45: {  	_ =	shalt  }
0x46: {  	_ =	shalt  }
0x47: {  	_ =	shalt  }
0x48: {  	_ =	shalt  }
0x49: {  	_ =	shalt  }
0x4a: {  	_ =	shalt  }
0x4b: {  	_ =	shalt  }
0x4c: {  	_ =	shalt  }
0x4d: {  	_ =	shalt  }
0x4e: {  	_ =	shalt  }
0x4f: {  	_ =	shalt  }
0x50: {  	_ =	shalt  }
0x51: {  	_ =	shalt  }
0x52: {  	_ =	shalt  }
0x53: {  	_ =	shalt  }
0x54: {  	_ =	shalt  }
0x55: {  	_ =	shalt  }
0x56: {  	_ =	shalt  }
0x57: {  	_ =	shalt  }
0x58: {  	_ =	shalt  }
0x59: {  	_ =	shalt  }
0x5a: {  	_ =	shalt  }
0x5b: {  	_ =	shalt  }
0x5c: {  	_ =	shalt  }
0x5d: {  	_ =	shalt  }
0x5e: {  	_ =	shalt  }
0x5f: {  	_ =	shalt  }
0x60: {  	_ =	shalt  }
0x61: {  	_ =	shalt  }
0x62: {  	_ =	shalt  }
0x63: {  	_ =	shalt  }
0x64: {  	_ =	shalt  }
0x65: {  	_ =	shalt  }
0x66: {  	_ =	shalt  }
0x67: {  	_ =	shalt  }
0x68: {  	_ =	shalt  }
0x69: {  	_ =	shalt  }
0x6a: {  	_ =	shalt  }
0x6b: {  	_ =	shalt  }
0x6c: {  	_ =	shalt  }
0x6d: {  	_ =	shalt  }
0x6e: {  	_ =	shalt  }
0x6f: {  	_ =	shalt  }
0x70: {  	_ =	shalt  }
0x71: {  	_ =	shalt  }
0x72: {  	_ =	shalt  }
0x73: {  	_ =	shalt  }
0x74: {  	_ =	shalt  }
0x75: {  	_ =	shalt  }
0x76: {  	_ =	shalt  }
0x77: {  	_ =	shalt  }
0x78: {  	_ =	shalt  }
0x79: {  	_ =	shalt  }
0x7a: {  	_ =	shalt  }
0x7b: {  	_ =	shalt  }
0x7c: {  	_ =	shalt  }
0x7d: {  	_ =	shalt  }
0x7e: {  	_ =	shalt  }
0x7f: {  	_ =	shalt  }
0x80: {  	_ =	shalt  }
0x81: {  	_ =	shalt  }
0x82: {  	_ =	shalt  }
0x83: {  	_ =	shalt  }
0x84: {  	_ =	shalt  }
0x85: {  	_ =	shalt  }
0x86: {  	_ =	shalt  }
0x87: {  	_ =	shalt  }
.Lfunc_end0:
.L_simem_size_0:
called_computation_lowered:
.L_overlay_start_0:
0x88: {  	s2 =	sld [smem:$0x3FD9]  }
0x89: {  	s3 =	sld [smem:$0x3FFE];
	_ =	sdelay $0x1  }
0x8a: {  	s1 =	srdreg.scid  }
0x8b: {  	s0 =	sand.u32 $0x1, s1  }
0x8c: {  	s17 =	sshll.u32 s0, $0xA;
	s2 =	sadd.s32 s3, s2  }
0x8d: {  	s2 =	sadd.s32 s2, s17  }
0x8e: {  	[smem:$0x3FC6] =	sst s2  }
0x8f: {  	_ = 	snop  }
0x90: {  	s2 =	sld [smem:$0x3FD0];
	(tm) =	ssettm $0x1  }
0x91: {  	s18 =	sld [smem:$0x3FFB];
	_ =	sdelay $0x3  }
0x92: {  	_ =	strace s18  }
0x93: {  	s3 =	sld [smem:$0x3FFC];
	_ =	sdelay $0x3  }
0x94: {  	_ =	strace s3  }
0x95: {  	s3 =	sld [smem:$0x3FFD];
	_ =	sdelay $0x3  }
0x96: {  	_ =	strace s3  }
0x97: {  	_ =	strace $0x8FFFFFFF  }
0x98: {  	s19 =	sld [smem:$0x3FDB];
	_ =	sdelay $0x1  }
0x99: {  	s4 =	simm.s32 $_scs_section_size  }
0x9a: {  	s5 =	simm.s32 $_size__tile_overlayer_lowered;
	s6 =	simm.s32 $_tile_overlayer_lowered  }
0x9b: {  	s22 =	simm.s32 $0x1BFF;
	s21 =	sshll.u32 s6, $0x1;
	s3 =	sadd.s32 s4, s19  }
0x9c: {  	s7 =	simm.s32 $0x0;
	s20 =	sshll.u32 s5, $0x1;
	s5 =	sadd.s32 s21, s3  }
0x9d: {  	[timem:s7], [sflag:s22] =	dma.local [hbm:s5], s20  }
0x9e: {  	_ =	swait.ge [sflag:s22], s20  }
0x9f: {  	s4 =	ssub.s32 $0x0, s20;
	[sflag:s22] =	ssyncset.done $0x0  }
0xa0: {  	[sflag:s22] =	ssyncadd.s32 s4;
	_ =	sdelay $0x1  }
0xa1: {  	s23 =	simm.s32 $0x1B8B  }
0xa2: {  	_ =	swait.ge [sflag:s23], $0x1  }
0xa3: {  	[sflag:s23] =	ssyncset.done $0x0  }
0xa4: {  	s25 =	simm.s32 $0x1B8E;
	s24 =	sld [smem:$0x3FFE];
	[sflag:s23] =	ssyncadd.s32 $0xFFFFFFFF  }
0xa5: {  	s26 =	simm.s32 $execute0_lowered;
	[smem:$0x3FD2] =	sst s25  }
0xa6: {  	s5 =	sshll.u32 s26, $0x1;
	_ =	strace $0x80000046;
	[dreg:$0x1] =	wrdreg $0xFFFFFFFF  }
0xa7: {  	s28 =	simm.s32 $_size_execute0_lowered;
	s3 =	sadd.s32 s3, s5;
	[dreg:$0x0] =	wrdreg $0x0  }
0xa8: {  	s5 =	sshll.u32 s28, $0x1;
	[dreg:$0x2] =	wrdreg s3  }
0xa9: {  	[dreg:$0x3] =	wrdreg s5  }
0xaa: {  	[dreg:$0x4] =	wrdreg $0xC0  }
0xab: {  	_ =	task [dreg:s7], $0x5FFFF  }
0xac: {  	[dreg:$0x1] =	wrdreg $0xFFFFFFFF  }
0xad: {  	[dreg:$0x0] =	wrdreg $0x60  }
0xae: {  	[dreg:$0x2] =	wrdreg s24  }
0xaf: {  	[dreg:$0x3] =	wrdreg s2  }
0xb0: {  	[dreg:$0x4] =	wrdreg $0x9  }
0xb1: {  	_ =	task.clear_ibuf [dreg:s7], $0x5FFFF;
	_ =	strace $0x90000046  }
0xb2: {  	s29 =	simm.s32 $0x9;
	_ =	strace $0x80000048  }
0xb3: {  	_ =	swait.ge [sflag:s29], $0x1  }
0xb4: {  	[sflag:s29] =	ssyncadd.s32 $0xFFFFFFFF  }
0xb5: {  	_ =	strace $0x90000048  }
0xb6: {  	_ =	sfence  }
0xb7: {  	s30 =	sld [smem:$0x0];
	_ =	sdelay $0x2  }
0xb8: {  	s31 =	sshll.u32 s1, $0xD;
	s1 =	sshrl.u32 s1, $0x2  }
0xb9: {  	s3 =	sand.u32 $0x4000, s31;
	s1 =	sadd.s32 s1, s30  }
0xba: {  	s0 =	sor.u32 s3, s0;
	s1 =	sshll.u32 s1, $0x11  }
0xbb: {  	s0 =	sor.u32 s1, s0  }
0xbc: {  	s0 =	sadd.s32 $0x8F2B, s0  }
0xbd: {  	[sflag:s0] =	ssyncadd.remote.s32 $0x1  }
0xbe: {  	_ =	sfence.sel $0xFFFF  }
0xbf: {  	[dreg:$0x0] =	wrdreg $0xFFFFFFFF;
	(pc) =	sbr.abs _section_cstart, $3  }
0xc0: {  	[dreg:$0x1] =	wrdreg $0xFFFFFFFF  }
0xc1: {  	_ =	task.clear_ibuf [dreg:s7], $0x2FFFF;
	_ =	strace $0x9FFFFFFF  }
0xc2: {  	(tm) =	ssettm $0x7FFFFFFF  }
0xc3: {  	_ =	shalt  }
tec
execute0_lowered:
.L_overlay_start_1:
0x0: {  	(tag) =	ssettag $0x1  }
0x1: {  	s1 =	srdreg.scid;
	s2 =	rddreg [dreg:$0x0]  }
0x2: {  	s0 =	stileid.u32;
	s6 =	rddreg [dreg:$0x1];
	s3 =	simm.s32 $0x0  }
0x3: {  	s9 =	simm.s32 $0x2710;
	s10 =	simm.s32 $0x50;
	s11 =	simm.s32 $0x4E20  }
0x4: {  	s12 =	simm.s32 $0x7620;
	s13 =	simm.s32 $0x6220;
	s14 =	simm.s32 $0x2760  }
0x5: {  	s15 =	simm.s32 $0x8A20;
	s16 =	simm.s32 $0x1;
	s17 =	simm.s32 $0x2  }
0x6: {  	s18 =	simm.s32 $0x9E20;
	s4 =	sand.u32 $0x1, s1;
	s31 =	sshll.u32 s0, $0x1  }
0x7: {  	s19 =	simm.s32 $0x0;
	s1 =	sor.u32 s4, s31;
	s4 =	ssub.s32 $0x2, s4  }
0x8: {  	[smem:$0x7FF] =	sst s3;
	s7 =	smul.u32 $0x4E2, s1;
	s8 =	sshrl.u32 s4, $0x1  }
0x9: {  	s1 =	rddreg [dreg:$0x2];
	_ =	strace $0x80000047;
	s8 =	ssub.s32 s4, s8  }
0xa: {  	s5 =	sadd.s32 s7, s2;
	s6 =	sadd.s32 s6, s7;
	s7 =	smax.u32 s8, $0x1  }
0xb: {  	vm0 =	vcmask $0x3F3C;
	s8 =	simm.s32 $0x3;
	s4 =	sadd.s32 $0x1D800, s5;
	s5 =	sadd.s32 $0x13A00, s5  }
.LBB2_1:
0xc: {  	[tilespmem:s3], [sflag:$0x3] =	stream.linear.gather [hbm4b:s4+s3], $0x2710, $0x38;
	[tilespmem:$0xC540] =	vst v63  }
0xd: {  	_ =	swait.ge [sflag:s8], $0x2710  }
0xe: {  	[sflag:s8] =	ssyncset.done $0x0  }
0xf: {  	[sflag:s8] =	ssyncadd.s32 $0xFFFFD8F0  }
0x10: {  	[tilespmem:s9], [sflag:$0x3] =	stream.linear.gather [hbm4b:s5+s3], $0x2710, $0x38;
	[tilespmem:$0xC540] =	vst v63  }
0x11: {  	_ =	swait.ge [sflag:s8], $0x2710  }
0x12: {  	[sflag:s8] =	ssyncset.done $0x0  }
0x13: {  	[sflag:s8] =	ssyncadd.s32 $0xFFFFD8F0  }
0x14: {  	[tilespmem:s11], [sflag:$0x1] =	stream.indirect.gather [hbm4b:s2+s10], $0x40, s3, s10, $0xb8;
	[tilespmem:$0xC540] =	vst v63  }
0x15: {  	_ = 	snop  }
0x16: {  	[tilespmem:s12], [sflag:$0x1] =	stream.indirect.gather [hbm4b:s2+s10], $0x40, s9, s10, $0xb8;
	[tilespmem:$0xC540] =	vst v63  }
0x17: {  	_ = 	snop  }
0x18: {  	[tilespmem:s13], [sflag:$0x2] =	stream.indirect.gather [hbm4b:s2+s10], $0x40, s10, s10, $0xb8;
	[tilespmem:$0xC540] =	vst v63  }
0x19: {  	s20 =	simm.s32 $0x9E20;
	s21 =	simm.s32 $0x0  }
0x1a: {  	[tilespmem:s15], [sflag:$0x2] =	stream.indirect.gather [hbm4b:s2+s10], $0x40, s14, s10, $0xb8;
	[tilespmem:$0xC540] =	vst v63  }
.LBB2_2:
0x1b: {  	_ =	swait.ge [sflag:s16], $0x1400  }
0x1c: {  	[sflag:s16] =	ssyncset.done $0x0  }
0x1d: {  	[sflag:s16] =	ssyncadd.s32 $0xFFFFEC00  }
0x1e: {  	_ =	swait.ge [sflag:s16], $0x1400  }
0x1f: {  	s22 =	smul.u32 $0xA0, s21;
	s23 =	simm.s32 $0x0;
	[sflag:s16] =	ssyncset.done $0x0  }
0x20: {  	s24 =	simm.s32 $0x5020;
	s25 =	simm.s32 $0x7820;
	v0 =	vmov s20;
	[sflag:s16] =	ssyncadd.s32 $0xFFFFEC00  }
.LBB2_3:
0x21: {  	v1 =	vld [tilespmem:s24+$0xFFFFFE00]  }
0x22: {  	v2 =	vld [tilespmem:s25+$0xFFFFFE00]  }
0x23: {  	v3 =	vld [tilespmem:s24+$0xFFFFFE10]  }
0x24: {  	v4 =	vld [tilespmem:s25+$0xFFFFFE10]  }
0x25: {  	v5 =	vld [tilespmem:s24+$0xFFFFFE20]  }
0x26: {  	v6 =	vld [tilespmem:s25+$0xFFFFFE20]  }
0x27: {  	v7 =	vld [tilespmem:s24+$0xFFFFFE30]  }
0x28: {  	v8 =	vld [tilespmem:s25+$0xFFFFFE30];
	_ =	sdelay $0x2  }
0x29: {  	v1 =	vmul.bf16 v2, v1  }
0x2a: {  	v2 =	vmul.bf16 v4, v3  }
0x2b: {  	v15 =	vmul.bf16 v6, v5;
	v17 =	vmul.bf16 v8, v7;
	v3 =	vunpack.i.u.bf16.f32 v1  }
0x2c: {  	v1 =	vunpack.i.l.bf16.f32 v1;
	v16 =	vunpack.i.u.bf16.f32 v2;
	v2 =	vunpack.i.l.bf16.f32 v2  }
0x2d: {  	v4 =	vunpack.i.l.bf16.f32 v15;
	v18 =	vunpack.i.u.bf16.f32 v17;
	v6 =	vunpack.i.l.bf16.f32 v17  }
0x2e: {  	v1 =	vadd.f32 v1, v3;
	v2 =	vadd.f32 v2, v16;
	v3 =	vunpack.i.u.bf16.f32 v15  }
0x2f: {  	v19 =	vadd.f32 v6, v18;
	v3 =	vadd.f32 v4, v3;
	_ =	sdelay $0x1  }
0x30: {  	v1 =	vadd.f32 v2, v1;
	v2 =	vadd.f32 v19, v3;
	_ =	sdelay $0x1  }
0x31: {  	v1 =	vadd.f32 v2, v1;
	_ =	sdelay $0x1  }
0x32: {  	(xrf2) =	vadd.scan.msk.f32 $0xffff, v1;
	_ =	sdelay $0x9  }
0x33: {  	s26 =	sshra.s32 s23, $0x2;
	v1, _, _ =	vpop (xrf2)  }
0x34: {  	[tilespmem:v0+s26+$0x0 ss:$0x1] =	vst.idx.msk vm0, v1  }
0x35: {  	v1 =	vld [tilespmem:s24+$0xFFFFFE40]  }
0x36: {  	v2 =	vld [tilespmem:s25+$0xFFFFFE40]  }
0x37: {  	v3 =	vld [tilespmem:s24+$0xFFFFFE50]  }
0x38: {  	v20 =	vld [tilespmem:s25+$0xFFFFFE50]  }
0x39: {  	v21 =	vld [tilespmem:s24+$0xFFFFFE60]  }
0x3a: {  	v22 =	vld [tilespmem:s25+$0xFFFFFE60]  }
0x3b: {  	v23 =	vld [tilespmem:s24+$0xFFFFFE70]  }
0x3c: {  	v24 =	vld [tilespmem:s25+$0xFFFFFE70];
	_ =	sdelay $0x2  }
0x3d: {  	v1 =	vmul.bf16 v2, v1  }
0x3e: {  	v2 =	vmul.bf16 v20, v3  }
0x3f: {  	v25 =	vmul.bf16 v22, v21;
	v27 =	vmul.bf16 v24, v23;
	v3 =	vunpack.i.u.bf16.f32 v1  }
0x40: {  	v1 =	vunpack.i.l.bf16.f32 v1;
	v26 =	vunpack.i.u.bf16.f32 v2;
	v2 =	vunpack.i.l.bf16.f32 v2  }
0x41: {  	v4 =	vunpack.i.l.bf16.f32 v25;
	v28 =	vunpack.i.u.bf16.f32 v27;
	v6 =	vunpack.i.l.bf16.f32 v27  }
0x42: {  	v1 =	vadd.f32 v1, v3;
	v2 =	vadd.f32 v2, v26;
	v3 =	vunpack.i.u.bf16.f32 v25  }
0x43: {  	v29 =	vadd.f32 v6, v28;
	v3 =	vadd.f32 v4, v3;
	_ =	sdelay $0x1  }
0x44: {  	v1 =	vadd.f32 v2, v1;
	v2 =	vadd.f32 v29, v3;
	_ =	sdelay $0x1  }
0x45: {  	v1 =	vadd.f32 v2, v1;
	_ =	sdelay $0x1  }
0x46: {  	(xrf2) =	vadd.scan.msk.f32 $0xffff, v1;
	_ =	sdelay $0x9  }
0x47: {  	v1, _, _ =	vpop (xrf2)  }
0x48: {  	[tilespmem:v0+s26+$0x1 ss:$0x1] =	vst.idx.msk vm0, v1  }
0x49: {  	v1 =	vld [tilespmem:s24+$0xFFFFFE80]  }
0x4a: {  	v2 =	vld [tilespmem:s25+$0xFFFFFE80]  }
0x4b: {  	v3 =	vld [tilespmem:s24+$0xFFFFFE90]  }
0x4c: {  	v30 =	vld [tilespmem:s25+$0xFFFFFE90]  }
0x4d: {  	v31 =	vld [tilespmem:s24+$0xFFFFFEA0]  }
0x4e: {  	v32 =	vld [tilespmem:s25+$0xFFFFFEA0]  }
0x4f: {  	v33 =	vld [tilespmem:s24+$0xFFFFFEB0]  }
0x50: {  	v34 =	vld [tilespmem:s25+$0xFFFFFEB0];
	_ =	sdelay $0x2  }
0x51: {  	v1 =	vmul.bf16 v2, v1  }
0x52: {  	v2 =	vmul.bf16 v30, v3  }
0x53: {  	v35 =	vmul.bf16 v32, v31;
	v37 =	vmul.bf16 v34, v33;
	v3 =	vunpack.i.u.bf16.f32 v1  }
0x54: {  	v1 =	vunpack.i.l.bf16.f32 v1;
	v36 =	vunpack.i.u.bf16.f32 v2;
	v2 =	vunpack.i.l.bf16.f32 v2  }
0x55: {  	v4 =	vunpack.i.l.bf16.f32 v35;
	v38 =	vunpack.i.u.bf16.f32 v37;
	v6 =	vunpack.i.l.bf16.f32 v37  }
0x56: {  	v1 =	vadd.f32 v1, v3;
	v2 =	vadd.f32 v2, v36;
	v3 =	vunpack.i.u.bf16.f32 v35  }
0x57: {  	v39 =	vadd.f32 v6, v38;
	v3 =	vadd.f32 v4, v3;
	_ =	sdelay $0x1  }
0x58: {  	v1 =	vadd.f32 v2, v1;
	v2 =	vadd.f32 v39, v3;
	_ =	sdelay $0x1  }
0x59: {  	v1 =	vadd.f32 v2, v1;
	_ =	sdelay $0x1  }
0x5a: {  	(xrf2) =	vadd.scan.msk.f32 $0xffff, v1;
	_ =	sdelay $0x9  }
0x5b: {  	v1, _, _ =	vpop (xrf2)  }
0x5c: {  	[tilespmem:v0+s26+$0x2 ss:$0x1] =	vst.idx.msk vm0, v1  }
0x5d: {  	v1 =	vld [tilespmem:s24+$0xFFFFFEC0]  }
0x5e: {  	v2 =	vld [tilespmem:s25+$0xFFFFFEC0]  }
0x5f: {  	v3 =	vld [tilespmem:s24+$0xFFFFFED0]  }
0x60: {  	v40 =	vld [tilespmem:s25+$0xFFFFFED0]  }
0x61: {  	v41 =	vld [tilespmem:s24+$0xFFFFFEE0]  }
0x62: {  	v42 =	vld [tilespmem:s25+$0xFFFFFEE0]  }
0x63: {  	v43 =	vld [tilespmem:s24+$0xFFFFFEF0]  }
0x64: {  	v44 =	vld [tilespmem:s25+$0xFFFFFEF0];
	_ =	sdelay $0x2  }
0x65: {  	v1 =	vmul.bf16 v2, v1  }
0x66: {  	v2 =	vmul.bf16 v40, v3  }
0x67: {  	v45 =	vmul.bf16 v42, v41;
	v47 =	vmul.bf16 v44, v43;
	v3 =	vunpack.i.u.bf16.f32 v1  }
0x68: {  	v1 =	vunpack.i.l.bf16.f32 v1;
	v46 =	vunpack.i.u.bf16.f32 v2;
	v2 =	vunpack.i.l.bf16.f32 v2  }
0x69: {  	v4 =	vunpack.i.l.bf16.f32 v45;
	v48 =	vunpack.i.u.bf16.f32 v47;
	v6 =	vunpack.i.l.bf16.f32 v47  }
0x6a: {  	v1 =	vadd.f32 v1, v3;
	v2 =	vadd.f32 v2, v46;
	v3 =	vunpack.i.u.bf16.f32 v45  }
0x6b: {  	v49 =	vadd.f32 v6, v48;
	v3 =	vadd.f32 v4, v3;
	_ =	sdelay $0x1  }
0x6c: {  	v1 =	vadd.f32 v2, v1;
	v2 =	vadd.f32 v49, v3;
	_ =	sdelay $0x1  }
0x6d: {  	v1 =	vadd.f32 v2, v1;
	_ =	sdelay $0x1  }
0x6e: {  	(xrf2) =	vadd.scan.msk.f32 $0xffff, v1;
	_ =	sdelay $0x9  }
0x6f: {  	v1, _, _ =	vpop (xrf2)  }
0x70: {  	[tilespmem:v0+s26+$0x3 ss:$0x1] =	vst.idx.msk vm0, v1  }
0x71: {  	v1 =	vld [tilespmem:s24+$0xFFFFFF00]  }
0x72: {  	v2 =	vld [tilespmem:s25+$0xFFFFFF00]  }
0x73: {  	v3 =	vld [tilespmem:s24+$0xFFFFFF10]  }
0x74: {  	v50 =	vld [tilespmem:s25+$0xFFFFFF10]  }
0x75: {  	v51 =	vld [tilespmem:s24+$0xFFFFFF20]  }
0x76: {  	v52 =	vld [tilespmem:s25+$0xFFFFFF20]  }
0x77: {  	v53 =	vld [tilespmem:s24+$0xFFFFFF30]  }
0x78: {  	v54 =	vld [tilespmem:s25+$0xFFFFFF30];
	_ =	sdelay $0x2  }
0x79: {  	v1 =	vmul.bf16 v2, v1  }
0x7a: {  	v2 =	vmul.bf16 v50, v3  }
0x7b: {  	v55 =	vmul.bf16 v52, v51;
	v57 =	vmul.bf16 v54, v53;
	v3 =	vunpack.i.u.bf16.f32 v1  }
0x7c: {  	v1 =	vunpack.i.l.bf16.f32 v1;
	v56 =	vunpack.i.u.bf16.f32 v2;
	v2 =	vunpack.i.l.bf16.f32 v2  }
0x7d: {  	v4 =	vunpack.i.l.bf16.f32 v55;
	v58 =	vunpack.i.u.bf16.f32 v57;
	v6 =	vunpack.i.l.bf16.f32 v57  }
0x7e: {  	v1 =	vadd.f32 v1, v3;
	v2 =	vadd.f32 v2, v56;
	v3 =	vunpack.i.u.bf16.f32 v55  }
0x7f: {  	v59 =	vadd.f32 v6, v58;
	v3 =	vadd.f32 v4, v3;
	_ =	sdelay $0x1  }
0x80: {  	v1 =	vadd.f32 v2, v1;
	v2 =	vadd.f32 v59, v3;
	_ =	sdelay $0x1  }
0x81: {  	v1 =	vadd.f32 v2, v1;
	_ =	sdelay $0x1  }
0x82: {  	(xrf2) =	vadd.scan.msk.f32 $0xffff, v1;
	_ =	sdelay $0x9  }
0x83: {  	v1, _, _ =	vpop (xrf2)  }
0x84: {  	[tilespmem:v0+s26+$0x4 ss:$0x1] =	vst.idx.msk vm0, v1  }
0x85: {  	v1 =	vld [tilespmem:s24+$0xFFFFFF40]  }
0x86: {  	v2 =	vld [tilespmem:s25+$0xFFFFFF40]  }
0x87: {  	v3 =	vld [tilespmem:s24+$0xFFFFFF50]  }
0x88: {  	v60 =	vld [tilespmem:s25+$0xFFFFFF50]  }
0x89: {  	v61 =	vld [tilespmem:s24+$0xFFFFFF60]  }
0x8a: {  	v62 =	vld [tilespmem:s25+$0xFFFFFF60]  }
0x8b: {  	v63 =	vld [tilespmem:s24+$0xFFFFFF70]  }
0x8c: {  	v12 =	vld [tilespmem:s25+$0xFFFFFF70];
	_ =	sdelay $0x2  }
0x8d: {  	v1 =	vmul.bf16 v2, v1  }
0x8e: {  	v2 =	vmul.bf16 v60, v3  }
0x8f: {  	v13 =	vmul.bf16 v62, v61;
	v15 =	vmul.bf16 v12, v63;
	v3 =	vunpack.i.u.bf16.f32 v1  }
0x90: {  	v1 =	vunpack.i.l.bf16.f32 v1;
	v14 =	vunpack.i.u.bf16.f32 v2;
	v2 =	vunpack.i.l.bf16.f32 v2  }
0x91: {  	v4 =	vunpack.i.l.bf16.f32 v13;
	v16 =	vunpack.i.u.bf16.f32 v15;
	v6 =	vunpack.i.l.bf16.f32 v15  }
0x92: {  	v1 =	vadd.f32 v1, v3;
	v2 =	vadd.f32 v2, v14;
	v3 =	vunpack.i.u.bf16.f32 v13  }
0x93: {  	v17 =	vadd.f32 v6, v16;
	v3 =	vadd.f32 v4, v3;
	_ =	sdelay $0x1  }
0x94: {  	v1 =	vadd.f32 v2, v1;
	v2 =	vadd.f32 v17, v3;
	_ =	sdelay $0x1  }
0x95: {  	v1 =	vadd.f32 v2, v1;
	_ =	sdelay $0x1  }
0x96: {  	(xrf2) =	vadd.scan.msk.f32 $0xffff, v1;
	_ =	sdelay $0x9  }
0x97: {  	v1, _, _ =	vpop (xrf2)  }
0x98: {  	[tilespmem:v0+s26+$0x5 ss:$0x1] =	vst.idx.msk vm0, v1  }
0x99: {  	v1 =	vld [tilespmem:s24+$0xFFFFFF80]  }
0x9a: {  	v2 =	vld [tilespmem:s25+$0xFFFFFF80]  }
0x9b: {  	v3 =	vld [tilespmem:s24+$0xFFFFFF90]  }
0x9c: {  	v18 =	vld [tilespmem:s25+$0xFFFFFF90]  }
0x9d: {  	v19 =	vld [tilespmem:s24+$0xFFFFFFA0]  }
0x9e: {  	v20 =	vld [tilespmem:s25+$0xFFFFFFA0]  }
0x9f: {  	v21 =	vld [tilespmem:s24+$0xFFFFFFB0]  }
0xa0: {  	v22 =	vld [tilespmem:s25+$0xFFFFFFB0];
	_ =	sdelay $0x2  }
0xa1: {  	v1 =	vmul.bf16 v2, v1  }
0xa2: {  	v2 =	vmul.bf16 v18, v3  }
0xa3: {  	v23 =	vmul.bf16 v20, v19;
	v25 =	vmul.bf16 v22, v21;
	v3 =	vunpack.i.u.bf16.f32 v1  }
0xa4: {  	v1 =	vunpack.i.l.bf16.f32 v1;
	v24 =	vunpack.i.u.bf16.f32 v2;
	v2 =	vunpack.i.l.bf16.f32 v2  }
0xa5: {  	v4 =	vunpack.i.l.bf16.f32 v23;
	v26 =	vunpack.i.u.bf16.f32 v25;
	v6 =	vunpack.i.l.bf16.f32 v25  }
0xa6: {  	v1 =	vadd.f32 v1, v3;
	v2 =	vadd.f32 v2, v24;
	v3 =	vunpack.i.u.bf16.f32 v23  }
0xa7: {  	v27 =	vadd.f32 v6, v26;
	v3 =	vadd.f32 v4, v3;
	_ =	sdelay $0x1  }
0xa8: {  	v1 =	vadd.f32 v2, v1;
	v2 =	vadd.f32 v27, v3;
	_ =	sdelay $0x1  }
0xa9: {  	v1 =	vadd.f32 v2, v1;
	_ =	sdelay $0x1  }
0xaa: {  	(xrf2) =	vadd.scan.msk.f32 $0xffff, v1;
	_ =	sdelay $0x9  }
0xab: {  	v1, _, _ =	vpop (xrf2)  }
0xac: {  	[tilespmem:v0+s26+$0x6 ss:$0x1] =	vst.idx.msk vm0, v1  }
0xad: {  	v1 =	vld [tilespmem:s24+$0xFFFFFFC0]  }
0xae: {  	v2 =	vld [tilespmem:s25+$0xFFFFFFC0]  }
0xaf: {  	v3 =	vld [tilespmem:s24+$0xFFFFFFD0]  }
0xb0: {  	v28 =	vld [tilespmem:s25+$0xFFFFFFD0]  }
0xb1: {  	v29 =	vld [tilespmem:s24+$0xFFFFFFE0]  }
0xb2: {  	v30 =	vld [tilespmem:s25+$0xFFFFFFE0]  }
0xb3: {  	v31 =	vld [tilespmem:s24+$0xFFFFFFF0]  }
0xb4: {  	v32 =	vld [tilespmem:s25+$0xFFFFFFF0];
	_ =	sdelay $0x2  }
0xb5: {  	v1 =	vmul.bf16 v2, v1  }
0xb6: {  	v2 =	vmul.bf16 v28, v3  }
0xb7: {  	v33 =	vmul.bf16 v30, v29;
	v35 =	vmul.bf16 v32, v31;
	v3 =	vunpack.i.u.bf16.f32 v1  }
0xb8: {  	v1 =	vunpack.i.l.bf16.f32 v1;
	v34 =	vunpack.i.u.bf16.f32 v2;
	v2 =	vunpack.i.l.bf16.f32 v2  }
0xb9: {  	v4 =	vunpack.i.l.bf16.f32 v33;
	v36 =	vunpack.i.u.bf16.f32 v35;
	v6 =	vunpack.i.l.bf16.f32 v35  }
0xba: {  	v1 =	vadd.f32 v1, v3;
	v2 =	vadd.f32 v2, v34;
	v3 =	vunpack.i.u.bf16.f32 v33  }
0xbb: {  	v37 =	vadd.f32 v6, v36;
	v3 =	vadd.f32 v4, v3;
	_ =	sdelay $0x1  }
0xbc: {  	v1 =	vadd.f32 v2, v1;
	v2 =	vadd.f32 v37, v3;
	_ =	sdelay $0x1  }
0xbd: {  	v1 =	vadd.f32 v2, v1;
	_ =	sdelay $0x1  }
0xbe: {  	(xrf2) =	vadd.scan.msk.f32 $0xffff, v1;
	_ =	sdelay $0x9  }
0xbf: {  	v1, _, _ =	vpop (xrf2)  }
0xc0: {  	[tilespmem:v0+s26+$0x7 ss:$0x1] =	vst.idx.msk vm0, v1  }
0xc1: {  	v1 =	vld [tilespmem:s24+$0x0]  }
0xc2: {  	v2 =	vld [tilespmem:s25+$0x0]  }
0xc3: {  	v3 =	vld [tilespmem:s24+$0x10]  }
0xc4: {  	v38 =	vld [tilespmem:s25+$0x10]  }
0xc5: {  	v39 =	vld [tilespmem:s24+$0x20]  }
0xc6: {  	v40 =	vld [tilespmem:s25+$0x20]  }
0xc7: {  	v41 =	vld [tilespmem:s24+$0x30]  }
0xc8: {  	v42 =	vld [tilespmem:s25+$0x30];
	_ =	sdelay $0x2  }
0xc9: {  	v1 =	vmul.bf16 v2, v1  }
0xca: {  	v2 =	vmul.bf16 v38, v3  }
0xcb: {  	v43 =	vmul.bf16 v40, v39;
	v45 =	vmul.bf16 v42, v41;
	v3 =	vunpack.i.u.bf16.f32 v1  }
0xcc: {  	v1 =	vunpack.i.l.bf16.f32 v1;
	v44 =	vunpack.i.u.bf16.f32 v2;
	v2 =	vunpack.i.l.bf16.f32 v2  }
0xcd: {  	v4 =	vunpack.i.l.bf16.f32 v43;
	v46 =	vunpack.i.u.bf16.f32 v45;
	v6 =	vunpack.i.l.bf16.f32 v45  }
0xce: {  	v1 =	vadd.f32 v1, v3;
	v2 =	vadd.f32 v2, v44;
	v3 =	vunpack.i.u.bf16.f32 v43  }
0xcf: {  	v47 =	vadd.f32 v6, v46;
	v3 =	vadd.f32 v4, v3;
	_ =	sdelay $0x1  }
0xd0: {  	v1 =	vadd.f32 v2, v1;
	v2 =	vadd.f32 v47, v3;
	_ =	sdelay $0x1  }
0xd1: {  	v1 =	vadd.f32 v2, v1;
	_ =	sdelay $0x1  }
0xd2: {  	(xrf2) =	vadd.scan.msk.f32 $0xffff, v1;
	_ =	sdelay $0x9  }
0xd3: {  	v1, _, _ =	vpop (xrf2)  }
0xd4: {  	[tilespmem:v0+s26+$0x8 ss:$0x1] =	vst.idx.msk vm0, v1  }
0xd5: {  	v1 =	vld [tilespmem:s24+$0x40]  }
0xd6: {  	v2 =	vld [tilespmem:s25+$0x40]  }
0xd7: {  	v3 =	vld [tilespmem:s24+$0x50]  }
0xd8: {  	v48 =	vld [tilespmem:s25+$0x50]  }
0xd9: {  	v49 =	vld [tilespmem:s24+$0x60]  }
0xda: {  	v50 =	vld [tilespmem:s25+$0x60]  }
0xdb: {  	v51 =	vld [tilespmem:s24+$0x70]  }
0xdc: {  	v52 =	vld [tilespmem:s25+$0x70];
	_ =	sdelay $0x2  }
0xdd: {  	v1 =	vmul.bf16 v2, v1  }
0xde: {  	v2 =	vmul.bf16 v48, v3  }
0xdf: {  	v53 =	vmul.bf16 v50, v49;
	v55 =	vmul.bf16 v52, v51;
	v3 =	vunpack.i.u.bf16.f32 v1  }
0xe0: {  	v1 =	vunpack.i.l.bf16.f32 v1;
	v54 =	vunpack.i.u.bf16.f32 v2;
	v2 =	vunpack.i.l.bf16.f32 v2  }
0xe1: {  	v4 =	vunpack.i.l.bf16.f32 v53;
	v56 =	vunpack.i.u.bf16.f32 v55;
	v6 =	vunpack.i.l.bf16.f32 v55  }
0xe2: {  	v1 =	vadd.f32 v1, v3;
	v2 =	vadd.f32 v2, v54;
	v3 =	vunpack.i.u.bf16.f32 v53  }
0xe3: {  	v57 =	vadd.f32 v6, v56;
	v3 =	vadd.f32 v4, v3;
	_ =	sdelay $0x1  }
0xe4: {  	v1 =	vadd.f32 v2, v1;
	v2 =	vadd.f32 v57, v3;
	_ =	sdelay $0x1  }
0xe5: {  	v1 =	vadd.f32 v2, v1;
	_ =	sdelay $0x1  }
0xe6: {  	(xrf2) =	vadd.scan.msk.f32 $0xffff, v1;
	_ =	sdelay $0x9  }
0xe7: {  	v1, _, _ =	vpop (xrf2)  }
0xe8: {  	[tilespmem:v0+s26+$0x9 ss:$0x1] =	vst.idx.msk vm0, v1  }
0xe9: {  	v1 =	vld [tilespmem:s24+$0x80]  }
0xea: {  	v2 =	vld [tilespmem:s25+$0x80]  }
0xeb: {  	v3 =	vld [tilespmem:s24+$0x90]  }
0xec: {  	v58 =	vld [tilespmem:s25+$0x90]  }
0xed: {  	v59 =	vld [tilespmem:s24+$0xA0]  }
0xee: {  	v60 =	vld [tilespmem:s25+$0xA0]  }
0xef: {  	v61 =	vld [tilespmem:s24+$0xB0]  }
0xf0: {  	v62 =	vld [tilespmem:s25+$0xB0];
	_ =	sdelay $0x2  }
0xf1: {  	v1 =	vmul.bf16 v2, v1  }
0xf2: {  	v2 =	vmul.bf16 v58, v3  }
0xf3: {  	v63 =	vmul.bf16 v60, v59;
	v10 =	vmul.bf16 v62, v61;
	v3 =	vunpack.i.u.bf16.f32 v1  }
0xf4: {  	v1 =	vunpack.i.l.bf16.f32 v1;
	v9 =	vunpack.i.u.bf16.f32 v2;
	v2 =	vunpack.i.l.bf16.f32 v2  }
0xf5: {  	v4 =	vunpack.i.l.bf16.f32 v63;
	v11 =	vunpack.i.u.bf16.f32 v10;
	v6 =	vunpack.i.l.bf16.f32 v10  }
0xf6: {  	v1 =	vadd.f32 v1, v3;
	v2 =	vadd.f32 v2, v9;
	v3 =	vunpack.i.u.bf16.f32 v63  }
0xf7: {  	v12 =	vadd.f32 v6, v11;
	v3 =	vadd.f32 v4, v3;
	_ =	sdelay $0x1  }
0xf8: {  	v1 =	vadd.f32 v2, v1;
	v2 =	vadd.f32 v12, v3;
	_ =	sdelay $0x1  }
0xf9: {  	v1 =	vadd.f32 v2, v1;
	_ =	sdelay $0x1  }
0xfa: {  	(xrf2) =	vadd.scan.msk.f32 $0xffff, v1;
	_ =	sdelay $0x9  }
0xfb: {  	v1, _, _ =	vpop (xrf2)  }
0xfc: {  	[tilespmem:v0+s26+$0xA ss:$0x1] =	vst.idx.msk vm0, v1  }
0xfd: {  	v1 =	vld [tilespmem:s24+$0xC0]  }
0xfe: {  	v2 =	vld [tilespmem:s25+$0xC0]  }
0xff: {  	v3 =	vld [tilespmem:s24+$0xD0]  }
0x100: {  	v13 =	vld [tilespmem:s25+$0xD0]  }
0x101: {  	v14 =	vld [tilespmem:s24+$0xE0]  }
0x102: {  	v15 =	vld [tilespmem:s25+$0xE0]  }
0x103: {  	v16 =	vld [tilespmem:s24+$0xF0]  }
0x104: {  	v17 =	vld [tilespmem:s25+$0xF0];
	_ =	sdelay $0x2  }
0x105: {  	v1 =	vmul.bf16 v2, v1  }
0x106: {  	v2 =	vmul.bf16 v13, v3  }
0x107: {  	v18 =	vmul.bf16 v15, v14;
	v20 =	vmul.bf16 v17, v16;
	v3 =	vunpack.i.u.bf16.f32 v1  }
0x108: {  	v1 =	vunpack.i.l.bf16.f32 v1;
	v19 =	vunpack.i.u.bf16.f32 v2;
	v2 =	vunpack.i.l.bf16.f32 v2  }
0x109: {  	v4 =	vunpack.i.l.bf16.f32 v18;
	v21 =	vunpack.i.u.bf16.f32 v20;
	v6 =	vunpack.i.l.bf16.f32 v20  }
0x10a: {  	v1 =	vadd.f32 v1, v3;
	v2 =	vadd.f32 v2, v19;
	v3 =	vunpack.i.u.bf16.f32 v18  }
0x10b: {  	v22 =	vadd.f32 v6, v21;
	v3 =	vadd.f32 v4, v3;
	_ =	sdelay $0x1  }
0x10c: {  	v1 =	vadd.f32 v2, v1;
	v2 =	vadd.f32 v22, v3;
	_ =	sdelay $0x1  }
0x10d: {  	v1 =	vadd.f32 v2, v1;
	_ =	sdelay $0x1  }
0x10e: {  	(xrf2) =	vadd.scan.msk.f32 $0xffff, v1;
	_ =	sdelay $0x9  }
0x10f: {  	v1, _, _ =	vpop (xrf2)  }
0x110: {  	[tilespmem:v0+s26+$0xB ss:$0x1] =	vst.idx.msk vm0, v1  }
0x111: {  	v1 =	vld [tilespmem:s24+$0x100]  }
0x112: {  	v2 =	vld [tilespmem:s25+$0x100]  }
0x113: {  	v3 =	vld [tilespmem:s24+$0x110]  }
0x114: {  	v23 =	vld [tilespmem:s25+$0x110]  }
0x115: {  	v24 =	vld [tilespmem:s24+$0x120]  }
0x116: {  	v25 =	vld [tilespmem:s25+$0x120]  }
0x117: {  	v26 =	vld [tilespmem:s24+$0x130]  }
0x118: {  	v27 =	vld [tilespmem:s25+$0x130];
	_ =	sdelay $0x2  }
0x119: {  	v1 =	vmul.bf16 v2, v1  }
0x11a: {  	v2 =	vmul.bf16 v23, v3  }
0x11b: {  	v28 =	vmul.bf16 v25, v24;
	v30 =	vmul.bf16 v27, v26;
	v3 =	vunpack.i.u.bf16.f32 v1  }
0x11c: {  	v1 =	vunpack.i.l.bf16.f32 v1;
	v29 =	vunpack.i.u.bf16.f32 v2;
	v2 =	vunpack.i.l.bf16.f32 v2  }
0x11d: {  	v4 =	vunpack.i.l.bf16.f32 v28;
	v31 =	vunpack.i.u.bf16.f32 v30;
	v6 =	vunpack.i.l.bf16.f32 v30  }
0x11e: {  	v1 =	vadd.f32 v1, v3;
	v2 =	vadd.f32 v2, v29;
	v3 =	vunpack.i.u.bf16.f32 v28  }
0x11f: {  	v32 =	vadd.f32 v6, v31;
	v3 =	vadd.f32 v4, v3;
	_ =	sdelay $0x1  }
0x120: {  	v1 =	vadd.f32 v2, v1;
	v2 =	vadd.f32 v32, v3;
	_ =	sdelay $0x1  }
0x121: {  	v1 =	vadd.f32 v2, v1;
	_ =	sdelay $0x1  }
0x122: {  	(xrf2) =	vadd.scan.msk.f32 $0xffff, v1;
	_ =	sdelay $0x9  }
0x123: {  	v1, _, _ =	vpop (xrf2)  }
0x124: {  	[tilespmem:v0+s26+$0xC ss:$0x1] =	vst.idx.msk vm0, v1  }
0x125: {  	v1 =	vld [tilespmem:s24+$0x140]  }
0x126: {  	v2 =	vld [tilespmem:s25+$0x140]  }
0x127: {  	v3 =	vld [tilespmem:s24+$0x150]  }
0x128: {  	v33 =	vld [tilespmem:s25+$0x150]  }
0x129: {  	v34 =	vld [tilespmem:s24+$0x160]  }
0x12a: {  	v35 =	vld [tilespmem:s25+$0x160]  }
0x12b: {  	v36 =	vld [tilespmem:s24+$0x170]  }
0x12c: {  	v37 =	vld [tilespmem:s25+$0x170];
	_ =	sdelay $0x2  }
0x12d: {  	v1 =	vmul.bf16 v2, v1  }
0x12e: {  	v2 =	vmul.bf16 v33, v3  }
0x12f: {  	v38 =	vmul.bf16 v35, v34;
	v40 =	vmul.bf16 v37, v36;
	v3 =	vunpack.i.u.bf16.f32 v1  }
0x130: {  	v1 =	vunpack.i.l.bf16.f32 v1;
	v39 =	vunpack.i.u.bf16.f32 v2;
	v2 =	vunpack.i.l.bf16.f32 v2  }
0x131: {  	v4 =	vunpack.i.l.bf16.f32 v38;
	v41 =	vunpack.i.u.bf16.f32 v40;
	v6 =	vunpack.i.l.bf16.f32 v40  }
0x132: {  	v1 =	vadd.f32 v1, v3;
	v2 =	vadd.f32 v2, v39;
	v3 =	vunpack.i.u.bf16.f32 v38  }
0x133: {  	v42 =	vadd.f32 v6, v41;
	v3 =	vadd.f32 v4, v3;
	_ =	sdelay $0x1  }
0x134: {  	v1 =	vadd.f32 v2, v1;
	v2 =	vadd.f32 v42, v3;
	_ =	sdelay $0x1  }
0x135: {  	v1 =	vadd.f32 v2, v1;
	_ =	sdelay $0x1  }
0x136: {  	(xrf2) =	vadd.scan.msk.f32 $0xffff, v1;
	_ =	sdelay $0x9  }
0x137: {  	v1, _, _ =	vpop (xrf2)  }
0x138: {  	[tilespmem:v0+s26+$0xD ss:$0x1] =	vst.idx.msk vm0, v1  }
0x139: {  	v1 =	vld [tilespmem:s24+$0x180]  }
0x13a: {  	v2 =	vld [tilespmem:s25+$0x180]  }
0x13b: {  	v3 =	vld [tilespmem:s24+$0x190]  }
0x13c: {  	v43 =	vld [tilespmem:s25+$0x190]  }
0x13d: {  	v44 =	vld [tilespmem:s24+$0x1A0]  }
0x13e: {  	v45 =	vld [tilespmem:s25+$0x1A0]  }
0x13f: {  	v46 =	vld [tilespmem:s24+$0x1B0]  }
0x140: {  	v47 =	vld [tilespmem:s25+$0x1B0];
	_ =	sdelay $0x2  }
0x141: {  	v1 =	vmul.bf16 v2, v1  }
0x142: {  	v2 =	vmul.bf16 v43, v3  }
0x143: {  	v48 =	vmul.bf16 v45, v44;
	v50 =	vmul.bf16 v47, v46;
	v3 =	vunpack.i.u.bf16.f32 v1  }
0x144: {  	v1 =	vunpack.i.l.bf16.f32 v1;
	v49 =	vunpack.i.u.bf16.f32 v2;
	v2 =	vunpack.i.l.bf16.f32 v2  }
0x145: {  	v4 =	vunpack.i.l.bf16.f32 v48;
	v51 =	vunpack.i.u.bf16.f32 v50;
	v6 =	vunpack.i.l.bf16.f32 v50  }
0x146: {  	v1 =	vadd.f32 v1, v3;
	v2 =	vadd.f32 v2, v49;
	v3 =	vunpack.i.u.bf16.f32 v48  }
0x147: {  	v52 =	vadd.f32 v6, v51;
	v3 =	vadd.f32 v4, v3;
	_ =	sdelay $0x1  }
0x148: {  	v1 =	vadd.f32 v2, v1;
	v2 =	vadd.f32 v52, v3;
	_ =	sdelay $0x1  }
0x149: {  	v1 =	vadd.f32 v2, v1;
	_ =	sdelay $0x1  }
0x14a: {  	(xrf2) =	vadd.scan.msk.f32 $0xffff, v1;
	_ =	sdelay $0x9  }
0x14b: {  	v1, _, _ =	vpop (xrf2)  }
0x14c: {  	[tilespmem:v0+s26+$0xE ss:$0x1] =	vst.idx.msk vm0, v1  }
0x14d: {  	v1 =	vld [tilespmem:s24+$0x1C0]  }
0x14e: {  	v2 =	vld [tilespmem:s25+$0x1C0]  }
0x14f: {  	v3 =	vld [tilespmem:s24+$0x1D0]  }
0x150: {  	v53 =	vld [tilespmem:s25+$0x1D0]  }
0x151: {  	v54 =	vld [tilespmem:s24+$0x1E0]  }
0x152: {  	v55 =	vld [tilespmem:s25+$0x1E0]  }
0x153: {  	v56 =	vld [tilespmem:s24+$0x1F0]  }
0x154: {  	v57 =	vld [tilespmem:s25+$0x1F0];
	_ =	sdelay $0x2  }
0x155: {  	v1 =	vmul.bf16 v2, v1  }
0x156: {  	v2 =	vmul.bf16 v53, v3  }
0x157: {  	v3 =	vmul.bf16 v55, v54;
	v59 =	vmul.bf16 v57, v56;
	v58 =	vunpack.i.u.bf16.f32 v1  }
0x158: {  	v1 =	vunpack.i.l.bf16.f32 v1;
	v60 =	vunpack.i.u.bf16.f32 v2;
	v2 =	vunpack.i.l.bf16.f32 v2  }
0x159: {  	v61 =	vunpack.i.u.bf16.f32 v3;
	v3 =	vunpack.i.l.bf16.f32 v3;
	v62 =	vunpack.i.u.bf16.f32 v59  }
0x15a: {  	v5 =	vunpack.i.l.bf16.f32 v59;
	v1 =	vadd.f32 v1, v58;
	v2 =	vadd.f32 v2, v60  }
0x15b: {  	v3 =	vadd.f32 v3, v61;
	v63 =	vadd.f32 v5, v62;
	_ =	sdelay $0x1  }
0x15c: {  	v1 =	vadd.f32 v2, v1;
	v2 =	vadd.f32 v63, v3;
	_ =	sdelay $0x1  }
0x15d: {  	v1 =	vadd.f32 v2, v1;
	_ =	sdelay $0x1  }
0x15e: {  	(xrf2) =	vadd.scan.msk.f32 $0xffff, v1;
	_ =	sdelay $0x5  }
0x15f: {  	p0 =	sne.s32 s23, $0x100  }
.Ltmp0:
0x160: {  	_ = 	snop;
	(pc) =	sbr.rel @p0 .LBB2_3-.Ltmp0, $3  }
0x161: {  	_ =	sdelay $0x1  }
0x162: {  	v1, _, _ =	vpop (xrf2)  }
0x163: {  	s23 =	sadd.s32 $0x40, s23;
	s24 =	sadd.s32 $0x400, s24;
	s25 =	sadd.s32 $0x400, s25;
	[tilespmem:v0+s26+$0xF ss:$0x1] =	vst.idx.msk vm0, v1  }
0x164: {  	s23 =	sadd.s32 $0xA0, s22  }
0x165: {  	[tilespmem:s11], [sflag:$0x1] =	stream.indirect.gather [hbm4b:s2+s10], $0x40, s23, s10, $0xb8;
	[tilespmem:$0xC540] =	vst v63  }
0x166: {  	s31 =	sadd.s32 $0x27B0, s22  }
0x167: {  	[tilespmem:s12], [sflag:$0x1] =	stream.indirect.gather [hbm4b:s2+s10], $0x40, s31, s10, $0xb8;
	[tilespmem:$0xC540] =	vst v63  }
0x168: {  	_ =	swait.ge [sflag:s17], $0x1400  }
0x169: {  	[sflag:s17] =	ssyncset.done $0x0  }
0x16a: {  	[sflag:s17] =	ssyncadd.s32 $0xFFFFEC00  }
0x16b: {  	_ =	swait.ge [sflag:s17], $0x1400  }
0x16c: {  	s24 =	simm.s32 $0x6420;
	[sflag:s17] =	ssyncset.done $0x0  }
0x16d: {  	s25 =	simm.s32 $0x8C20;
	s23 =	simm.s32 $0x0;
	[sflag:s17] =	ssyncadd.s32 $0xFFFFEC00  }
.LBB2_5:
0x16e: {  	v1 =	vld [tilespmem:s24+$0xFFFFFE00]  }
0x16f: {  	v2 =	vld [tilespmem:s25+$0xFFFFFE00]  }
0x170: {  	v3 =	vld [tilespmem:s24+$0xFFFFFE10]  }
0x171: {  	v4 =	vld [tilespmem:s25+$0xFFFFFE10]  }
0x172: {  	v5 =	vld [tilespmem:s24+$0xFFFFFE20]  }
0x173: {  	v6 =	vld [tilespmem:s25+$0xFFFFFE20]  }
0x174: {  	v7 =	vld [tilespmem:s24+$0xFFFFFE30]  }
0x175: {  	v8 =	vld [tilespmem:s25+$0xFFFFFE30];
	_ =	sdelay $0x2  }
0x176: {  	v1 =	vmul.bf16 v2, v1  }
0x177: {  	v2 =	vmul.bf16 v4, v3  }
0x178: {  	v15 =	vmul.bf16 v6, v5;
	v17 =	vmul.bf16 v8, v7;
	v3 =	vunpack.i.u.bf16.f32 v1  }
0x179: {  	v1 =	vunpack.i.l.bf16.f32 v1;
	v16 =	vunpack.i.u.bf16.f32 v2;
	v2 =	vunpack.i.l.bf16.f32 v2  }
0x17a: {  	v4 =	vunpack.i.l.bf16.f32 v15;
	v18 =	vunpack.i.u.bf16.f32 v17;
	v6 =	vunpack.i.l.bf16.f32 v17  }
0x17b: {  	v1 =	vadd.f32 v1, v3;
	v2 =	vadd.f32 v2, v16;
	v3 =	vunpack.i.u.bf16.f32 v15  }
0x17c: {  	v19 =	vadd.f32 v6, v18;
	v3 =	vadd.f32 v4, v3;
	_ =	sdelay $0x1  }
0x17d: {  	v1 =	vadd.f32 v2, v1;
	v2 =	vadd.f32 v19, v3;
	_ =	sdelay $0x1  }
0x17e: {  	v1 =	vadd.f32 v2, v1;
	_ =	sdelay $0x1  }
0x17f: {  	(xrf2) =	vadd.scan.msk.f32 $0xffff, v1;
	_ =	sdelay $0x9  }
0x180: {  	s26 =	sshra.s32 s23, $0x2;
	v1, _, _ =	vpop (xrf2)  }
0x181: {  	[tilespmem:v0+s26+$0x50 ss:$0x1] =	vst.idx.msk vm0, v1  }
0x182: {  	v1 =	vld [tilespmem:s24+$0xFFFFFE40]  }
0x183: {  	v2 =	vld [tilespmem:s25+$0xFFFFFE40]  }
0x184: {  	v3 =	vld [tilespmem:s24+$0xFFFFFE50]  }
0x185: {  	v20 =	vld [tilespmem:s25+$0xFFFFFE50]  }
0x186: {  	v21 =	vld [tilespmem:s24+$0xFFFFFE60]  }
0x187: {  	v22 =	vld [tilespmem:s25+$0xFFFFFE60]  }
0x188: {  	v23 =	vld [tilespmem:s24+$0xFFFFFE70]  }
0x189: {  	v24 =	vld [tilespmem:s25+$0xFFFFFE70];
	_ =	sdelay $0x2  }
0x18a: {  	v1 =	vmul.bf16 v2, v1  }
0x18b: {  	v2 =	vmul.bf16 v20, v3  }
0x18c: {  	v25 =	vmul.bf16 v22, v21;
	v27 =	vmul.bf16 v24, v23;
	v3 =	vunpack.i.u.bf16.f32 v1  }
0x18d: {  	v1 =	vunpack.i.l.bf16.f32 v1;
	v26 =	vunpack.i.u.bf16.f32 v2;
	v2 =	vunpack.i.l.bf16.f32 v2  }
0x18e: {  	v4 =	vunpack.i.l.bf16.f32 v25;
	v28 =	vunpack.i.u.bf16.f32 v27;
	v6 =	vunpack.i.l.bf16.f32 v27  }
0x18f: {  	v1 =	vadd.f32 v1, v3;
	v2 =	vadd.f32 v2, v26;
	v3 =	vunpack.i.u.bf16.f32 v25  }
0x190: {  	v29 =	vadd.f32 v6, v28;
	v3 =	vadd.f32 v4, v3;
	_ =	sdelay $0x1  }
0x191: {  	v1 =	vadd.f32 v2, v1;
	v2 =	vadd.f32 v29, v3;
	_ =	sdelay $0x1  }
0x192: {  	v1 =	vadd.f32 v2, v1;
	_ =	sdelay $0x1  }
0x193: {  	(xrf2) =	vadd.scan.msk.f32 $0xffff, v1;
	_ =	sdelay $0x9  }
0x194: {  	v1, _, _ =	vpop (xrf2)  }
0x195: {  	[tilespmem:v0+s26+$0x51 ss:$0x1] =	vst.idx.msk vm0, v1  }
0x196: {  	v1 =	vld [tilespmem:s24+$0xFFFFFE80]  }
0x197: {  	v2 =	vld [tilespmem:s25+$0xFFFFFE80]  }
0x198: {  	v3 =	vld [tilespmem:s24+$0xFFFFFE90]  }
0x199: {  	v30 =	vld [tilespmem:s25+$0xFFFFFE90]  }
0x19a: {  	v31 =	vld [tilespmem:s24+$0xFFFFFEA0]  }
0x19b: {  	v32 =	vld [tilespmem:s25+$0xFFFFFEA0]  }
0x19c: {  	v33 =	vld [tilespmem:s24+$0xFFFFFEB0]  }
0x19d: {  	v34 =	vld [tilespmem:s25+$0xFFFFFEB0];
	_ =	sdelay $0x2  }
0x19e: {  	v1 =	vmul.bf16 v2, v1  }
0x19f: {  	v2 =	vmul.bf16 v30, v3  }
0x1a0: {  	v35 =	vmul.bf16 v32, v31;
	v37 =	vmul.bf16 v34, v33;
	v3 =	vunpack.i.u.bf16.f32 v1  }
0x1a1: {  	v1 =	vunpack.i.l.bf16.f32 v1;
	v36 =	vunpack.i.u.bf16.f32 v2;
	v2 =	vunpack.i.l.bf16.f32 v2  }
0x1a2: {  	v4 =	vunpack.i.l.bf16.f32 v35;
	v38 =	vunpack.i.u.bf16.f32 v37;
	v6 =	vunpack.i.l.bf16.f32 v37  }
0x1a3: {  	v1 =	vadd.f32 v1, v3;
	v2 =	vadd.f32 v2, v36;
	v3 =	vunpack.i.u.bf16.f32 v35  }
0x1a4: {  	v39 =	vadd.f32 v6, v38;
	v3 =	vadd.f32 v4, v3;
	_ =	sdelay $0x1  }
0x1a5: {  	v1 =	vadd.f32 v2, v1;
	v2 =	vadd.f32 v39, v3;
	_ =	sdelay $0x1  }
0x1a6: {  	v1 =	vadd.f32 v2, v1;
	_ =	sdelay $0x1  }
0x1a7: {  	(xrf2) =	vadd.scan.msk.f32 $0xffff, v1;
	_ =	sdelay $0x9  }
0x1a8: {  	v1, _, _ =	vpop (xrf2)  }
0x1a9: {  	[tilespmem:v0+s26+$0x52 ss:$0x1] =	vst.idx.msk vm0, v1  }
0x1aa: {  	v1 =	vld [tilespmem:s24+$0xFFFFFEC0]  }
0x1ab: {  	v2 =	vld [tilespmem:s25+$0xFFFFFEC0]  }
0x1ac: {  	v3 =	vld [tilespmem:s24+$0xFFFFFED0]  }
0x1ad: {  	v40 =	vld [tilespmem:s25+$0xFFFFFED0]  }
0x1ae: {  	v41 =	vld [tilespmem:s24+$0xFFFFFEE0]  }
0x1af: {  	v42 =	vld [tilespmem:s25+$0xFFFFFEE0]  }
0x1b0: {  	v43 =	vld [tilespmem:s24+$0xFFFFFEF0]  }
0x1b1: {  	v44 =	vld [tilespmem:s25+$0xFFFFFEF0];
	_ =	sdelay $0x2  }
0x1b2: {  	v1 =	vmul.bf16 v2, v1  }
0x1b3: {  	v2 =	vmul.bf16 v40, v3  }
0x1b4: {  	v45 =	vmul.bf16 v42, v41;
	v47 =	vmul.bf16 v44, v43;
	v3 =	vunpack.i.u.bf16.f32 v1  }
0x1b5: {  	v1 =	vunpack.i.l.bf16.f32 v1;
	v46 =	vunpack.i.u.bf16.f32 v2;
	v2 =	vunpack.i.l.bf16.f32 v2  }
0x1b6: {  	v4 =	vunpack.i.l.bf16.f32 v45;
	v48 =	vunpack.i.u.bf16.f32 v47;
	v6 =	vunpack.i.l.bf16.f32 v47  }
0x1b7: {  	v1 =	vadd.f32 v1, v3;
	v2 =	vadd.f32 v2, v46;
	v3 =	vunpack.i.u.bf16.f32 v45  }
0x1b8: {  	v49 =	vadd.f32 v6, v48;
	v3 =	vadd.f32 v4, v3;
	_ =	sdelay $0x1  }
0x1b9: {  	v1 =	vadd.f32 v2, v1;
	v2 =	vadd.f32 v49, v3;
	_ =	sdelay $0x1  }
0x1ba: {  	v1 =	vadd.f32 v2, v1;
	_ =	sdelay $0x1  }
0x1bb: {  	(xrf2) =	vadd.scan.msk.f32 $0xffff, v1;
	_ =	sdelay $0x9  }
0x1bc: {  	v1, _, _ =	vpop (xrf2)  }
0x1bd: {  	[tilespmem:v0+s26+$0x53 ss:$0x1] =	vst.idx.msk vm0, v1  }
0x1be: {  	v1 =	vld [tilespmem:s24+$0xFFFFFF00]  }
0x1bf: {  	v2 =	vld [tilespmem:s25+$0xFFFFFF00]  }
0x1c0: {  	v3 =	vld [tilespmem:s24+$0xFFFFFF10]  }
0x1c1: {  	v50 =	vld [tilespmem:s25+$0xFFFFFF10]  }
0x1c2: {  	v51 =	vld [tilespmem:s24+$0xFFFFFF20]  }
0x1c3: {  	v52 =	vld [tilespmem:s25+$0xFFFFFF20]  }
0x1c4: {  	v53 =	vld [tilespmem:s24+$0xFFFFFF30]  }
0x1c5: {  	v54 =	vld [tilespmem:s25+$0xFFFFFF30];
	_ =	sdelay $0x2  }
0x1c6: {  	v1 =	vmul.bf16 v2, v1  }
0x1c7: {  	v2 =	vmul.bf16 v50, v3  }
0x1c8: {  	v55 =	vmul.bf16 v52, v51;
	v57 =	vmul.bf16 v54, v53;
	v3 =	vunpack.i.u.bf16.f32 v1  }
0x1c9: {  	v1 =	vunpack.i.l.bf16.f32 v1;
	v56 =	vunpack.i.u.bf16.f32 v2;
	v2 =	vunpack.i.l.bf16.f32 v2  }
0x1ca: {  	v4 =	vunpack.i.l.bf16.f32 v55;
	v58 =	vunpack.i.u.bf16.f32 v57;
	v6 =	vunpack.i.l.bf16.f32 v57  }
0x1cb: {  	v1 =	vadd.f32 v1, v3;
	v2 =	vadd.f32 v2, v56;
	v3 =	vunpack.i.u.bf16.f32 v55  }
0x1cc: {  	v59 =	vadd.f32 v6, v58;
	v3 =	vadd.f32 v4, v3;
	_ =	sdelay $0x1  }
0x1cd: {  	v1 =	vadd.f32 v2, v1;
	v2 =	vadd.f32 v59, v3;
	_ =	sdelay $0x1  }
0x1ce: {  	v1 =	vadd.f32 v2, v1;
	_ =	sdelay $0x1  }
0x1cf: {  	(xrf2) =	vadd.scan.msk.f32 $0xffff, v1;
	_ =	sdelay $0x9  }
0x1d0: {  	v1, _, _ =	vpop (xrf2)  }
0x1d1: {  	[tilespmem:v0+s26+$0x54 ss:$0x1] =	vst.idx.msk vm0, v1  }
0x1d2: {  	v1 =	vld [tilespmem:s24+$0xFFFFFF40]  }
0x1d3: {  	v2 =	vld [tilespmem:s25+$0xFFFFFF40]  }
0x1d4: {  	v3 =	vld [tilespmem:s24+$0xFFFFFF50]  }
0x1d5: {  	v60 =	vld [tilespmem:s25+$0xFFFFFF50]  }
0x1d6: {  	v61 =	vld [tilespmem:s24+$0xFFFFFF60]  }
0x1d7: {  	v62 =	vld [tilespmem:s25+$0xFFFFFF60]  }
0x1d8: {  	v63 =	vld [tilespmem:s24+$0xFFFFFF70]  }
0x1d9: {  	v12 =	vld [tilespmem:s25+$0xFFFFFF70];
	_ =	sdelay $0x2  }
0x1da: {  	v1 =	vmul.bf16 v2, v1  }
0x1db: {  	v2 =	vmul.bf16 v60, v3  }
0x1dc: {  	v13 =	vmul.bf16 v62, v61;
	v15 =	vmul.bf16 v12, v63;
	v3 =	vunpack.i.u.bf16.f32 v1  }
0x1dd: {  	v1 =	vunpack.i.l.bf16.f32 v1;
	v14 =	vunpack.i.u.bf16.f32 v2;
	v2 =	vunpack.i.l.bf16.f32 v2  }
0x1de: {  	v4 =	vunpack.i.l.bf16.f32 v13;
	v16 =	vunpack.i.u.bf16.f32 v15;
	v6 =	vunpack.i.l.bf16.f32 v15  }
0x1df: {  	v1 =	vadd.f32 v1, v3;
	v2 =	vadd.f32 v2, v14;
	v3 =	vunpack.i.u.bf16.f32 v13  }
0x1e0: {  	v17 =	vadd.f32 v6, v16;
	v3 =	vadd.f32 v4, v3;
	_ =	sdelay $0x1  }
0x1e1: {  	v1 =	vadd.f32 v2, v1;
	v2 =	vadd.f32 v17, v3;
	_ =	sdelay $0x1  }
0x1e2: {  	v1 =	vadd.f32 v2, v1;
	_ =	sdelay $0x1  }
0x1e3: {  	(xrf2) =	vadd.scan.msk.f32 $0xffff, v1;
	_ =	sdelay $0x9  }
0x1e4: {  	v1, _, _ =	vpop (xrf2)  }
0x1e5: {  	[tilespmem:v0+s26+$0x55 ss:$0x1] =	vst.idx.msk vm0, v1  }
0x1e6: {  	v1 =	vld [tilespmem:s24+$0xFFFFFF80]  }
0x1e7: {  	v2 =	vld [tilespmem:s25+$0xFFFFFF80]  }
0x1e8: {  	v3 =	vld [tilespmem:s24+$0xFFFFFF90]  }
0x1e9: {  	v18 =	vld [tilespmem:s25+$0xFFFFFF90]  }
0x1ea: {  	v19 =	vld [tilespmem:s24+$0xFFFFFFA0]  }
0x1eb: {  	v20 =	vld [tilespmem:s25+$0xFFFFFFA0]  }
0x1ec: {  	v21 =	vld [tilespmem:s24+$0xFFFFFFB0]  }
0x1ed: {  	v22 =	vld [tilespmem:s25+$0xFFFFFFB0];
	_ =	sdelay $0x2  }
0x1ee: {  	v1 =	vmul.bf16 v2, v1  }
0x1ef: {  	v2 =	vmul.bf16 v18, v3  }
0x1f0: {  	v23 =	vmul.bf16 v20, v19;
	v25 =	vmul.bf16 v22, v21;
	v3 =	vunpack.i.u.bf16.f32 v1  }
0x1f1: {  	v1 =	vunpack.i.l.bf16.f32 v1;
	v24 =	vunpack.i.u.bf16.f32 v2;
	v2 =	vunpack.i.l.bf16.f32 v2  }
0x1f2: {  	v4 =	vunpack.i.l.bf16.f32 v23;
	v26 =	vunpack.i.u.bf16.f32 v25;
	v6 =	vunpack.i.l.bf16.f32 v25  }
0x1f3: {  	v1 =	vadd.f32 v1, v3;
	v2 =	vadd.f32 v2, v24;
	v3 =	vunpack.i.u.bf16.f32 v23  }
0x1f4: {  	v27 =	vadd.f32 v6, v26;
	v3 =	vadd.f32 v4, v3;
	_ =	sdelay $0x1  }
0x1f5: {  	v1 =	vadd.f32 v2, v1;
	v2 =	vadd.f32 v27, v3;
	_ =	sdelay $0x1  }
0x1f6: {  	v1 =	vadd.f32 v2, v1;
	_ =	sdelay $0x1  }
0x1f7: {  	(xrf2) =	vadd.scan.msk.f32 $0xffff, v1;
	_ =	sdelay $0x9  }
0x1f8: {  	v1, _, _ =	vpop (xrf2)  }
0x1f9: {  	[tilespmem:v0+s26+$0x56 ss:$0x1] =	vst.idx.msk vm0, v1  }
0x1fa: {  	v1 =	vld [tilespmem:s24+$0xFFFFFFC0]  }
0x1fb: {  	v2 =	vld [tilespmem:s25+$0xFFFFFFC0]  }
0x1fc: {  	v3 =	vld [tilespmem:s24+$0xFFFFFFD0]  }
0x1fd: {  	v28 =	vld [tilespmem:s25+$0xFFFFFFD0]  }
0x1fe: {  	v29 =	vld [tilespmem:s24+$0xFFFFFFE0]  }
0x1ff: {  	v30 =	vld [tilespmem:s25+$0xFFFFFFE0]  }
0x200: {  	v31 =	vld [tilespmem:s24+$0xFFFFFFF0]  }
0x201: {  	v32 =	vld [tilespmem:s25+$0xFFFFFFF0];
	_ =	sdelay $0x2  }
0x202: {  	v1 =	vmul.bf16 v2, v1  }
0x203: {  	v2 =	vmul.bf16 v28, v3  }
0x204: {  	v33 =	vmul.bf16 v30, v29;
	v35 =	vmul.bf16 v32, v31;
	v3 =	vunpack.i.u.bf16.f32 v1  }
0x205: {  	v1 =	vunpack.i.l.bf16.f32 v1;
	v34 =	vunpack.i.u.bf16.f32 v2;
	v2 =	vunpack.i.l.bf16.f32 v2  }
0x206: {  	v4 =	vunpack.i.l.bf16.f32 v33;
	v36 =	vunpack.i.u.bf16.f32 v35;
	v6 =	vunpack.i.l.bf16.f32 v35  }
0x207: {  	v1 =	vadd.f32 v1, v3;
	v2 =	vadd.f32 v2, v34;
	v3 =	vunpack.i.u.bf16.f32 v33  }
0x208: {  	v37 =	vadd.f32 v6, v36;
	v3 =	vadd.f32 v4, v3;
	_ =	sdelay $0x1  }
0x209: {  	v1 =	vadd.f32 v2, v1;
	v2 =	vadd.f32 v37, v3;
	_ =	sdelay $0x1  }
0x20a: {  	v1 =	vadd.f32 v2, v1;
	_ =	sdelay $0x1  }
0x20b: {  	(xrf2) =	vadd.scan.msk.f32 $0xffff, v1;
	_ =	sdelay $0x9  }
0x20c: {  	v1, _, _ =	vpop (xrf2)  }
0x20d: {  	[tilespmem:v0+s26+$0x57 ss:$0x1] =	vst.idx.msk vm0, v1  }
0x20e: {  	v1 =	vld [tilespmem:s24+$0x0]  }
0x20f: {  	v2 =	vld [tilespmem:s25+$0x0]  }
0x210: {  	v3 =	vld [tilespmem:s24+$0x10]  }
0x211: {  	v38 =	vld [tilespmem:s25+$0x10]  }
0x212: {  	v39 =	vld [tilespmem:s24+$0x20]  }
0x213: {  	v40 =	vld [tilespmem:s25+$0x20]  }
0x214: {  	v41 =	vld [tilespmem:s24+$0x30]  }
0x215: {  	v42 =	vld [tilespmem:s25+$0x30];
	_ =	sdelay $0x2  }
0x216: {  	v1 =	vmul.bf16 v2, v1  }
0x217: {  	v2 =	vmul.bf16 v38, v3  }
0x218: {  	v43 =	vmul.bf16 v40, v39;
	v45 =	vmul.bf16 v42, v41;
	v3 =	vunpack.i.u.bf16.f32 v1  }
0x219: {  	v1 =	vunpack.i.l.bf16.f32 v1;
	v44 =	vunpack.i.u.bf16.f32 v2;
	v2 =	vunpack.i.l.bf16.f32 v2  }
0x21a: {  	v4 =	vunpack.i.l.bf16.f32 v43;
	v46 =	vunpack.i.u.bf16.f32 v45;
	v6 =	vunpack.i.l.bf16.f32 v45  }
0x21b: {  	v1 =	vadd.f32 v1, v3;
	v2 =	vadd.f32 v2, v44;
	v3 =	vunpack.i.u.bf16.f32 v43  }
0x21c: {  	v47 =	vadd.f32 v6, v46;
	v3 =	vadd.f32 v4, v3;
	_ =	sdelay $0x1  }
0x21d: {  	v1 =	vadd.f32 v2, v1;
	v2 =	vadd.f32 v47, v3;
	_ =	sdelay $0x1  }
0x21e: {  	v1 =	vadd.f32 v2, v1;
	_ =	sdelay $0x1  }
0x21f: {  	(xrf2) =	vadd.scan.msk.f32 $0xffff, v1;
	_ =	sdelay $0x9  }
0x220: {  	v1, _, _ =	vpop (xrf2)  }
0x221: {  	[tilespmem:v0+s26+$0x58 ss:$0x1] =	vst.idx.msk vm0, v1  }
0x222: {  	v1 =	vld [tilespmem:s24+$0x40]  }
0x223: {  	v2 =	vld [tilespmem:s25+$0x40]  }
0x224: {  	v3 =	vld [tilespmem:s24+$0x50]  }
0x225: {  	v48 =	vld [tilespmem:s25+$0x50]  }
0x226: {  	v49 =	vld [tilespmem:s24+$0x60]  }
0x227: {  	v50 =	vld [tilespmem:s25+$0x60]  }
0x228: {  	v51 =	vld [tilespmem:s24+$0x70]  }
0x229: {  	v52 =	vld [tilespmem:s25+$0x70];
	_ =	sdelay $0x2  }
0x22a: {  	v1 =	vmul.bf16 v2, v1  }
0x22b: {  	v2 =	vmul.bf16 v48, v3  }
0x22c: {  	v53 =	vmul.bf16 v50, v49;
	v55 =	vmul.bf16 v52, v51;
	v3 =	vunpack.i.u.bf16.f32 v1  }
0x22d: {  	v1 =	vunpack.i.l.bf16.f32 v1;
	v54 =	vunpack.i.u.bf16.f32 v2;
	v2 =	vunpack.i.l.bf16.f32 v2  }
0x22e: {  	v4 =	vunpack.i.l.bf16.f32 v53;
	v56 =	vunpack.i.u.bf16.f32 v55;
	v6 =	vunpack.i.l.bf16.f32 v55  }
0x22f: {  	v1 =	vadd.f32 v1, v3;
	v2 =	vadd.f32 v2, v54;
	v3 =	vunpack.i.u.bf16.f32 v53  }
0x230: {  	v57 =	vadd.f32 v6, v56;
	v3 =	vadd.f32 v4, v3;
	_ =	sdelay $0x1  }
0x231: {  	v1 =	vadd.f32 v2, v1;
	v2 =	vadd.f32 v57, v3;
	_ =	sdelay $0x1  }
0x232: {  	v1 =	vadd.f32 v2, v1;
	_ =	sdelay $0x1  }
0x233: {  	(xrf2) =	vadd.scan.msk.f32 $0xffff, v1;
	_ =	sdelay $0x9  }
0x234: {  	v1, _, _ =	vpop (xrf2)  }
0x235: {  	[tilespmem:v0+s26+$0x59 ss:$0x1] =	vst.idx.msk vm0, v1  }
0x236: {  	v1 =	vld [tilespmem:s24+$0x80]  }
0x237: {  	v2 =	vld [tilespmem:s25+$0x80]  }
0x238: {  	v3 =	vld [tilespmem:s24+$0x90]  }
0x239: {  	v58 =	vld [tilespmem:s25+$0x90]  }
0x23a: {  	v59 =	vld [tilespmem:s24+$0xA0]  }
0x23b: {  	v60 =	vld [tilespmem:s25+$0xA0]  }
0x23c: {  	v61 =	vld [tilespmem:s24+$0xB0]  }
0x23d: {  	v62 =	vld [tilespmem:s25+$0xB0];
	_ =	sdelay $0x2  }
0x23e: {  	v1 =	vmul.bf16 v2, v1  }
0x23f: {  	v2 =	vmul.bf16 v58, v3  }
0x240: {  	v63 =	vmul.bf16 v60, v59;
	v10 =	vmul.bf16 v62, v61;
	v3 =	vunpack.i.u.bf16.f32 v1  }
0x241: {  	v1 =	vunpack.i.l.bf16.f32 v1;
	v9 =	vunpack.i.u.bf16.f32 v2;
	v2 =	vunpack.i.l.bf16.f32 v2  }
0x242: {  	v4 =	vunpack.i.l.bf16.f32 v63;
	v11 =	vunpack.i.u.bf16.f32 v10;
	v6 =	vunpack.i.l.bf16.f32 v10  }
0x243: {  	v1 =	vadd.f32 v1, v3;
	v2 =	vadd.f32 v2, v9;
	v3 =	vunpack.i.u.bf16.f32 v63  }
0x244: {  	v12 =	vadd.f32 v6, v11;
	v3 =	vadd.f32 v4, v3;
	_ =	sdelay $0x1  }
0x245: {  	v1 =	vadd.f32 v2, v1;
	v2 =	vadd.f32 v12, v3;
	_ =	sdelay $0x1  }
0x246: {  	v1 =	vadd.f32 v2, v1;
	_ =	sdelay $0x1  }
0x247: {  	(xrf2) =	vadd.scan.msk.f32 $0xffff, v1;
	_ =	sdelay $0x9  }
0x248: {  	v1, _, _ =	vpop (xrf2)  }
0x249: {  	[tilespmem:v0+s26+$0x5A ss:$0x1] =	vst.idx.msk vm0, v1  }
0x24a: {  	v1 =	vld [tilespmem:s24+$0xC0]  }
0x24b: {  	v2 =	vld [tilespmem:s25+$0xC0]  }
0x24c: {  	v3 =	vld [tilespmem:s24+$0xD0]  }
0x24d: {  	v13 =	vld [tilespmem:s25+$0xD0]  }
0x24e: {  	v14 =	vld [tilespmem:s24+$0xE0]  }
0x24f: {  	v15 =	vld [tilespmem:s25+$0xE0]  }
0x250: {  	v16 =	vld [tilespmem:s24+$0xF0]  }
0x251: {  	v17 =	vld [tilespmem:s25+$0xF0];
	_ =	sdelay $0x2  }
0x252: {  	v1 =	vmul.bf16 v2, v1  }
0x253: {  	v2 =	vmul.bf16 v13, v3  }
0x254: {  	v18 =	vmul.bf16 v15, v14;
	v20 =	vmul.bf16 v17, v16;
	v3 =	vunpack.i.u.bf16.f32 v1  }
0x255: {  	v1 =	vunpack.i.l.bf16.f32 v1;
	v19 =	vunpack.i.u.bf16.f32 v2;
	v2 =	vunpack.i.l.bf16.f32 v2  }
0x256: {  	v4 =	vunpack.i.l.bf16.f32 v18;
	v21 =	vunpack.i.u.bf16.f32 v20;
	v6 =	vunpack.i.l.bf16.f32 v20  }
0x257: {  	v1 =	vadd.f32 v1, v3;
	v2 =	vadd.f32 v2, v19;
	v3 =	vunpack.i.u.bf16.f32 v18  }
0x258: {  	v22 =	vadd.f32 v6, v21;
	v3 =	vadd.f32 v4, v3;
	_ =	sdelay $0x1  }
0x259: {  	v1 =	vadd.f32 v2, v1;
	v2 =	vadd.f32 v22, v3;
	_ =	sdelay $0x1  }
0x25a: {  	v1 =	vadd.f32 v2, v1;
	_ =	sdelay $0x1  }
0x25b: {  	(xrf2) =	vadd.scan.msk.f32 $0xffff, v1;
	_ =	sdelay $0x9  }
0x25c: {  	v1, _, _ =	vpop (xrf2)  }
0x25d: {  	[tilespmem:v0+s26+$0x5B ss:$0x1] =	vst.idx.msk vm0, v1  }
0x25e: {  	v1 =	vld [tilespmem:s24+$0x100]  }
0x25f: {  	v2 =	vld [tilespmem:s25+$0x100]  }
0x260: {  	v3 =	vld [tilespmem:s24+$0x110]  }
0x261: {  	v23 =	vld [tilespmem:s25+$0x110]  }
0x262: {  	v24 =	vld [tilespmem:s24+$0x120]  }
0x263: {  	v25 =	vld [tilespmem:s25+$0x120]  }
0x264: {  	v26 =	vld [tilespmem:s24+$0x130]  }
0x265: {  	v27 =	vld [tilespmem:s25+$0x130];
	_ =	sdelay $0x2  }
0x266: {  	v1 =	vmul.bf16 v2, v1  }
0x267: {  	v2 =	vmul.bf16 v23, v3  }
0x268: {  	v28 =	vmul.bf16 v25, v24;
	v30 =	vmul.bf16 v27, v26;
	v3 =	vunpack.i.u.bf16.f32 v1  }
0x269: {  	v1 =	vunpack.i.l.bf16.f32 v1;
	v29 =	vunpack.i.u.bf16.f32 v2;
	v2 =	vunpack.i.l.bf16.f32 v2  }
0x26a: {  	v4 =	vunpack.i.l.bf16.f32 v28;
	v31 =	vunpack.i.u.bf16.f32 v30;
	v6 =	vunpack.i.l.bf16.f32 v30  }
0x26b: {  	v1 =	vadd.f32 v1, v3;
	v2 =	vadd.f32 v2, v29;
	v3 =	vunpack.i.u.bf16.f32 v28  }
0x26c: {  	v32 =	vadd.f32 v6, v31;
	v3 =	vadd.f32 v4, v3;
	_ =	sdelay $0x1  }
0x26d: {  	v1 =	vadd.f32 v2, v1;
	v2 =	vadd.f32 v32, v3;
	_ =	sdelay $0x1  }
0x26e: {  	v1 =	vadd.f32 v2, v1;
	_ =	sdelay $0x1  }
0x26f: {  	(xrf2) =	vadd.scan.msk.f32 $0xffff, v1;
	_ =	sdelay $0x9  }
0x270: {  	v1, _, _ =	vpop (xrf2)  }
0x271: {  	[tilespmem:v0+s26+$0x5C ss:$0x1] =	vst.idx.msk vm0, v1  }
0x272: {  	v1 =	vld [tilespmem:s24+$0x140]  }
0x273: {  	v2 =	vld [tilespmem:s25+$0x140]  }
0x274: {  	v3 =	vld [tilespmem:s24+$0x150]  }
0x275: {  	v33 =	vld [tilespmem:s25+$0x150]  }
0x276: {  	v34 =	vld [tilespmem:s24+$0x160]  }
0x277: {  	v35 =	vld [tilespmem:s25+$0x160]  }
0x278: {  	v36 =	vld [tilespmem:s24+$0x170]  }
0x279: {  	v37 =	vld [tilespmem:s25+$0x170];
	_ =	sdelay $0x2  }
0x27a: {  	v1 =	vmul.bf16 v2, v1  }
0x27b: {  	v2 =	vmul.bf16 v33, v3  }
0x27c: {  	v38 =	vmul.bf16 v35, v34;
	v40 =	vmul.bf16 v37, v36;
	v3 =	vunpack.i.u.bf16.f32 v1  }
0x27d: {  	v1 =	vunpack.i.l.bf16.f32 v1;
	v39 =	vunpack.i.u.bf16.f32 v2;
	v2 =	vunpack.i.l.bf16.f32 v2  }
0x27e: {  	v4 =	vunpack.i.l.bf16.f32 v38;
	v41 =	vunpack.i.u.bf16.f32 v40;
	v6 =	vunpack.i.l.bf16.f32 v40  }
0x27f: {  	v1 =	vadd.f32 v1, v3;
	v2 =	vadd.f32 v2, v39;
	v3 =	vunpack.i.u.bf16.f32 v38  }
0x280: {  	v42 =	vadd.f32 v6, v41;
	v3 =	vadd.f32 v4, v3;
	_ =	sdelay $0x1  }
0x281: {  	v1 =	vadd.f32 v2, v1;
	v2 =	vadd.f32 v42, v3;
	_ =	sdelay $0x1  }
0x282: {  	v1 =	vadd.f32 v2, v1;
	_ =	sdelay $0x1  }
0x283: {  	(xrf2) =	vadd.scan.msk.f32 $0xffff, v1;
	_ =	sdelay $0x9  }
0x284: {  	v1, _, _ =	vpop (xrf2)  }
0x285: {  	[tilespmem:v0+s26+$0x5D ss:$0x1] =	vst.idx.msk vm0, v1  }
0x286: {  	v1 =	vld [tilespmem:s24+$0x180]  }
0x287: {  	v2 =	vld [tilespmem:s25+$0x180]  }
0x288: {  	v3 =	vld [tilespmem:s24+$0x190]  }
0x289: {  	v43 =	vld [tilespmem:s25+$0x190]  }
0x28a: {  	v44 =	vld [tilespmem:s24+$0x1A0]  }
0x28b: {  	v45 =	vld [tilespmem:s25+$0x1A0]  }
0x28c: {  	v46 =	vld [tilespmem:s24+$0x1B0]  }
0x28d: {  	v47 =	vld [tilespmem:s25+$0x1B0];
	_ =	sdelay $0x2  }
0x28e: {  	v1 =	vmul.bf16 v2, v1  }
0x28f: {  	v2 =	vmul.bf16 v43, v3  }
0x290: {  	v48 =	vmul.bf16 v45, v44;
	v50 =	vmul.bf16 v47, v46;
	v3 =	vunpack.i.u.bf16.f32 v1  }
0x291: {  	v1 =	vunpack.i.l.bf16.f32 v1;
	v49 =	vunpack.i.u.bf16.f32 v2;
	v2 =	vunpack.i.l.bf16.f32 v2  }
0x292: {  	v4 =	vunpack.i.l.bf16.f32 v48;
	v51 =	vunpack.i.u.bf16.f32 v50;
	v6 =	vunpack.i.l.bf16.f32 v50  }
0x293: {  	v1 =	vadd.f32 v1, v3;
	v2 =	vadd.f32 v2, v49;
	v3 =	vunpack.i.u.bf16.f32 v48  }
0x294: {  	v52 =	vadd.f32 v6, v51;
	v3 =	vadd.f32 v4, v3;
	_ =	sdelay $0x1  }
0x295: {  	v1 =	vadd.f32 v2, v1;
	v2 =	vadd.f32 v52, v3;
	_ =	sdelay $0x1  }
0x296: {  	v1 =	vadd.f32 v2, v1;
	_ =	sdelay $0x1  }
0x297: {  	(xrf2) =	vadd.scan.msk.f32 $0xffff, v1;
	_ =	sdelay $0x9  }
0x298: {  	v1, _, _ =	vpop (xrf2)  }
0x299: {  	[tilespmem:v0+s26+$0x5E ss:$0x1] =	vst.idx.msk vm0, v1  }
0x29a: {  	v1 =	vld [tilespmem:s24+$0x1C0]  }
0x29b: {  	v2 =	vld [tilespmem:s25+$0x1C0]  }
0x29c: {  	v3 =	vld [tilespmem:s24+$0x1D0]  }
0x29d: {  	v53 =	vld [tilespmem:s25+$0x1D0]  }
0x29e: {  	v54 =	vld [tilespmem:s24+$0x1E0]  }
0x29f: {  	v55 =	vld [tilespmem:s25+$0x1E0]  }
0x2a0: {  	v56 =	vld [tilespmem:s24+$0x1F0]  }
0x2a1: {  	v57 =	vld [tilespmem:s25+$0x1F0];
	_ =	sdelay $0x2  }
0x2a2: {  	v1 =	vmul.bf16 v2, v1  }
0x2a3: {  	v2 =	vmul.bf16 v53, v3  }
0x2a4: {  	v3 =	vmul.bf16 v55, v54;
	v59 =	vmul.bf16 v57, v56;
	v58 =	vunpack.i.u.bf16.f32 v1  }
0x2a5: {  	v1 =	vunpack.i.l.bf16.f32 v1;
	v60 =	vunpack.i.u.bf16.f32 v2;
	v2 =	vunpack.i.l.bf16.f32 v2  }
0x2a6: {  	v61 =	vunpack.i.u.bf16.f32 v3;
	v3 =	vunpack.i.l.bf16.f32 v3;
	v62 =	vunpack.i.u.bf16.f32 v59  }
0x2a7: {  	v5 =	vunpack.i.l.bf16.f32 v59;
	v1 =	vadd.f32 v1, v58;
	v2 =	vadd.f32 v2, v60  }
0x2a8: {  	v3 =	vadd.f32 v3, v61;
	v63 =	vadd.f32 v5, v62;
	_ =	sdelay $0x1  }
0x2a9: {  	v1 =	vadd.f32 v2, v1;
	v2 =	vadd.f32 v63, v3;
	_ =	sdelay $0x1  }
0x2aa: {  	v1 =	vadd.f32 v2, v1;
	_ =	sdelay $0x1  }
0x2ab: {  	(xrf2) =	vadd.scan.msk.f32 $0xffff, v1;
	_ =	sdelay $0x5  }
0x2ac: {  	p0 =	sne.s32 s23, $0x100  }
.Ltmp1:
0x2ad: {  	_ = 	snop;
	(pc) =	sbr.rel @p0 .LBB2_5-.Ltmp1, $3  }
0x2ae: {  	_ =	sdelay $0x1  }
0x2af: {  	v1, _, _ =	vpop (xrf2)  }
0x2b0: {  	s23 =	sadd.s32 $0x40, s23;
	s24 =	sadd.s32 $0x400, s24;
	s25 =	sadd.s32 $0x400, s25;
	[tilespmem:v0+s26+$0x5F ss:$0x1] =	vst.idx.msk vm0, v1  }
0x2b1: {  	p0 =	seq.s32 s21, $0x3D  }
.Ltmp2:
0x2b2: {  	_ = 	snop;
	(pc) =	sbr.rel @p0 .LBB2_8-.Ltmp2, $1  }
0x2b3: {  	_ =	sdelay $0x3  }
.Ltmp3:
0x2b4: {  	(pc) =	sbr.rel .LBB2_2-.Ltmp3, $4  }
0x2b5: {  	s23 =	sadd.s32 $0xF0, s22  }
0x2b6: {  	[tilespmem:s13], [sflag:$0x2] =	stream.indirect.gather [hbm4b:s2+s10], $0x40, s23, s10, $0xb8;
	[tilespmem:$0xC540] =	vst v63  }
0x2b7: {  	s31 =	sadd.s32 $0x2800, s22;
	s21 =	sadd.s32 $0x1, s21;
	s20 =	sadd.s32 $0xA0, s20  }
0x2b8: {  	[tilespmem:s15], [sflag:$0x2] =	stream.indirect.gather [hbm4b:s2+s10], $0x40, s31, s10, $0xb8;
	[tilespmem:$0xC540] =	vst v63  }
.LBB2_8:
0x2b9: {  	_ =	swait.ge [sflag:s16], $0x1400  }
0x2ba: {  	[sflag:s16] =	ssyncset.done $0x0  }
0x2bb: {  	[sflag:s16] =	ssyncadd.s32 $0xFFFFEC00  }
0x2bc: {  	_ =	swait.ge [sflag:s16], $0x1400  }
0x2bd: {  	s20 =	simm.s32 $0x0;
	[sflag:s16] =	ssyncset.done $0x0  }
0x2be: {  	s21 =	simm.s32 $0x5020;
	s22 =	simm.s32 $0x7820;
	[sflag:s16] =	ssyncadd.s32 $0xFFFFEC00  }
.LBB2_9:
0x2bf: {  	v0 =	vld [tilespmem:s21+$0xFFFFFE00]  }
0x2c0: {  	v1 =	vld [tilespmem:s22+$0xFFFFFE00]  }
0x2c1: {  	v2 =	vld [tilespmem:s21+$0xFFFFFE10]  }
0x2c2: {  	v3 =	vld [tilespmem:s22+$0xFFFFFE10]  }
0x2c3: {  	v4 =	vld [tilespmem:s21+$0xFFFFFE20]  }
0x2c4: {  	v5 =	vld [tilespmem:s22+$0xFFFFFE20]  }
0x2c5: {  	v6 =	vld [tilespmem:s21+$0xFFFFFE30]  }
0x2c6: {  	v7 =	vld [tilespmem:s22+$0xFFFFFE30];
	_ =	sdelay $0x2  }
0x2c7: {  	v0 =	vmul.bf16 v1, v0  }
0x2c8: {  	v37 =	vmul.bf16 v3, v2  }
0x2c9: {  	v39 =	vmul.bf16 v5, v4;
	v41 =	vmul.bf16 v7, v6;
	v38 =	vunpack.i.u.bf16.f32 v0  }
0x2ca: {  	v0 =	vunpack.i.l.bf16.f32 v0;
	v40 =	vunpack.i.u.bf16.f32 v37;
	v1 =	vunpack.i.l.bf16.f32 v37  }
0x2cb: {  	v42 =	vunpack.i.u.bf16.f32 v39;
	v3 =	vunpack.i.l.bf16.f32 v39;
	v43 =	vunpack.i.u.bf16.f32 v41  }
0x2cc: {  	v5 =	vunpack.i.l.bf16.f32 v41;
	v0 =	vadd.f32 v0, v38;
	v1 =	vadd.f32 v1, v40  }
0x2cd: {  	v2 =	vadd.f32 v3, v42;
	v44 =	vadd.f32 v5, v43;
	_ =	sdelay $0x1  }
0x2ce: {  	v0 =	vadd.f32 v1, v0;
	v45 =	vadd.f32 v44, v2;
	_ =	sdelay $0x1  }
0x2cf: {  	v0 =	vadd.f32 v45, v0;
	_ =	sdelay $0x1  }
0x2d0: {  	(xrf2) =	vadd.scan.msk.f32 $0xffff, v0;
	_ =	sdelay $0x9  }
0x2d1: {  	s23 =	sshra.s32 s20, $0x2;
	v0, _, _ =	vpop (xrf2)  }
0x2d2: {  	[tilespmem:s23+$0xC4E0] =	vst.msk vm0, v0  }
0x2d3: {  	v0 =	vld [tilespmem:s21+$0xFFFFFE40]  }
0x2d4: {  	v46 =	vld [tilespmem:s22+$0xFFFFFE40]  }
0x2d5: {  	v47 =	vld [tilespmem:s21+$0xFFFFFE50]  }
0x2d6: {  	v48 =	vld [tilespmem:s22+$0xFFFFFE50]  }
0x2d7: {  	v49 =	vld [tilespmem:s21+$0xFFFFFE60]  }
0x2d8: {  	v50 =	vld [tilespmem:s22+$0xFFFFFE60]  }
0x2d9: {  	v51 =	vld [tilespmem:s21+$0xFFFFFE70]  }
0x2da: {  	v52 =	vld [tilespmem:s22+$0xFFFFFE70];
	_ =	sdelay $0x2  }
0x2db: {  	v0 =	vmul.bf16 v46, v0  }
0x2dc: {  	v53 =	vmul.bf16 v48, v47  }
0x2dd: {  	v55 =	vmul.bf16 v50, v49;
	v57 =	vmul.bf16 v52, v51;
	v54 =	vunpack.i.u.bf16.f32 v0  }
0x2de: {  	v0 =	vunpack.i.l.bf16.f32 v0;
	v56 =	vunpack.i.u.bf16.f32 v53;
	v1 =	vunpack.i.l.bf16.f32 v53  }
0x2df: {  	v58 =	vunpack.i.u.bf16.f32 v55;
	v3 =	vunpack.i.l.bf16.f32 v55;
	v59 =	vunpack.i.u.bf16.f32 v57  }
0x2e0: {  	v5 =	vunpack.i.l.bf16.f32 v57;
	v0 =	vadd.f32 v0, v54;
	v1 =	vadd.f32 v1, v56  }
0x2e1: {  	v2 =	vadd.f32 v3, v58;
	v60 =	vadd.f32 v5, v59;
	_ =	sdelay $0x1  }
0x2e2: {  	v0 =	vadd.f32 v1, v0;
	v61 =	vadd.f32 v60, v2;
	_ =	sdelay $0x1  }
0x2e3: {  	v0 =	vadd.f32 v61, v0;
	_ =	sdelay $0x1  }
0x2e4: {  	(xrf2) =	vadd.scan.msk.f32 $0xffff, v0;
	_ =	sdelay $0x9  }
0x2e5: {  	v0, _, _ =	vpop (xrf2)  }
0x2e6: {  	[tilespmem:s23+$0xC4E1] =	vst.msk vm0, v0  }
0x2e7: {  	v0 =	vld [tilespmem:s21+$0xFFFFFE80]  }
0x2e8: {  	v62 =	vld [tilespmem:s22+$0xFFFFFE80]  }
0x2e9: {  	v63 =	vld [tilespmem:s21+$0xFFFFFE90]  }
0x2ea: {  	v9 =	vld [tilespmem:s22+$0xFFFFFE90]  }
0x2eb: {  	v10 =	vld [tilespmem:s21+$0xFFFFFEA0]  }
0x2ec: {  	v11 =	vld [tilespmem:s22+$0xFFFFFEA0]  }
0x2ed: {  	v12 =	vld [tilespmem:s21+$0xFFFFFEB0]  }
0x2ee: {  	v13 =	vld [tilespmem:s22+$0xFFFFFEB0];
	_ =	sdelay $0x2  }
0x2ef: {  	v0 =	vmul.bf16 v62, v0  }
0x2f0: {  	v14 =	vmul.bf16 v9, v63  }
0x2f1: {  	v16 =	vmul.bf16 v11, v10;
	v18 =	vmul.bf16 v13, v12;
	v15 =	vunpack.i.u.bf16.f32 v0  }
0x2f2: {  	v0 =	vunpack.i.l.bf16.f32 v0;
	v17 =	vunpack.i.u.bf16.f32 v14;
	v1 =	vunpack.i.l.bf16.f32 v14  }
0x2f3: {  	v19 =	vunpack.i.u.bf16.f32 v16;
	v3 =	vunpack.i.l.bf16.f32 v16;
	v20 =	vunpack.i.u.bf16.f32 v18  }
0x2f4: {  	v5 =	vunpack.i.l.bf16.f32 v18;
	v0 =	vadd.f32 v0, v15;
	v1 =	vadd.f32 v1, v17  }
0x2f5: {  	v2 =	vadd.f32 v3, v19;
	v21 =	vadd.f32 v5, v20;
	_ =	sdelay $0x1  }
0x2f6: {  	v0 =	vadd.f32 v1, v0;
	v22 =	vadd.f32 v21, v2;
	_ =	sdelay $0x1  }
0x2f7: {  	v0 =	vadd.f32 v22, v0;
	_ =	sdelay $0x1  }
0x2f8: {  	(xrf2) =	vadd.scan.msk.f32 $0xffff, v0;
	_ =	sdelay $0x9  }
0x2f9: {  	v0, _, _ =	vpop (xrf2)  }
0x2fa: {  	[tilespmem:s23+$0xC4E2] =	vst.msk vm0, v0  }
0x2fb: {  	v0 =	vld [tilespmem:s21+$0xFFFFFEC0]  }
0x2fc: {  	v23 =	vld [tilespmem:s22+$0xFFFFFEC0]  }
0x2fd: {  	v24 =	vld [tilespmem:s21+$0xFFFFFED0]  }
0x2fe: {  	v25 =	vld [tilespmem:s22+$0xFFFFFED0]  }
0x2ff: {  	v26 =	vld [tilespmem:s21+$0xFFFFFEE0]  }
0x300: {  	v27 =	vld [tilespmem:s22+$0xFFFFFEE0]  }
0x301: {  	v28 =	vld [tilespmem:s21+$0xFFFFFEF0]  }
0x302: {  	v29 =	vld [tilespmem:s22+$0xFFFFFEF0];
	_ =	sdelay $0x2  }
0x303: {  	v0 =	vmul.bf16 v23, v0  }
0x304: {  	v30 =	vmul.bf16 v25, v24  }
0x305: {  	v32 =	vmul.bf16 v27, v26;
	v34 =	vmul.bf16 v29, v28;
	v31 =	vunpack.i.u.bf16.f32 v0  }
0x306: {  	v0 =	vunpack.i.l.bf16.f32 v0;
	v33 =	vunpack.i.u.bf16.f32 v30;
	v1 =	vunpack.i.l.bf16.f32 v30  }
0x307: {  	v35 =	vunpack.i.u.bf16.f32 v32;
	v3 =	vunpack.i.l.bf16.f32 v32;
	v36 =	vunpack.i.u.bf16.f32 v34  }
0x308: {  	v5 =	vunpack.i.l.bf16.f32 v34;
	v0 =	vadd.f32 v0, v31;
	v1 =	vadd.f32 v1, v33  }
0x309: {  	v2 =	vadd.f32 v3, v35;
	v37 =	vadd.f32 v5, v36;
	_ =	sdelay $0x1  }
0x30a: {  	v0 =	vadd.f32 v1, v0;
	v38 =	vadd.f32 v37, v2;
	_ =	sdelay $0x1  }
0x30b: {  	v0 =	vadd.f32 v38, v0;
	_ =	sdelay $0x1  }
0x30c: {  	(xrf2) =	vadd.scan.msk.f32 $0xffff, v0;
	_ =	sdelay $0x9  }
0x30d: {  	v0, _, _ =	vpop (xrf2)  }
0x30e: {  	[tilespmem:s23+$0xC4E3] =	vst.msk vm0, v0  }
0x30f: {  	v0 =	vld [tilespmem:s21+$0xFFFFFF00]  }
0x310: {  	v39 =	vld [tilespmem:s22+$0xFFFFFF00]  }
0x311: {  	v40 =	vld [tilespmem:s21+$0xFFFFFF10]  }
0x312: {  	v41 =	vld [tilespmem:s22+$0xFFFFFF10]  }
0x313: {  	v42 =	vld [tilespmem:s21+$0xFFFFFF20]  }
0x314: {  	v43 =	vld [tilespmem:s22+$0xFFFFFF20]  }
0x315: {  	v44 =	vld [tilespmem:s21+$0xFFFFFF30]  }
0x316: {  	v45 =	vld [tilespmem:s22+$0xFFFFFF30];
	_ =	sdelay $0x2  }
0x317: {  	v0 =	vmul.bf16 v39, v0  }
0x318: {  	v46 =	vmul.bf16 v41, v40  }
0x319: {  	v48 =	vmul.bf16 v43, v42;
	v50 =	vmul.bf16 v45, v44;
	v47 =	vunpack.i.u.bf16.f32 v0  }
0x31a: {  	v0 =	vunpack.i.l.bf16.f32 v0;
	v49 =	vunpack.i.u.bf16.f32 v46;
	v1 =	vunpack.i.l.bf16.f32 v46  }
0x31b: {  	v51 =	vunpack.i.u.bf16.f32 v48;
	v3 =	vunpack.i.l.bf16.f32 v48;
	v52 =	vunpack.i.u.bf16.f32 v50  }
0x31c: {  	v5 =	vunpack.i.l.bf16.f32 v50;
	v0 =	vadd.f32 v0, v47;
	v1 =	vadd.f32 v1, v49  }
0x31d: {  	v2 =	vadd.f32 v3, v51;
	v53 =	vadd.f32 v5, v52;
	_ =	sdelay $0x1  }
0x31e: {  	v0 =	vadd.f32 v1, v0;
	v54 =	vadd.f32 v53, v2;
	_ =	sdelay $0x1  }
0x31f: {  	v0 =	vadd.f32 v54, v0;
	_ =	sdelay $0x1  }
0x320: {  	(xrf2) =	vadd.scan.msk.f32 $0xffff, v0;
	_ =	sdelay $0x9  }
0x321: {  	v0, _, _ =	vpop (xrf2)  }
0x322: {  	[tilespmem:s23+$0xC4E4] =	vst.msk vm0, v0  }
0x323: {  	v0 =	vld [tilespmem:s21+$0xFFFFFF40]  }
0x324: {  	v55 =	vld [tilespmem:s22+$0xFFFFFF40]  }
0x325: {  	v56 =	vld [tilespmem:s21+$0xFFFFFF50]  }
0x326: {  	v57 =	vld [tilespmem:s22+$0xFFFFFF50]  }
0x327: {  	v58 =	vld [tilespmem:s21+$0xFFFFFF60]  }
0x328: {  	v59 =	vld [tilespmem:s22+$0xFFFFFF60]  }
0x329: {  	v60 =	vld [tilespmem:s21+$0xFFFFFF70]  }
0x32a: {  	v61 =	vld [tilespmem:s22+$0xFFFFFF70];
	_ =	sdelay $0x2  }
0x32b: {  	v0 =	vmul.bf16 v55, v0  }
0x32c: {  	v62 =	vmul.bf16 v57, v56  }
0x32d: {  	v8 =	vmul.bf16 v59, v58;
	v10 =	vmul.bf16 v61, v60;
	v63 =	vunpack.i.u.bf16.f32 v0  }
0x32e: {  	v0 =	vunpack.i.l.bf16.f32 v0;
	v9 =	vunpack.i.u.bf16.f32 v62;
	v1 =	vunpack.i.l.bf16.f32 v62  }
0x32f: {  	v11 =	vunpack.i.u.bf16.f32 v8;
	v3 =	vunpack.i.l.bf16.f32 v8;
	v12 =	vunpack.i.u.bf16.f32 v10  }
0x330: {  	v5 =	vunpack.i.l.bf16.f32 v10;
	v0 =	vadd.f32 v0, v63;
	v1 =	vadd.f32 v1, v9  }
0x331: {  	v2 =	vadd.f32 v3, v11;
	v13 =	vadd.f32 v5, v12;
	_ =	sdelay $0x1  }
0x332: {  	v0 =	vadd.f32 v1, v0;
	v14 =	vadd.f32 v13, v2;
	_ =	sdelay $0x1  }
0x333: {  	v0 =	vadd.f32 v14, v0;
	_ =	sdelay $0x1  }
0x334: {  	(xrf2) =	vadd.scan.msk.f32 $0xffff, v0;
	_ =	sdelay $0x9  }
0x335: {  	v0, _, _ =	vpop (xrf2)  }
0x336: {  	[tilespmem:s23+$0xC4E5] =	vst.msk vm0, v0  }
0x337: {  	v0 =	vld [tilespmem:s21+$0xFFFFFF80]  }
0x338: {  	v15 =	vld [tilespmem:s22+$0xFFFFFF80]  }
0x339: {  	v16 =	vld [tilespmem:s21+$0xFFFFFF90]  }
0x33a: {  	v17 =	vld [tilespmem:s22+$0xFFFFFF90]  }
0x33b: {  	v18 =	vld [tilespmem:s21+$0xFFFFFFA0]  }
0x33c: {  	v19 =	vld [tilespmem:s22+$0xFFFFFFA0]  }
0x33d: {  	v20 =	vld [tilespmem:s21+$0xFFFFFFB0]  }
0x33e: {  	v21 =	vld [tilespmem:s22+$0xFFFFFFB0];
	_ =	sdelay $0x2  }
0x33f: {  	v0 =	vmul.bf16 v15, v0  }
0x340: {  	v22 =	vmul.bf16 v17, v16  }
0x341: {  	v24 =	vmul.bf16 v19, v18;
	v26 =	vmul.bf16 v21, v20;
	v23 =	vunpack.i.u.bf16.f32 v0  }
0x342: {  	v0 =	vunpack.i.l.bf16.f32 v0;
	v25 =	vunpack.i.u.bf16.f32 v22;
	v1 =	vunpack.i.l.bf16.f32 v22  }
0x343: {  	v27 =	vunpack.i.u.bf16.f32 v24;
	v3 =	vunpack.i.l.bf16.f32 v24;
	v28 =	vunpack.i.u.bf16.f32 v26  }
0x344: {  	v5 =	vunpack.i.l.bf16.f32 v26;
	v0 =	vadd.f32 v0, v23;
	v1 =	vadd.f32 v1, v25  }
0x345: {  	v2 =	vadd.f32 v3, v27;
	v29 =	vadd.f32 v5, v28;
	_ =	sdelay $0x1  }
0x346: {  	v0 =	vadd.f32 v1, v0;
	v30 =	vadd.f32 v29, v2;
	_ =	sdelay $0x1  }
0x347: {  	v0 =	vadd.f32 v30, v0;
	_ =	sdelay $0x1  }
0x348: {  	(xrf2) =	vadd.scan.msk.f32 $0xffff, v0;
	_ =	sdelay $0x9  }
0x349: {  	v0, _, _ =	vpop (xrf2)  }
0x34a: {  	[tilespmem:s23+$0xC4E6] =	vst.msk vm0, v0  }
0x34b: {  	v0 =	vld [tilespmem:s21+$0xFFFFFFC0]  }
0x34c: {  	v31 =	vld [tilespmem:s22+$0xFFFFFFC0]  }
0x34d: {  	v32 =	vld [tilespmem:s21+$0xFFFFFFD0]  }
0x34e: {  	v33 =	vld [tilespmem:s22+$0xFFFFFFD0]  }
0x34f: {  	v34 =	vld [tilespmem:s21+$0xFFFFFFE0]  }
0x350: {  	v35 =	vld [tilespmem:s22+$0xFFFFFFE0]  }
0x351: {  	v36 =	vld [tilespmem:s21+$0xFFFFFFF0]  }
0x352: {  	v37 =	vld [tilespmem:s22+$0xFFFFFFF0];
	_ =	sdelay $0x2  }
0x353: {  	v0 =	vmul.bf16 v31, v0  }
0x354: {  	v38 =	vmul.bf16 v33, v32  }
0x355: {  	v40 =	vmul.bf16 v35, v34;
	v42 =	vmul.bf16 v37, v36;
	v39 =	vunpack.i.u.bf16.f32 v0  }
0x356: {  	v0 =	vunpack.i.l.bf16.f32 v0;
	v41 =	vunpack.i.u.bf16.f32 v38;
	v1 =	vunpack.i.l.bf16.f32 v38  }
0x357: {  	v43 =	vunpack.i.u.bf16.f32 v40;
	v3 =	vunpack.i.l.bf16.f32 v40;
	v44 =	vunpack.i.u.bf16.f32 v42  }
0x358: {  	v5 =	vunpack.i.l.bf16.f32 v42;
	v0 =	vadd.f32 v0, v39;
	v1 =	vadd.f32 v1, v41  }
0x359: {  	v2 =	vadd.f32 v3, v43;
	v45 =	vadd.f32 v5, v44;
	_ =	sdelay $0x1  }
0x35a: {  	v0 =	vadd.f32 v1, v0;
	v46 =	vadd.f32 v45, v2;
	_ =	sdelay $0x1  }
0x35b: {  	v0 =	vadd.f32 v46, v0;
	_ =	sdelay $0x1  }
0x35c: {  	(xrf2) =	vadd.scan.msk.f32 $0xffff, v0;
	_ =	sdelay $0x9  }
0x35d: {  	v0, _, _ =	vpop (xrf2)  }
0x35e: {  	[tilespmem:s23+$0xC4E7] =	vst.msk vm0, v0  }
0x35f: {  	v0 =	vld [tilespmem:s21+$0x0]  }
0x360: {  	v47 =	vld [tilespmem:s22+$0x0]  }
0x361: {  	v48 =	vld [tilespmem:s21+$0x10]  }
0x362: {  	v49 =	vld [tilespmem:s22+$0x10]  }
0x363: {  	v50 =	vld [tilespmem:s21+$0x20]  }
0x364: {  	v51 =	vld [tilespmem:s22+$0x20]  }
0x365: {  	v52 =	vld [tilespmem:s21+$0x30]  }
0x366: {  	v53 =	vld [tilespmem:s22+$0x30];
	_ =	sdelay $0x2  }
0x367: {  	v0 =	vmul.bf16 v47, v0  }
0x368: {  	v54 =	vmul.bf16 v49, v48  }
0x369: {  	v56 =	vmul.bf16 v51, v50;
	v58 =	vmul.bf16 v53, v52;
	v55 =	vunpack.i.u.bf16.f32 v0  }
0x36a: {  	v0 =	vunpack.i.l.bf16.f32 v0;
	v57 =	vunpack.i.u.bf16.f32 v54;
	v1 =	vunpack.i.l.bf16.f32 v54  }
0x36b: {  	v59 =	vunpack.i.u.bf16.f32 v56;
	v3 =	vunpack.i.l.bf16.f32 v56;
	v60 =	vunpack.i.u.bf16.f32 v58  }
0x36c: {  	v5 =	vunpack.i.l.bf16.f32 v58;
	v0 =	vadd.f32 v0, v55;
	v1 =	vadd.f32 v1, v57  }
0x36d: {  	v2 =	vadd.f32 v3, v59;
	v61 =	vadd.f32 v5, v60;
	_ =	sdelay $0x1  }
0x36e: {  	v0 =	vadd.f32 v1, v0;
	v62 =	vadd.f32 v61, v2;
	_ =	sdelay $0x1  }
0x36f: {  	v0 =	vadd.f32 v62, v0;
	_ =	sdelay $0x1  }
0x370: {  	(xrf2) =	vadd.scan.msk.f32 $0xffff, v0;
	_ =	sdelay $0x9  }
0x371: {  	v0, _, _ =	vpop (xrf2)  }
0x372: {  	[tilespmem:s23+$0xC4E8] =	vst.msk vm0, v0  }
0x373: {  	v0 =	vld [tilespmem:s21+$0x40]  }
0x374: {  	v63 =	vld [tilespmem:s22+$0x40]  }
0x375: {  	v9 =	vld [tilespmem:s21+$0x50]  }
0x376: {  	v10 =	vld [tilespmem:s22+$0x50]  }
0x377: {  	v11 =	vld [tilespmem:s21+$0x60]  }
0x378: {  	v12 =	vld [tilespmem:s22+$0x60]  }
0x379: {  	v13 =	vld [tilespmem:s21+$0x70]  }
0x37a: {  	v14 =	vld [tilespmem:s22+$0x70];
	_ =	sdelay $0x2  }
0x37b: {  	v0 =	vmul.bf16 v63, v0  }
0x37c: {  	v15 =	vmul.bf16 v10, v9  }
0x37d: {  	v17 =	vmul.bf16 v12, v11;
	v19 =	vmul.bf16 v14, v13;
	v16 =	vunpack.i.u.bf16.f32 v0  }
0x37e: {  	v0 =	vunpack.i.l.bf16.f32 v0;
	v18 =	vunpack.i.u.bf16.f32 v15;
	v1 =	vunpack.i.l.bf16.f32 v15  }
0x37f: {  	v20 =	vunpack.i.u.bf16.f32 v17;
	v3 =	vunpack.i.l.bf16.f32 v17;
	v21 =	vunpack.i.u.bf16.f32 v19  }
0x380: {  	v5 =	vunpack.i.l.bf16.f32 v19;
	v0 =	vadd.f32 v0, v16;
	v1 =	vadd.f32 v1, v18  }
0x381: {  	v2 =	vadd.f32 v3, v20;
	v22 =	vadd.f32 v5, v21;
	_ =	sdelay $0x1  }
0x382: {  	v0 =	vadd.f32 v1, v0;
	v23 =	vadd.f32 v22, v2;
	_ =	sdelay $0x1  }
0x383: {  	v0 =	vadd.f32 v23, v0;
	_ =	sdelay $0x1  }
0x384: {  	(xrf2) =	vadd.scan.msk.f32 $0xffff, v0;
	_ =	sdelay $0x9  }
0x385: {  	v0, _, _ =	vpop (xrf2)  }
0x386: {  	[tilespmem:s23+$0xC4E9] =	vst.msk vm0, v0  }
0x387: {  	v0 =	vld [tilespmem:s21+$0x80]  }
0x388: {  	v24 =	vld [tilespmem:s22+$0x80]  }
0x389: {  	v25 =	vld [tilespmem:s21+$0x90]  }
0x38a: {  	v26 =	vld [tilespmem:s22+$0x90]  }
0x38b: {  	v27 =	vld [tilespmem:s21+$0xA0]  }
0x38c: {  	v28 =	vld [tilespmem:s22+$0xA0]  }
0x38d: {  	v29 =	vld [tilespmem:s21+$0xB0]  }
0x38e: {  	v30 =	vld [tilespmem:s22+$0xB0];
	_ =	sdelay $0x2  }
0x38f: {  	v0 =	vmul.bf16 v24, v0  }
0x390: {  	v31 =	vmul.bf16 v26, v25  }
0x391: {  	v33 =	vmul.bf16 v28, v27;
	v35 =	vmul.bf16 v30, v29;
	v32 =	vunpack.i.u.bf16.f32 v0  }
0x392: {  	v0 =	vunpack.i.l.bf16.f32 v0;
	v34 =	vunpack.i.u.bf16.f32 v31;
	v1 =	vunpack.i.l.bf16.f32 v31  }
0x393: {  	v36 =	vunpack.i.u.bf16.f32 v33;
	v3 =	vunpack.i.l.bf16.f32 v33;
	v37 =	vunpack.i.u.bf16.f32 v35  }
0x394: {  	v5 =	vunpack.i.l.bf16.f32 v35;
	v0 =	vadd.f32 v0, v32;
	v1 =	vadd.f32 v1, v34  }
0x395: {  	v2 =	vadd.f32 v3, v36;
	v38 =	vadd.f32 v5, v37;
	_ =	sdelay $0x1  }
0x396: {  	v0 =	vadd.f32 v1, v0;
	v39 =	vadd.f32 v38, v2;
	_ =	sdelay $0x1  }
0x397: {  	v0 =	vadd.f32 v39, v0;
	_ =	sdelay $0x1  }
0x398: {  	(xrf2) =	vadd.scan.msk.f32 $0xffff, v0;
	_ =	sdelay $0x9  }
0x399: {  	v0, _, _ =	vpop (xrf2)  }
0x39a: {  	[tilespmem:s23+$0xC4EA] =	vst.msk vm0, v0  }
0x39b: {  	v0 =	vld [tilespmem:s21+$0xC0]  }
0x39c: {  	v40 =	vld [tilespmem:s22+$0xC0]  }
0x39d: {  	v41 =	vld [tilespmem:s21+$0xD0]  }
0x39e: {  	v42 =	vld [tilespmem:s22+$0xD0]  }
0x39f: {  	v43 =	vld [tilespmem:s21+$0xE0]  }
0x3a0: {  	v44 =	vld [tilespmem:s22+$0xE0]  }
0x3a1: {  	v45 =	vld [tilespmem:s21+$0xF0]  }
0x3a2: {  	v46 =	vld [tilespmem:s22+$0xF0];
	_ =	sdelay $0x2  }
0x3a3: {  	v0 =	vmul.bf16 v40, v0  }
0x3a4: {  	v47 =	vmul.bf16 v42, v41  }
0x3a5: {  	v49 =	vmul.bf16 v44, v43;
	v51 =	vmul.bf16 v46, v45;
	v48 =	vunpack.i.u.bf16.f32 v0  }
0x3a6: {  	v0 =	vunpack.i.l.bf16.f32 v0;
	v50 =	vunpack.i.u.bf16.f32 v47;
	v1 =	vunpack.i.l.bf16.f32 v47  }
0x3a7: {  	v52 =	vunpack.i.u.bf16.f32 v49;
	v3 =	vunpack.i.l.bf16.f32 v49;
	v53 =	vunpack.i.u.bf16.f32 v51  }
0x3a8: {  	v5 =	vunpack.i.l.bf16.f32 v51;
	v0 =	vadd.f32 v0, v48;
	v1 =	vadd.f32 v1, v50  }
0x3a9: {  	v2 =	vadd.f32 v3, v52;
	v54 =	vadd.f32 v5, v53;
	_ =	sdelay $0x1  }
0x3aa: {  	v0 =	vadd.f32 v1, v0;
	v55 =	vadd.f32 v54, v2;
	_ =	sdelay $0x1  }
0x3ab: {  	v0 =	vadd.f32 v55, v0;
	_ =	sdelay $0x1  }
0x3ac: {  	(xrf2) =	vadd.scan.msk.f32 $0xffff, v0;
	_ =	sdelay $0x9  }
0x3ad: {  	v0, _, _ =	vpop (xrf2)  }
0x3ae: {  	[tilespmem:s23+$0xC4EB] =	vst.msk vm0, v0  }
0x3af: {  	v0 =	vld [tilespmem:s21+$0x100]  }
0x3b0: {  	v56 =	vld [tilespmem:s22+$0x100]  }
0x3b1: {  	v57 =	vld [tilespmem:s21+$0x110]  }
0x3b2: {  	v58 =	vld [tilespmem:s22+$0x110]  }
0x3b3: {  	v59 =	vld [tilespmem:s21+$0x120]  }
0x3b4: {  	v60 =	vld [tilespmem:s22+$0x120]  }
0x3b5: {  	v61 =	vld [tilespmem:s21+$0x130]  }
0x3b6: {  	v62 =	vld [tilespmem:s22+$0x130];
	_ =	sdelay $0x2  }
0x3b7: {  	v0 =	vmul.bf16 v56, v0  }
0x3b8: {  	v63 =	vmul.bf16 v58, v57  }
0x3b9: {  	v9 =	vmul.bf16 v60, v59;
	v11 =	vmul.bf16 v62, v61;
	v8 =	vunpack.i.u.bf16.f32 v0  }
0x3ba: {  	v0 =	vunpack.i.l.bf16.f32 v0;
	v10 =	vunpack.i.u.bf16.f32 v63;
	v1 =	vunpack.i.l.bf16.f32 v63  }
0x3bb: {  	v12 =	vunpack.i.u.bf16.f32 v9;
	v3 =	vunpack.i.l.bf16.f32 v9;
	v13 =	vunpack.i.u.bf16.f32 v11  }
0x3bc: {  	v5 =	vunpack.i.l.bf16.f32 v11;
	v0 =	vadd.f32 v0, v8;
	v1 =	vadd.f32 v1, v10  }
0x3bd: {  	v2 =	vadd.f32 v3, v12;
	v14 =	vadd.f32 v5, v13;
	_ =	sdelay $0x1  }
0x3be: {  	v0 =	vadd.f32 v1, v0;
	v15 =	vadd.f32 v14, v2;
	_ =	sdelay $0x1  }
0x3bf: {  	v0 =	vadd.f32 v15, v0;
	_ =	sdelay $0x1  }
0x3c0: {  	(xrf2) =	vadd.scan.msk.f32 $0xffff, v0;
	_ =	sdelay $0x9  }
0x3c1: {  	v0, _, _ =	vpop (xrf2)  }
0x3c2: {  	[tilespmem:s23+$0xC4EC] =	vst.msk vm0, v0  }
0x3c3: {  	v0 =	vld [tilespmem:s21+$0x140]  }
0x3c4: {  	v16 =	vld [tilespmem:s22+$0x140]  }
0x3c5: {  	v17 =	vld [tilespmem:s21+$0x150]  }
0x3c6: {  	v18 =	vld [tilespmem:s22+$0x150]  }
0x3c7: {  	v19 =	vld [tilespmem:s21+$0x160]  }
0x3c8: {  	v20 =	vld [tilespmem:s22+$0x160]  }
0x3c9: {  	v21 =	vld [tilespmem:s21+$0x170]  }
0x3ca: {  	v22 =	vld [tilespmem:s22+$0x170];
	_ =	sdelay $0x2  }
0x3cb: {  	v0 =	vmul.bf16 v16, v0  }
0x3cc: {  	v23 =	vmul.bf16 v18, v17  }
0x3cd: {  	v25 =	vmul.bf16 v20, v19;
	v27 =	vmul.bf16 v22, v21;
	v24 =	vunpack.i.u.bf16.f32 v0  }
0x3ce: {  	v0 =	vunpack.i.l.bf16.f32 v0;
	v26 =	vunpack.i.u.bf16.f32 v23;
	v1 =	vunpack.i.l.bf16.f32 v23  }
0x3cf: {  	v28 =	vunpack.i.u.bf16.f32 v25;
	v3 =	vunpack.i.l.bf16.f32 v25;
	v29 =	vunpack.i.u.bf16.f32 v27  }
0x3d0: {  	v5 =	vunpack.i.l.bf16.f32 v27;
	v0 =	vadd.f32 v0, v24;
	v1 =	vadd.f32 v1, v26  }
0x3d1: {  	v2 =	vadd.f32 v3, v28;
	v30 =	vadd.f32 v5, v29;
	_ =	sdelay $0x1  }
0x3d2: {  	v0 =	vadd.f32 v1, v0;
	v31 =	vadd.f32 v30, v2;
	_ =	sdelay $0x1  }
0x3d3: {  	v0 =	vadd.f32 v31, v0;
	_ =	sdelay $0x1  }
0x3d4: {  	(xrf2) =	vadd.scan.msk.f32 $0xffff, v0;
	_ =	sdelay $0x9  }
0x3d5: {  	v0, _, _ =	vpop (xrf2)  }
0x3d6: {  	[tilespmem:s23+$0xC4ED] =	vst.msk vm0, v0  }
0x3d7: {  	v0 =	vld [tilespmem:s21+$0x180]  }
0x3d8: {  	v32 =	vld [tilespmem:s22+$0x180]  }
0x3d9: {  	v33 =	vld [tilespmem:s21+$0x190]  }
0x3da: {  	v34 =	vld [tilespmem:s22+$0x190]  }
0x3db: {  	v35 =	vld [tilespmem:s21+$0x1A0]  }
0x3dc: {  	v36 =	vld [tilespmem:s22+$0x1A0]  }
0x3dd: {  	v37 =	vld [tilespmem:s21+$0x1B0]  }
0x3de: {  	v38 =	vld [tilespmem:s22+$0x1B0];
	_ =	sdelay $0x2  }
0x3df: {  	v0 =	vmul.bf16 v32, v0  }
0x3e0: {  	v39 =	vmul.bf16 v34, v33  }
0x3e1: {  	v41 =	vmul.bf16 v36, v35;
	v43 =	vmul.bf16 v38, v37;
	v40 =	vunpack.i.u.bf16.f32 v0  }
0x3e2: {  	v0 =	vunpack.i.l.bf16.f32 v0;
	v42 =	vunpack.i.u.bf16.f32 v39;
	v1 =	vunpack.i.l.bf16.f32 v39  }
0x3e3: {  	v44 =	vunpack.i.u.bf16.f32 v41;
	v3 =	vunpack.i.l.bf16.f32 v41;
	v45 =	vunpack.i.u.bf16.f32 v43  }
0x3e4: {  	v5 =	vunpack.i.l.bf16.f32 v43;
	v0 =	vadd.f32 v0, v40;
	v1 =	vadd.f32 v1, v42  }
0x3e5: {  	v2 =	vadd.f32 v3, v44;
	v46 =	vadd.f32 v5, v45;
	_ =	sdelay $0x1  }
0x3e6: {  	v0 =	vadd.f32 v1, v0;
	v47 =	vadd.f32 v46, v2;
	_ =	sdelay $0x1  }
0x3e7: {  	v0 =	vadd.f32 v47, v0;
	_ =	sdelay $0x1  }
0x3e8: {  	(xrf2) =	vadd.scan.msk.f32 $0xffff, v0;
	_ =	sdelay $0x9  }
0x3e9: {  	v0, _, _ =	vpop (xrf2)  }
0x3ea: {  	[tilespmem:s23+$0xC4EE] =	vst.msk vm0, v0  }
0x3eb: {  	v0 =	vld [tilespmem:s21+$0x1C0]  }
0x3ec: {  	v48 =	vld [tilespmem:s22+$0x1C0]  }
0x3ed: {  	v49 =	vld [tilespmem:s21+$0x1D0]  }
0x3ee: {  	v50 =	vld [tilespmem:s22+$0x1D0]  }
0x3ef: {  	v51 =	vld [tilespmem:s21+$0x1E0]  }
0x3f0: {  	v52 =	vld [tilespmem:s22+$0x1E0]  }
0x3f1: {  	v53 =	vld [tilespmem:s21+$0x1F0]  }
0x3f2: {  	v54 =	vld [tilespmem:s22+$0x1F0];
	_ =	sdelay $0x2  }
0x3f3: {  	v0 =	vmul.bf16 v48, v0  }
0x3f4: {  	v55 =	vmul.bf16 v50, v49  }
0x3f5: {  	v56 =	vmul.bf16 v52, v51;
	v58 =	vmul.bf16 v54, v53;
	v57 =	vunpack.i.u.bf16.f32 v0  }
0x3f6: {  	v0 =	vunpack.i.l.bf16.f32 v0;
	v59 =	vunpack.i.u.bf16.f32 v55;
	v1 =	vunpack.i.l.bf16.f32 v55  }
0x3f7: {  	v60 =	vunpack.i.u.bf16.f32 v56;
	v2 =	vunpack.i.l.bf16.f32 v56;
	v61 =	vunpack.i.u.bf16.f32 v58  }
0x3f8: {  	v4 =	vunpack.i.l.bf16.f32 v58;
	v0 =	vadd.f32 v0, v57;
	v1 =	vadd.f32 v1, v59  }
0x3f9: {  	v2 =	vadd.f32 v2, v60;
	v62 =	vadd.f32 v4, v61;
	_ =	sdelay $0x1  }
0x3fa: {  	v0 =	vadd.f32 v1, v0;
	v63 =	vadd.f32 v62, v2;
	_ =	sdelay $0x1  }
0x3fb: {  	v0 =	vadd.f32 v63, v0;
	_ =	sdelay $0x1  }
0x3fc: {  	(xrf2) =	vadd.scan.msk.f32 $0xffff, v0;
	_ =	sdelay $0x5  }
0x3fd: {  	p0 =	sne.s32 s20, $0x100  }
.Ltmp4:
0x3fe: {  	_ = 	snop;
	(pc) =	sbr.rel @p0 .LBB2_9-.Ltmp4, $3  }
0x3ff: {  	_ =	sdelay $0x1  }
0x400: {  	v0, _, _ =	vpop (xrf2)  }
0x401: {  	s20 =	sadd.s32 $0x40, s20;
	s21 =	sadd.s32 $0x400, s21;
	s22 =	sadd.s32 $0x400, s22;
	[tilespmem:s23+$0xC4EF] =	vst.msk vm0, v0  }
0x402: {  	s19 =	sadd.s32 $0x1, s19  }
0x403: {  	p0 =	sne.s32 s19, s7  }
.Ltmp5:
0x404: {  	_ = 	snop;
	(pc) =	sbr.rel @p0 .LBB2_1-.Ltmp5, $4  }
0x405: {  	[hbm4b:s6+s3] =	stream.linear.scatter [tilespmem:s18], [sflag:$0x3], $0x2710, $0x38;
	[tilespmem:$0xC540] =	vst v63  }
0x406: {  	_ =	swait.ge [sflag:s8], $0x2710  }
0x407: {  	[sflag:s8] =	ssyncset.done $0x0  }
0x408: {  	[sflag:s8] =	ssyncadd.s32 $0xFFFFD8F0  }
0x409: {  	_ =	sfence.sel $0x180000  }
0x40a: {  	[bflag:$0x0] =	sbarrier.arrive $0xFFFF  }
0x40b: {  	p0 =	sne.s32 s0, $0x0;
	_ =	strace $0x90000047  }
0x40c: {  	s0 =	sadd.s32 @!p0 $0x100000, s1;
	[bflag:$0x2] =	sbarrier.arrive $0xFFFF  }
0x40d: {  	[sflag:s0] =	ssyncadd.tile.s32 @!p0 $0x1;
	_ =	shalt  }
.Lfunc_end2:
_tile_overlayer_lowered:
.L_overlay_start_2:
0x40e: {  	(tag) =	ssettag $0x2  }
0x40f: {  	s0 =	rddreg [dreg:$0x0];
	s2 =	stileid.u32  }
0x410: {  	s1 =	rddreg [dreg:$0x1];
	p0 =	sne.s32 s2, $0x0  }
0x411: {  	s3 =	rddreg [dreg:$0x2];
	[bflag:$0x3] =	sbarrier.arrive $0xFFFF;
	s2 =	simm.s32 @!p0 $0x1C03  }
0x412: {  	[timem:s3], [sflag:s2] =	dma.local @!p0 [hbm:s0], s1  }
0x413: {  	s0 =	simm.s32 @!p0 $0x3  }
0x414: {  	_ =	swait.ge @!p0 [sflag:s0], s1  }
0x415: {  	s1 =	ssub.s32 @!p0 $0x0, s1;
	[sflag:s0] =	ssyncset.done @!p0 $0x0  }
0x416: {  	[sflag:s0] =	ssyncadd.s32 @!p0 s1  }
0x417: {  	[bflag:$0x3] =	sbarrier.arrive $0xFFFF  }
0x418: {  	_ =	shalt  }

</sc_bundles>
